<compile_context>
chip_gen: v7x
topology: tpu7x:2x2x1
jax: 0.10.2.dev20260603
libtpu: 0.0.44.dev20260713+nightly
codegen_flags: <defaults>
</compile_context>

<pallas_src>
import functools

import jax
import jax.numpy as jnp
import numpy as np
from jax import lax
from jax.experimental import pallas as pl
from jax.experimental.pallas import tpu as pltpu
from jax.experimental.pallas import tpu_sc as plsc

_N = 10000
_E = 320000
_DN = 128
_DE = 16
_HID = 128
_OUT = 16
_NG = 64
_EPS = 1e-5

_NC = 2
_NS = 16
_NW = _NC * _NS
_L = 16
_C = 80
_NCH = _E // _C
_T = _NCH // _NW
_NP = 10240
_STR = _NP // _NS
_NB = _HID // _L




def _y_body(x_ref, w_ref, b_ref, o_ref):
    o_ref[...] = (
        jnp.dot(x_ref[...], w_ref[...], preferred_element_type=jnp.float32)
        + b_ref[...]
    )


_y_call = pl.pallas_call(
    _y_body,
    out_shape=jax.ShapeDtypeStruct((_N, _HID), jnp.float32),
)

_ER = _E // 8
_EB = 2000


def _ep_body(ea_ref, w_ref, o_ref):
    p = jnp.dot(ea_ref[...], w_ref[...], preferred_element_type=jnp.float32)
    v = p.reshape(8 * _EB, _HID).astype(jnp.bfloat16)
    o_ref[...] = pltpu.bitcast(v, jnp.int32)


_ep_call = pl.pallas_call(
    _ep_body,
    grid=(_ER // _EB,),
    in_specs=[
        pl.BlockSpec((_EB, 8 * _DE), lambda i: (i, 0)),
        pl.BlockSpec((8 * _DE, 8 * _HID), lambda i: (0, 0)),
    ],
    out_specs=pl.BlockSpec((4 * _EB, _HID), lambda i: (i, 0)),
    out_shape=jax.ShapeDtypeStruct((_E // 2, _HID), jnp.int32),
)


def _edge_body(y_h, row_h, col_h, ep_h, outh_h, outc_h, outs2_h,
               rbuf0, rbuf1, cbuf0, cbuf1, cbuf2, cbuf3,
               ybuf0, ybuf1, epbuf0, epbuf1,
               ones, s2buf, acc_h, acc_c,
               semi0, semi1, semg0, semg1, sems0, sems1):
    cid = lax.axis_index("c")
    sid = lax.axis_index("s")
    wid = sid * _NC + cid

    rbuf = (rbuf0, rbuf1)
    cbuf = (cbuf0, cbuf1, cbuf2, cbuf3)
    ybuf = (ybuf0, ybuf1)
    epbuf = (epbuf0, epbuf1)
    semi = (semi0, semi1)
    semg = (semg0, semg1)
    sems = (sems0, sems1)

    zvec = jnp.zeros((_L,), jnp.float32)
    onevec = jnp.ones((_L,), jnp.float32)
    zivec = jnp.zeros((_L,), jnp.int32)

    def _zrow(i, carry):
        for b in range(_NB):
            ybuf1[i, pl.ds(b * _L, _L)] = zvec
        return carry

    lax.fori_loop(0, _C, _zrow, 0)

    def _z1(i, carry):
        ones[pl.ds(i * _L, _L)] = onevec
        cbuf[3][pl.ds(i * _L, _L)] = zivec
        return carry

    lax.fori_loop(0, _C // _L, _z1, 0)

    for k in range(_STR // _C):
        pltpu.sync_copy(ybuf1, acc_h.at[pl.ds(sid * _STR + k * _C, _C)])
    for k in range(_STR // _C):
        pltpu.sync_copy(ybuf1.at[0, pl.ds(0, _C)],
                        acc_c.at[pl.ds(sid * _STR + k * _C, _C)])
    plsc.subcore_barrier()

    def _base(t):
        return (wid + _NW * jnp.minimum(t, _T - 1)) * _C

    def _start_idx(t, s, c):
        b = _base(t)
        b2 = pl.multiple_of(b // 2, 8)
        pltpu.async_copy(row_h.at[pl.ds(b, _C)], rbuf[s], semi[s])
        pltpu.async_copy(col_h.at[pl.ds(b, _C)], cbuf[c], semi[s])
        pltpu.async_copy(ep_h.at[pl.ds(b2, _C // 2)], epbuf[s], semi[s])

    def _wait_idx(s, c):
        pltpu.make_async_copy(row_h.at[pl.ds(0, _C)], rbuf[s], semi[s]).wait()
        pltpu.make_async_copy(col_h.at[pl.ds(0, _C)], cbuf[c], semi[s]).wait()
        pltpu.make_async_copy(ep_h.at[pl.ds(0, _C // 2)], epbuf[s],
                              semi[s]).wait()

    def _start_gather(s):
        pltpu.async_copy(y_h.at[rbuf[s]], ybuf[s], semg[s])

    def _wait_gather(s):
        pltpu.make_async_copy(outh_h.at[0, pl.ds(0, _C)], ybuf[s],
                              semg[s]).wait()

    def _start_scatter(src, csrc, c, s):
        pltpu.async_copy(src, acc_h.at[cbuf[c]], sems[s], add=True)
        pltpu.async_copy(csrc, acc_c.at[cbuf[c]], sems[s], add=True)

    def _wait_scatter(s):
        pltpu.make_async_copy(outh_h.at[0, pl.ds(0, _C)], ybuf[s],
                              sems[s]).wait()
        pltpu.make_async_copy(outh_h.at[0, 0, pl.ds(0, _C)], ones,
                              sems[s]).wait()

    def _step(t, p, c4, s2c):
        n = 1 - p
        _wait_idx(n, (c4 + 1) % 4)
        _wait_scatter(n)
        _start_gather(n)
        _wait_gather(p)

        sh16 = jnp.full((_L,), 16, jnp.int32)
        mhi = jnp.full((_L,), -65536, jnp.int32)

        def _row(r, s2r):
            out = list(s2r)
            for b in range(_NB):
                sl = pl.ds(_L * b, _L)
                ev = epbuf[p][r, sl]
                ea = lax.bitcast_convert_type(
                    jnp.left_shift(ev, sh16), jnp.float32)
                eb = lax.bitcast_convert_type(
                    jnp.bitwise_and(ev, mhi), jnp.float32)
                va = jnp.maximum(ybuf[p][2 * r, sl] + ea, 0.0)
                vb = jnp.maximum(ybuf[p][2 * r + 1, sl] + eb, 0.0)
                ybuf[p][2 * r, sl] = va
                ybuf[p][2 * r + 1, sl] = vb
                out[b] = out[b] + va * va + vb * vb
            return tuple(out)

        s2c = lax.fori_loop(0, _C // 2, _row, s2c)

        _start_scatter(ybuf[p], ones, c4, p)
        _start_idx(t + 2, p, (c4 + 2) % 4)
        return s2c

    _start_idx(0, 0, 0)
    _start_scatter(ybuf1, ybuf1.at[0, pl.ds(0, _C)], 3, 1)
    _wait_idx(0, 0)
    _start_gather(0)
    _start_idx(1, 1, 1)

    def _quad(i, s2c):
        t0 = 4 * i
        for k in range(4):
            s2c = _step(t0 + k, k % 2, k, s2c)
        return s2c

    s2 = lax.fori_loop(0, _T // 4, _quad, tuple(zvec for _ in range(_NB)))
    s2 = _step(_T - 1, 0, 0, s2)
    _wait_idx(0, 2)
    _wait_gather(1)
    _wait_scatter(0)

    for b in range(_NB):
        s2buf[pl.ds(b * _L, _L)] = s2[b]

    plsc.subcore_barrier()

    for k in range(_STR // _C):
        sl = pl.ds(sid * _STR + k * _C, _C)
        pltpu.sync_copy(acc_h.at[sl], outh_h.at[cid, sl])
    slc = pl.ds(sid * _STR, _STR)
    pltpu.sync_copy(acc_c.at[slc], outc_h.at[cid, slc])
    pltpu.sync_copy(s2buf, outs2_h.at[wid])


_edge_call = pl.kernel(
    _edge_body,
    out_type=(
        jax.ShapeDtypeStruct((_NC, _NP, _HID), jnp.float32),
        jax.ShapeDtypeStruct((_NC, _NP), jnp.float32),
        jax.ShapeDtypeStruct((_NW, _HID), jnp.float32),
    ),
    mesh=plsc.VectorSubcoreMesh(
        core_axis_name="c", subcore_axis_name="s",
        num_cores=_NC, num_subcores=_NS,
    ),
    scratch_types=[
        pltpu.VMEM((_C,), jnp.int32),
        pltpu.VMEM((_C,), jnp.int32),
        pltpu.VMEM((_C,), jnp.int32),
        pltpu.VMEM((_C,), jnp.int32),
        pltpu.VMEM((_C,), jnp.int32),
        pltpu.VMEM((_C,), jnp.int32),
        pltpu.VMEM((_C, _HID), jnp.float32),
        pltpu.VMEM((_C, _HID), jnp.float32),
        pltpu.VMEM((_C // 2, _HID), jnp.int32),
        pltpu.VMEM((_C // 2, _HID), jnp.int32),
        pltpu.VMEM((_C,), jnp.float32),
        pltpu.VMEM((_HID,), jnp.float32),
        pltpu.VMEM_SHARED((_NP, _HID), jnp.float32),
        pltpu.VMEM_SHARED((_NP,), jnp.float32),
        pltpu.SemaphoreType.DMA,
        pltpu.SemaphoreType.DMA,
        pltpu.SemaphoreType.DMA,
        pltpu.SemaphoreType.DMA,
        pltpu.SemaphoreType.DMA,
        pltpu.SemaphoreType.DMA,
    ],
)


def _fin_body(acch, cnt_ref, s2p, x_ref, u_ref, b_ref, g1r, be1r, w1br, b1br,
              w2ar, b2ar, g2r, be2r, w2br, b2br, o_ref):
    seg = acch[0, : _N, :] + acch[1, : _N, :]
    cnt = cnt_ref[...]
    s_sum = jnp.sum(seg, axis=0, keepdims=True)
    s2_sum = jnp.sum(s2p[...], axis=0, keepdims=True)
    mu = s_sum / _E
    var = s2_sum / _E - mu * mu
    w = g1r[...] * lax.rsqrt(var + _EPS)
    beff = b1br[...] + jnp.dot(
        be1r[...] - mu * w, w1br[...], preferred_element_type=jnp.float32
    )
    summed = (
        jnp.dot(seg * w, w1br[...], preferred_element_type=jnp.float32)
        + cnt * beff
    )
    aggr = summed / jnp.maximum(cnt, 1.0)
    oh = (b_ref[...] == lax.broadcasted_iota(jnp.int32, (_N, _NG), 1))
    ub = jnp.dot(
        oh.astype(jnp.float32), u_ref[...], preferred_element_type=jnp.float32
    )
    h = (
        jnp.dot(x_ref[...], w2ar[: _DN, :], preferred_element_type=jnp.float32)
        + jnp.dot(aggr, w2ar[_DN : _DN + _OUT, :],
                  preferred_element_type=jnp.float32)
        + jnp.dot(ub, w2ar[_DN + _OUT :, :], preferred_element_type=jnp.float32)
        + b2ar[...]
    )
    h = jnp.maximum(h, 0.0)
    mu2 = jnp.mean(h, axis=0, keepdims=True)
    var2 = jnp.mean(h * h, axis=0, keepdims=True) - mu2 * mu2
    hn = (h - mu2) * lax.rsqrt(var2 + _EPS) * g2r[...] + be2r[...]
    o_ref[...] = (
        jnp.dot(hn, w2br[...], preferred_element_type=jnp.float32) + b2br[...]
    )


_fin_call = pl.pallas_call(
    _fin_body,
    out_shape=jax.ShapeDtypeStruct((_N, _OUT), jnp.float32),
)


def kernel(x, edge_index, edge_attr, u, batch, W1a, b1a, g1, be1, W1b, b1b,
           W2a, b2a, g2, be2, W2b, b2b):
    y = _y_call(x, W1a[: _DN], b1a[None])
    w1e = W1a[_DN:]
    wbig = (jnp.eye(8, dtype=jnp.float32)[:, None, :, None]
            * w1e[None, :, None, :]).reshape(8 * _DE, 8 * _HID)
    ep = _ep_call(edge_attr.reshape(_ER, 8 * _DE), wbig)
    acc_h, acc_c, s2p = _edge_call(y, edge_index[0], edge_index[1], ep)
    cnt_col = (acc_c[0, : _N] + acc_c[1, : _N])[:, None]
    return _fin_call(
        acc_h, cnt_col, s2p, x, u, batch[:, None], g1[None], be1[None], W1b,
        b1b[None], W2a, b2a[None], g2[None], be2[None], W2b, b2b[None]
    )

# --- scband reference (transcript-rebuilt; emitter-appended) ---
"""Pipeline reference for scband-node-block-33122787787021 (READ-ONLY COPY).

The authoritative reference and input builder live on the scoring server;
editing this copy changes nothing except your own understanding.
"""

import jax, jax.numpy as jnp
import numpy as np

N = 10000
E = 320000
D_NODE = 128
D_EDGE = 16
D_GRAPH = 16
HID = 128
OUT = 16
NGRAPH = 64
EPS = 1e-5


def _mlp(h, Wa, ba, g, be, Wb, bb):
    h = h @ Wa + ba
    h = jax.nn.relu(h)
    mu = jnp.mean(h, axis=0, keepdims=True)
    var = jnp.var(h, axis=0, keepdims=True)
    h = (h - mu) / jnp.sqrt(var + EPS) * g + be
    # Dropout is identity in eval mode
    return h @ Wb + bb


def setup_inputs(seed: int = 0):
    key = jax.random.key(seed)
    ks = jax.random.split(key, 20)
    d1 = D_NODE + D_EDGE
    d2 = D_NODE + OUT + D_GRAPH
    return {
        "x": jax.random.normal(ks[0], (N, D_NODE), jnp.float32),
        "edge_index": jax.random.randint(ks[1], (2, E), 0, N, jnp.int32),
        "edge_attr": jax.random.normal(ks[2], (E, D_EDGE), jnp.float32),
        "u": jax.random.normal(ks[3], (NGRAPH, D_GRAPH), jnp.float32),
        "batch": jnp.sort(jax.random.randint(ks[4], (N,), 0, NGRAPH, jnp.int32)),
        "W1a": jax.random.normal(ks[5], (d1, HID), jnp.float32) / np.sqrt(d1),
        "b1a": jnp.zeros((HID,), jnp.float32),
        "g1": jnp.ones((HID,), jnp.float32),
        "be1": jnp.zeros((HID,), jnp.float32),
        "W1b": jax.random.normal(ks[6], (HID, OUT), jnp.float32) / np.sqrt(HID),
        "b1b": jnp.zeros((OUT,), jnp.float32),
        "W2a": jax.random.normal(ks[7], (d2, HID), jnp.float32) / np.sqrt(d2),
        "b2a": jnp.zeros((HID,), jnp.float32),
        "g2": jnp.ones((HID,), jnp.float32),
        "be2": jnp.zeros((HID,), jnp.float32),
        "W2b": jax.random.normal(ks[8], (HID, OUT), jnp.float32) / np.sqrt(HID),
        "b2b": jnp.zeros((OUT,), jnp.float32),
    }


def reference(x, edge_index, edge_attr, u, batch, W1a, b1a, g1, be1, W1b, b1b, W2a, b2a, g2, be2, W2b, b2b):
    row = edge_index[0]
    col = edge_index[1]
    h = jnp.concatenate([x[row], edge_attr], axis=1)
    h = _mlp(h, W1a, b1a, g1, be1, W1b, b1b)
    summed = jax.ops.segment_sum(h, col, num_segments=N)
    cnt = jax.ops.segment_sum(jnp.ones((E,), jnp.float32), col, num_segments=N)
    agg = summed / jnp.maximum(cnt, 1.0)[:, None]
    h2 = jnp.concatenate([x, agg, u[batch]], axis=1)
    return _mlp(h2, W2a, b2a, g2, be2, W2b, b2b)

if __name__ == "__main__":
    import jax
    _d = setup_inputs()
    print(jax.jit(kernel)(*tuple(_d.values())))

</pallas_src>

<mosaic_0001>
#map = affine_map<(d0, d1) -> (0, 0)>
#map1 = affine_map<(d0, d1) -> (0)>
#map2 = affine_map<(d0, d1) -> (0, 0, 0)>
module attributes {stable_mosaic.version = 14 : i64} {
  func.func @_edge_body(%arg0: i32, %arg1: i32, %arg2: memref<10000x128xf32, #tpu.memory_space<hbm>>, %arg3: memref<320000xi32, #tpu.memory_space<hbm>>, %arg4: memref<320000xi32, #tpu.memory_space<hbm>>, %arg5: memref<160000x128xi32, #tpu.memory_space<hbm>>, %arg6: memref<2x10240x128xf32, #tpu.memory_space<hbm>>, %arg7: memref<2x10240xf32, #tpu.memory_space<hbm>>, %arg8: memref<32x128xf32, #tpu.memory_space<hbm>>, %arg9: memref<80xi32, #tpu.memory_space<vmem>>, %arg10: memref<80xi32, #tpu.memory_space<vmem>>, %arg11: memref<80xi32, #tpu.memory_space<vmem>>, %arg12: memref<80xi32, #tpu.memory_space<vmem>>, %arg13: memref<80xi32, #tpu.memory_space<vmem>>, %arg14: memref<80xi32, #tpu.memory_space<vmem>>, %arg15: memref<80x128xf32, #tpu.memory_space<vmem>>, %arg16: memref<80x128xf32, #tpu.memory_space<vmem>>, %arg17: memref<40x128xi32, #tpu.memory_space<vmem>>, %arg18: memref<40x128xi32, #tpu.memory_space<vmem>>, %arg19: memref<80xf32, #tpu.memory_space<vmem>>, %arg20: memref<128xf32, #tpu.memory_space<vmem>>, %arg21: memref<10240x128xf32, #tpu.memory_space<vmem_shared>>, %arg22: memref<10240xf32, #tpu.memory_space<vmem_shared>>, %arg23: memref<!tpu.dma_semaphore, #tpu.memory_space<semaphore_mem>>, %arg24: memref<!tpu.dma_semaphore, #tpu.memory_space<semaphore_mem>>, %arg25: memref<!tpu.dma_semaphore, #tpu.memory_space<semaphore_mem>>, %arg26: memref<!tpu.dma_semaphore, #tpu.memory_space<semaphore_mem>>, %arg27: memref<!tpu.dma_semaphore, #tpu.memory_space<semaphore_mem>>, %arg28: memref<!tpu.dma_semaphore, #tpu.memory_space<semaphore_mem>>) attributes {dimension_semantics = [#tpu.dimension_semantics<core_parallel>, #tpu.dimension_semantics<subcore_parallel>], iteration_bounds = array<i64: 2, 16>, scalar_prefetch = 0 : i64, scratch_operands = 20 : i64, tpu.core_type = #tpu.core_type<sc_vector_subcore>, window_params = [{transform_indices = #map}, {transform_indices = #map1}, {transform_indices = #map1}, {transform_indices = #map}, {transform_indices = #map2}, {transform_indices = #map}, {transform_indices = #map}]} {
    %mul3A = arith.constant 2 : i32
    %mul3A_0 = arith.muli %arg1, %mul3A : i32
    %add3A = arith.addi %mul3A_0, %arg0 : i32
    %broadcast_in_dim3A = arith.constant 0.000000e+00 : f32
    %broadcast_in_dim3A_1 = vector.broadcast %broadcast_in_dim3A : f32 to vector<16xf32>
    %broadcast_in_dim3A_2 = arith.constant 1.000000e+00 : f32
    %broadcast_in_dim3A_3 = vector.broadcast %broadcast_in_dim3A_2 : f32 to vector<16xf32>
    %broadcast_in_dim3A_4 = arith.constant 0 : i32
    %broadcast_in_dim3A_5 = vector.broadcast %broadcast_in_dim3A_4 : i32 to vector<16xi32>
    %scan3A = arith.constant 0 : i32
    %scan3A_6 = arith.constant 0 : i32
    %scan3A_7 = arith.constant 80 : i32
    %scan3A_8 = arith.addi %scan3A_6, %scan3A_7 : i32
    %scan3A_9 = arith.constant 1 : i32
    scf.for %scan3A_395 = %scan3A_6 to %scan3A_8 step %scan3A_9  : i32 {
      %swap3A_396 = arith.index_cast %scan3A_395 : i32 to index
      %swap3A_397 = arith.constant 0 : index
      %swap3A_398 = tpu.vector_load %arg16[%swap3A_396, %swap3A_397] {strides = array<i32>} : memref<80x128xf32, #tpu.memory_space<vmem>>, vector<1x16xf32>,
      %swap3A_399 = vector.shape_cast %swap3A_398 : vector<1x16xf32> to vector<16xf32>
      %swap3A_400 = vector.shape_cast %broadcast_in_dim3A_1 : vector<16xf32> to vector<1x16xf32>
      tpu.vector_store %arg16[%swap3A_396, %swap3A_397], %swap3A_400 {strides = array<i32>} : memref<80x128xf32, #tpu.memory_space<vmem>>, vector<1x16xf32>,
      %swap3A_401 = arith.index_cast %scan3A_395 : i32 to index
      %swap3A_402 = arith.constant 16 : index
      %swap3A_403 = tpu.vector_load %arg16[%swap3A_401, %swap3A_402] {strides = array<i32>} : memref<80x128xf32, #tpu.memory_space<vmem>>, vector<1x16xf32>,
      %swap3A_404 = vector.shape_cast %swap3A_403 : vector<1x16xf32> to vector<16xf32>
      %swap3A_405 = vector.shape_cast %broadcast_in_dim3A_1 : vector<16xf32> to vector<1x16xf32>
      tpu.vector_store %arg16[%swap3A_401, %swap3A_402], %swap3A_405 {strides = array<i32>} : memref<80x128xf32, #tpu.memory_space<vmem>>, vector<1x16xf32>,
      %swap3A_406 = arith.index_cast %scan3A_395 : i32 to index
      %swap3A_407 = arith.constant 32 : index
      %swap3A_408 = tpu.vector_load %arg16[%swap3A_406, %swap3A_407] {strides = array<i32>} : memref<80x128xf32, #tpu.memory_space<vmem>>, vector<1x16xf32>,
      %swap3A_409 = vector.shape_cast %swap3A_408 : vector<1x16xf32> to vector<16xf32>
      %swap3A_410 = vector.shape_cast %broadcast_in_dim3A_1 : vector<16xf32> to vector<1x16xf32>
      tpu.vector_store %arg16[%swap3A_406, %swap3A_407], %swap3A_410 {strides = array<i32>} : memref<80x128xf32, #tpu.memory_space<vmem>>, vector<1x16xf32>,
      %swap3A_411 = arith.index_cast %scan3A_395 : i32 to index
      %swap3A_412 = arith.constant 48 : index
      %swap3A_413 = tpu.vector_load %arg16[%swap3A_411, %swap3A_412] {strides = array<i32>} : memref<80x128xf32, #tpu.memory_space<vmem>>, vector<1x16xf32>,
      %swap3A_414 = vector.shape_cast %swap3A_413 : vector<1x16xf32> to vector<16xf32>
      %swap3A_415 = vector.shape_cast %broadcast_in_dim3A_1 : vector<16xf32> to vector<1x16xf32>
      tpu.vector_store %arg16[%swap3A_411, %swap3A_412], %swap3A_415 {strides = array<i32>} : memref<80x128xf32, #tpu.memory_space<vmem>>, vector<1x16xf32>,
      %swap3A_416 = arith.index_cast %scan3A_395 : i32 to index
      %swap3A_417 = arith.constant 64 : index
      %swap3A_418 = tpu.vector_load %arg16[%swap3A_416, %swap3A_417] {strides = array<i32>} : memref<80x128xf32, #tpu.memory_space<vmem>>, vector<1x16xf32>,
      %swap3A_419 = vector.shape_cast %swap3A_418 : vector<1x16xf32> to vector<16xf32>
      %swap3A_420 = vector.shape_cast %broadcast_in_dim3A_1 : vector<16xf32> to vector<1x16xf32>
      tpu.vector_store %arg16[%swap3A_416, %swap3A_417], %swap3A_420 {strides = array<i32>} : memref<80x128xf32, #tpu.memory_space<vmem>>, vector<1x16xf32>,
      %swap3A_421 = arith.index_cast %scan3A_395 : i32 to index
      %swap3A_422 = arith.constant 80 : index
      %swap3A_423 = tpu.vector_load %arg16[%swap3A_421, %swap3A_422] {strides = array<i32>} : memref<80x128xf32, #tpu.memory_space<vmem>>, vector<1x16xf32>,
      %swap3A_424 = vector.shape_cast %swap3A_423 : vector<1x16xf32> to vector<16xf32>
      %swap3A_425 = vector.shape_cast %broadcast_in_dim3A_1 : vector<16xf32> to vector<1x16xf32>
      tpu.vector_store %arg16[%swap3A_421, %swap3A_422], %swap3A_425 {strides = array<i32>} : memref<80x128xf32, #tpu.memory_space<vmem>>, vector<1x16xf32>,
      %swap3A_426 = arith.index_cast %scan3A_395 : i32 to index
      %swap3A_427 = arith.constant 96 : index
      %swap3A_428 = tpu.vector_load %arg16[%swap3A_426, %swap3A_427] {strides = array<i32>} : memref<80x128xf32, #tpu.memory_space<vmem>>, vector<1x16xf32>,
      %swap3A_429 = vector.shape_cast %swap3A_428 : vector<1x16xf32> to vector<16xf32>
      %swap3A_430 = vector.shape_cast %broadcast_in_dim3A_1 : vector<16xf32> to vector<1x16xf32>
      tpu.vector_store %arg16[%swap3A_426, %swap3A_427], %swap3A_430 {strides = array<i32>} : memref<80x128xf32, #tpu.memory_space<vmem>>, vector<1x16xf32>,
      %swap3A_431 = arith.index_cast %scan3A_395 : i32 to index
      %swap3A_432 = arith.constant 112 : index
      %swap3A_433 = tpu.vector_load %arg16[%swap3A_431, %swap3A_432] {strides = array<i32>} : memref<80x128xf32, #tpu.memory_space<vmem>>, vector<1x16xf32>,
      %swap3A_434 = vector.shape_cast %swap3A_433 : vector<1x16xf32> to vector<16xf32>
      %swap3A_435 = vector.shape_cast %broadcast_in_dim3A_1 : vector<16xf32> to vector<1x16xf32>
      tpu.vector_store %arg16[%swap3A_431, %swap3A_432], %swap3A_435 {strides = array<i32>} : memref<80x128xf32, #tpu.memory_space<vmem>>, vector<1x16xf32>,
    }
    %scan3A_10 = arith.constant 80 : i32
    %scan3A_11 = arith.constant 0 : i32
    %scan3A_12 = arith.constant 0 : i32
    %scan3A_13 = arith.constant 5 : i32
    %scan3A_14 = arith.addi %scan3A_12, %scan3A_13 : i32
    %scan3A_15 = arith.constant 1 : i32
    scf.for %scan3A_395 = %scan3A_12 to %scan3A_14 step %scan3A_15  : i32 {
      %mul3A_396 = arith.constant 16 : i32
      %mul3A_397 = arith.muli %scan3A_395, %mul3A_396 : i32
      %swap3A_398 = arith.index_cast %mul3A_397 : i32 to index
      %swap3A_399 = tpu.vector_load %arg19[%swap3A_398] {strides = array<i32>} : memref<80xf32, #tpu.memory_space<vmem>>, vector<16xf32>,
      %swap3A_400 = vector.shape_cast %swap3A_399 : vector<16xf32> to vector<16xf32>
      %swap3A_401 = vector.shape_cast %broadcast_in_dim3A_3 : vector<16xf32> to vector<16xf32>
      tpu.vector_store %arg19[%swap3A_398], %swap3A_401 {strides = array<i32>} : memref<80xf32, #tpu.memory_space<vmem>>, vector<16xf32>,
      %mul3A_402 = arith.constant 16 : i32
      %mul3A_403 = arith.muli %scan3A_395, %mul3A_402 : i32
      %swap3A_404 = arith.index_cast %mul3A_403 : i32 to index
      %swap3A_405 = tpu.vector_load %arg14[%swap3A_404] {strides = array<i32>} : memref<80xi32, #tpu.memory_space<vmem>>, vector<16xi32>,
      %swap3A_406 = vector.shape_cast %swap3A_405 : vector<16xi32> to vector<16xi32>
      %swap3A_407 = vector.shape_cast %broadcast_in_dim3A_5 : vector<16xi32> to vector<16xi32>
      tpu.vector_store %arg14[%swap3A_404], %swap3A_407 {strides = array<i32>} : memref<80xi32, #tpu.memory_space<vmem>>, vector<16xi32>,
    }
    %scan3A_16 = arith.constant 5 : i32
    %mul3A_17 = arith.constant 640 : i32
    %mul3A_18 = arith.muli %arg1, %mul3A_17 : i32
    %add3A_19 = arith.constant 0 : i32
    %add3A_20 = arith.addi %mul3A_18, %add3A_19 : i32
    "tpu.region"() ({
      %run_scoped3A_395 = tpu.sem_alloc : memref<!tpu.dma_semaphore, #tpu.memory_space<semaphore_mem>>
      %dma_start3A_396 = arith.constant 0 : i32
      %dma_start3A_397 = tpu.memref_slice %arg21[%add3A_20, %dma_start3A_396] : memref<10240x128xf32, #tpu.memory_space<vmem_shared>> -> memref<80x128xf32, #tpu.memory_space<vmem_shared>>
      %dma_start3A_398 = arith.constant 0 : i32
      %dma_start3A_399 = tpu.memref_slice %arg21[%add3A_20, %dma_start3A_398] : memref<10240x128xf32, #tpu.memory_space<vmem_shared>> -> memref<80x128xf32, #tpu.memory_space<vmem_shared>>
      tpu.enqueue_dma source(%arg16 : memref<80x128xf32, #tpu.memory_space<vmem>>) target(%dma_start3A_399 : memref<80x128xf32, #tpu.memory_space<vmem_shared>>) target_semaphore(%run_scoped3A_395 : memref<!tpu.dma_semaphore, #tpu.memory_space<semaphore_mem>>)
      %dma_wait3A_400 = arith.constant 0 : i32
      %dma_wait3A_401 = tpu.memref_slice %arg21[%add3A_20, %dma_wait3A_400] : memref<10240x128xf32, #tpu.memory_space<vmem_shared>> -> memref<80x128xf32, #tpu.memory_space<vmem_shared>>
      %dma_wait3A_402 = arith.constant 0 : i32
      %dma_wait3A_403 = tpu.memref_slice %arg21[%add3A_20, %dma_wait3A_402] : memref<10240x128xf32, #tpu.memory_space<vmem_shared>> -> memref<80x128xf32, #tpu.memory_space<vmem_shared>>
      tpu.wait_dma2 semaphore(%run_scoped3A_395 : memref<!tpu.dma_semaphore, #tpu.memory_space<semaphore_mem>>) src(%arg16 : memref<80x128xf32, #tpu.memory_space<vmem>>) dst(%dma_wait3A_403 : memref<80x128xf32, #tpu.memory_space<vmem_shared>>)
      tpu.yield
    }) : () -> ()
    %mul3A_21 = arith.constant 640 : i32
    %mul3A_22 = arith.muli %arg1, %mul3A_21 : i32
    %add3A_23 = arith.constant 80 : i32
    %add3A_24 = arith.addi %mul3A_22, %add3A_23 : i32
    "tpu.region"() ({
      %run_scoped3A_395 = tpu.sem_alloc : memref<!tpu.dma_semaphore, #tpu.memory_space<semaphore_mem>>
      %dma_start3A_396 = arith.constant 0 : i32
      %dma_start3A_397 = tpu.memref_slice %arg21[%add3A_24, %dma_start3A_396] : memref<10240x128xf32, #tpu.memory_space<vmem_shared>> -> memref<80x128xf32, #tpu.memory_space<vmem_shared>>
      %dma_start3A_398 = arith.constant 0 : i32
      %dma_start3A_399 = tpu.memref_slice %arg21[%add3A_24, %dma_start3A_398] : memref<10240x128xf32, #tpu.memory_space<vmem_shared>> -> memref<80x128xf32, #tpu.memory_space<vmem_shared>>
      tpu.enqueue_dma source(%arg16 : memref<80x128xf32, #tpu.memory_space<vmem>>) target(%dma_start3A_399 : memref<80x128xf32, #tpu.memory_space<vmem_shared>>) target_semaphore(%run_scoped3A_395 : memref<!tpu.dma_semaphore, #tpu.memory_space<semaphore_mem>>)
      %dma_wait3A_400 = arith.constant 0 : i32
      %dma_wait3A_401 = tpu.memref_slice %arg21[%add3A_24, %dma_wait3A_400] : memref<10240x128xf32, #tpu.memory_space<vmem_shared>> -> memref<80x128xf32, #tpu.memory_space<vmem_shared>>
      %dma_wait3A_402 = arith.constant 0 : i32
      %dma_wait3A_403 = tpu.memref_slice %arg21[%add3A_24, %dma_wait3A_402] : memref<10240x128xf32, #tpu.memory_space<vmem_shared>> -> memref<80x128xf32, #tpu.memory_space<vmem_shared>>
      tpu.wait_dma2 semaphore(%run_scoped3A_395 : memref<!tpu.dma_semaphore, #tpu.memory_space<semaphore_mem>>) src(%arg16 : memref<80x128xf32, #tpu.memory_space<vmem>>) dst(%dma_wait3A_403 : memref<80x128xf32, #tpu.memory_space<vmem_shared>>)
      tpu.yield
    }) : () -> ()
    %mul3A_25 = arith.constant 640 : i32
    %mul3A_26 = arith.muli %arg1, %mul3A_25 : i32
    %add3A_27 = arith.constant 160 : i32
    %add3A_28 = arith.addi %mul3A_26, %add3A_27 : i32
    "tpu.region"() ({
      %run_scoped3A_395 = tpu.sem_alloc : memref<!tpu.dma_semaphore, #tpu.memory_space<semaphore_mem>>
      %dma_start3A_396 = arith.constant 0 : i32
      %dma_start3A_397 = tpu.memref_slice %arg21[%add3A_28, %dma_start3A_396] : memref<10240x128xf32, #tpu.memory_space<vmem_shared>> -> memref<80x128xf32, #tpu.memory_space<vmem_shared>>
      %dma_start3A_398 = arith.constant 0 : i32
      %dma_start3A_399 = tpu.memref_slice %arg21[%add3A_28, %dma_start3A_398] : memref<10240x128xf32, #tpu.memory_space<vmem_shared>> -> memref<80x128xf32, #tpu.memory_space<vmem_shared>>
      tpu.enqueue_dma source(%arg16 : memref<80x128xf32, #tpu.memory_space<vmem>>) target(%dma_start3A_399 : memref<80x128xf32, #tpu.memory_space<vmem_shared>>) target_semaphore(%run_scoped3A_395 : memref<!tpu.dma_semaphore, #tpu.memory_space<semaphore_mem>>)
      %dma_wait3A_400 = arith.constant 0 : i32
      %dma_wait3A_401 = tpu.memref_slice %arg21[%add3A_28, %dma_wait3A_400] : memref<10240x128xf32, #tpu.memory_space<vmem_shared>> -> memref<80x128xf32, #tpu.memory_space<vmem_shared>>
      %dma_wait3A_402 = arith.constant 0 : i32
      %dma_wait3A_403 = tpu.memref_slice %arg21[%add3A_28, %dma_wait3A_402] : memref<10240x128xf32, #tpu.memory_space<vmem_shared>> -> memref<80x128xf32, #tpu.memory_space<vmem_shared>>
      tpu.wait_dma2 semaphore(%run_scoped3A_395 : memref<!tpu.dma_semaphore, #tpu.memory_space<semaphore_mem>>) src(%arg16 : memref<80x128xf32, #tpu.memory_space<vmem>>) dst(%dma_wait3A_403 : memref<80x128xf32, #tpu.memory_space<vmem_shared>>)
      tpu.yield
    }) : () -> ()
    %mul3A_29 = arith.constant 640 : i32
    %mul3A_30 = arith.muli %arg1, %mul3A_29 : i32
    %add3A_31 = arith.constant 240 : i32
    %add3A_32 = arith.addi %mul3A_30, %add3A_31 : i32
    "tpu.region"() ({
      %run_scoped3A_395 = tpu.sem_alloc : memref<!tpu.dma_semaphore, #tpu.memory_space<semaphore_mem>>
      %dma_start3A_396 = arith.constant 0 : i32
      %dma_start3A_397 = tpu.memref_slice %arg21[%add3A_32, %dma_start3A_396] : memref<10240x128xf32, #tpu.memory_space<vmem_shared>> -> memref<80x128xf32, #tpu.memory_space<vmem_shared>>
      %dma_start3A_398 = arith.constant 0 : i32
      %dma_start3A_399 = tpu.memref_slice %arg21[%add3A_32, %dma_start3A_398] : memref<10240x128xf32, #tpu.memory_space<vmem_shared>> -> memref<80x128xf32, #tpu.memory_space<vmem_shared>>
      tpu.enqueue_dma source(%arg16 : memref<80x128xf32, #tpu.memory_space<vmem>>) target(%dma_start3A_399 : memref<80x128xf32, #tpu.memory_space<vmem_shared>>) target_semaphore(%run_scoped3A_395 : memref<!tpu.dma_semaphore, #tpu.memory_space<semaphore_mem>>)
      %dma_wait3A_400 = arith.constant 0 : i32
      %dma_wait3A_401 = tpu.memref_slice %arg21[%add3A_32, %dma_wait3A_400] : memref<10240x128xf32, #tpu.memory_space<vmem_shared>> -> memref<80x128xf32, #tpu.memory_space<vmem_shared>>
      %dma_wait3A_402 = arith.constant 0 : i32
      %dma_wait3A_403 = tpu.memref_slice %arg21[%add3A_32, %dma_wait3A_402] : memref<10240x128xf32, #tpu.memory_space<vmem_shared>> -> memref<80x128xf32, #tpu.memory_space<vmem_shared>>
      tpu.wait_dma2 semaphore(%run_scoped3A_395 : memref<!tpu.dma_semaphore, #tpu.memory_space<semaphore_mem>>) src(%arg16 : memref<80x128xf32, #tpu.memory_space<vmem>>) dst(%dma_wait3A_403 : memref<80x128xf32, #tpu.memory_space<vmem_shared>>)
      tpu.yield
    }) : () -> ()
    %mul3A_33 = arith.constant 640 : i32
    %mul3A_34 = arith.muli %arg1, %mul3A_33 : i32
    %add3A_35 = arith.constant 320 : i32
    %add3A_36 = arith.addi %mul3A_34, %add3A_35 : i32
    "tpu.region"() ({
      %run_scoped3A_395 = tpu.sem_alloc : memref<!tpu.dma_semaphore, #tpu.memory_space<semaphore_mem>>
      %dma_start3A_396 = arith.constant 0 : i32
      %dma_start3A_397 = tpu.memref_slice %arg21[%add3A_36, %dma_start3A_396] : memref<10240x128xf32, #tpu.memory_space<vmem_shared>> -> memref<80x128xf32, #tpu.memory_space<vmem_shared>>
      %dma_start3A_398 = arith.constant 0 : i32
      %dma_start3A_399 = tpu.memref_slice %arg21[%add3A_36, %dma_start3A_398] : memref<10240x128xf32, #tpu.memory_space<vmem_shared>> -> memref<80x128xf32, #tpu.memory_space<vmem_shared>>
      tpu.enqueue_dma source(%arg16 : memref<80x128xf32, #tpu.memory_space<vmem>>) target(%dma_start3A_399 : memref<80x128xf32, #tpu.memory_space<vmem_shared>>) target_semaphore(%run_scoped3A_395 : memref<!tpu.dma_semaphore, #tpu.memory_space<semaphore_mem>>)
      %dma_wait3A_400 = arith.constant 0 : i32
      %dma_wait3A_401 = tpu.memref_slice %arg21[%add3A_36, %dma_wait3A_400] : memref<10240x128xf32, #tpu.memory_space<vmem_shared>> -> memref<80x128xf32, #tpu.memory_space<vmem_shared>>
      %dma_wait3A_402 = arith.constant 0 : i32
      %dma_wait3A_403 = tpu.memref_slice %arg21[%add3A_36, %dma_wait3A_402] : memref<10240x128xf32, #tpu.memory_space<vmem_shared>> -> memref<80x128xf32, #tpu.memory_space<vmem_shared>>
      tpu.wait_dma2 semaphore(%run_scoped3A_395 : memref<!tpu.dma_semaphore, #tpu.memory_space<semaphore_mem>>) src(%arg16 : memref<80x128xf32, #tpu.memory_space<vmem>>) dst(%dma_wait3A_403 : memref<80x128xf32, #tpu.memory_space<vmem_shared>>)
      tpu.yield
    }) : () -> ()
    %mul3A_37 = arith.constant 640 : i32
    %mul3A_38 = arith.muli %arg1, %mul3A_37 : i32
    %add3A_39 = arith.constant 400 : i32
    %add3A_40 = arith.addi %mul3A_38, %add3A_39 : i32
    "tpu.region"() ({
      %run_scoped3A_395 = tpu.sem_alloc : memref<!tpu.dma_semaphore, #tpu.memory_space<semaphore_mem>>
      %dma_start3A_396 = arith.constant 0 : i32
      %dma_start3A_397 = tpu.memref_slice %arg21[%add3A_40, %dma_start3A_396] : memref<10240x128xf32, #tpu.memory_space<vmem_shared>> -> memref<80x128xf32, #tpu.memory_space<vmem_shared>>
      %dma_start3A_398 = arith.constant 0 : i32
      %dma_start3A_399 = tpu.memref_slice %arg21[%add3A_40, %dma_start3A_398] : memref<10240x128xf32, #tpu.memory_space<vmem_shared>> -> memref<80x128xf32, #tpu.memory_space<vmem_shared>>
      tpu.enqueue_dma source(%arg16 : memref<80x128xf32, #tpu.memory_space<vmem>>) target(%dma_start3A_399 : memref<80x128xf32, #tpu.memory_space<vmem_shared>>) target_semaphore(%run_scoped3A_395 : memref<!tpu.dma_semaphore, #tpu.memory_space<semaphore_mem>>)
      %dma_wait3A_400 = arith.constant 0 : i32
      %dma_wait3A_401 = tpu.memref_slice %arg21[%add3A_40, %dma_wait3A_400] : memref<10240x128xf32, #tpu.memory_space<vmem_shared>> -> memref<80x128xf32, #tpu.memory_space<vmem_shared>>
      %dma_wait3A_402 = arith.constant 0 : i32
      %dma_wait3A_403 = tpu.memref_slice %arg21[%add3A_40, %dma_wait3A_402] : memref<10240x128xf32, #tpu.memory_space<vmem_shared>> -> memref<80x128xf32, #tpu.memory_space<vmem_shared>>
      tpu.wait_dma2 semaphore(%run_scoped3A_395 : memref<!tpu.dma_semaphore, #tpu.memory_space<semaphore_mem>>) src(%arg16 : memref<80x128xf32, #tpu.memory_space<vmem>>) dst(%dma_wait3A_403 : memref<80x128xf32, #tpu.memory_space<vmem_shared>>)
      tpu.yield
    }) : () -> ()
    %mul3A_41 = arith.constant 640 : i32
    %mul3A_42 = arith.muli %arg1, %mul3A_41 : i32
    %add3A_43 = arith.constant 480 : i32
    %add3A_44 = arith.addi %mul3A_42, %add3A_43 : i32
    "tpu.region"() ({
      %run_scoped3A_395 = tpu.sem_alloc : memref<!tpu.dma_semaphore, #tpu.memory_space<semaphore_mem>>
      %dma_start3A_396 = arith.constant 0 : i32
      %dma_start3A_397 = tpu.memref_slice %arg21[%add3A_44, %dma_start3A_396] : memref<10240x128xf32, #tpu.memory_space<vmem_shared>> -> memref<80x128xf32, #tpu.memory_space<vmem_shared>>
      %dma_start3A_398 = arith.constant 0 : i32
      %dma_start3A_399 = tpu.memref_slice %arg21[%add3A_44, %dma_start3A_398] : memref<10240x128xf32, #tpu.memory_space<vmem_shared>> -> memref<80x128xf32, #tpu.memory_space<vmem_shared>>
      tpu.enqueue_dma source(%arg16 : memref<80x128xf32, #tpu.memory_space<vmem>>) target(%dma_start3A_399 : memref<80x128xf32, #tpu.memory_space<vmem_shared>>) target_semaphore(%run_scoped3A_395 : memref<!tpu.dma_semaphore, #tpu.memory_space<semaphore_mem>>)
      %dma_wait3A_400 = arith.constant 0 : i32
      %dma_wait3A_401 = tpu.memref_slice %arg21[%add3A_44, %dma_wait3A_400] : memref<10240x128xf32, #tpu.memory_space<vmem_shared>> -> memref<80x128xf32, #tpu.memory_space<vmem_shared>>
      %dma_wait3A_402 = arith.constant 0 : i32
      %dma_wait3A_403 = tpu.memref_slice %arg21[%add3A_44, %dma_wait3A_402] : memref<10240x128xf32, #tpu.memory_space<vmem_shared>> -> memref<80x128xf32, #tpu.memory_space<vmem_shared>>
      tpu.wait_dma2 semaphore(%run_scoped3A_395 : memref<!tpu.dma_semaphore, #tpu.memory_space<semaphore_mem>>) src(%arg16 : memref<80x128xf32, #tpu.memory_space<vmem>>) dst(%dma_wait3A_403 : memref<80x128xf32, #tpu.memory_space<vmem_shared>>)
      tpu.yield
    }) : () -> ()
    %mul3A_45 = arith.constant 640 : i32
    %mul3A_46 = arith.muli %arg1, %mul3A_45 : i32
    %add3A_47 = arith.constant 560 : i32
    %add3A_48 = arith.addi %mul3A_46, %add3A_47 : i32
    "tpu.region"() ({
      %run_scoped3A_395 = tpu.sem_alloc : memref<!tpu.dma_semaphore, #tpu.memory_space<semaphore_mem>>
      %dma_start3A_396 = arith.constant 0 : i32
      %dma_start3A_397 = tpu.memref_slice %arg21[%add3A_48, %dma_start3A_396] : memref<10240x128xf32, #tpu.memory_space<vmem_shared>> -> memref<80x128xf32, #tpu.memory_space<vmem_shared>>
      %dma_start3A_398 = arith.constant 0 : i32
      %dma_start3A_399 = tpu.memref_slice %arg21[%add3A_48, %dma_start3A_398] : memref<10240x128xf32, #tpu.memory_space<vmem_shared>> -> memref<80x128xf32, #tpu.memory_space<vmem_shared>>
      tpu.enqueue_dma source(%arg16 : memref<80x128xf32, #tpu.memory_space<vmem>>) target(%dma_start3A_399 : memref<80x128xf32, #tpu.memory_space<vmem_shared>>) target_semaphore(%run_scoped3A_395 : memref<!tpu.dma_semaphore, #tpu.memory_space<semaphore_mem>>)
      %dma_wait3A_400 = arith.constant 0 : i32
      %dma_wait3A_401 = tpu.memref_slice %arg21[%add3A_48, %dma_wait3A_400] : memref<10240x128xf32, #tpu.memory_space<vmem_shared>> -> memref<80x128xf32, #tpu.memory_space<vmem_shared>>
      %dma_wait3A_402 = arith.constant 0 : i32
      %dma_wait3A_403 = tpu.memref_slice %arg21[%add3A_48, %dma_wait3A_402] : memref<10240x128xf32, #tpu.memory_space<vmem_shared>> -> memref<80x128xf32, #tpu.memory_space<vmem_shared>>
      tpu.wait_dma2 semaphore(%run_scoped3A_395 : memref<!tpu.dma_semaphore, #tpu.memory_space<semaphore_mem>>) src(%arg16 : memref<80x128xf32, #tpu.memory_space<vmem>>) dst(%dma_wait3A_403 : memref<80x128xf32, #tpu.memory_space<vmem_shared>>)
      tpu.yield
    }) : () -> ()
    %mul3A_49 = arith.constant 640 : i32
    %mul3A_50 = arith.muli %arg1, %mul3A_49 : i32
    %add3A_51 = arith.constant 0 : i32
    %add3A_52 = arith.addi %mul3A_50, %add3A_51 : i32
    %run_scoped3A = arith.constant 0 : i32
    "tpu.region"() ({
      %run_scoped3A_395 = tpu.sem_alloc : memref<!tpu.dma_semaphore, #tpu.memory_space<semaphore_mem>>
      %dma_start3A_396 = arith.constant 0 : i32
      %dma_start3A_397 = tpu.memref_slice %arg16[%run_scoped3A, %dma_start3A_396] : memref<80x128xf32, #tpu.memory_space<vmem>> -> memref<1x80xf32, #tpu.memory_space<vmem>>
      %dma_start3A_398 = tpu.memref_squeeze %dma_start3A_397 : memref<1x80xf32, #tpu.memory_space<vmem>> -> memref<80xf32, #tpu.memory_space<vmem>>
      %dma_start3A_399 = tpu.memref_slice %arg22[%add3A_52] : memref<10240xf32, #tpu.memory_space<vmem_shared>> -> memref<80xf32, #tpu.memory_space<vmem_shared>>
      %dma_start3A_400 = tpu.memref_slice %arg22[%add3A_52] : memref<10240xf32, #tpu.memory_space<vmem_shared>> -> memref<80xf32, #tpu.memory_space<vmem_shared>>
      %dma_start3A_401 = arith.constant 0 : i32
      %dma_start3A_402 = tpu.memref_slice %arg16[%run_scoped3A, %dma_start3A_401] : memref<80x128xf32, #tpu.memory_space<vmem>> -> memref<1x80xf32, #tpu.memory_space<vmem>>
      %dma_start3A_403 = tpu.memref_squeeze %dma_start3A_402 : memref<1x80xf32, #tpu.memory_space<vmem>> -> memref<80xf32, #tpu.memory_space<vmem>>
      tpu.enqueue_dma source(%dma_start3A_403 : memref<80xf32, #tpu.memory_space<vmem>>) target(%dma_start3A_400 : memref<80xf32, #tpu.memory_space<vmem_shared>>) target_semaphore(%run_scoped3A_395 : memref<!tpu.dma_semaphore, #tpu.memory_space<semaphore_mem>>)
      %dma_wait3A_404 = arith.constant 0 : i32
      %dma_wait3A_405 = tpu.memref_slice %arg16[%run_scoped3A, %dma_wait3A_404] : memref<80x128xf32, #tpu.memory_space<vmem>> -> memref<1x80xf32, #tpu.memory_space<vmem>>
      %dma_wait3A_406 = tpu.memref_squeeze %dma_wait3A_405 : memref<1x80xf32, #tpu.memory_space<vmem>> -> memref<80xf32, #tpu.memory_space<vmem>>
      %dma_wait3A_407 = tpu.memref_slice %arg22[%add3A_52] : memref<10240xf32, #tpu.memory_space<vmem_shared>> -> memref<80xf32, #tpu.memory_space<vmem_shared>>
      %dma_wait3A_408 = tpu.memref_slice %arg22[%add3A_52] : memref<10240xf32, #tpu.memory_space<vmem_shared>> -> memref<80xf32, #tpu.memory_space<vmem_shared>>
      %dma_wait3A_409 = arith.constant 0 : i32
      %dma_wait3A_410 = tpu.memref_slice %arg16[%run_scoped3A, %dma_wait3A_409] : memref<80x128xf32, #tpu.memory_space<vmem>> -> memref<1x80xf32, #tpu.memory_space<vmem>>
      %dma_wait3A_411 = tpu.memref_squeeze %dma_wait3A_410 : memref<1x80xf32, #tpu.memory_space<vmem>> -> memref<80xf32, #tpu.memory_space<vmem>>
      tpu.wait_dma2 semaphore(%run_scoped3A_395 : memref<!tpu.dma_semaphore, #tpu.memory_space<semaphore_mem>>) src(%dma_wait3A_411 : memref<80xf32, #tpu.memory_space<vmem>>) dst(%dma_wait3A_408 : memref<80xf32, #tpu.memory_space<vmem_shared>>)
      tpu.yield
    }) : () -> ()
    %mul3A_53 = arith.constant 640 : i32
    %mul3A_54 = arith.muli %arg1, %mul3A_53 : i32
    %add3A_55 = arith.constant 80 : i32
    %add3A_56 = arith.addi %mul3A_54, %add3A_55 : i32
    %run_scoped3A_57 = arith.constant 0 : i32
    "tpu.region"() ({
      %run_scoped3A_395 = tpu.sem_alloc : memref<!tpu.dma_semaphore, #tpu.memory_space<semaphore_mem>>
      %dma_start3A_396 = arith.constant 0 : i32
      %dma_start3A_397 = tpu.memref_slice %arg16[%run_scoped3A_57, %dma_start3A_396] : memref<80x128xf32, #tpu.memory_space<vmem>> -> memref<1x80xf32, #tpu.memory_space<vmem>>
      %dma_start3A_398 = tpu.memref_squeeze %dma_start3A_397 : memref<1x80xf32, #tpu.memory_space<vmem>> -> memref<80xf32, #tpu.memory_space<vmem>>
      %dma_start3A_399 = tpu.memref_slice %arg22[%add3A_56] : memref<10240xf32, #tpu.memory_space<vmem_shared>> -> memref<80xf32, #tpu.memory_space<vmem_shared>>
      %dma_start3A_400 = tpu.memref_slice %arg22[%add3A_56] : memref<10240xf32, #tpu.memory_space<vmem_shared>> -> memref<80xf32, #tpu.memory_space<vmem_shared>>
      %dma_start3A_401 = arith.constant 0 : i32
      %dma_start3A_402 = tpu.memref_slice %arg16[%run_scoped3A_57, %dma_start3A_401] : memref<80x128xf32, #tpu.memory_space<vmem>> -> memref<1x80xf32, #tpu.memory_space<vmem>>
      %dma_start3A_403 = tpu.memref_squeeze %dma_start3A_402 : memref<1x80xf32, #tpu.memory_space<vmem>> -> memref<80xf32, #tpu.memory_space<vmem>>
      tpu.enqueue_dma source(%dma_start3A_403 : memref<80xf32, #tpu.memory_space<vmem>>) target(%dma_start3A_400 : memref<80xf32, #tpu.memory_space<vmem_shared>>) target_semaphore(%run_scoped3A_395 : memref<!tpu.dma_semaphore, #tpu.memory_space<semaphore_mem>>)
      %dma_wait3A_404 = arith.constant 0 : i32
      %dma_wait3A_405 = tpu.memref_slice %arg16[%run_scoped3A_57, %dma_wait3A_404] : memref<80x128xf32, #tpu.memory_space<vmem>> -> memref<1x80xf32, #tpu.memory_space<vmem>>
      %dma_wait3A_406 = tpu.memref_squeeze %dma_wait3A_405 : memref<1x80xf32, #tpu.memory_space<vmem>> -> memref<80xf32, #tpu.memory_space<vmem>>
      %dma_wait3A_407 = tpu.memref_slice %arg22[%add3A_56] : memref<10240xf32, #tpu.memory_space<vmem_shared>> -> memref<80xf32, #tpu.memory_space<vmem_shared>>
      %dma_wait3A_408 = tpu.memref_slice %arg22[%add3A_56] : memref<10240xf32, #tpu.memory_space<vmem_shared>> -> memref<80xf32, #tpu.memory_space<vmem_shared>>
      %dma_wait3A_409 = arith.constant 0 : i32
      %dma_wait3A_410 = tpu.memref_slice %arg16[%run_scoped3A_57, %dma_wait3A_409] : memref<80x128xf32, #tpu.memory_space<vmem>> -> memref<1x80xf32, #tpu.memory_space<vmem>>
      %dma_wait3A_411 = tpu.memref_squeeze %dma_wait3A_410 : memref<1x80xf32, #tpu.memory_space<vmem>> -> memref<80xf32, #tpu.memory_space<vmem>>
      tpu.wait_dma2 semaphore(%run_scoped3A_395 : memref<!tpu.dma_semaphore, #tpu.memory_space<semaphore_mem>>) src(%dma_wait3A_411 : memref<80xf32, #tpu.memory_space<vmem>>) dst(%dma_wait3A_408 : memref<80xf32, #tpu.memory_space<vmem_shared>>)
      tpu.yield
    }) : () -> ()
    %mul3A_58 = arith.constant 640 : i32
    %mul3A_59 = arith.muli %arg1, %mul3A_58 : i32
    %add3A_60 = arith.constant 160 : i32
    %add3A_61 = arith.addi %mul3A_59, %add3A_60 : i32
    %run_scoped3A_62 = arith.constant 0 : i32
    "tpu.region"() ({
      %run_scoped3A_395 = tpu.sem_alloc : memref<!tpu.dma_semaphore, #tpu.memory_space<semaphore_mem>>
      %dma_start3A_396 = arith.constant 0 : i32
      %dma_start3A_397 = tpu.memref_slice %arg16[%run_scoped3A_62, %dma_start3A_396] : memref<80x128xf32, #tpu.memory_space<vmem>> -> memref<1x80xf32, #tpu.memory_space<vmem>>
      %dma_start3A_398 = tpu.memref_squeeze %dma_start3A_397 : memref<1x80xf32, #tpu.memory_space<vmem>> -> memref<80xf32, #tpu.memory_space<vmem>>
      %dma_start3A_399 = tpu.memref_slice %arg22[%add3A_61] : memref<10240xf32, #tpu.memory_space<vmem_shared>> -> memref<80xf32, #tpu.memory_space<vmem_shared>>
      %dma_start3A_400 = tpu.memref_slice %arg22[%add3A_61] : memref<10240xf32, #tpu.memory_space<vmem_shared>> -> memref<80xf32, #tpu.memory_space<vmem_shared>>
      %dma_start3A_401 = arith.constant 0 : i32
      %dma_start3A_402 = tpu.memref_slice %arg16[%run_scoped3A_62, %dma_start3A_401] : memref<80x128xf32, #tpu.memory_space<vmem>> -> memref<1x80xf32, #tpu.memory_space<vmem>>
      %dma_start3A_403 = tpu.memref_squeeze %dma_start3A_402 : memref<1x80xf32, #tpu.memory_space<vmem>> -> memref<80xf32, #tpu.memory_space<vmem>>
      tpu.enqueue_dma source(%dma_start3A_403 : memref<80xf32, #tpu.memory_space<vmem>>) target(%dma_start3A_400 : memref<80xf32, #tpu.memory_space<vmem_shared>>) target_semaphore(%run_scoped3A_395 : memref<!tpu.dma_semaphore, #tpu.memory_space<semaphore_mem>>)
      %dma_wait3A_404 = arith.constant 0 : i32
      %dma_wait3A_405 = tpu.memref_slice %arg16[%run_scoped3A_62, %dma_wait3A_404] : memref<80x128xf32, #tpu.memory_space<vmem>> -> memref<1x80xf32, #tpu.memory_space<vmem>>
      %dma_wait3A_406 = tpu.memref_squeeze %dma_wait3A_405 : memref<1x80xf32, #tpu.memory_space<vmem>> -> memref<80xf32, #tpu.memory_space<vmem>>
      %dma_wait3A_407 = tpu.memref_slice %arg22[%add3A_61] : memref<10240xf32, #tpu.memory_space<vmem_shared>> -> memref<80xf32, #tpu.memory_space<vmem_shared>>
      %dma_wait3A_408 = tpu.memref_slice %arg22[%add3A_61] : memref<10240xf32, #tpu.memory_space<vmem_shared>> -> memref<80xf32, #tpu.memory_space<vmem_shared>>
      %dma_wait3A_409 = arith.constant 0 : i32
      %dma_wait3A_410 = tpu.memref_slice %arg16[%run_scoped3A_62, %dma_wait3A_409] : memref<80x128xf32, #tpu.memory_space<vmem>> -> memref<1x80xf32, #tpu.memory_space<vmem>>
      %dma_wait3A_411 = tpu.memref_squeeze %dma_wait3A_410 : memref<1x80xf32, #tpu.memory_space<vmem>> -> memref<80xf32, #tpu.memory_space<vmem>>
      tpu.wait_dma2 semaphore(%run_scoped3A_395 : memref<!tpu.dma_semaphore, #tpu.memory_space<semaphore_mem>>) src(%dma_wait3A_411 : memref<80xf32, #tpu.memory_space<vmem>>) dst(%dma_wait3A_408 : memref<80xf32, #tpu.memory_space<vmem_shared>>)
      tpu.yield
    }) : () -> ()
    %mul3A_63 = arith.constant 640 : i32
    %mul3A_64 = arith.muli %arg1, %mul3A_63 : i32
    %add3A_65 = arith.constant 240 : i32
    %add3A_66 = arith.addi %mul3A_64, %add3A_65 : i32
    %run_scoped3A_67 = arith.constant 0 : i32
    "tpu.region"() ({
      %run_scoped3A_395 = tpu.sem_alloc : memref<!tpu.dma_semaphore, #tpu.memory_space<semaphore_mem>>
      %dma_start3A_396 = arith.constant 0 : i32
      %dma_start3A_397 = tpu.memref_slice %arg16[%run_scoped3A_67, %dma_start3A_396] : memref<80x128xf32, #tpu.memory_space<vmem>> -> memref<1x80xf32, #tpu.memory_space<vmem>>
      %dma_start3A_398 = tpu.memref_squeeze %dma_start3A_397 : memref<1x80xf32, #tpu.memory_space<vmem>> -> memref<80xf32, #tpu.memory_space<vmem>>
      %dma_start3A_399 = tpu.memref_slice %arg22[%add3A_66] : memref<10240xf32, #tpu.memory_space<vmem_shared>> -> memref<80xf32, #tpu.memory_space<vmem_shared>>
      %dma_start3A_400 = tpu.memref_slice %arg22[%add3A_66] : memref<10240xf32, #tpu.memory_space<vmem_shared>> -> memref<80xf32, #tpu.memory_space<vmem_shared>>
      %dma_start3A_401 = arith.constant 0 : i32
      %dma_start3A_402 = tpu.memref_slice %arg16[%run_scoped3A_67, %dma_start3A_401] : memref<80x128xf32, #tpu.memory_space<vmem>> -> memref<1x80xf32, #tpu.memory_space<vmem>>
      %dma_start3A_403 = tpu.memref_squeeze %dma_start3A_402 : memref<1x80xf32, #tpu.memory_space<vmem>> -> memref<80xf32, #tpu.memory_space<vmem>>
      tpu.enqueue_dma source(%dma_start3A_403 : memref<80xf32, #tpu.memory_space<vmem>>) target(%dma_start3A_400 : memref<80xf32, #tpu.memory_space<vmem_shared>>) target_semaphore(%run_scoped3A_395 : memref<!tpu.dma_semaphore, #tpu.memory_space<semaphore_mem>>)
      %dma_wait3A_404 = arith.constant 0 : i32
      %dma_wait3A_405 = tpu.memref_slice %arg16[%run_scoped3A_67, %dma_wait3A_404] : memref<80x128xf32, #tpu.memory_space<vmem>> -> memref<1x80xf32, #tpu.memory_space<vmem>>
      %dma_wait3A_406 = tpu.memref_squeeze %dma_wait3A_405 : memref<1x80xf32, #tpu.memory_space<vmem>> -> memref<80xf32, #tpu.memory_space<vmem>>
      %dma_wait3A_407 = tpu.memref_slice %arg22[%add3A_66] : memref<10240xf32, #tpu.memory_space<vmem_shared>> -> memref<80xf32, #tpu.memory_space<vmem_shared>>
      %dma_wait3A_408 = tpu.memref_slice %arg22[%add3A_66] : memref<10240xf32, #tpu.memory_space<vmem_shared>> -> memref<80xf32, #tpu.memory_space<vmem_shared>>
      %dma_wait3A_409 = arith.constant 0 : i32
      %dma_wait3A_410 = tpu.memref_slice %arg16[%run_scoped3A_67, %dma_wait3A_409] : memref<80x128xf32, #tpu.memory_space<vmem>> -> memref<1x80xf32, #tpu.memory_space<vmem>>
      %dma_wait3A_411 = tpu.memref_squeeze %dma_wait3A_410 : memref<1x80xf32, #tpu.memory_space<vmem>> -> memref<80xf32, #tpu.memory_space<vmem>>
      tpu.wait_dma2 semaphore(%run_scoped3A_395 : memref<!tpu.dma_semaphore, #tpu.memory_space<semaphore_mem>>) src(%dma_wait3A_411 : memref<80xf32, #tpu.memory_space<vmem>>) dst(%dma_wait3A_408 : memref<80xf32, #tpu.memory_space<vmem_shared>>)
      tpu.yield
    }) : () -> ()
    %mul3A_68 = arith.constant 640 : i32
    %mul3A_69 = arith.muli %arg1, %mul3A_68 : i32
    %add3A_70 = arith.constant 320 : i32
    %add3A_71 = arith.addi %mul3A_69, %add3A_70 : i32
    %run_scoped3A_72 = arith.constant 0 : i32
    "tpu.region"() ({
      %run_scoped3A_395 = tpu.sem_alloc : memref<!tpu.dma_semaphore, #tpu.memory_space<semaphore_mem>>
      %dma_start3A_396 = arith.constant 0 : i32
      %dma_start3A_397 = tpu.memref_slice %arg16[%run_scoped3A_72, %dma_start3A_396] : memref<80x128xf32, #tpu.memory_space<vmem>> -> memref<1x80xf32, #tpu.memory_space<vmem>>
      %dma_start3A_398 = tpu.memref_squeeze %dma_start3A_397 : memref<1x80xf32, #tpu.memory_space<vmem>> -> memref<80xf32, #tpu.memory_space<vmem>>
      %dma_start3A_399 = tpu.memref_slice %arg22[%add3A_71] : memref<10240xf32, #tpu.memory_space<vmem_shared>> -> memref<80xf32, #tpu.memory_space<vmem_shared>>
      %dma_start3A_400 = tpu.memref_slice %arg22[%add3A_71] : memref<10240xf32, #tpu.memory_space<vmem_shared>> -> memref<80xf32, #tpu.memory_space<vmem_shared>>
      %dma_start3A_401 = arith.constant 0 : i32
      %dma_start3A_402 = tpu.memref_slice %arg16[%run_scoped3A_72, %dma_start3A_401] : memref<80x128xf32, #tpu.memory_space<vmem>> -> memref<1x80xf32, #tpu.memory_space<vmem>>
      %dma_start3A_403 = tpu.memref_squeeze %dma_start3A_402 : memref<1x80xf32, #tpu.memory_space<vmem>> -> memref<80xf32, #tpu.memory_space<vmem>>
      tpu.enqueue_dma source(%dma_start3A_403 : memref<80xf32, #tpu.memory_space<vmem>>) target(%dma_start3A_400 : memref<80xf32, #tpu.memory_space<vmem_shared>>) target_semaphore(%run_scoped3A_395 : memref<!tpu.dma_semaphore, #tpu.memory_space<semaphore_mem>>)
      %dma_wait3A_404 = arith.constant 0 : i32
      %dma_wait3A_405 = tpu.memref_slice %arg16[%run_scoped3A_72, %dma_wait3A_404] : memref<80x128xf32, #tpu.memory_space<vmem>> -> memref<1x80xf32, #tpu.memory_space<vmem>>
      %dma_wait3A_406 = tpu.memref_squeeze %dma_wait3A_405 : memref<1x80xf32, #tpu.memory_space<vmem>> -> memref<80xf32, #tpu.memory_space<vmem>>
      %dma_wait3A_407 = tpu.memref_slice %arg22[%add3A_71] : memref<10240xf32, #tpu.memory_space<vmem_shared>> -> memref<80xf32, #tpu.memory_space<vmem_shared>>
      %dma_wait3A_408 = tpu.memref_slice %arg22[%add3A_71] : memref<10240xf32, #tpu.memory_space<vmem_shared>> -> memref<80xf32, #tpu.memory_space<vmem_shared>>
      %dma_wait3A_409 = arith.constant 0 : i32
      %dma_wait3A_410 = tpu.memref_slice %arg16[%run_scoped3A_72, %dma_wait3A_409] : memref<80x128xf32, #tpu.memory_space<vmem>> -> memref<1x80xf32, #tpu.memory_space<vmem>>
      %dma_wait3A_411 = tpu.memref_squeeze %dma_wait3A_410 : memref<1x80xf32, #tpu.memory_space<vmem>> -> memref<80xf32, #tpu.memory_space<vmem>>
      tpu.wait_dma2 semaphore(%run_scoped3A_395 : memref<!tpu.dma_semaphore, #tpu.memory_space<semaphore_mem>>) src(%dma_wait3A_411 : memref<80xf32, #tpu.memory_space<vmem>>) dst(%dma_wait3A_408 : memref<80xf32, #tpu.memory_space<vmem_shared>>)
      tpu.yield
    }) : () -> ()
    %mul3A_73 = arith.constant 640 : i32
    %mul3A_74 = arith.muli %arg1, %mul3A_73 : i32
    %add3A_75 = arith.constant 400 : i32
    %add3A_76 = arith.addi %mul3A_74, %add3A_75 : i32
    %run_scoped3A_77 = arith.constant 0 : i32
    "tpu.region"() ({
      %run_scoped3A_395 = tpu.sem_alloc : memref<!tpu.dma_semaphore, #tpu.memory_space<semaphore_mem>>
      %dma_start3A_396 = arith.constant 0 : i32
      %dma_start3A_397 = tpu.memref_slice %arg16[%run_scoped3A_77, %dma_start3A_396] : memref<80x128xf32, #tpu.memory_space<vmem>> -> memref<1x80xf32, #tpu.memory_space<vmem>>
      %dma_start3A_398 = tpu.memref_squeeze %dma_start3A_397 : memref<1x80xf32, #tpu.memory_space<vmem>> -> memref<80xf32, #tpu.memory_space<vmem>>
      %dma_start3A_399 = tpu.memref_slice %arg22[%add3A_76] : memref<10240xf32, #tpu.memory_space<vmem_shared>> -> memref<80xf32, #tpu.memory_space<vmem_shared>>
      %dma_start3A_400 = tpu.memref_slice %arg22[%add3A_76] : memref<10240xf32, #tpu.memory_space<vmem_shared>> -> memref<80xf32, #tpu.memory_space<vmem_shared>>
      %dma_start3A_401 = arith.constant 0 : i32
      %dma_start3A_402 = tpu.memref_slice %arg16[%run_scoped3A_77, %dma_start3A_401] : memref<80x128xf32, #tpu.memory_space<vmem>> -> memref<1x80xf32, #tpu.memory_space<vmem>>
      %dma_start3A_403 = tpu.memref_squeeze %dma_start3A_402 : memref<1x80xf32, #tpu.memory_space<vmem>> -> memref<80xf32, #tpu.memory_space<vmem>>
      tpu.enqueue_dma source(%dma_start3A_403 : memref<80xf32, #tpu.memory_space<vmem>>) target(%dma_start3A_400 : memref<80xf32, #tpu.memory_space<vmem_shared>>) target_semaphore(%run_scoped3A_395 : memref<!tpu.dma_semaphore, #tpu.memory_space<semaphore_mem>>)
      %dma_wait3A_404 = arith.constant 0 : i32
      %dma_wait3A_405 = tpu.memref_slice %arg16[%run_scoped3A_77, %dma_wait3A_404] : memref<80x128xf32, #tpu.memory_space<vmem>> -> memref<1x80xf32, #tpu.memory_space<vmem>>
      %dma_wait3A_406 = tpu.memref_squeeze %dma_wait3A_405 : memref<1x80xf32, #tpu.memory_space<vmem>> -> memref<80xf32, #tpu.memory_space<vmem>>
      %dma_wait3A_407 = tpu.memref_slice %arg22[%add3A_76] : memref<10240xf32, #tpu.memory_space<vmem_shared>> -> memref<80xf32, #tpu.memory_space<vmem_shared>>
      %dma_wait3A_408 = tpu.memref_slice %arg22[%add3A_76] : memref<10240xf32, #tpu.memory_space<vmem_shared>> -> memref<80xf32, #tpu.memory_space<vmem_shared>>
      %dma_wait3A_409 = arith.constant 0 : i32
      %dma_wait3A_410 = tpu.memref_slice %arg16[%run_scoped3A_77, %dma_wait3A_409] : memref<80x128xf32, #tpu.memory_space<vmem>> -> memref<1x80xf32, #tpu.memory_space<vmem>>
      %dma_wait3A_411 = tpu.memref_squeeze %dma_wait3A_410 : memref<1x80xf32, #tpu.memory_space<vmem>> -> memref<80xf32, #tpu.memory_space<vmem>>
      tpu.wait_dma2 semaphore(%run_scoped3A_395 : memref<!tpu.dma_semaphore, #tpu.memory_space<semaphore_mem>>) src(%dma_wait3A_411 : memref<80xf32, #tpu.memory_space<vmem>>) dst(%dma_wait3A_408 : memref<80xf32, #tpu.memory_space<vmem_shared>>)
      tpu.yield
    }) : () -> ()
    %mul3A_78 = arith.constant 640 : i32
    %mul3A_79 = arith.muli %arg1, %mul3A_78 : i32
    %add3A_80 = arith.constant 480 : i32
    %add3A_81 = arith.addi %mul3A_79, %add3A_80 : i32
    %run_scoped3A_82 = arith.constant 0 : i32
    "tpu.region"() ({
      %run_scoped3A_395 = tpu.sem_alloc : memref<!tpu.dma_semaphore, #tpu.memory_space<semaphore_mem>>
      %dma_start3A_396 = arith.constant 0 : i32
      %dma_start3A_397 = tpu.memref_slice %arg16[%run_scoped3A_82, %dma_start3A_396] : memref<80x128xf32, #tpu.memory_space<vmem>> -> memref<1x80xf32, #tpu.memory_space<vmem>>
      %dma_start3A_398 = tpu.memref_squeeze %dma_start3A_397 : memref<1x80xf32, #tpu.memory_space<vmem>> -> memref<80xf32, #tpu.memory_space<vmem>>
      %dma_start3A_399 = tpu.memref_slice %arg22[%add3A_81] : memref<10240xf32, #tpu.memory_space<vmem_shared>> -> memref<80xf32, #tpu.memory_space<vmem_shared>>
      %dma_start3A_400 = tpu.memref_slice %arg22[%add3A_81] : memref<10240xf32, #tpu.memory_space<vmem_shared>> -> memref<80xf32, #tpu.memory_space<vmem_shared>>
      %dma_start3A_401 = arith.constant 0 : i32
      %dma_start3A_402 = tpu.memref_slice %arg16[%run_scoped3A_82, %dma_start3A_401] : memref<80x128xf32, #tpu.memory_space<vmem>> -> memref<1x80xf32, #tpu.memory_space<vmem>>
      %dma_start3A_403 = tpu.memref_squeeze %dma_start3A_402 : memref<1x80xf32, #tpu.memory_space<vmem>> -> memref<80xf32, #tpu.memory_space<vmem>>
      tpu.enqueue_dma source(%dma_start3A_403 : memref<80xf32, #tpu.memory_space<vmem>>) target(%dma_start3A_400 : memref<80xf32, #tpu.memory_space<vmem_shared>>) target_semaphore(%run_scoped3A_395 : memref<!tpu.dma_semaphore, #tpu.memory_space<semaphore_mem>>)
      %dma_wait3A_404 = arith.constant 0 : i32
      %dma_wait3A_405 = tpu.memref_slice %arg16[%run_scoped3A_82, %dma_wait3A_404] : memref<80x128xf32, #tpu.memory_space<vmem>> -> memref<1x80xf32, #tpu.memory_space<vmem>>
      %dma_wait3A_406 = tpu.memref_squeeze %dma_wait3A_405 : memref<1x80xf32, #tpu.memory_space<vmem>> -> memref<80xf32, #tpu.memory_space<vmem>>
      %dma_wait3A_407 = tpu.memref_slice %arg22[%add3A_81] : memref<10240xf32, #tpu.memory_space<vmem_shared>> -> memref<80xf32, #tpu.memory_space<vmem_shared>>
      %dma_wait3A_408 = tpu.memref_slice %arg22[%add3A_81] : memref<10240xf32, #tpu.memory_space<vmem_shared>> -> memref<80xf32, #tpu.memory_space<vmem_shared>>
      %dma_wait3A_409 = arith.constant 0 : i32
      %dma_wait3A_410 = tpu.memref_slice %arg16[%run_scoped3A_82, %dma_wait3A_409] : memref<80x128xf32, #tpu.memory_space<vmem>> -> memref<1x80xf32, #tpu.memory_space<vmem>>
      %dma_wait3A_411 = tpu.memref_squeeze %dma_wait3A_410 : memref<1x80xf32, #tpu.memory_space<vmem>> -> memref<80xf32, #tpu.memory_space<vmem>>
      tpu.wait_dma2 semaphore(%run_scoped3A_395 : memref<!tpu.dma_semaphore, #tpu.memory_space<semaphore_mem>>) src(%dma_wait3A_411 : memref<80xf32, #tpu.memory_space<vmem>>) dst(%dma_wait3A_408 : memref<80xf32, #tpu.memory_space<vmem_shared>>)
      tpu.yield
    }) : () -> ()
    %mul3A_83 = arith.constant 640 : i32
    %mul3A_84 = arith.muli %arg1, %mul3A_83 : i32
    %add3A_85 = arith.constant 560 : i32
    %add3A_86 = arith.addi %mul3A_84, %add3A_85 : i32
    %run_scoped3A_87 = arith.constant 0 : i32
    "tpu.region"() ({
      %run_scoped3A_395 = tpu.sem_alloc : memref<!tpu.dma_semaphore, #tpu.memory_space<semaphore_mem>>
      %dma_start3A_396 = arith.constant 0 : i32
      %dma_start3A_397 = tpu.memref_slice %arg16[%run_scoped3A_87, %dma_start3A_396] : memref<80x128xf32, #tpu.memory_space<vmem>> -> memref<1x80xf32, #tpu.memory_space<vmem>>
      %dma_start3A_398 = tpu.memref_squeeze %dma_start3A_397 : memref<1x80xf32, #tpu.memory_space<vmem>> -> memref<80xf32, #tpu.memory_space<vmem>>
      %dma_start3A_399 = tpu.memref_slice %arg22[%add3A_86] : memref<10240xf32, #tpu.memory_space<vmem_shared>> -> memref<80xf32, #tpu.memory_space<vmem_shared>>
      %dma_start3A_400 = tpu.memref_slice %arg22[%add3A_86] : memref<10240xf32, #tpu.memory_space<vmem_shared>> -> memref<80xf32, #tpu.memory_space<vmem_shared>>
      %dma_start3A_401 = arith.constant 0 : i32
      %dma_start3A_402 = tpu.memref_slice %arg16[%run_scoped3A_87, %dma_start3A_401] : memref<80x128xf32, #tpu.memory_space<vmem>> -> memref<1x80xf32, #tpu.memory_space<vmem>>
      %dma_start3A_403 = tpu.memref_squeeze %dma_start3A_402 : memref<1x80xf32, #tpu.memory_space<vmem>> -> memref<80xf32, #tpu.memory_space<vmem>>
      tpu.enqueue_dma source(%dma_start3A_403 : memref<80xf32, #tpu.memory_space<vmem>>) target(%dma_start3A_400 : memref<80xf32, #tpu.memory_space<vmem_shared>>) target_semaphore(%run_scoped3A_395 : memref<!tpu.dma_semaphore, #tpu.memory_space<semaphore_mem>>)
      %dma_wait3A_404 = arith.constant 0 : i32
      %dma_wait3A_405 = tpu.memref_slice %arg16[%run_scoped3A_87, %dma_wait3A_404] : memref<80x128xf32, #tpu.memory_space<vmem>> -> memref<1x80xf32, #tpu.memory_space<vmem>>
      %dma_wait3A_406 = tpu.memref_squeeze %dma_wait3A_405 : memref<1x80xf32, #tpu.memory_space<vmem>> -> memref<80xf32, #tpu.memory_space<vmem>>
      %dma_wait3A_407 = tpu.memref_slice %arg22[%add3A_86] : memref<10240xf32, #tpu.memory_space<vmem_shared>> -> memref<80xf32, #tpu.memory_space<vmem_shared>>
      %dma_wait3A_408 = tpu.memref_slice %arg22[%add3A_86] : memref<10240xf32, #tpu.memory_space<vmem_shared>> -> memref<80xf32, #tpu.memory_space<vmem_shared>>
      %dma_wait3A_409 = arith.constant 0 : i32
      %dma_wait3A_410 = tpu.memref_slice %arg16[%run_scoped3A_87, %dma_wait3A_409] : memref<80x128xf32, #tpu.memory_space<vmem>> -> memref<1x80xf32, #tpu.memory_space<vmem>>
      %dma_wait3A_411 = tpu.memref_squeeze %dma_wait3A_410 : memref<1x80xf32, #tpu.memory_space<vmem>> -> memref<80xf32, #tpu.memory_space<vmem>>
      tpu.wait_dma2 semaphore(%run_scoped3A_395 : memref<!tpu.dma_semaphore, #tpu.memory_space<semaphore_mem>>) src(%dma_wait3A_411 : memref<80xf32, #tpu.memory_space<vmem>>) dst(%dma_wait3A_408 : memref<80xf32, #tpu.memory_space<vmem_shared>>)
      tpu.yield
    }) : () -> ()
    %barrier3A = arith.constant 0 : index
    tpu.barrier barrier_id(%barrier3A)
    %min3A = arith.constant 0 : i32
    %min3A_88 = arith.constant 124 : i32
    %min3A_89 = arith.minsi %min3A, %min3A_88 : i32
    %mul3A_90 = arith.constant 32 : i32
    %mul3A_91 = arith.muli %mul3A_90, %min3A_89 : i32
    %add3A_92 = arith.addi %add3A, %mul3A_91 : i32
    %mul3A_93 = arith.constant 80 : i32
    %mul3A_94 = arith.muli %add3A_92, %mul3A_93 : i32
    %jit3A = arith.constant 2 : i32
    %div3A = arith.divsi %mul3A_94, %jit3A : i32
    %sign3A = arith.constant 0 : i32
    %sign3A_95 = arith.cmpi sgt, %mul3A_94, %sign3A : i32
    %sign3A_96 = arith.extui %sign3A_95 : i1 to i32
    %sign3A_97 = arith.constant 0 : i32
    %sign3A_98 = arith.cmpi slt, %mul3A_94, %sign3A_97 : i32
    %sign3A_99 = arith.extui %sign3A_98 : i1 to i32
    %sign3A_100 = arith.subi %sign3A_96, %sign3A_99 : i32
    %sign3A_101 = arith.constant 0 : i32
    %sign3A_102 = arith.cmpi sgt, %jit3A, %sign3A_101 : i32
    %sign3A_103 = arith.extui %sign3A_102 : i1 to i32
    %sign3A_104 = arith.constant 0 : i32
    %sign3A_105 = arith.cmpi slt, %jit3A, %sign3A_104 : i32
    %sign3A_106 = arith.extui %sign3A_105 : i1 to i32
    %sign3A_107 = arith.subi %sign3A_103, %sign3A_106 : i32
    %ne3A = arith.cmpi ne, %sign3A_100, %sign3A_107 : i32
    %rem3A = arith.remsi %mul3A_94, %jit3A : i32
    %ne3A_108 = arith.constant 0 : i32
    %ne3A_109 = arith.cmpi ne, %rem3A, %ne3A_108 : i32
    %and3A = arith.andi %ne3A, %ne3A_109 : i1
    %sub3A = arith.constant 1 : i32
    %sub3A_110 = arith.subi %div3A, %sub3A : i32
    %select_n3A = arith.select %and3A, %sub3A_110, %div3A : i32
    %multiple_of3A = tpu.assume_multiple %select_n3A, 8 : i32
    %dma_start3A = tpu.memref_slice %arg3[%mul3A_94] : memref<320000xi32, #tpu.memory_space<hbm>> -> memref<80xi32, #tpu.memory_space<hbm>>
    %dma_start3A_111 = tpu.memref_slice %arg3[%mul3A_94] : memref<320000xi32, #tpu.memory_space<hbm>> -> memref<80xi32, #tpu.memory_space<hbm>>
    tpu.enqueue_dma source(%dma_start3A_111 : memref<80xi32, #tpu.memory_space<hbm>>) target(%arg9 : memref<80xi32, #tpu.memory_space<vmem>>) target_semaphore(%arg23 : memref<!tpu.dma_semaphore, #tpu.memory_space<semaphore_mem>>)
    %dma_start3A_112 = tpu.memref_slice %arg4[%mul3A_94] : memref<320000xi32, #tpu.memory_space<hbm>> -> memref<80xi32, #tpu.memory_space<hbm>>
    %dma_start3A_113 = tpu.memref_slice %arg4[%mul3A_94] : memref<320000xi32, #tpu.memory_space<hbm>> -> memref<80xi32, #tpu.memory_space<hbm>>
    tpu.enqueue_dma source(%dma_start3A_113 : memref<80xi32, #tpu.memory_space<hbm>>) target(%arg11 : memref<80xi32, #tpu.memory_space<vmem>>) target_semaphore(%arg23 : memref<!tpu.dma_semaphore, #tpu.memory_space<semaphore_mem>>)
    %dma_start3A_114 = arith.constant 0 : i32
    %dma_start3A_115 = tpu.memref_slice %arg5[%multiple_of3A, %dma_start3A_114] : memref<160000x128xi32, #tpu.memory_space<hbm>> -> memref<40x128xi32, #tpu.memory_space<hbm>>
    %dma_start3A_116 = arith.constant 0 : i32
    %dma_start3A_117 = tpu.memref_slice %arg5[%multiple_of3A, %dma_start3A_116] : memref<160000x128xi32, #tpu.memory_space<hbm>> -> memref<40x128xi32, #tpu.memory_space<hbm>>
    tpu.enqueue_dma source(%dma_start3A_117 : memref<40x128xi32, #tpu.memory_space<hbm>>) target(%arg17 : memref<40x128xi32, #tpu.memory_space<vmem>>) target_semaphore(%arg23 : memref<!tpu.dma_semaphore, #tpu.memory_space<semaphore_mem>>)
    %dma_start3A_118 = arith.constant 0 : i32
    %dma_start3A_119 = arith.constant 0 : i32
    %dma_start3A_120 = tpu.memref_slice %arg21[%dma_start3A_118, %dma_start3A_119] : memref<10240x128xf32, #tpu.memory_space<vmem_shared>> -> memref<10240x128xf32, #tpu.memory_space<vmem_shared>>
    tpu.enqueue_indirect_dma source(%arg16 : memref<80x128xf32, #tpu.memory_space<vmem>>) target(%dma_start3A_120 : memref<10240x128xf32, #tpu.memory_space<vmem_shared>>) offsets(%arg14 : memref<80xi32, #tpu.memory_space<vmem>>) semaphore(%arg28 : memref<!tpu.dma_semaphore, #tpu.memory_space<semaphore_mem>>) {add = true}
    %dma_start3A_121 = arith.constant 0 : i32
    %dma_start3A_122 = arith.constant 0 : i32
    %dma_start3A_123 = tpu.memref_slice %arg16[%dma_start3A_121, %dma_start3A_122] : memref<80x128xf32, #tpu.memory_space<vmem>> -> memref<1x80xf32, #tpu.memory_space<vmem>>
    %dma_start3A_124 = tpu.memref_squeeze %dma_start3A_123 : memref<1x80xf32, #tpu.memory_space<vmem>> -> memref<80xf32, #tpu.memory_space<vmem>>
    %dma_start3A_125 = arith.constant 0 : i32
    %dma_start3A_126 = tpu.memref_slice %arg22[%dma_start3A_125] : memref<10240xf32, #tpu.memory_space<vmem_shared>> -> memref<10240xf32, #tpu.memory_space<vmem_shared>>
    tpu.enqueue_indirect_dma source(%dma_start3A_124 : memref<80xf32, #tpu.memory_space<vmem>>) target(%dma_start3A_126 : memref<10240xf32, #tpu.memory_space<vmem_shared>>) offsets(%arg14 : memref<80xi32, #tpu.memory_space<vmem>>) semaphore(%arg28 : memref<!tpu.dma_semaphore, #tpu.memory_space<semaphore_mem>>) {add = true}
    %dma_wait3A = arith.constant 0 : i32
    %dma_wait3A_127 = tpu.memref_slice %arg3[%dma_wait3A] : memref<320000xi32, #tpu.memory_space<hbm>> -> memref<80xi32, #tpu.memory_space<hbm>>
    %dma_wait3A_128 = arith.constant 0 : i32
    %dma_wait3A_129 = tpu.memref_slice %arg3[%dma_wait3A_128] : memref<320000xi32, #tpu.memory_space<hbm>> -> memref<80xi32, #tpu.memory_space<hbm>>
    tpu.wait_dma2 semaphore(%arg23 : memref<!tpu.dma_semaphore, #tpu.memory_space<semaphore_mem>>) src(%dma_wait3A_129 : memref<80xi32, #tpu.memory_space<hbm>>) dst(%arg9 : memref<80xi32, #tpu.memory_space<vmem>>)
    %dma_wait3A_130 = arith.constant 0 : i32
    %dma_wait3A_131 = tpu.memref_slice %arg4[%dma_wait3A_130] : memref<320000xi32, #tpu.memory_space<hbm>> -> memref<80xi32, #tpu.memory_space<hbm>>
    %dma_wait3A_132 = arith.constant 0 : i32
    %dma_wait3A_133 = tpu.memref_slice %arg4[%dma_wait3A_132] : memref<320000xi32, #tpu.memory_space<hbm>> -> memref<80xi32, #tpu.memory_space<hbm>>
    tpu.wait_dma2 semaphore(%arg23 : memref<!tpu.dma_semaphore, #tpu.memory_space<semaphore_mem>>) src(%dma_wait3A_133 : memref<80xi32, #tpu.memory_space<hbm>>) dst(%arg11 : memref<80xi32, #tpu.memory_space<vmem>>)
    %dma_wait3A_134 = arith.constant 0 : i32
    %dma_wait3A_135 = arith.constant 0 : i32
    %dma_wait3A_136 = tpu.memref_slice %arg5[%dma_wait3A_134, %dma_wait3A_135] : memref<160000x128xi32, #tpu.memory_space<hbm>> -> memref<40x128xi32, #tpu.memory_space<hbm>>
    %dma_wait3A_137 = arith.constant 0 : i32
    %dma_wait3A_138 = arith.constant 0 : i32
    %dma_wait3A_139 = tpu.memref_slice %arg5[%dma_wait3A_137, %dma_wait3A_138] : memref<160000x128xi32, #tpu.memory_space<hbm>> -> memref<40x128xi32, #tpu.memory_space<hbm>>
    tpu.wait_dma2 semaphore(%arg23 : memref<!tpu.dma_semaphore, #tpu.memory_space<semaphore_mem>>) src(%dma_wait3A_139 : memref<40x128xi32, #tpu.memory_space<hbm>>) dst(%arg17 : memref<40x128xi32, #tpu.memory_space<vmem>>)
    %dma_start3A_140 = arith.constant 0 : i32
    %dma_start3A_141 = arith.constant 0 : i32
    %dma_start3A_142 = tpu.memref_slice %arg2[%dma_start3A_140, %dma_start3A_141] : memref<10000x128xf32, #tpu.memory_space<hbm>> -> memref<10000x128xf32, #tpu.memory_space<hbm>>
    tpu.enqueue_indirect_dma source(%dma_start3A_142 : memref<10000x128xf32, #tpu.memory_space<hbm>>) target(%arg15 : memref<80x128xf32, #tpu.memory_space<vmem>>) offsets(%arg9 : memref<80xi32, #tpu.memory_space<vmem>>) semaphore(%arg25 : memref<!tpu.dma_semaphore, #tpu.memory_space<semaphore_mem>>)
    %min3A_143 = arith.constant 1 : i32
    %min3A_144 = arith.constant 124 : i32
    %min3A_145 = arith.minsi %min3A_143, %min3A_144 : i32
    %mul3A_146 = arith.constant 32 : i32
    %mul3A_147 = arith.muli %mul3A_146, %min3A_145 : i32
    %add3A_148 = arith.addi %add3A, %mul3A_147 : i32
    %mul3A_149 = arith.constant 80 : i32
    %mul3A_150 = arith.muli %add3A_148, %mul3A_149 : i32
    %jit3A_151 = arith.constant 2 : i32
    %div3A_152 = arith.divsi %mul3A_150, %jit3A_151 : i32
    %sign3A_153 = arith.constant 0 : i32
    %sign3A_154 = arith.cmpi sgt, %mul3A_150, %sign3A_153 : i32
    %sign3A_155 = arith.extui %sign3A_154 : i1 to i32
    %sign3A_156 = arith.constant 0 : i32
    %sign3A_157 = arith.cmpi slt, %mul3A_150, %sign3A_156 : i32
    %sign3A_158 = arith.extui %sign3A_157 : i1 to i32
    %sign3A_159 = arith.subi %sign3A_155, %sign3A_158 : i32
    %sign3A_160 = arith.constant 0 : i32
    %sign3A_161 = arith.cmpi sgt, %jit3A_151, %sign3A_160 : i32
    %sign3A_162 = arith.extui %sign3A_161 : i1 to i32
    %sign3A_163 = arith.constant 0 : i32
    %sign3A_164 = arith.cmpi slt, %jit3A_151, %sign3A_163 : i32
    %sign3A_165 = arith.extui %sign3A_164 : i1 to i32
    %sign3A_166 = arith.subi %sign3A_162, %sign3A_165 : i32
    %ne3A_167 = arith.cmpi ne, %sign3A_159, %sign3A_166 : i32
    %rem3A_168 = arith.remsi %mul3A_150, %jit3A_151 : i32
    %ne3A_169 = arith.constant 0 : i32
    %ne3A_170 = arith.cmpi ne, %rem3A_168, %ne3A_169 : i32
    %and3A_171 = arith.andi %ne3A_167, %ne3A_170 : i1
    %sub3A_172 = arith.constant 1 : i32
    %sub3A_173 = arith.subi %div3A_152, %sub3A_172 : i32
    %select_n3A_174 = arith.select %and3A_171, %sub3A_173, %div3A_152 : i32
    %multiple_of3A_175 = tpu.assume_multiple %select_n3A_174, 8 : i32
    %dma_start3A_176 = tpu.memref_slice %arg3[%mul3A_150] : memref<320000xi32, #tpu.memory_space<hbm>> -> memref<80xi32, #tpu.memory_space<hbm>>
    %dma_start3A_177 = tpu.memref_slice %arg3[%mul3A_150] : memref<320000xi32, #tpu.memory_space<hbm>> -> memref<80xi32, #tpu.memory_space<hbm>>
    tpu.enqueue_dma source(%dma_start3A_177 : memref<80xi32, #tpu.memory_space<hbm>>) target(%arg10 : memref<80xi32, #tpu.memory_space<vmem>>) target_semaphore(%arg24 : memref<!tpu.dma_semaphore, #tpu.memory_space<semaphore_mem>>)
    %dma_start3A_178 = tpu.memref_slice %arg4[%mul3A_150] : memref<320000xi32, #tpu.memory_space<hbm>> -> memref<80xi32, #tpu.memory_space<hbm>>
    %dma_start3A_179 = tpu.memref_slice %arg4[%mul3A_150] : memref<320000xi32, #tpu.memory_space<hbm>> -> memref<80xi32, #tpu.memory_space<hbm>>
    tpu.enqueue_dma source(%dma_start3A_179 : memref<80xi32, #tpu.memory_space<hbm>>) target(%arg12 : memref<80xi32, #tpu.memory_space<vmem>>) target_semaphore(%arg24 : memref<!tpu.dma_semaphore, #tpu.memory_space<semaphore_mem>>)
    %dma_start3A_180 = arith.constant 0 : i32
    %dma_start3A_181 = tpu.memref_slice %arg5[%multiple_of3A_175, %dma_start3A_180] : memref<160000x128xi32, #tpu.memory_space<hbm>> -> memref<40x128xi32, #tpu.memory_space<hbm>>
    %dma_start3A_182 = arith.constant 0 : i32
    %dma_start3A_183 = tpu.memref_slice %arg5[%multiple_of3A_175, %dma_start3A_182] : memref<160000x128xi32, #tpu.memory_space<hbm>> -> memref<40x128xi32, #tpu.memory_space<hbm>>
    tpu.enqueue_dma source(%dma_start3A_183 : memref<40x128xi32, #tpu.memory_space<hbm>>) target(%arg18 : memref<40x128xi32, #tpu.memory_space<vmem>>) target_semaphore(%arg24 : memref<!tpu.dma_semaphore, #tpu.memory_space<semaphore_mem>>)
    %scan3A_184 = arith.constant 0 : i32
    %scan3A_185 = arith.constant 31 : i32
    %scan3A_186 = arith.addi %scan3A_184, %scan3A_185 : i32
    %scan3A_187 = arith.constant 1 : i32
    %scan3A_188:8 = scf.for %scan3A_395 = %scan3A_184 to %scan3A_186 step %scan3A_187 iter_args(%scan3A_396 = %broadcast_in_dim3A_1, %scan3A_397 = %broadcast_in_dim3A_1, %scan3A_398 = %broadcast_in_dim3A_1, %scan3A_399 = %broadcast_in_dim3A_1, %scan3A_400 = %broadcast_in_dim3A_1, %scan3A_401 = %broadcast_in_dim3A_1, %scan3A_402 = %broadcast_in_dim3A_1, %scan3A_403 = %broadcast_in_dim3A_1) -> (vector<16xf32>, vector<16xf32>, vector<16xf32>, vector<16xf32>, vector<16xf32>, vector<16xf32>, vector<16xf32>, vector<16xf32>)  : i32 {
      %mul3A_404 = arith.constant 4 : i32
      %mul3A_405 = arith.muli %mul3A_404, %scan3A_395 : i32
      %add3A_406 = arith.constant 0 : i32
      %add3A_407 = arith.addi %mul3A_405, %add3A_406 : i32
      %dma_wait3A_408 = arith.constant 0 : i32
      %dma_wait3A_409 = tpu.memref_slice %arg3[%dma_wait3A_408] : memref<320000xi32, #tpu.memory_space<hbm>> -> memref<80xi32, #tpu.memory_space<hbm>>
      %dma_wait3A_410 = arith.constant 0 : i32
      %dma_wait3A_411 = tpu.memref_slice %arg3[%dma_wait3A_410] : memref<320000xi32, #tpu.memory_space<hbm>> -> memref<80xi32, #tpu.memory_space<hbm>>
      tpu.wait_dma2 semaphore(%arg24 : memref<!tpu.dma_semaphore, #tpu.memory_space<semaphore_mem>>) src(%dma_wait3A_411 : memref<80xi32, #tpu.memory_space<hbm>>) dst(%arg10 : memref<80xi32, #tpu.memory_space<vmem>>)
      %dma_wait3A_412 = arith.constant 0 : i32
      %dma_wait3A_413 = tpu.memref_slice %arg4[%dma_wait3A_412] : memref<320000xi32, #tpu.memory_space<hbm>> -> memref<80xi32, #tpu.memory_space<hbm>>
      %dma_wait3A_414 = arith.constant 0 : i32
      %dma_wait3A_415 = tpu.memref_slice %arg4[%dma_wait3A_414] : memref<320000xi32, #tpu.memory_space<hbm>> -> memref<80xi32, #tpu.memory_space<hbm>>
      tpu.wait_dma2 semaphore(%arg24 : memref<!tpu.dma_semaphore, #tpu.memory_space<semaphore_mem>>) src(%dma_wait3A_415 : memref<80xi32, #tpu.memory_space<hbm>>) dst(%arg12 : memref<80xi32, #tpu.memory_space<vmem>>)
      %dma_wait3A_416 = arith.constant 0 : i32
      %dma_wait3A_417 = arith.constant 0 : i32
      %dma_wait3A_418 = tpu.memref_slice %arg5[%dma_wait3A_416, %dma_wait3A_417] : memref<160000x128xi32, #tpu.memory_space<hbm>> -> memref<40x128xi32, #tpu.memory_space<hbm>>
      %dma_wait3A_419 = arith.constant 0 : i32
      %dma_wait3A_420 = arith.constant 0 : i32
      %dma_wait3A_421 = tpu.memref_slice %arg5[%dma_wait3A_419, %dma_wait3A_420] : memref<160000x128xi32, #tpu.memory_space<hbm>> -> memref<40x128xi32, #tpu.memory_space<hbm>>
      tpu.wait_dma2 semaphore(%arg24 : memref<!tpu.dma_semaphore, #tpu.memory_space<semaphore_mem>>) src(%dma_wait3A_421 : memref<40x128xi32, #tpu.memory_space<hbm>>) dst(%arg18 : memref<40x128xi32, #tpu.memory_space<vmem>>)
      %dma_wait3A_422 = arith.constant 0 : i32
      %dma_wait3A_423 = arith.constant 0 : i32
      %dma_wait3A_424 = arith.constant 0 : i32
      %dma_wait3A_425 = tpu.memref_slice %arg6[%dma_wait3A_422, %dma_wait3A_423, %dma_wait3A_424] : memref<2x10240x128xf32, #tpu.memory_space<hbm>> -> memref<1x80x128xf32, #tpu.memory_space<hbm>>
      %dma_wait3A_426 = tpu.memref_squeeze %dma_wait3A_425 : memref<1x80x128xf32, #tpu.memory_space<hbm>> -> memref<80x128xf32, #tpu.memory_space<hbm>>
      %dma_wait3A_427 = arith.constant 0 : i32
      %dma_wait3A_428 = arith.constant 0 : i32
      %dma_wait3A_429 = tpu.memref_slice %arg6[%dma_wait3A_422, %dma_wait3A_427, %dma_wait3A_428] : memref<2x10240x128xf32, #tpu.memory_space<hbm>> -> memref<1x80x128xf32, #tpu.memory_space<hbm>>
      %dma_wait3A_430 = tpu.memref_squeeze %dma_wait3A_429 : memref<1x80x128xf32, #tpu.memory_space<hbm>> -> memref<80x128xf32, #tpu.memory_space<hbm>>
      tpu.wait_dma2 semaphore(%arg28 : memref<!tpu.dma_semaphore, #tpu.memory_space<semaphore_mem>>) src(%dma_wait3A_430 : memref<80x128xf32, #tpu.memory_space<hbm>>) dst(%arg16 : memref<80x128xf32, #tpu.memory_space<vmem>>)
      %dma_wait3A_431 = arith.constant 0 : i32
      %dma_wait3A_432 = arith.constant 0 : i32
      %dma_wait3A_433 = arith.constant 0 : i32
      %dma_wait3A_434 = tpu.memref_slice %arg6[%dma_wait3A_431, %dma_wait3A_432, %dma_wait3A_433] : memref<2x10240x128xf32, #tpu.memory_space<hbm>> -> memref<1x1x80xf32, #tpu.memory_space<hbm>>
      %dma_wait3A_435 = tpu.memref_squeeze %dma_wait3A_434 : memref<1x1x80xf32, #tpu.memory_space<hbm>> -> memref<80xf32, #tpu.memory_space<hbm>>
      %dma_wait3A_436 = arith.constant 0 : i32
      %dma_wait3A_437 = tpu.memref_slice %arg6[%dma_wait3A_431, %dma_wait3A_432, %dma_wait3A_436] : memref<2x10240x128xf32, #tpu.memory_space<hbm>> -> memref<1x1x80xf32, #tpu.memory_space<hbm>>
      %dma_wait3A_438 = tpu.memref_squeeze %dma_wait3A_437 : memref<1x1x80xf32, #tpu.memory_space<hbm>> -> memref<80xf32, #tpu.memory_space<hbm>>
      tpu.wait_dma2 semaphore(%arg28 : memref<!tpu.dma_semaphore, #tpu.memory_space<semaphore_mem>>) src(%dma_wait3A_438 : memref<80xf32, #tpu.memory_space<hbm>>) dst(%arg19 : memref<80xf32, #tpu.memory_space<vmem>>)
      %dma_start3A_439 = arith.constant 0 : i32
      %dma_start3A_440 = arith.constant 0 : i32
      %dma_start3A_441 = tpu.memref_slice %arg2[%dma_start3A_439, %dma_start3A_440] : memref<10000x128xf32, #tpu.memory_space<hbm>> -> memref<10000x128xf32, #tpu.memory_space<hbm>>
      tpu.enqueue_indirect_dma source(%dma_start3A_441 : memref<10000x128xf32, #tpu.memory_space<hbm>>) target(%arg16 : memref<80x128xf32, #tpu.memory_space<vmem>>) offsets(%arg10 : memref<80xi32, #tpu.memory_space<vmem>>) semaphore(%arg26 : memref<!tpu.dma_semaphore, #tpu.memory_space<semaphore_mem>>)
      %dma_wait3A_442 = arith.constant 0 : i32
      %dma_wait3A_443 = arith.constant 0 : i32
      %dma_wait3A_444 = arith.constant 0 : i32
      %dma_wait3A_445 = tpu.memref_slice %arg6[%dma_wait3A_442, %dma_wait3A_443, %dma_wait3A_444] : memref<2x10240x128xf32, #tpu.memory_space<hbm>> -> memref<1x80x128xf32, #tpu.memory_space<hbm>>
      %dma_wait3A_446 = tpu.memref_squeeze %dma_wait3A_445 : memref<1x80x128xf32, #tpu.memory_space<hbm>> -> memref<80x128xf32, #tpu.memory_space<hbm>>
      %dma_wait3A_447 = arith.constant 0 : i32
      %dma_wait3A_448 = arith.constant 0 : i32
      %dma_wait3A_449 = tpu.memref_slice %arg6[%dma_wait3A_442, %dma_wait3A_447, %dma_wait3A_448] : memref<2x10240x128xf32, #tpu.memory_space<hbm>> -> memref<1x80x128xf32, #tpu.memory_space<hbm>>
      %dma_wait3A_450 = tpu.memref_squeeze %dma_wait3A_449 : memref<1x80x128xf32, #tpu.memory_space<hbm>> -> memref<80x128xf32, #tpu.memory_space<hbm>>
      tpu.wait_dma2 semaphore(%arg25 : memref<!tpu.dma_semaphore, #tpu.memory_space<semaphore_mem>>) src(%dma_wait3A_450 : memref<80x128xf32, #tpu.memory_space<hbm>>) dst(%arg15 : memref<80x128xf32, #tpu.memory_space<vmem>>)
      %broadcast_in_dim3A_451 = arith.constant 16 : i32
      %broadcast_in_dim3A_452 = vector.broadcast %broadcast_in_dim3A_451 : i32 to vector<16xi32>
      %broadcast_in_dim3A_453 = arith.constant -65536 : i32
      %broadcast_in_dim3A_454 = vector.broadcast %broadcast_in_dim3A_453 : i32 to vector<16xi32>
      %scan3A_455 = arith.constant 0 : i32
      %scan3A_456 = arith.constant 40 : i32
      %scan3A_457 = arith.addi %scan3A_455, %scan3A_456 : i32
      %scan3A_458 = arith.constant 1 : i32
      %scan3A_459:8 = scf.for %scan3A_814 = %scan3A_455 to %scan3A_457 step %scan3A_458 iter_args(%scan3A_815 = %scan3A_396, %scan3A_816 = %scan3A_397, %scan3A_817 = %scan3A_398, %scan3A_818 = %scan3A_399, %scan3A_819 = %scan3A_400, %scan3A_820 = %scan3A_401, %scan3A_821 = %scan3A_402, %scan3A_822 = %scan3A_403) -> (vector<16xf32>, vector<16xf32>, vector<16xf32>, vector<16xf32>, vector<16xf32>, vector<16xf32>, vector<16xf32>, vector<16xf32>)  : i32 {
        %get3A = arith.index_cast %scan3A_814 : i32 to index
        %get3A_823 = arith.constant 0 : index
        %get3A_824 = tpu.vector_load %arg17[%get3A, %get3A_823] {strides = array<i32>} : memref<40x128xi32, #tpu.memory_space<vmem>>, vector<1x16xi32>,
        %get3A_825 = vector.shape_cast %get3A_824 : vector<1x16xi32> to vector<16xi32>
        %shift_left3A = arith.shli %get3A_825, %broadcast_in_dim3A_452 : vector<16xi32>
        %bitcast_convert_type3A = tpu.bitcast %shift_left3A : vector<16xi32> -> vector<16xf32>
        %and3A_826 = arith.andi %get3A_825, %broadcast_in_dim3A_454 : vector<16xi32>
        %bitcast_convert_type3A_827 = tpu.bitcast %and3A_826 : vector<16xi32> -> vector<16xf32>
        %mul3A_828 = arith.constant 2 : i32
        %mul3A_829 = arith.muli %mul3A_828, %scan3A_814 : i32
        %get3A_830 = arith.index_cast %mul3A_829 : i32 to index
        %get3A_831 = arith.constant 0 : index
        %get3A_832 = tpu.vector_load %arg15[%get3A_830, %get3A_831] {strides = array<i32>} : memref<80x128xf32, #tpu.memory_space<vmem>>, vector<1x16xf32>,
        %get3A_833 = vector.shape_cast %get3A_832 : vector<1x16xf32> to vector<16xf32>
        %add3A_834 = arith.addf %get3A_833, %bitcast_convert_type3A : vector<16xf32>
        %max3A = arith.constant 0.000000e+00 : f32
        %max3A_835 = vector.broadcast %max3A : f32 to vector<16xf32>
        %max3A_836 = arith.maximumf %add3A_834, %max3A_835 : vector<16xf32>
        %mul3A_837 = arith.constant 2 : i32
        %mul3A_838 = arith.muli %mul3A_837, %scan3A_814 : i32
        %add3A_839 = arith.constant 1 : i32
        %add3A_840 = arith.addi %mul3A_838, %add3A_839 : i32
        %get3A_841 = arith.index_cast %add3A_840 : i32 to index
        %get3A_842 = arith.constant 0 : index
        %get3A_843 = tpu.vector_load %arg15[%get3A_841, %get3A_842] {strides = array<i32>} : memref<80x128xf32, #tpu.memory_space<vmem>>, vector<1x16xf32>,
        %get3A_844 = vector.shape_cast %get3A_843 : vector<1x16xf32> to vector<16xf32>
        %add3A_845 = arith.addf %get3A_844, %bitcast_convert_type3A_827 : vector<16xf32>
        %max3A_846 = arith.constant 0.000000e+00 : f32
        %max3A_847 = vector.broadcast %max3A_846 : f32 to vector<16xf32>
        %max3A_848 = arith.maximumf %add3A_845, %max3A_847 : vector<16xf32>
        %mul3A_849 = arith.constant 2 : i32
        %mul3A_850 = arith.muli %mul3A_849, %scan3A_814 : i32
        %swap3A_851 = arith.index_cast %mul3A_850 : i32 to index
        %swap3A_852 = arith.constant 0 : index
        %swap3A_853 = tpu.vector_load %arg15[%swap3A_851, %swap3A_852] {strides = array<i32>} : memref<80x128xf32, #tpu.memory_space<vmem>>, vector<1x16xf32>,
        %swap3A_854 = vector.shape_cast %swap3A_853 : vector<1x16xf32> to vector<16xf32>
        %swap3A_855 = vector.shape_cast %max3A_836 : vector<16xf32> to vector<1x16xf32>
        tpu.vector_store %arg15[%swap3A_851, %swap3A_852], %swap3A_855 {strides = array<i32>} : memref<80x128xf32, #tpu.memory_space<vmem>>, vector<1x16xf32>,
        %mul3A_856 = arith.constant 2 : i32
        %mul3A_857 = arith.muli %mul3A_856, %scan3A_814 : i32
        %add3A_858 = arith.constant 1 : i32
        %add3A_859 = arith.addi %mul3A_857, %add3A_858 : i32
        %swap3A_860 = arith.index_cast %add3A_859 : i32 to index
        %swap3A_861 = arith.constant 0 : index
        %swap3A_862 = tpu.vector_load %arg15[%swap3A_860, %swap3A_861] {strides = array<i32>} : memref<80x128xf32, #tpu.memory_space<vmem>>, vector<1x16xf32>,
        %swap3A_863 = vector.shape_cast %swap3A_862 : vector<1x16xf32> to vector<16xf32>
        %swap3A_864 = vector.shape_cast %max3A_848 : vector<16xf32> to vector<1x16xf32>
        tpu.vector_store %arg15[%swap3A_860, %swap3A_861], %swap3A_864 {strides = array<i32>} : memref<80x128xf32, #tpu.memory_space<vmem>>, vector<1x16xf32>,
        %mul3A_865 = arith.mulf %max3A_836, %max3A_836 : vector<16xf32>
        %add3A_866 = arith.addf %scan3A_815, %mul3A_865 : vector<16xf32>
        %mul3A_867 = arith.mulf %max3A_848, %max3A_848 : vector<16xf32>
        %add3A_868 = arith.addf %add3A_866, %mul3A_867 : vector<16xf32>
        %get3A_869 = arith.index_cast %scan3A_814 : i32 to index
        %get3A_870 = arith.constant 16 : index
        %get3A_871 = tpu.vector_load %arg17[%get3A_869, %get3A_870] {strides = array<i32>} : memref<40x128xi32, #tpu.memory_space<vmem>>, vector<1x16xi32>,
        %get3A_872 = vector.shape_cast %get3A_871 : vector<1x16xi32> to vector<16xi32>
        %shift_left3A_873 = arith.shli %get3A_872, %broadcast_in_dim3A_452 : vector<16xi32>
        %bitcast_convert_type3A_874 = tpu.bitcast %shift_left3A_873 : vector<16xi32> -> vector<16xf32>
        %and3A_875 = arith.andi %get3A_872, %broadcast_in_dim3A_454 : vector<16xi32>
        %bitcast_convert_type3A_876 = tpu.bitcast %and3A_875 : vector<16xi32> -> vector<16xf32>
        %mul3A_877 = arith.constant 2 : i32
        %mul3A_878 = arith.muli %mul3A_877, %scan3A_814 : i32
        %get3A_879 = arith.index_cast %mul3A_878 : i32 to index
        %get3A_880 = arith.constant 16 : index
        %get3A_881 = tpu.vector_load %arg15[%get3A_879, %get3A_880] {strides = array<i32>} : memref<80x128xf32, #tpu.memory_space<vmem>>, vector<1x16xf32>,
        %get3A_882 = vector.shape_cast %get3A_881 : vector<1x16xf32> to vector<16xf32>
        %add3A_883 = arith.addf %get3A_882, %bitcast_convert_type3A_874 : vector<16xf32>
        %max3A_884 = arith.constant 0.000000e+00 : f32
        %max3A_885 = vector.broadcast %max3A_884 : f32 to vector<16xf32>
        %max3A_886 = arith.maximumf %add3A_883, %max3A_885 : vector<16xf32>
        %mul3A_887 = arith.constant 2 : i32
        %mul3A_888 = arith.muli %mul3A_887, %scan3A_814 : i32
        %add3A_889 = arith.constant 1 : i32
        %add3A_890 = arith.addi %mul3A_888, %add3A_889 : i32
        %get3A_891 = arith.index_cast %add3A_890 : i32 to index
        %get3A_892 = arith.constant 16 : index
        %get3A_893 = tpu.vector_load %arg15[%get3A_891, %get3A_892] {strides = array<i32>} : memref<80x128xf32, #tpu.memory_space<vmem>>, vector<1x16xf32>,
        %get3A_894 = vector.shape_cast %get3A_893 : vector<1x16xf32> to vector<16xf32>
        %add3A_895 = arith.addf %get3A_894, %bitcast_convert_type3A_876 : vector<16xf32>
        %max3A_896 = arith.constant 0.000000e+00 : f32
        %max3A_897 = vector.broadcast %max3A_896 : f32 to vector<16xf32>
        %max3A_898 = arith.maximumf %add3A_895, %max3A_897 : vector<16xf32>
        %mul3A_899 = arith.constant 2 : i32
        %mul3A_900 = arith.muli %mul3A_899, %scan3A_814 : i32
        %swap3A_901 = arith.index_cast %mul3A_900 : i32 to index
        %swap3A_902 = arith.constant 16 : index
        %swap3A_903 = tpu.vector_load %arg15[%swap3A_901, %swap3A_902] {strides = array<i32>} : memref<80x128xf32, #tpu.memory_space<vmem>>, vector<1x16xf32>,
        %swap3A_904 = vector.shape_cast %swap3A_903 : vector<1x16xf32> to vector<16xf32>
        %swap3A_905 = vector.shape_cast %max3A_886 : vector<16xf32> to vector<1x16xf32>
        tpu.vector_store %arg15[%swap3A_901, %swap3A_902], %swap3A_905 {strides = array<i32>} : memref<80x128xf32, #tpu.memory_space<vmem>>, vector<1x16xf32>,
        %mul3A_906 = arith.constant 2 : i32
        %mul3A_907 = arith.muli %mul3A_906, %scan3A_814 : i32
        %add3A_908 = arith.constant 1 : i32
        %add3A_909 = arith.addi %mul3A_907, %add3A_908 : i32
        %swap3A_910 = arith.index_cast %add3A_909 : i32 to index
        %swap3A_911 = arith.constant 16 : index
        %swap3A_912 = tpu.vector_load %arg15[%swap3A_910, %swap3A_911] {strides = array<i32>} : memref<80x128xf32, #tpu.memory_space<vmem>>, vector<1x16xf32>,
        %swap3A_913 = vector.shape_cast %swap3A_912 : vector<1x16xf32> to vector<16xf32>
        %swap3A_914 = vector.shape_cast %max3A_898 : vector<16xf32> to vector<1x16xf32>
        tpu.vector_store %arg15[%swap3A_910, %swap3A_911], %swap3A_914 {strides = array<i32>} : memref<80x128xf32, #tpu.memory_space<vmem>>, vector<1x16xf32>,
        %mul3A_915 = arith.mulf %max3A_886, %max3A_886 : vector<16xf32>
        %add3A_916 = arith.addf %scan3A_816, %mul3A_915 : vector<16xf32>
        %mul3A_917 = arith.mulf %max3A_898, %max3A_898 : vector<16xf32>
        %add3A_918 = arith.addf %add3A_916, %mul3A_917 : vector<16xf32>
        %get3A_919 = arith.index_cast %scan3A_814 : i32 to index
        %get3A_920 = arith.constant 32 : index
        %get3A_921 = tpu.vector_load %arg17[%get3A_919, %get3A_920] {strides = array<i32>} : memref<40x128xi32, #tpu.memory_space<vmem>>, vector<1x16xi32>,
        %get3A_922 = vector.shape_cast %get3A_921 : vector<1x16xi32> to vector<16xi32>
        %shift_left3A_923 = arith.shli %get3A_922, %broadcast_in_dim3A_452 : vector<16xi32>
        %bitcast_convert_type3A_924 = tpu.bitcast %shift_left3A_923 : vector<16xi32> -> vector<16xf32>
        %and3A_925 = arith.andi %get3A_922, %broadcast_in_dim3A_454 : vector<16xi32>
        %bitcast_convert_type3A_926 = tpu.bitcast %and3A_925 : vector<16xi32> -> vector<16xf32>
        %mul3A_927 = arith.constant 2 : i32
        %mul3A_928 = arith.muli %mul3A_927, %scan3A_814 : i32
        %get3A_929 = arith.index_cast %mul3A_928 : i32 to index
        %get3A_930 = arith.constant 32 : index
        %get3A_931 = tpu.vector_load %arg15[%get3A_929, %get3A_930] {strides = array<i32>} : memref<80x128xf32, #tpu.memory_space<vmem>>, vector<1x16xf32>,
        %get3A_932 = vector.shape_cast %get3A_931 : vector<1x16xf32> to vector<16xf32>
        %add3A_933 = arith.addf %get3A_932, %bitcast_convert_type3A_924 : vector<16xf32>
        %max3A_934 = arith.constant 0.000000e+00 : f32
        %max3A_935 = vector.broadcast %max3A_934 : f32 to vector<16xf32>
        %max3A_936 = arith.maximumf %add3A_933, %max3A_935 : vector<16xf32>
        %mul3A_937 = arith.constant 2 : i32
        %mul3A_938 = arith.muli %mul3A_937, %scan3A_814 : i32
        %add3A_939 = arith.constant 1 : i32
        %add3A_940 = arith.addi %mul3A_938, %add3A_939 : i32
        %get3A_941 = arith.index_cast %add3A_940 : i32 to index
        %get3A_942 = arith.constant 32 : index
        %get3A_943 = tpu.vector_load %arg15[%get3A_941, %get3A_942] {strides = array<i32>} : memref<80x128xf32, #tpu.memory_space<vmem>>, vector<1x16xf32>,
        %get3A_944 = vector.shape_cast %get3A_943 : vector<1x16xf32> to vector<16xf32>
        %add3A_945 = arith.addf %get3A_944, %bitcast_convert_type3A_926 : vector<16xf32>
        %max3A_946 = arith.constant 0.000000e+00 : f32
        %max3A_947 = vector.broadcast %max3A_946 : f32 to vector<16xf32>
        %max3A_948 = arith.maximumf %add3A_945, %max3A_947 : vector<16xf32>
        %mul3A_949 = arith.constant 2 : i32
        %mul3A_950 = arith.muli %mul3A_949, %scan3A_814 : i32
        %swap3A_951 = arith.index_cast %mul3A_950 : i32 to index
        %swap3A_952 = arith.constant 32 : index
        %swap3A_953 = tpu.vector_load %arg15[%swap3A_951, %swap3A_952] {strides = array<i32>} : memref<80x128xf32, #tpu.memory_space<vmem>>, vector<1x16xf32>,
        %swap3A_954 = vector.shape_cast %swap3A_953 : vector<1x16xf32> to vector<16xf32>
        %swap3A_955 = vector.shape_cast %max3A_936 : vector<16xf32> to vector<1x16xf32>
        tpu.vector_store %arg15[%swap3A_951, %swap3A_952], %swap3A_955 {strides = array<i32>} : memref<80x128xf32, #tpu.memory_space<vmem>>, vector<1x16xf32>,
        %mul3A_956 = arith.constant 2 : i32
        %mul3A_957 = arith.muli %mul3A_956, %scan3A_814 : i32
        %add3A_958 = arith.constant 1 : i32
        %add3A_959 = arith.addi %mul3A_957, %add3A_958 : i32
        %swap3A_960 = arith.index_cast %add3A_959 : i32 to index
        %swap3A_961 = arith.constant 32 : index
        %swap3A_962 = tpu.vector_load %arg15[%swap3A_960, %swap3A_961] {strides = array<i32>} : memref<80x128xf32, #tpu.memory_space<vmem>>, vector<1x16xf32>,
        %swap3A_963 = vector.shape_cast %swap3A_962 : vector<1x16xf32> to vector<16xf32>
        %swap3A_964 = vector.shape_cast %max3A_948 : vector<16xf32> to vector<1x16xf32>
        tpu.vector_store %arg15[%swap3A_960, %swap3A_961], %swap3A_964 {strides = array<i32>} : memref<80x128xf32, #tpu.memory_space<vmem>>, vector<1x16xf32>,
        %mul3A_965 = arith.mulf %max3A_936, %max3A_936 : vector<16xf32>
        %add3A_966 = arith.addf %scan3A_817, %mul3A_965 : vector<16xf32>
        %mul3A_967 = arith.mulf %max3A_948, %max3A_948 : vector<16xf32>
        %add3A_968 = arith.addf %add3A_966, %mul3A_967 : vector<16xf32>
        %get3A_969 = arith.index_cast %scan3A_814 : i32 to index
        %get3A_970 = arith.constant 48 : index
        %get3A_971 = tpu.vector_load %arg17[%get3A_969, %get3A_970] {strides = array<i32>} : memref<40x128xi32, #tpu.memory_space<vmem>>, vector<1x16xi32>,
        %get3A_972 = vector.shape_cast %get3A_971 : vector<1x16xi32> to vector<16xi32>
        %shift_left3A_973 = arith.shli %get3A_972, %broadcast_in_dim3A_452 : vector<16xi32>
        %bitcast_convert_type3A_974 = tpu.bitcast %shift_left3A_973 : vector<16xi32> -> vector<16xf32>
        %and3A_975 = arith.andi %get3A_972, %broadcast_in_dim3A_454 : vector<16xi32>
        %bitcast_convert_type3A_976 = tpu.bitcast %and3A_975 : vector<16xi32> -> vector<16xf32>
        %mul3A_977 = arith.constant 2 : i32
        %mul3A_978 = arith.muli %mul3A_977, %scan3A_814 : i32
        %get3A_979 = arith.index_cast %mul3A_978 : i32 to index
        %get3A_980 = arith.constant 48 : index
        %get3A_981 = tpu.vector_load %arg15[%get3A_979, %get3A_980] {strides = array<i32>} : memref<80x128xf32, #tpu.memory_space<vmem>>, vector<1x16xf32>,
        %get3A_982 = vector.shape_cast %get3A_981 : vector<1x16xf32> to vector<16xf32>
        %add3A_983 = arith.addf %get3A_982, %bitcast_convert_type3A_974 : vector<16xf32>
        %max3A_984 = arith.constant 0.000000e+00 : f32
        %max3A_985 = vector.broadcast %max3A_984 : f32 to vector<16xf32>
        %max3A_986 = arith.maximumf %add3A_983, %max3A_985 : vector<16xf32>
        %mul3A_987 = arith.constant 2 : i32
        %mul3A_988 = arith.muli %mul3A_987, %scan3A_814 : i32
        %add3A_989 = arith.constant 1 : i32
        %add3A_990 = arith.addi %mul3A_988, %add3A_989 : i32
        %get3A_991 = arith.index_cast %add3A_990 : i32 to index
        %get3A_992 = arith.constant 48 : index
        %get3A_993 = tpu.vector_load %arg15[%get3A_991, %get3A_992] {strides = array<i32>} : memref<80x128xf32, #tpu.memory_space<vmem>>, vector<1x16xf32>,
        %get3A_994 = vector.shape_cast %get3A_993 : vector<1x16xf32> to vector<16xf32>
        %add3A_995 = arith.addf %get3A_994, %bitcast_convert_type3A_976 : vector<16xf32>
        %max3A_996 = arith.constant 0.000000e+00 : f32
        %max3A_997 = vector.broadcast %max3A_996 : f32 to vector<16xf32>
        %max3A_998 = arith.maximumf %add3A_995, %max3A_997 : vector<16xf32>
        %mul3A_999 = arith.constant 2 : i32
        %mul3A_1000 = arith.muli %mul3A_999, %scan3A_814 : i32
        %swap3A_1001 = arith.index_cast %mul3A_1000 : i32 to index
        %swap3A_1002 = arith.constant 48 : index
        %swap3A_1003 = tpu.vector_load %arg15[%swap3A_1001, %swap3A_1002] {strides = array<i32>} : memref<80x128xf32, #tpu.memory_space<vmem>>, vector<1x16xf32>,
        %swap3A_1004 = vector.shape_cast %swap3A_1003 : vector<1x16xf32> to vector<16xf32>
        %swap3A_1005 = vector.shape_cast %max3A_986 : vector<16xf32> to vector<1x16xf32>
        tpu.vector_store %arg15[%swap3A_1001, %swap3A_1002], %swap3A_1005 {strides = array<i32>} : memref<80x128xf32, #tpu.memory_space<vmem>>, vector<1x16xf32>,
        %mul3A_1006 = arith.constant 2 : i32
        %mul3A_1007 = arith.muli %mul3A_1006, %scan3A_814 : i32
        %add3A_1008 = arith.constant 1 : i32
        %add3A_1009 = arith.addi %mul3A_1007, %add3A_1008 : i32
        %swap3A_1010 = arith.index_cast %add3A_1009 : i32 to index
        %swap3A_1011 = arith.constant 48 : index
        %swap3A_1012 = tpu.vector_load %arg15[%swap3A_1010, %swap3A_1011] {strides = array<i32>} : memref<80x128xf32, #tpu.memory_space<vmem>>, vector<1x16xf32>,
        %swap3A_1013 = vector.shape_cast %swap3A_1012 : vector<1x16xf32> to vector<16xf32>
        %swap3A_1014 = vector.shape_cast %max3A_998 : vector<16xf32> to vector<1x16xf32>
        tpu.vector_store %arg15[%swap3A_1010, %swap3A_1011], %swap3A_1014 {strides = array<i32>} : memref<80x128xf32, #tpu.memory_space<vmem>>, vector<1x16xf32>,
        %mul3A_1015 = arith.mulf %max3A_986, %max3A_986 : vector<16xf32>
        %add3A_1016 = arith.addf %scan3A_818, %mul3A_1015 : vector<16xf32>
        %mul3A_1017 = arith.mulf %max3A_998, %max3A_998 : vector<16xf32>
        %add3A_1018 = arith.addf %add3A_1016, %mul3A_1017 : vector<16xf32>
        %get3A_1019 = arith.index_cast %scan3A_814 : i32 to index
        %get3A_1020 = arith.constant 64 : index
        %get3A_1021 = tpu.vector_load %arg17[%get3A_1019, %get3A_1020] {strides = array<i32>} : memref<40x128xi32, #tpu.memory_space<vmem>>, vector<1x16xi32>,
        %get3A_1022 = vector.shape_cast %get3A_1021 : vector<1x16xi32> to vector<16xi32>
        %shift_left3A_1023 = arith.shli %get3A_1022, %broadcast_in_dim3A_452 : vector<16xi32>
        %bitcast_convert_type3A_1024 = tpu.bitcast %shift_left3A_1023 : vector<16xi32> -> vector<16xf32>
        %and3A_1025 = arith.andi %get3A_1022, %broadcast_in_dim3A_454 : vector<16xi32>
        %bitcast_convert_type3A_1026 = tpu.bitcast %and3A_1025 : vector<16xi32> -> vector<16xf32>
        %mul3A_1027 = arith.constant 2 : i32
        %mul3A_1028 = arith.muli %mul3A_1027, %scan3A_814 : i32
        %get3A_1029 = arith.index_cast %mul3A_1028 : i32 to index
        %get3A_1030 = arith.constant 64 : index
        %get3A_1031 = tpu.vector_load %arg15[%get3A_1029, %get3A_1030] {strides = array<i32>} : memref<80x128xf32, #tpu.memory_space<vmem>>, vector<1x16xf32>,
        %get3A_1032 = vector.shape_cast %get3A_1031 : vector<1x16xf32> to vector<16xf32>
        %add3A_1033 = arith.addf %get3A_1032, %bitcast_convert_type3A_1024 : vector<16xf32>
        %max3A_1034 = arith.constant 0.000000e+00 : f32
        %max3A_1035 = vector.broadcast %max3A_1034 : f32 to vector<16xf32>
        %max3A_1036 = arith.maximumf %add3A_1033, %max3A_1035 : vector<16xf32>
        %mul3A_1037 = arith.constant 2 : i32
        %mul3A_1038 = arith.muli %mul3A_1037, %scan3A_814 : i32
        %add3A_1039 = arith.constant 1 : i32
        %add3A_1040 = arith.addi %mul3A_1038, %add3A_1039 : i32
        %get3A_1041 = arith.index_cast %add3A_1040 : i32 to index
        %get3A_1042 = arith.constant 64 : index
        %get3A_1043 = tpu.vector_load %arg15[%get3A_1041, %get3A_1042] {strides = array<i32>} : memref<80x128xf32, #tpu.memory_space<vmem>>, vector<1x16xf32>,
        %get3A_1044 = vector.shape_cast %get3A_1043 : vector<1x16xf32> to vector<16xf32>
        %add3A_1045 = arith.addf %get3A_1044, %bitcast_convert_type3A_1026 : vector<16xf32>
        %max3A_1046 = arith.constant 0.000000e+00 : f32
        %max3A_1047 = vector.broadcast %max3A_1046 : f32 to vector<16xf32>
        %max3A_1048 = arith.maximumf %add3A_1045, %max3A_1047 : vector<16xf32>
        %mul3A_1049 = arith.constant 2 : i32
        %mul3A_1050 = arith.muli %mul3A_1049, %scan3A_814 : i32
        %swap3A_1051 = arith.index_cast %mul3A_1050 : i32 to index
        %swap3A_1052 = arith.constant 64 : index
        %swap3A_1053 = tpu.vector_load %arg15[%swap3A_1051, %swap3A_1052] {strides = array<i32>} : memref<80x128xf32, #tpu.memory_space<vmem>>, vector<1x16xf32>,
        %swap3A_1054 = vector.shape_cast %swap3A_1053 : vector<1x16xf32> to vector<16xf32>
        %swap3A_1055 = vector.shape_cast %max3A_1036 : vector<16xf32> to vector<1x16xf32>
        tpu.vector_store %arg15[%swap3A_1051, %swap3A_1052], %swap3A_1055 {strides = array<i32>} : memref<80x128xf32, #tpu.memory_space<vmem>>, vector<1x16xf32>,
        %mul3A_1056 = arith.constant 2 : i32
        %mul3A_1057 = arith.muli %mul3A_1056, %scan3A_814 : i32
        %add3A_1058 = arith.constant 1 : i32
        %add3A_1059 = arith.addi %mul3A_1057, %add3A_1058 : i32
        %swap3A_1060 = arith.index_cast %add3A_1059 : i32 to index
        %swap3A_1061 = arith.constant 64 : index
        %swap3A_1062 = tpu.vector_load %arg15[%swap3A_1060, %swap3A_1061] {strides = array<i32>} : memref<80x128xf32, #tpu.memory_space<vmem>>, vector<1x16xf32>,
        %swap3A_1063 = vector.shape_cast %swap3A_1062 : vector<1x16xf32> to vector<16xf32>
        %swap3A_1064 = vector.shape_cast %max3A_1048 : vector<16xf32> to vector<1x16xf32>
        tpu.vector_store %arg15[%swap3A_1060, %swap3A_1061], %swap3A_1064 {strides = array<i32>} : memref<80x128xf32, #tpu.memory_space<vmem>>, vector<1x16xf32>,
        %mul3A_1065 = arith.mulf %max3A_1036, %max3A_1036 : vector<16xf32>
        %add3A_1066 = arith.addf %scan3A_819, %mul3A_1065 : vector<16xf32>
        %mul3A_1067 = arith.mulf %max3A_1048, %max3A_1048 : vector<16xf32>
        %add3A_1068 = arith.addf %add3A_1066, %mul3A_1067 : vector<16xf32>
        %get3A_1069 = arith.index_cast %scan3A_814 : i32 to index
        %get3A_1070 = arith.constant 80 : index
        %get3A_1071 = tpu.vector_load %arg17[%get3A_1069, %get3A_1070] {strides = array<i32>} : memref<40x128xi32, #tpu.memory_space<vmem>>, vector<1x16xi32>,
        %get3A_1072 = vector.shape_cast %get3A_1071 : vector<1x16xi32> to vector<16xi32>
        %shift_left3A_1073 = arith.shli %get3A_1072, %broadcast_in_dim3A_452 : vector<16xi32>
        %bitcast_convert_type3A_1074 = tpu.bitcast %shift_left3A_1073 : vector<16xi32> -> vector<16xf32>
        %and3A_1075 = arith.andi %get3A_1072, %broadcast_in_dim3A_454 : vector<16xi32>
        %bitcast_convert_type3A_1076 = tpu.bitcast %and3A_1075 : vector<16xi32> -> vector<16xf32>
        %mul3A_1077 = arith.constant 2 : i32
        %mul3A_1078 = arith.muli %mul3A_1077, %scan3A_814 : i32
        %get3A_1079 = arith.index_cast %mul3A_1078 : i32 to index
        %get3A_1080 = arith.constant 80 : index
        %get3A_1081 = tpu.vector_load %arg15[%get3A_1079, %get3A_1080] {strides = array<i32>} : memref<80x128xf32, #tpu.memory_space<vmem>>, vector<1x16xf32>,
        %get3A_1082 = vector.shape_cast %get3A_1081 : vector<1x16xf32> to vector<16xf32>
        %add3A_1083 = arith.addf %get3A_1082, %bitcast_convert_type3A_1074 : vector<16xf32>
        %max3A_1084 = arith.constant 0.000000e+00 : f32
        %max3A_1085 = vector.broadcast %max3A_1084 : f32 to vector<16xf32>
        %max3A_1086 = arith.maximumf %add3A_1083, %max3A_1085 : vector<16xf32>
        %mul3A_1087 = arith.constant 2 : i32
        %mul3A_1088 = arith.muli %mul3A_1087, %scan3A_814 : i32
        %add3A_1089 = arith.constant 1 : i32
        %add3A_1090 = arith.addi %mul3A_1088, %add3A_1089 : i32
        %get3A_1091 = arith.index_cast %add3A_1090 : i32 to index
        %get3A_1092 = arith.constant 80 : index
        %get3A_1093 = tpu.vector_load %arg15[%get3A_1091, %get3A_1092] {strides = array<i32>} : memref<80x128xf32, #tpu.memory_space<vmem>>, vector<1x16xf32>,
        %get3A_1094 = vector.shape_cast %get3A_1093 : vector<1x16xf32> to vector<16xf32>
        %add3A_1095 = arith.addf %get3A_1094, %bitcast_convert_type3A_1076 : vector<16xf32>
        %max3A_1096 = arith.constant 0.000000e+00 : f32
        %max3A_1097 = vector.broadcast %max3A_1096 : f32 to vector<16xf32>
        %max3A_1098 = arith.maximumf %add3A_1095, %max3A_1097 : vector<16xf32>
        %mul3A_1099 = arith.constant 2 : i32
        %mul3A_1100 = arith.muli %mul3A_1099, %scan3A_814 : i32
        %swap3A_1101 = arith.index_cast %mul3A_1100 : i32 to index
        %swap3A_1102 = arith.constant 80 : index
        %swap3A_1103 = tpu.vector_load %arg15[%swap3A_1101, %swap3A_1102] {strides = array<i32>} : memref<80x128xf32, #tpu.memory_space<vmem>>, vector<1x16xf32>,
        %swap3A_1104 = vector.shape_cast %swap3A_1103 : vector<1x16xf32> to vector<16xf32>
        %swap3A_1105 = vector.shape_cast %max3A_1086 : vector<16xf32> to vector<1x16xf32>
        tpu.vector_store %arg15[%swap3A_1101, %swap3A_1102], %swap3A_1105 {strides = array<i32>} : memref<80x128xf32, #tpu.memory_space<vmem>>, vector<1x16xf32>,
        %mul3A_1106 = arith.constant 2 : i32
        %mul3A_1107 = arith.muli %mul3A_1106, %scan3A_814 : i32
        %add3A_1108 = arith.constant 1 : i32
        %add3A_1109 = arith.addi %mul3A_1107, %add3A_1108 : i32
        %swap3A_1110 = arith.index_cast %add3A_1109 : i32 to index
        %swap3A_1111 = arith.constant 80 : index
        %swap3A_1112 = tpu.vector_load %arg15[%swap3A_1110, %swap3A_1111] {strides = array<i32>} : memref<80x128xf32, #tpu.memory_space<vmem>>, vector<1x16xf32>,
        %swap3A_1113 = vector.shape_cast %swap3A_1112 : vector<1x16xf32> to vector<16xf32>
        %swap3A_1114 = vector.shape_cast %max3A_1098 : vector<16xf32> to vector<1x16xf32>
        tpu.vector_store %arg15[%swap3A_1110, %swap3A_1111], %swap3A_1114 {strides = array<i32>} : memref<80x128xf32, #tpu.memory_space<vmem>>, vector<1x16xf32>,
        %mul3A_1115 = arith.mulf %max3A_1086, %max3A_1086 : vector<16xf32>
        %add3A_1116 = arith.addf %scan3A_820, %mul3A_1115 : vector<16xf32>
        %mul3A_1117 = arith.mulf %max3A_1098, %max3A_1098 : vector<16xf32>
        %add3A_1118 = arith.addf %add3A_1116, %mul3A_1117 : vector<16xf32>
        %get3A_1119 = arith.index_cast %scan3A_814 : i32 to index
        %get3A_1120 = arith.constant 96 : index
        %get3A_1121 = tpu.vector_load %arg17[%get3A_1119, %get3A_1120] {strides = array<i32>} : memref<40x128xi32, #tpu.memory_space<vmem>>, vector<1x16xi32>,
        %get3A_1122 = vector.shape_cast %get3A_1121 : vector<1x16xi32> to vector<16xi32>
        %shift_left3A_1123 = arith.shli %get3A_1122, %broadcast_in_dim3A_452 : vector<16xi32>
        %bitcast_convert_type3A_1124 = tpu.bitcast %shift_left3A_1123 : vector<16xi32> -> vector<16xf32>
        %and3A_1125 = arith.andi %get3A_1122, %broadcast_in_dim3A_454 : vector<16xi32>
        %bitcast_convert_type3A_1126 = tpu.bitcast %and3A_1125 : vector<16xi32> -> vector<16xf32>
        %mul3A_1127 = arith.constant 2 : i32
        %mul3A_1128 = arith.muli %mul3A_1127, %scan3A_814 : i32
        %get3A_1129 = arith.index_cast %mul3A_1128 : i32 to index
        %get3A_1130 = arith.constant 96 : index
        %get3A_1131 = tpu.vector_load %arg15[%get3A_1129, %get3A_1130] {strides = array<i32>} : memref<80x128xf32, #tpu.memory_space<vmem>>, vector<1x16xf32>,
        %get3A_1132 = vector.shape_cast %get3A_1131 : vector<1x16xf32> to vector<16xf32>
        %add3A_1133 = arith.addf %get3A_1132, %bitcast_convert_type3A_1124 : vector<16xf32>
        %max3A_1134 = arith.constant 0.000000e+00 : f32
        %max3A_1135 = vector.broadcast %max3A_1134 : f32 to vector<16xf32>
        %max3A_1136 = arith.maximumf %add3A_1133, %max3A_1135 : vector<16xf32>
        %mul3A_1137 = arith.constant 2 : i32
        %mul3A_1138 = arith.muli %mul3A_1137, %scan3A_814 : i32
        %add3A_1139 = arith.constant 1 : i32
        %add3A_1140 = arith.addi %mul3A_1138, %add3A_1139 : i32
        %get3A_1141 = arith.index_cast %add3A_1140 : i32 to index
        %get3A_1142 = arith.constant 96 : index
        %get3A_1143 = tpu.vector_load %arg15[%get3A_1141, %get3A_1142] {strides = array<i32>} : memref<80x128xf32, #tpu.memory_space<vmem>>, vector<1x16xf32>,
        %get3A_1144 = vector.shape_cast %get3A_1143 : vector<1x16xf32> to vector<16xf32>
        %add3A_1145 = arith.addf %get3A_1144, %bitcast_convert_type3A_1126 : vector<16xf32>
        %max3A_1146 = arith.constant 0.000000e+00 : f32
        %max3A_1147 = vector.broadcast %max3A_1146 : f32 to vector<16xf32>
        %max3A_1148 = arith.maximumf %add3A_1145, %max3A_1147 : vector<16xf32>
        %mul3A_1149 = arith.constant 2 : i32
        %mul3A_1150 = arith.muli %mul3A_1149, %scan3A_814 : i32
        %swap3A_1151 = arith.index_cast %mul3A_1150 : i32 to index
        %swap3A_1152 = arith.constant 96 : index
        %swap3A_1153 = tpu.vector_load %arg15[%swap3A_1151, %swap3A_1152] {strides = array<i32>} : memref<80x128xf32, #tpu.memory_space<vmem>>, vector<1x16xf32>,
        %swap3A_1154 = vector.shape_cast %swap3A_1153 : vector<1x16xf32> to vector<16xf32>
        %swap3A_1155 = vector.shape_cast %max3A_1136 : vector<16xf32> to vector<1x16xf32>
        tpu.vector_store %arg15[%swap3A_1151, %swap3A_1152], %swap3A_1155 {strides = array<i32>} : memref<80x128xf32, #tpu.memory_space<vmem>>, vector<1x16xf32>,
        %mul3A_1156 = arith.constant 2 : i32
        %mul3A_1157 = arith.muli %mul3A_1156, %scan3A_814 : i32
        %add3A_1158 = arith.constant 1 : i32
        %add3A_1159 = arith.addi %mul3A_1157, %add3A_1158 : i32
        %swap3A_1160 = arith.index_cast %add3A_1159 : i32 to index
        %swap3A_1161 = arith.constant 96 : index
        %swap3A_1162 = tpu.vector_load %arg15[%swap3A_1160, %swap3A_1161] {strides = array<i32>} : memref<80x128xf32, #tpu.memory_space<vmem>>, vector<1x16xf32>,
        %swap3A_1163 = vector.shape_cast %swap3A_1162 : vector<1x16xf32> to vector<16xf32>
        %swap3A_1164 = vector.shape_cast %max3A_1148 : vector<16xf32> to vector<1x16xf32>
        tpu.vector_store %arg15[%swap3A_1160, %swap3A_1161], %swap3A_1164 {strides = array<i32>} : memref<80x128xf32, #tpu.memory_space<vmem>>, vector<1x16xf32>,
        %mul3A_1165 = arith.mulf %max3A_1136, %max3A_1136 : vector<16xf32>
        %add3A_1166 = arith.addf %scan3A_821, %mul3A_1165 : vector<16xf32>
        %mul3A_1167 = arith.mulf %max3A_1148, %max3A_1148 : vector<16xf32>
        %add3A_1168 = arith.addf %add3A_1166, %mul3A_1167 : vector<16xf32>
        %get3A_1169 = arith.index_cast %scan3A_814 : i32 to index
        %get3A_1170 = arith.constant 112 : index
        %get3A_1171 = tpu.vector_load %arg17[%get3A_1169, %get3A_1170] {strides = array<i32>} : memref<40x128xi32, #tpu.memory_space<vmem>>, vector<1x16xi32>,
        %get3A_1172 = vector.shape_cast %get3A_1171 : vector<1x16xi32> to vector<16xi32>
        %shift_left3A_1173 = arith.shli %get3A_1172, %broadcast_in_dim3A_452 : vector<16xi32>
        %bitcast_convert_type3A_1174 = tpu.bitcast %shift_left3A_1173 : vector<16xi32> -> vector<16xf32>
        %and3A_1175 = arith.andi %get3A_1172, %broadcast_in_dim3A_454 : vector<16xi32>
        %bitcast_convert_type3A_1176 = tpu.bitcast %and3A_1175 : vector<16xi32> -> vector<16xf32>
        %mul3A_1177 = arith.constant 2 : i32
        %mul3A_1178 = arith.muli %mul3A_1177, %scan3A_814 : i32
        %get3A_1179 = arith.index_cast %mul3A_1178 : i32 to index
        %get3A_1180 = arith.constant 112 : index
        %get3A_1181 = tpu.vector_load %arg15[%get3A_1179, %get3A_1180] {strides = array<i32>} : memref<80x128xf32, #tpu.memory_space<vmem>>, vector<1x16xf32>,
        %get3A_1182 = vector.shape_cast %get3A_1181 : vector<1x16xf32> to vector<16xf32>
        %add3A_1183 = arith.addf %get3A_1182, %bitcast_convert_type3A_1174 : vector<16xf32>
        %max3A_1184 = arith.constant 0.000000e+00 : f32
        %max3A_1185 = vector.broadcast %max3A_1184 : f32 to vector<16xf32>
        %max3A_1186 = arith.maximumf %add3A_1183, %max3A_1185 : vector<16xf32>
        %mul3A_1187 = arith.constant 2 : i32
        %mul3A_1188 = arith.muli %mul3A_1187, %scan3A_814 : i32
        %add3A_1189 = arith.constant 1 : i32
        %add3A_1190 = arith.addi %mul3A_1188, %add3A_1189 : i32
        %get3A_1191 = arith.index_cast %add3A_1190 : i32 to index
        %get3A_1192 = arith.constant 112 : index
        %get3A_1193 = tpu.vector_load %arg15[%get3A_1191, %get3A_1192] {strides = array<i32>} : memref<80x128xf32, #tpu.memory_space<vmem>>, vector<1x16xf32>,
        %get3A_1194 = vector.shape_cast %get3A_1193 : vector<1x16xf32> to vector<16xf32>
        %add3A_1195 = arith.addf %get3A_1194, %bitcast_convert_type3A_1176 : vector<16xf32>
        %max3A_1196 = arith.constant 0.000000e+00 : f32
        %max3A_1197 = vector.broadcast %max3A_1196 : f32 to vector<16xf32>
        %max3A_1198 = arith.maximumf %add3A_1195, %max3A_1197 : vector<16xf32>
        %mul3A_1199 = arith.constant 2 : i32
        %mul3A_1200 = arith.muli %mul3A_1199, %scan3A_814 : i32
        %swap3A_1201 = arith.index_cast %mul3A_1200 : i32 to index
        %swap3A_1202 = arith.constant 112 : index
        %swap3A_1203 = tpu.vector_load %arg15[%swap3A_1201, %swap3A_1202] {strides = array<i32>} : memref<80x128xf32, #tpu.memory_space<vmem>>, vector<1x16xf32>,
        %swap3A_1204 = vector.shape_cast %swap3A_1203 : vector<1x16xf32> to vector<16xf32>
        %swap3A_1205 = vector.shape_cast %max3A_1186 : vector<16xf32> to vector<1x16xf32>
        tpu.vector_store %arg15[%swap3A_1201, %swap3A_1202], %swap3A_1205 {strides = array<i32>} : memref<80x128xf32, #tpu.memory_space<vmem>>, vector<1x16xf32>,
        %mul3A_1206 = arith.constant 2 : i32
        %mul3A_1207 = arith.muli %mul3A_1206, %scan3A_814 : i32
        %add3A_1208 = arith.constant 1 : i32
        %add3A_1209 = arith.addi %mul3A_1207, %add3A_1208 : i32
        %swap3A_1210 = arith.index_cast %add3A_1209 : i32 to index
        %swap3A_1211 = arith.constant 112 : index
        %swap3A_1212 = tpu.vector_load %arg15[%swap3A_1210, %swap3A_1211] {strides = array<i32>} : memref<80x128xf32, #tpu.memory_space<vmem>>, vector<1x16xf32>,
        %swap3A_1213 = vector.shape_cast %swap3A_1212 : vector<1x16xf32> to vector<16xf32>
        %swap3A_1214 = vector.shape_cast %max3A_1198 : vector<16xf32> to vector<1x16xf32>
        tpu.vector_store %arg15[%swap3A_1210, %swap3A_1211], %swap3A_1214 {strides = array<i32>} : memref<80x128xf32, #tpu.memory_space<vmem>>, vector<1x16xf32>,
        %mul3A_1215 = arith.mulf %max3A_1186, %max3A_1186 : vector<16xf32>
        %add3A_1216 = arith.addf %scan3A_822, %mul3A_1215 : vector<16xf32>
        %mul3A_1217 = arith.mulf %max3A_1198, %max3A_1198 : vector<16xf32>
        %add3A_1218 = arith.addf %add3A_1216, %mul3A_1217 : vector<16xf32>
        scf.yield %add3A_868, %add3A_918, %add3A_968, %add3A_1018, %add3A_1068, %add3A_1118, %add3A_1168, %add3A_1218 : vector<16xf32>, vector<16xf32>, vector<16xf32>, vector<16xf32>, vector<16xf32>, vector<16xf32>, vector<16xf32>, vector<16xf32>
      }
      %scan3A_460 = arith.constant 40 : i32
      %dma_start3A_461 = arith.constant 0 : i32
      %dma_start3A_462 = arith.constant 0 : i32
      %dma_start3A_463 = tpu.memref_slice %arg21[%dma_start3A_461, %dma_start3A_462] : memref<10240x128xf32, #tpu.memory_space<vmem_shared>> -> memref<10240x128xf32, #tpu.memory_space<vmem_shared>>
      tpu.enqueue_indirect_dma source(%arg15 : memref<80x128xf32, #tpu.memory_space<vmem>>) target(%dma_start3A_463 : memref<10240x128xf32, #tpu.memory_space<vmem_shared>>) offsets(%arg11 : memref<80xi32, #tpu.memory_space<vmem>>) semaphore(%arg27 : memref<!tpu.dma_semaphore, #tpu.memory_space<semaphore_mem>>) {add = true}
      %dma_start3A_464 = arith.constant 0 : i32
      %dma_start3A_465 = tpu.memref_slice %arg22[%dma_start3A_464] : memref<10240xf32, #tpu.memory_space<vmem_shared>> -> memref<10240xf32, #tpu.memory_space<vmem_shared>>
      tpu.enqueue_indirect_dma source(%arg19 : memref<80xf32, #tpu.memory_space<vmem>>) target(%dma_start3A_465 : memref<10240xf32, #tpu.memory_space<vmem_shared>>) offsets(%arg11 : memref<80xi32, #tpu.memory_space<vmem>>) semaphore(%arg27 : memref<!tpu.dma_semaphore, #tpu.memory_space<semaphore_mem>>) {add = true}
      %add3A_466 = arith.constant 2 : i32
      %add3A_467 = arith.addi %add3A_407, %add3A_466 : i32
      %min3A_468 = arith.constant 124 : i32
      %min3A_469 = arith.minsi %add3A_467, %min3A_468 : i32
      %mul3A_470 = arith.constant 32 : i32
      %mul3A_471 = arith.muli %mul3A_470, %min3A_469 : i32
      %add3A_472 = arith.addi %add3A, %mul3A_471 : i32
      %mul3A_473 = arith.constant 80 : i32
      %mul3A_474 = arith.muli %add3A_472, %mul3A_473 : i32
      %jit3A_475 = arith.constant 2 : i32
      %div3A_476 = arith.divsi %mul3A_474, %jit3A_475 : i32
      %sign3A_477 = arith.constant 0 : i32
      %sign3A_478 = arith.cmpi sgt, %mul3A_474, %sign3A_477 : i32
      %sign3A_479 = arith.extui %sign3A_478 : i1 to i32
      %sign3A_480 = arith.constant 0 : i32
      %sign3A_481 = arith.cmpi slt, %mul3A_474, %sign3A_480 : i32
      %sign3A_482 = arith.extui %sign3A_481 : i1 to i32
      %sign3A_483 = arith.subi %sign3A_479, %sign3A_482 : i32
      %sign3A_484 = arith.constant 0 : i32
      %sign3A_485 = arith.cmpi sgt, %jit3A_475, %sign3A_484 : i32
      %sign3A_486 = arith.extui %sign3A_485 : i1 to i32
      %sign3A_487 = arith.constant 0 : i32
      %sign3A_488 = arith.cmpi slt, %jit3A_475, %sign3A_487 : i32
      %sign3A_489 = arith.extui %sign3A_488 : i1 to i32
      %sign3A_490 = arith.subi %sign3A_486, %sign3A_489 : i32
      %ne3A_491 = arith.cmpi ne, %sign3A_483, %sign3A_490 : i32
      %rem3A_492 = arith.remsi %mul3A_474, %jit3A_475 : i32
      %ne3A_493 = arith.constant 0 : i32
      %ne3A_494 = arith.cmpi ne, %rem3A_492, %ne3A_493 : i32
      %and3A_495 = arith.andi %ne3A_491, %ne3A_494 : i1
      %sub3A_496 = arith.constant 1 : i32
      %sub3A_497 = arith.subi %div3A_476, %sub3A_496 : i32
      %select_n3A_498 = arith.select %and3A_495, %sub3A_497, %div3A_476 : i32
      %multiple_of3A_499 = tpu.assume_multiple %select_n3A_498, 8 : i32
      %dma_start3A_500 = tpu.memref_slice %arg3[%mul3A_474] : memref<320000xi32, #tpu.memory_space<hbm>> -> memref<80xi32, #tpu.memory_space<hbm>>
      %dma_start3A_501 = tpu.memref_slice %arg3[%mul3A_474] : memref<320000xi32, #tpu.memory_space<hbm>> -> memref<80xi32, #tpu.memory_space<hbm>>
      tpu.enqueue_dma source(%dma_start3A_501 : memref<80xi32, #tpu.memory_space<hbm>>) target(%arg9 : memref<80xi32, #tpu.memory_space<vmem>>) target_semaphore(%arg23 : memref<!tpu.dma_semaphore, #tpu.memory_space<semaphore_mem>>)
      %dma_start3A_502 = tpu.memref_slice %arg4[%mul3A_474] : memref<320000xi32, #tpu.memory_space<hbm>> -> memref<80xi32, #tpu.memory_space<hbm>>
      %dma_start3A_503 = tpu.memref_slice %arg4[%mul3A_474] : memref<320000xi32, #tpu.memory_space<hbm>> -> memref<80xi32, #tpu.memory_space<hbm>>
      tpu.enqueue_dma source(%dma_start3A_503 : memref<80xi32, #tpu.memory_space<hbm>>) target(%arg13 : memref<80xi32, #tpu.memory_space<vmem>>) target_semaphore(%arg23 : memref<!tpu.dma_semaphore, #tpu.memory_space<semaphore_mem>>)
      %dma_start3A_504 = arith.constant 0 : i32
      %dma_start3A_505 = tpu.memref_slice %arg5[%multiple_of3A_499, %dma_start3A_504] : memref<160000x128xi32, #tpu.memory_space<hbm>> -> memref<40x128xi32, #tpu.memory_space<hbm>>
      %dma_start3A_506 = arith.constant 0 : i32
      %dma_start3A_507 = tpu.memref_slice %arg5[%multiple_of3A_499, %dma_start3A_506] : memref<160000x128xi32, #tpu.memory_space<hbm>> -> memref<40x128xi32, #tpu.memory_space<hbm>>
      tpu.enqueue_dma source(%dma_start3A_507 : memref<40x128xi32, #tpu.memory_space<hbm>>) target(%arg17 : memref<40x128xi32, #tpu.memory_space<vmem>>) target_semaphore(%arg23 : memref<!tpu.dma_semaphore, #tpu.memory_space<semaphore_mem>>)
      %add3A_508 = arith.constant 1 : i32
      %add3A_509 = arith.addi %mul3A_405, %add3A_508 : i32
      %dma_wait3A_510 = arith.constant 0 : i32
      %dma_wait3A_511 = tpu.memref_slice %arg3[%dma_wait3A_510] : memref<320000xi32, #tpu.memory_space<hbm>> -> memref<80xi32, #tpu.memory_space<hbm>>
      %dma_wait3A_512 = arith.constant 0 : i32
      %dma_wait3A_513 = tpu.memref_slice %arg3[%dma_wait3A_512] : memref<320000xi32, #tpu.memory_space<hbm>> -> memref<80xi32, #tpu.memory_space<hbm>>
      tpu.wait_dma2 semaphore(%arg23 : memref<!tpu.dma_semaphore, #tpu.memory_space<semaphore_mem>>) src(%dma_wait3A_513 : memref<80xi32, #tpu.memory_space<hbm>>) dst(%arg9 : memref<80xi32, #tpu.memory_space<vmem>>)
      %dma_wait3A_514 = arith.constant 0 : i32
      %dma_wait3A_515 = tpu.memref_slice %arg4[%dma_wait3A_514] : memref<320000xi32, #tpu.memory_space<hbm>> -> memref<80xi32, #tpu.memory_space<hbm>>
      %dma_wait3A_516 = arith.constant 0 : i32
      %dma_wait3A_517 = tpu.memref_slice %arg4[%dma_wait3A_516] : memref<320000xi32, #tpu.memory_space<hbm>> -> memref<80xi32, #tpu.memory_space<hbm>>
      tpu.wait_dma2 semaphore(%arg23 : memref<!tpu.dma_semaphore, #tpu.memory_space<semaphore_mem>>) src(%dma_wait3A_517 : memref<80xi32, #tpu.memory_space<hbm>>) dst(%arg13 : memref<80xi32, #tpu.memory_space<vmem>>)
      %dma_wait3A_518 = arith.constant 0 : i32
      %dma_wait3A_519 = arith.constant 0 : i32
      %dma_wait3A_520 = tpu.memref_slice %arg5[%dma_wait3A_518, %dma_wait3A_519] : memref<160000x128xi32, #tpu.memory_space<hbm>> -> memref<40x128xi32, #tpu.memory_space<hbm>>
      %dma_wait3A_521 = arith.constant 0 : i32
      %dma_wait3A_522 = arith.constant 0 : i32
      %dma_wait3A_523 = tpu.memref_slice %arg5[%dma_wait3A_521, %dma_wait3A_522] : memref<160000x128xi32, #tpu.memory_space<hbm>> -> memref<40x128xi32, #tpu.memory_space<hbm>>
      tpu.wait_dma2 semaphore(%arg23 : memref<!tpu.dma_semaphore, #tpu.memory_space<semaphore_mem>>) src(%dma_wait3A_523 : memref<40x128xi32, #tpu.memory_space<hbm>>) dst(%arg17 : memref<40x128xi32, #tpu.memory_space<vmem>>)
      %dma_wait3A_524 = arith.constant 0 : i32
      %dma_wait3A_525 = arith.constant 0 : i32
      %dma_wait3A_526 = arith.constant 0 : i32
      %dma_wait3A_527 = tpu.memref_slice %arg6[%dma_wait3A_524, %dma_wait3A_525, %dma_wait3A_526] : memref<2x10240x128xf32, #tpu.memory_space<hbm>> -> memref<1x80x128xf32, #tpu.memory_space<hbm>>
      %dma_wait3A_528 = tpu.memref_squeeze %dma_wait3A_527 : memref<1x80x128xf32, #tpu.memory_space<hbm>> -> memref<80x128xf32, #tpu.memory_space<hbm>>
      %dma_wait3A_529 = arith.constant 0 : i32
      %dma_wait3A_530 = arith.constant 0 : i32
      %dma_wait3A_531 = tpu.memref_slice %arg6[%dma_wait3A_524, %dma_wait3A_529, %dma_wait3A_530] : memref<2x10240x128xf32, #tpu.memory_space<hbm>> -> memref<1x80x128xf32, #tpu.memory_space<hbm>>
      %dma_wait3A_532 = tpu.memref_squeeze %dma_wait3A_531 : memref<1x80x128xf32, #tpu.memory_space<hbm>> -> memref<80x128xf32, #tpu.memory_space<hbm>>
      tpu.wait_dma2 semaphore(%arg27 : memref<!tpu.dma_semaphore, #tpu.memory_space<semaphore_mem>>) src(%dma_wait3A_532 : memref<80x128xf32, #tpu.memory_space<hbm>>) dst(%arg15 : memref<80x128xf32, #tpu.memory_space<vmem>>)
      %dma_wait3A_533 = arith.constant 0 : i32
      %dma_wait3A_534 = arith.constant 0 : i32
      %dma_wait3A_535 = arith.constant 0 : i32
      %dma_wait3A_536 = tpu.memref_slice %arg6[%dma_wait3A_533, %dma_wait3A_534, %dma_wait3A_535] : memref<2x10240x128xf32, #tpu.memory_space<hbm>> -> memref<1x1x80xf32, #tpu.memory_space<hbm>>
      %dma_wait3A_537 = tpu.memref_squeeze %dma_wait3A_536 : memref<1x1x80xf32, #tpu.memory_space<hbm>> -> memref<80xf32, #tpu.memory_space<hbm>>
      %dma_wait3A_538 = arith.constant 0 : i32
      %dma_wait3A_539 = tpu.memref_slice %arg6[%dma_wait3A_533, %dma_wait3A_534, %dma_wait3A_538] : memref<2x10240x128xf32, #tpu.memory_space<hbm>> -> memref<1x1x80xf32, #tpu.memory_space<hbm>>
      %dma_wait3A_540 = tpu.memref_squeeze %dma_wait3A_539 : memref<1x1x80xf32, #tpu.memory_space<hbm>> -> memref<80xf32, #tpu.memory_space<hbm>>
      tpu.wait_dma2 semaphore(%arg27 : memref<!tpu.dma_semaphore, #tpu.memory_space<semaphore_mem>>) src(%dma_wait3A_540 : memref<80xf32, #tpu.memory_space<hbm>>) dst(%arg19 : memref<80xf32, #tpu.memory_space<vmem>>)
      %dma_start3A_541 = arith.constant 0 : i32
      %dma_start3A_542 = arith.constant 0 : i32
      %dma_start3A_543 = tpu.memref_slice %arg2[%dma_start3A_541, %dma_start3A_542] : memref<10000x128xf32, #tpu.memory_space<hbm>> -> memref<10000x128xf32, #tpu.memory_space<hbm>>
      tpu.enqueue_indirect_dma source(%dma_start3A_543 : memref<10000x128xf32, #tpu.memory_space<hbm>>) target(%arg15 : memref<80x128xf32, #tpu.memory_space<vmem>>) offsets(%arg9 : memref<80xi32, #tpu.memory_space<vmem>>) semaphore(%arg25 : memref<!tpu.dma_semaphore, #tpu.memory_space<semaphore_mem>>)
      %dma_wait3A_544 = arith.constant 0 : i32
      %dma_wait3A_545 = arith.constant 0 : i32
      %dma_wait3A_546 = arith.constant 0 : i32
      %dma_wait3A_547 = tpu.memref_slice %arg6[%dma_wait3A_544, %dma_wait3A_545, %dma_wait3A_546] : memref<2x10240x128xf32, #tpu.memory_space<hbm>> -> memref<1x80x128xf32, #tpu.memory_space<hbm>>
      %dma_wait3A_548 = tpu.memref_squeeze %dma_wait3A_547 : memref<1x80x128xf32, #tpu.memory_space<hbm>> -> memref<80x128xf32, #tpu.memory_space<hbm>>
      %dma_wait3A_549 = arith.constant 0 : i32
      %dma_wait3A_550 = arith.constant 0 : i32
      %dma_wait3A_551 = tpu.memref_slice %arg6[%dma_wait3A_544, %dma_wait3A_549, %dma_wait3A_550] : memref<2x10240x128xf32, #tpu.memory_space<hbm>> -> memref<1x80x128xf32, #tpu.memory_space<hbm>>
      %dma_wait3A_552 = tpu.memref_squeeze %dma_wait3A_551 : memref<1x80x128xf32, #tpu.memory_space<hbm>> -> memref<80x128xf32, #tpu.memory_space<hbm>>
      tpu.wait_dma2 semaphore(%arg26 : memref<!tpu.dma_semaphore, #tpu.memory_space<semaphore_mem>>) src(%dma_wait3A_552 : memref<80x128xf32, #tpu.memory_space<hbm>>) dst(%arg16 : memref<80x128xf32, #tpu.memory_space<vmem>>)
      %broadcast_in_dim3A_553 = arith.constant 16 : i32
      %broadcast_in_dim3A_554 = vector.broadcast %broadcast_in_dim3A_553 : i32 to vector<16xi32>
      %broadcast_in_dim3A_555 = arith.constant -65536 : i32
      %broadcast_in_dim3A_556 = vector.broadcast %broadcast_in_dim3A_555 : i32 to vector<16xi32>
      %scan3A_557 = arith.constant 0 : i32
      %scan3A_558 = arith.constant 40 : i32
      %scan3A_559 = arith.addi %scan3A_557, %scan3A_558 : i32
      %scan3A_560 = arith.constant 1 : i32
      %scan3A_561:8 = scf.for %scan3A_814 = %scan3A_557 to %scan3A_559 step %scan3A_560 iter_args(%scan3A_815 = %scan3A_459#0, %scan3A_816 = %scan3A_459#1, %scan3A_817 = %scan3A_459#2, %scan3A_818 = %scan3A_459#3, %scan3A_819 = %scan3A_459#4, %scan3A_820 = %scan3A_459#5, %scan3A_821 = %scan3A_459#6, %scan3A_822 = %scan3A_459#7) -> (vector<16xf32>, vector<16xf32>, vector<16xf32>, vector<16xf32>, vector<16xf32>, vector<16xf32>, vector<16xf32>, vector<16xf32>)  : i32 {
        %get3A = arith.index_cast %scan3A_814 : i32 to index
        %get3A_823 = arith.constant 0 : index
        %get3A_824 = tpu.vector_load %arg18[%get3A, %get3A_823] {strides = array<i32>} : memref<40x128xi32, #tpu.memory_space<vmem>>, vector<1x16xi32>,
        %get3A_825 = vector.shape_cast %get3A_824 : vector<1x16xi32> to vector<16xi32>
        %shift_left3A = arith.shli %get3A_825, %broadcast_in_dim3A_554 : vector<16xi32>
        %bitcast_convert_type3A = tpu.bitcast %shift_left3A : vector<16xi32> -> vector<16xf32>
        %and3A_826 = arith.andi %get3A_825, %broadcast_in_dim3A_556 : vector<16xi32>
        %bitcast_convert_type3A_827 = tpu.bitcast %and3A_826 : vector<16xi32> -> vector<16xf32>
        %mul3A_828 = arith.constant 2 : i32
        %mul3A_829 = arith.muli %mul3A_828, %scan3A_814 : i32
        %get3A_830 = arith.index_cast %mul3A_829 : i32 to index
        %get3A_831 = arith.constant 0 : index
        %get3A_832 = tpu.vector_load %arg16[%get3A_830, %get3A_831] {strides = array<i32>} : memref<80x128xf32, #tpu.memory_space<vmem>>, vector<1x16xf32>,
        %get3A_833 = vector.shape_cast %get3A_832 : vector<1x16xf32> to vector<16xf32>
        %add3A_834 = arith.addf %get3A_833, %bitcast_convert_type3A : vector<16xf32>
        %max3A = arith.constant 0.000000e+00 : f32
        %max3A_835 = vector.broadcast %max3A : f32 to vector<16xf32>
        %max3A_836 = arith.maximumf %add3A_834, %max3A_835 : vector<16xf32>
        %mul3A_837 = arith.constant 2 : i32
        %mul3A_838 = arith.muli %mul3A_837, %scan3A_814 : i32
        %add3A_839 = arith.constant 1 : i32
        %add3A_840 = arith.addi %mul3A_838, %add3A_839 : i32
        %get3A_841 = arith.index_cast %add3A_840 : i32 to index
        %get3A_842 = arith.constant 0 : index
        %get3A_843 = tpu.vector_load %arg16[%get3A_841, %get3A_842] {strides = array<i32>} : memref<80x128xf32, #tpu.memory_space<vmem>>, vector<1x16xf32>,
        %get3A_844 = vector.shape_cast %get3A_843 : vector<1x16xf32> to vector<16xf32>
        %add3A_845 = arith.addf %get3A_844, %bitcast_convert_type3A_827 : vector<16xf32>
        %max3A_846 = arith.constant 0.000000e+00 : f32
        %max3A_847 = vector.broadcast %max3A_846 : f32 to vector<16xf32>
        %max3A_848 = arith.maximumf %add3A_845, %max3A_847 : vector<16xf32>
        %mul3A_849 = arith.constant 2 : i32
        %mul3A_850 = arith.muli %mul3A_849, %scan3A_814 : i32
        %swap3A_851 = arith.index_cast %mul3A_850 : i32 to index
        %swap3A_852 = arith.constant 0 : index
        %swap3A_853 = tpu.vector_load %arg16[%swap3A_851, %swap3A_852] {strides = array<i32>} : memref<80x128xf32, #tpu.memory_space<vmem>>, vector<1x16xf32>,
        %swap3A_854 = vector.shape_cast %swap3A_853 : vector<1x16xf32> to vector<16xf32>
        %swap3A_855 = vector.shape_cast %max3A_836 : vector<16xf32> to vector<1x16xf32>
        tpu.vector_store %arg16[%swap3A_851, %swap3A_852], %swap3A_855 {strides = array<i32>} : memref<80x128xf32, #tpu.memory_space<vmem>>, vector<1x16xf32>,
        %mul3A_856 = arith.constant 2 : i32
        %mul3A_857 = arith.muli %mul3A_856, %scan3A_814 : i32
        %add3A_858 = arith.constant 1 : i32
        %add3A_859 = arith.addi %mul3A_857, %add3A_858 : i32
        %swap3A_860 = arith.index_cast %add3A_859 : i32 to index
        %swap3A_861 = arith.constant 0 : index
        %swap3A_862 = tpu.vector_load %arg16[%swap3A_860, %swap3A_861] {strides = array<i32>} : memref<80x128xf32, #tpu.memory_space<vmem>>, vector<1x16xf32>,
        %swap3A_863 = vector.shape_cast %swap3A_862 : vector<1x16xf32> to vector<16xf32>
        %swap3A_864 = vector.shape_cast %max3A_848 : vector<16xf32> to vector<1x16xf32>
        tpu.vector_store %arg16[%swap3A_860, %swap3A_861], %swap3A_864 {strides = array<i32>} : memref<80x128xf32, #tpu.memory_space<vmem>>, vector<1x16xf32>,
        %mul3A_865 = arith.mulf %max3A_836, %max3A_836 : vector<16xf32>
        %add3A_866 = arith.addf %scan3A_815, %mul3A_865 : vector<16xf32>
        %mul3A_867 = arith.mulf %max3A_848, %max3A_848 : vector<16xf32>
        %add3A_868 = arith.addf %add3A_866, %mul3A_867 : vector<16xf32>
        %get3A_869 = arith.index_cast %scan3A_814 : i32 to index
        %get3A_870 = arith.constant 16 : index
        %get3A_871 = tpu.vector_load %arg18[%get3A_869, %get3A_870] {strides = array<i32>} : memref<40x128xi32, #tpu.memory_space<vmem>>, vector<1x16xi32>,
        %get3A_872 = vector.shape_cast %get3A_871 : vector<1x16xi32> to vector<16xi32>
        %shift_left3A_873 = arith.shli %get3A_872, %broadcast_in_dim3A_554 : vector<16xi32>
        %bitcast_convert_type3A_874 = tpu.bitcast %shift_left3A_873 : vector<16xi32> -> vector<16xf32>
        %and3A_875 = arith.andi %get3A_872, %broadcast_in_dim3A_556 : vector<16xi32>
        %bitcast_convert_type3A_876 = tpu.bitcast %and3A_875 : vector<16xi32> -> vector<16xf32>
        %mul3A_877 = arith.constant 2 : i32
        %mul3A_878 = arith.muli %mul3A_877, %scan3A_814 : i32
        %get3A_879 = arith.index_cast %mul3A_878 : i32 to index
        %get3A_880 = arith.constant 16 : index
        %get3A_881 = tpu.vector_load %arg16[%get3A_879, %get3A_880] {strides = array<i32>} : memref<80x128xf32, #tpu.memory_space<vmem>>, vector<1x16xf32>,
        %get3A_882 = vector.shape_cast %get3A_881 : vector<1x16xf32> to vector<16xf32>
        %add3A_883 = arith.addf %get3A_882, %bitcast_convert_type3A_874 : vector<16xf32>
        %max3A_884 = arith.constant 0.000000e+00 : f32
        %max3A_885 = vector.broadcast %max3A_884 : f32 to vector<16xf32>
        %max3A_886 = arith.maximumf %add3A_883, %max3A_885 : vector<16xf32>
        %mul3A_887 = arith.constant 2 : i32
        %mul3A_888 = arith.muli %mul3A_887, %scan3A_814 : i32
        %add3A_889 = arith.constant 1 : i32
        %add3A_890 = arith.addi %mul3A_888, %add3A_889 : i32
        %get3A_891 = arith.index_cast %add3A_890 : i32 to index
        %get3A_892 = arith.constant 16 : index
        %get3A_893 = tpu.vector_load %arg16[%get3A_891, %get3A_892] {strides = array<i32>} : memref<80x128xf32, #tpu.memory_space<vmem>>, vector<1x16xf32>,
        %get3A_894 = vector.shape_cast %get3A_893 : vector<1x16xf32> to vector<16xf32>
        %add3A_895 = arith.addf %get3A_894, %bitcast_convert_type3A_876 : vector<16xf32>
        %max3A_896 = arith.constant 0.000000e+00 : f32
        %max3A_897 = vector.broadcast %max3A_896 : f32 to vector<16xf32>
        %max3A_898 = arith.maximumf %add3A_895, %max3A_897 : vector<16xf32>
        %mul3A_899 = arith.constant 2 : i32
        %mul3A_900 = arith.muli %mul3A_899, %scan3A_814 : i32
        %swap3A_901 = arith.index_cast %mul3A_900 : i32 to index
        %swap3A_902 = arith.constant 16 : index
        %swap3A_903 = tpu.vector_load %arg16[%swap3A_901, %swap3A_902] {strides = array<i32>} : memref<80x128xf32, #tpu.memory_space<vmem>>, vector<1x16xf32>,
        %swap3A_904 = vector.shape_cast %swap3A_903 : vector<1x16xf32> to vector<16xf32>
        %swap3A_905 = vector.shape_cast %max3A_886 : vector<16xf32> to vector<1x16xf32>
        tpu.vector_store %arg16[%swap3A_901, %swap3A_902], %swap3A_905 {strides = array<i32>} : memref<80x128xf32, #tpu.memory_space<vmem>>, vector<1x16xf32>,
        %mul3A_906 = arith.constant 2 : i32
        %mul3A_907 = arith.muli %mul3A_906, %scan3A_814 : i32
        %add3A_908 = arith.constant 1 : i32
        %add3A_909 = arith.addi %mul3A_907, %add3A_908 : i32
        %swap3A_910 = arith.index_cast %add3A_909 : i32 to index
        %swap3A_911 = arith.constant 16 : index
        %swap3A_912 = tpu.vector_load %arg16[%swap3A_910, %swap3A_911] {strides = array<i32>} : memref<80x128xf32, #tpu.memory_space<vmem>>, vector<1x16xf32>,
        %swap3A_913 = vector.shape_cast %swap3A_912 : vector<1x16xf32> to vector<16xf32>
        %swap3A_914 = vector.shape_cast %max3A_898 : vector<16xf32> to vector<1x16xf32>
        tpu.vector_store %arg16[%swap3A_910, %swap3A_911], %swap3A_914 {strides = array<i32>} : memref<80x128xf32, #tpu.memory_space<vmem>>, vector<1x16xf32>,
        %mul3A_915 = arith.mulf %max3A_886, %max3A_886 : vector<16xf32>
        %add3A_916 = arith.addf %scan3A_816, %mul3A_915 : vector<16xf32>
        %mul3A_917 = arith.mulf %max3A_898, %max3A_898 : vector<16xf32>
        %add3A_918 = arith.addf %add3A_916, %mul3A_917 : vector<16xf32>
        %get3A_919 = arith.index_cast %scan3A_814 : i32 to index
        %get3A_920 = arith.constant 32 : index
        %get3A_921 = tpu.vector_load %arg18[%get3A_919, %get3A_920] {strides = array<i32>} : memref<40x128xi32, #tpu.memory_space<vmem>>, vector<1x16xi32>,
        %get3A_922 = vector.shape_cast %get3A_921 : vector<1x16xi32> to vector<16xi32>
        %shift_left3A_923 = arith.shli %get3A_922, %broadcast_in_dim3A_554 : vector<16xi32>
        %bitcast_convert_type3A_924 = tpu.bitcast %shift_left3A_923 : vector<16xi32> -> vector<16xf32>
        %and3A_925 = arith.andi %get3A_922, %broadcast_in_dim3A_556 : vector<16xi32>
        %bitcast_convert_type3A_926 = tpu.bitcast %and3A_925 : vector<16xi32> -> vector<16xf32>
        %mul3A_927 = arith.constant 2 : i32
        %mul3A_928 = arith.muli %mul3A_927, %scan3A_814 : i32
        %get3A_929 = arith.index_cast %mul3A_928 : i32 to index
        %get3A_930 = arith.constant 32 : index
        %get3A_931 = tpu.vector_load %arg16[%get3A_929, %get3A_930] {strides = array<i32>} : memref<80x128xf32, #tpu.memory_space<vmem>>, vector<1x16xf32>,
        %get3A_932 = vector.shape_cast %get3A_931 : vector<1x16xf32> to vector<16xf32>
        %add3A_933 = arith.addf %get3A_932, %bitcast_convert_type3A_924 : vector<16xf32>
        %max3A_934 = arith.constant 0.000000e+00 : f32
        %max3A_935 = vector.broadcast %max3A_934 : f32 to vector<16xf32>
        %max3A_936 = arith.maximumf %add3A_933, %max3A_935 : vector<16xf32>
        %mul3A_937 = arith.constant 2 : i32
        %mul3A_938 = arith.muli %mul3A_937, %scan3A_814 : i32
        %add3A_939 = arith.constant 1 : i32
        %add3A_940 = arith.addi %mul3A_938, %add3A_939 : i32
        %get3A_941 = arith.index_cast %add3A_940 : i32 to index
        %get3A_942 = arith.constant 32 : index
        %get3A_943 = tpu.vector_load %arg16[%get3A_941, %get3A_942] {strides = array<i32>} : memref<80x128xf32, #tpu.memory_space<vmem>>, vector<1x16xf32>,
        %get3A_944 = vector.shape_cast %get3A_943 : vector<1x16xf32> to vector<16xf32>
        %add3A_945 = arith.addf %get3A_944, %bitcast_convert_type3A_926 : vector<16xf32>
        %max3A_946 = arith.constant 0.000000e+00 : f32
        %max3A_947 = vector.broadcast %max3A_946 : f32 to vector<16xf32>
        %max3A_948 = arith.maximumf %add3A_945, %max3A_947 : vector<16xf32>
        %mul3A_949 = arith.constant 2 : i32
        %mul3A_950 = arith.muli %mul3A_949, %scan3A_814 : i32
        %swap3A_951 = arith.index_cast %mul3A_950 : i32 to index
        %swap3A_952 = arith.constant 32 : index
        %swap3A_953 = tpu.vector_load %arg16[%swap3A_951, %swap3A_952] {strides = array<i32>} : memref<80x128xf32, #tpu.memory_space<vmem>>, vector<1x16xf32>,
        %swap3A_954 = vector.shape_cast %swap3A_953 : vector<1x16xf32> to vector<16xf32>
        %swap3A_955 = vector.shape_cast %max3A_936 : vector<16xf32> to vector<1x16xf32>
        tpu.vector_store %arg16[%swap3A_951, %swap3A_952], %swap3A_955 {strides = array<i32>} : memref<80x128xf32, #tpu.memory_space<vmem>>, vector<1x16xf32>,
        %mul3A_956 = arith.constant 2 : i32
        %mul3A_957 = arith.muli %mul3A_956, %scan3A_814 : i32
        %add3A_958 = arith.constant 1 : i32
        %add3A_959 = arith.addi %mul3A_957, %add3A_958 : i32
        %swap3A_960 = arith.index_cast %add3A_959 : i32 to index
        %swap3A_961 = arith.constant 32 : index
        %swap3A_962 = tpu.vector_load %arg16[%swap3A_960, %swap3A_961] {strides = array<i32>} : memref<80x128xf32, #tpu.memory_space<vmem>>, vector<1x16xf32>,
        %swap3A_963 = vector.shape_cast %swap3A_962 : vector<1x16xf32> to vector<16xf32>
        %swap3A_964 = vector.shape_cast %max3A_948 : vector<16xf32> to vector<1x16xf32>
        tpu.vector_store %arg16[%swap3A_960, %swap3A_961], %swap3A_964 {strides = array<i32>} : memref<80x128xf32, #tpu.memory_space<vmem>>, vector<1x16xf32>,
        %mul3A_965 = arith.mulf %max3A_936, %max3A_936 : vector<16xf32>
        %add3A_966 = arith.addf %scan3A_817, %mul3A_965 : vector<16xf32>
        %mul3A_967 = arith.mulf %max3A_948, %max3A_948 : vector<16xf32>
        %add3A_968 = arith.addf %add3A_966, %mul3A_967 : vector<16xf32>
        %get3A_969 = arith.index_cast %scan3A_814 : i32 to index
        %get3A_970 = arith.constant 48 : index
        %get3A_971 = tpu.vector_load %arg18[%get3A_969, %get3A_970] {strides = array<i32>} : memref<40x128xi32, #tpu.memory_space<vmem>>, vector<1x16xi32>,
        %get3A_972 = vector.shape_cast %get3A_971 : vector<1x16xi32> to vector<16xi32>
        %shift_left3A_973 = arith.shli %get3A_972, %broadcast_in_dim3A_554 : vector<16xi32>
        %bitcast_convert_type3A_974 = tpu.bitcast %shift_left3A_973 : vector<16xi32> -> vector<16xf32>
        %and3A_975 = arith.andi %get3A_972, %broadcast_in_dim3A_556 : vector<16xi32>
        %bitcast_convert_type3A_976 = tpu.bitcast %and3A_975 : vector<16xi32> -> vector<16xf32>
        %mul3A_977 = arith.constant 2 : i32
        %mul3A_978 = arith.muli %mul3A_977, %scan3A_814 : i32
        %get3A_979 = arith.index_cast %mul3A_978 : i32 to index
        %get3A_980 = arith.constant 48 : index
        %get3A_981 = tpu.vector_load %arg16[%get3A_979, %get3A_980] {strides = array<i32>} : memref<80x128xf32, #tpu.memory_space<vmem>>, vector<1x16xf32>,
        %get3A_982 = vector.shape_cast %get3A_981 : vector<1x16xf32> to vector<16xf32>
        %add3A_983 = arith.addf %get3A_982, %bitcast_convert_type3A_974 : vector<16xf32>
        %max3A_984 = arith.constant 0.000000e+00 : f32
        %max3A_985 = vector.broadcast %max3A_984 : f32 to vector<16xf32>
        %max3A_986 = arith.maximumf %add3A_983, %max3A_985 : vector<16xf32>
        %mul3A_987 = arith.constant 2 : i32
        %mul3A_988 = arith.muli %mul3A_987, %scan3A_814 : i32
        %add3A_989 = arith.constant 1 : i32
        %add3A_990 = arith.addi %mul3A_988, %add3A_989 : i32
        %get3A_991 = arith.index_cast %add3A_990 : i32 to index
        %get3A_992 = arith.constant 48 : index
        %get3A_993 = tpu.vector_load %arg16[%get3A_991, %get3A_992] {strides = array<i32>} : memref<80x128xf32, #tpu.memory_space<vmem>>, vector<1x16xf32>,
        %get3A_994 = vector.shape_cast %get3A_993 : vector<1x16xf32> to vector<16xf32>
        %add3A_995 = arith.addf %get3A_994, %bitcast_convert_type3A_976 : vector<16xf32>
        %max3A_996 = arith.constant 0.000000e+00 : f32
        %max3A_997 = vector.broadcast %max3A_996 : f32 to vector<16xf32>
        %max3A_998 = arith.maximumf %add3A_995, %max3A_997 : vector<16xf32>
        %mul3A_999 = arith.constant 2 : i32
        %mul3A_1000 = arith.muli %mul3A_999, %scan3A_814 : i32
        %swap3A_1001 = arith.index_cast %mul3A_1000 : i32 to index
        %swap3A_1002 = arith.constant 48 : index
        %swap3A_1003 = tpu.vector_load %arg16[%swap3A_1001, %swap3A_1002] {strides = array<i32>} : memref<80x128xf32, #tpu.memory_space<vmem>>, vector<1x16xf32>,
        %swap3A_1004 = vector.shape_cast %swap3A_1003 : vector<1x16xf32> to vector<16xf32>
        %swap3A_1005 = vector.shape_cast %max3A_986 : vector<16xf32> to vector<1x16xf32>
        tpu.vector_store %arg16[%swap3A_1001, %swap3A_1002], %swap3A_1005 {strides = array<i32>} : memref<80x128xf32, #tpu.memory_space<vmem>>, vector<1x16xf32>,
        %mul3A_1006 = arith.constant 2 : i32
        %mul3A_1007 = arith.muli %mul3A_1006, %scan3A_814 : i32
        %add3A_1008 = arith.constant 1 : i32
        %add3A_1009 = arith.addi %mul3A_1007, %add3A_1008 : i32
        %swap3A_1010 = arith.index_cast %add3A_1009 : i32 to index
        %swap3A_1011 = arith.constant 48 : index
        %swap3A_1012 = tpu.vector_load %arg16[%swap3A_1010, %swap3A_1011] {strides = array<i32>} : memref<80x128xf32, #tpu.memory_space<vmem>>, vector<1x16xf32>,
        %swap3A_1013 = vector.shape_cast %swap3A_1012 : vector<1x16xf32> to vector<16xf32>
        %swap3A_1014 = vector.shape_cast %max3A_998 : vector<16xf32> to vector<1x16xf32>
        tpu.vector_store %arg16[%swap3A_1010, %swap3A_1011], %swap3A_1014 {strides = array<i32>} : memref<80x128xf32, #tpu.memory_space<vmem>>, vector<1x16xf32>,
        %mul3A_1015 = arith.mulf %max3A_986, %max3A_986 : vector<16xf32>
        %add3A_1016 = arith.addf %scan3A_818, %mul3A_1015 : vector<16xf32>
        %mul3A_1017 = arith.mulf %max3A_998, %max3A_998 : vector<16xf32>
        %add3A_1018 = arith.addf %add3A_1016, %mul3A_1017 : vector<16xf32>
        %get3A_1019 = arith.index_cast %scan3A_814 : i32 to index
        %get3A_1020 = arith.constant 64 : index
        %get3A_1021 = tpu.vector_load %arg18[%get3A_1019, %get3A_1020] {strides = array<i32>} : memref<40x128xi32, #tpu.memory_space<vmem>>, vector<1x16xi32>,
        %get3A_1022 = vector.shape_cast %get3A_1021 : vector<1x16xi32> to vector<16xi32>
        %shift_left3A_1023 = arith.shli %get3A_1022, %broadcast_in_dim3A_554 : vector<16xi32>
        %bitcast_convert_type3A_1024 = tpu.bitcast %shift_left3A_1023 : vector<16xi32> -> vector<16xf32>
        %and3A_1025 = arith.andi %get3A_1022, %broadcast_in_dim3A_556 : vector<16xi32>
        %bitcast_convert_type3A_1026 = tpu.bitcast %and3A_1025 : vector<16xi32> -> vector<16xf32>
        %mul3A_1027 = arith.constant 2 : i32
        %mul3A_1028 = arith.muli %mul3A_1027, %scan3A_814 : i32
        %get3A_1029 = arith.index_cast %mul3A_1028 : i32 to index
        %get3A_1030 = arith.constant 64 : index
        %get3A_1031 = tpu.vector_load %arg16[%get3A_1029, %get3A_1030] {strides = array<i32>} : memref<80x128xf32, #tpu.memory_space<vmem>>, vector<1x16xf32>,
        %get3A_1032 = vector.shape_cast %get3A_1031 : vector<1x16xf32> to vector<16xf32>
        %add3A_1033 = arith.addf %get3A_1032, %bitcast_convert_type3A_1024 : vector<16xf32>
        %max3A_1034 = arith.constant 0.000000e+00 : f32
        %max3A_1035 = vector.broadcast %max3A_1034 : f32 to vector<16xf32>
        %max3A_1036 = arith.maximumf %add3A_1033, %max3A_1035 : vector<16xf32>
        %mul3A_1037 = arith.constant 2 : i32
        %mul3A_1038 = arith.muli %mul3A_1037, %scan3A_814 : i32
        %add3A_1039 = arith.constant 1 : i32
        %add3A_1040 = arith.addi %mul3A_1038, %add3A_1039 : i32
        %get3A_1041 = arith.index_cast %add3A_1040 : i32 to index
        %get3A_1042 = arith.constant 64 : index
        %get3A_1043 = tpu.vector_load %arg16[%get3A_1041, %get3A_1042] {strides = array<i32>} : memref<80x128xf32, #tpu.memory_space<vmem>>, vector<1x16xf32>,
        %get3A_1044 = vector.shape_cast %get3A_1043 : vector<1x16xf32> to vector<16xf32>
        %add3A_1045 = arith.addf %get3A_1044, %bitcast_convert_type3A_1026 : vector<16xf32>
        %max3A_1046 = arith.constant 0.000000e+00 : f32
        %max3A_1047 = vector.broadcast %max3A_1046 : f32 to vector<16xf32>
        %max3A_1048 = arith.maximumf %add3A_1045, %max3A_1047 : vector<16xf32>
        %mul3A_1049 = arith.constant 2 : i32
        %mul3A_1050 = arith.muli %mul3A_1049, %scan3A_814 : i32
        %swap3A_1051 = arith.index_cast %mul3A_1050 : i32 to index
        %swap3A_1052 = arith.constant 64 : index
        %swap3A_1053 = tpu.vector_load %arg16[%swap3A_1051, %swap3A_1052] {strides = array<i32>} : memref<80x128xf32, #tpu.memory_space<vmem>>, vector<1x16xf32>,
        %swap3A_1054 = vector.shape_cast %swap3A_1053 : vector<1x16xf32> to vector<16xf32>
        %swap3A_1055 = vector.shape_cast %max3A_1036 : vector<16xf32> to vector<1x16xf32>
        tpu.vector_store %arg16[%swap3A_1051, %swap3A_1052], %swap3A_1055 {strides = array<i32>} : memref<80x128xf32, #tpu.memory_space<vmem>>, vector<1x16xf32>,
        %mul3A_1056 = arith.constant 2 : i32
        %mul3A_1057 = arith.muli %mul3A_1056, %scan3A_814 : i32
        %add3A_1058 = arith.constant 1 : i32
        %add3A_1059 = arith.addi %mul3A_1057, %add3A_1058 : i32
        %swap3A_1060 = arith.index_cast %add3A_1059 : i32 to index
        %swap3A_1061 = arith.constant 64 : index
        %swap3A_1062 = tpu.vector_load %arg16[%swap3A_1060, %swap3A_1061] {strides = array<i32>} : memref<80x128xf32, #tpu.memory_space<vmem>>, vector<1x16xf32>,
        %swap3A_1063 = vector.shape_cast %swap3A_1062 : vector<1x16xf32> to vector<16xf32>
        %swap3A_1064 = vector.shape_cast %max3A_1048 : vector<16xf32> to vector<1x16xf32>
        tpu.vector_store %arg16[%swap3A_1060, %swap3A_1061], %swap3A_1064 {strides = array<i32>} : memref<80x128xf32, #tpu.memory_space<vmem>>, vector<1x16xf32>,
        %mul3A_1065 = arith.mulf %max3A_1036, %max3A_1036 : vector<16xf32>
        %add3A_1066 = arith.addf %scan3A_819, %mul3A_1065 : vector<16xf32>
        %mul3A_1067 = arith.mulf %max3A_1048, %max3A_1048 : vector<16xf32>
        %add3A_1068 = arith.addf %add3A_1066, %mul3A_1067 : vector<16xf32>
        %get3A_1069 = arith.index_cast %scan3A_814 : i32 to index
        %get3A_1070 = arith.constant 80 : index
        %get3A_1071 = tpu.vector_load %arg18[%get3A_1069, %get3A_1070] {strides = array<i32>} : memref<40x128xi32, #tpu.memory_space<vmem>>, vector<1x16xi32>,
        %get3A_1072 = vector.shape_cast %get3A_1071 : vector<1x16xi32> to vector<16xi32>
        %shift_left3A_1073 = arith.shli %get3A_1072, %broadcast_in_dim3A_554 : vector<16xi32>
        %bitcast_convert_type3A_1074 = tpu.bitcast %shift_left3A_1073 : vector<16xi32> -> vector<16xf32>
        %and3A_1075 = arith.andi %get3A_1072, %broadcast_in_dim3A_556 : vector<16xi32>
        %bitcast_convert_type3A_1076 = tpu.bitcast %and3A_1075 : vector<16xi32> -> vector<16xf32>
        %mul3A_1077 = arith.constant 2 : i32
        %mul3A_1078 = arith.muli %mul3A_1077, %scan3A_814 : i32
        %get3A_1079 = arith.index_cast %mul3A_1078 : i32 to index
        %get3A_1080 = arith.constant 80 : index
        %get3A_1081 = tpu.vector_load %arg16[%get3A_1079, %get3A_1080] {strides = array<i32>} : memref<80x128xf32, #tpu.memory_space<vmem>>, vector<1x16xf32>,
        %get3A_1082 = vector.shape_cast %get3A_1081 : vector<1x16xf32> to vector<16xf32>
        %add3A_1083 = arith.addf %get3A_1082, %bitcast_convert_type3A_1074 : vector<16xf32>
        %max3A_1084 = arith.constant 0.000000e+00 : f32
        %max3A_1085 = vector.broadcast %max3A_1084 : f32 to vector<16xf32>
        %max3A_1086 = arith.maximumf %add3A_1083, %max3A_1085 : vector<16xf32>
        %mul3A_1087 = arith.constant 2 : i32
        %mul3A_1088 = arith.muli %mul3A_1087, %scan3A_814 : i32
        %add3A_1089 = arith.constant 1 : i32
        %add3A_1090 = arith.addi %mul3A_1088, %add3A_1089 : i32
        %get3A_1091 = arith.index_cast %add3A_1090 : i32 to index
        %get3A_1092 = arith.constant 80 : index
        %get3A_1093 = tpu.vector_load %arg16[%get3A_1091, %get3A_1092] {strides = array<i32>} : memref<80x128xf32, #tpu.memory_space<vmem>>, vector<1x16xf32>,
        %get3A_1094 = vector.shape_cast %get3A_1093 : vector<1x16xf32> to vector<16xf32>
        %add3A_1095 = arith.addf %get3A_1094, %bitcast_convert_type3A_1076 : vector<16xf32>
        %max3A_1096 = arith.constant 0.000000e+00 : f32
        %max3A_1097 = vector.broadcast %max3A_1096 : f32 to vector<16xf32>
        %max3A_1098 = arith.maximumf %add3A_1095, %max3A_1097 : vector<16xf32>
        %mul3A_1099 = arith.constant 2 : i32
        %mul3A_1100 = arith.muli %mul3A_1099, %scan3A_814 : i32
        %swap3A_1101 = arith.index_cast %mul3A_1100 : i32 to index
        %swap3A_1102 = arith.constant 80 : index
        %swap3A_1103 = tpu.vector_load %arg16[%swap3A_1101, %swap3A_1102] {strides = array<i32>} : memref<80x128xf32, #tpu.memory_space<vmem>>, vector<1x16xf32>,
        %swap3A_1104 = vector.shape_cast %swap3A_1103 : vector<1x16xf32> to vector<16xf32>
        %swap3A_1105 = vector.shape_cast %max3A_1086 : vector<16xf32> to vector<1x16xf32>
        tpu.vector_store %arg16[%swap3A_1101, %swap3A_1102], %swap3A_1105 {strides = array<i32>} : memref<80x128xf32, #tpu.memory_space<vmem>>, vector<1x16xf32>,
        %mul3A_1106 = arith.constant 2 : i32
        %mul3A_1107 = arith.muli %mul3A_1106, %scan3A_814 : i32
        %add3A_1108 = arith.constant 1 : i32
        %add3A_1109 = arith.addi %mul3A_1107, %add3A_1108 : i32
        %swap3A_1110 = arith.index_cast %add3A_1109 : i32 to index
        %swap3A_1111 = arith.constant 80 : index
        %swap3A_1112 = tpu.vector_load %arg16[%swap3A_1110, %swap3A_1111] {strides = array<i32>} : memref<80x128xf32, #tpu.memory_space<vmem>>, vector<1x16xf32>,
        %swap3A_1113 = vector.shape_cast %swap3A_1112 : vector<1x16xf32> to vector<16xf32>
        %swap3A_1114 = vector.shape_cast %max3A_1098 : vector<16xf32> to vector<1x16xf32>
        tpu.vector_store %arg16[%swap3A_1110, %swap3A_1111], %swap3A_1114 {strides = array<i32>} : memref<80x128xf32, #tpu.memory_space<vmem>>, vector<1x16xf32>,
        %mul3A_1115 = arith.mulf %max3A_1086, %max3A_1086 : vector<16xf32>
        %add3A_1116 = arith.addf %scan3A_820, %mul3A_1115 : vector<16xf32>
        %mul3A_1117 = arith.mulf %max3A_1098, %max3A_1098 : vector<16xf32>
        %add3A_1118 = arith.addf %add3A_1116, %mul3A_1117 : vector<16xf32>
        %get3A_1119 = arith.index_cast %scan3A_814 : i32 to index
        %get3A_1120 = arith.constant 96 : index
        %get3A_1121 = tpu.vector_load %arg18[%get3A_1119, %get3A_1120] {strides = array<i32>} : memref<40x128xi32, #tpu.memory_space<vmem>>, vector<1x16xi32>,
        %get3A_1122 = vector.shape_cast %get3A_1121 : vector<1x16xi32> to vector<16xi32>
        %shift_left3A_1123 = arith.shli %get3A_1122, %broadcast_in_dim3A_554 : vector<16xi32>
        %bitcast_convert_type3A_1124 = tpu.bitcast %shift_left3A_1123 : vector<16xi32> -> vector<16xf32>
        %and3A_1125 = arith.andi %get3A_1122, %broadcast_in_dim3A_556 : vector<16xi32>
        %bitcast_convert_type3A_1126 = tpu.bitcast %and3A_1125 : vector<16xi32> -> vector<16xf32>
        %mul3A_1127 = arith.constant 2 : i32
        %mul3A_1128 = arith.muli %mul3A_1127, %scan3A_814 : i32
        %get3A_1129 = arith.index_cast %mul3A_1128 : i32 to index
        %get3A_1130 = arith.constant 96 : index
        %get3A_1131 = tpu.vector_load %arg16[%get3A_1129, %get3A_1130] {strides = array<i32>} : memref<80x128xf32, #tpu.memory_space<vmem>>, vector<1x16xf32>,
        %get3A_1132 = vector.shape_cast %get3A_1131 : vector<1x16xf32> to vector<16xf32>
        %add3A_1133 = arith.addf %get3A_1132, %bitcast_convert_type3A_1124 : vector<16xf32>
        %max3A_1134 = arith.constant 0.000000e+00 : f32
        %max3A_1135 = vector.broadcast %max3A_1134 : f32 to vector<16xf32>
        %max3A_1136 = arith.maximumf %add3A_1133, %max3A_1135 : vector<16xf32>
        %mul3A_1137 = arith.constant 2 : i32
        %mul3A_1138 = arith.muli %mul3A_1137, %scan3A_814 : i32
        %add3A_1139 = arith.constant 1 : i32
        %add3A_1140 = arith.addi %mul3A_1138, %add3A_1139 : i32
        %get3A_1141 = arith.index_cast %add3A_1140 : i32 to index
        %get3A_1142 = arith.constant 96 : index
        %get3A_1143 = tpu.vector_load %arg16[%get3A_1141, %get3A_1142] {strides = array<i32>} : memref<80x128xf32, #tpu.memory_space<vmem>>, vector<1x16xf32>,
        %get3A_1144 = vector.shape_cast %get3A_1143 : vector<1x16xf32> to vector<16xf32>
        %add3A_1145 = arith.addf %get3A_1144, %bitcast_convert_type3A_1126 : vector<16xf32>
        %max3A_1146 = arith.constant 0.000000e+00 : f32
        %max3A_1147 = vector.broadcast %max3A_1146 : f32 to vector<16xf32>
        %max3A_1148 = arith.maximumf %add3A_1145, %max3A_1147 : vector<16xf32>
        %mul3A_1149 = arith.constant 2 : i32
        %mul3A_1150 = arith.muli %mul3A_1149, %scan3A_814 : i32
        %swap3A_1151 = arith.index_cast %mul3A_1150 : i32 to index
        %swap3A_1152 = arith.constant 96 : index
        %swap3A_1153 = tpu.vector_load %arg16[%swap3A_1151, %swap3A_1152] {strides = array<i32>} : memref<80x128xf32, #tpu.memory_space<vmem>>, vector<1x16xf32>,
        %swap3A_1154 = vector.shape_cast %swap3A_1153 : vector<1x16xf32> to vector<16xf32>
        %swap3A_1155 = vector.shape_cast %max3A_1136 : vector<16xf32> to vector<1x16xf32>
        tpu.vector_store %arg16[%swap3A_1151, %swap3A_1152], %swap3A_1155 {strides = array<i32>} : memref<80x128xf32, #tpu.memory_space<vmem>>, vector<1x16xf32>,
        %mul3A_1156 = arith.constant 2 : i32
        %mul3A_1157 = arith.muli %mul3A_1156, %scan3A_814 : i32
        %add3A_1158 = arith.constant 1 : i32
        %add3A_1159 = arith.addi %mul3A_1157, %add3A_1158 : i32
        %swap3A_1160 = arith.index_cast %add3A_1159 : i32 to index
        %swap3A_1161 = arith.constant 96 : index
        %swap3A_1162 = tpu.vector_load %arg16[%swap3A_1160, %swap3A_1161] {strides = array<i32>} : memref<80x128xf32, #tpu.memory_space<vmem>>, vector<1x16xf32>,
        %swap3A_1163 = vector.shape_cast %swap3A_1162 : vector<1x16xf32> to vector<16xf32>
        %swap3A_1164 = vector.shape_cast %max3A_1148 : vector<16xf32> to vector<1x16xf32>
        tpu.vector_store %arg16[%swap3A_1160, %swap3A_1161], %swap3A_1164 {strides = array<i32>} : memref<80x128xf32, #tpu.memory_space<vmem>>, vector<1x16xf32>,
        %mul3A_1165 = arith.mulf %max3A_1136, %max3A_1136 : vector<16xf32>
        %add3A_1166 = arith.addf %scan3A_821, %mul3A_1165 : vector<16xf32>
        %mul3A_1167 = arith.mulf %max3A_1148, %max3A_1148 : vector<16xf32>
        %add3A_1168 = arith.addf %add3A_1166, %mul3A_1167 : vector<16xf32>
        %get3A_1169 = arith.index_cast %scan3A_814 : i32 to index
        %get3A_1170 = arith.constant 112 : index
        %get3A_1171 = tpu.vector_load %arg18[%get3A_1169, %get3A_1170] {strides = array<i32>} : memref<40x128xi32, #tpu.memory_space<vmem>>, vector<1x16xi32>,
        %get3A_1172 = vector.shape_cast %get3A_1171 : vector<1x16xi32> to vector<16xi32>
        %shift_left3A_1173 = arith.shli %get3A_1172, %broadcast_in_dim3A_554 : vector<16xi32>
        %bitcast_convert_type3A_1174 = tpu.bitcast %shift_left3A_1173 : vector<16xi32> -> vector<16xf32>
        %and3A_1175 = arith.andi %get3A_1172, %broadcast_in_dim3A_556 : vector<16xi32>
        %bitcast_convert_type3A_1176 = tpu.bitcast %and3A_1175 : vector<16xi32> -> vector<16xf32>
        %mul3A_1177 = arith.constant 2 : i32
        %mul3A_1178 = arith.muli %mul3A_1177, %scan3A_814 : i32
        %get3A_1179 = arith.index_cast %mul3A_1178 : i32 to index
        %get3A_1180 = arith.constant 112 : index
        %get3A_1181 = tpu.vector_load %arg16[%get3A_1179, %get3A_1180] {strides = array<i32>} : memref<80x128xf32, #tpu.memory_space<vmem>>, vector<1x16xf32>,
        %get3A_1182 = vector.shape_cast %get3A_1181 : vector<1x16xf32> to vector<16xf32>
        %add3A_1183 = arith.addf %get3A_1182, %bitcast_convert_type3A_1174 : vector<16xf32>
        %max3A_1184 = arith.constant 0.000000e+00 : f32
        %max3A_1185 = vector.broadcast %max3A_1184 : f32 to vector<16xf32>
        %max3A_1186 = arith.maximumf %add3A_1183, %max3A_1185 : vector<16xf32>
        %mul3A_1187 = arith.constant 2 : i32
        %mul3A_1188 = arith.muli %mul3A_1187, %scan3A_814 : i32
        %add3A_1189 = arith.constant 1 : i32
        %add3A_1190 = arith.addi %mul3A_1188, %add3A_1189 : i32
        %get3A_1191 = arith.index_cast %add3A_1190 : i32 to index
        %get3A_1192 = arith.constant 112 : index
        %get3A_1193 = tpu.vector_load %arg16[%get3A_1191, %get3A_1192] {strides = array<i32>} : memref<80x128xf32, #tpu.memory_space<vmem>>, vector<1x16xf32>,
        %get3A_1194 = vector.shape_cast %get3A_1193 : vector<1x16xf32> to vector<16xf32>
        %add3A_1195 = arith.addf %get3A_1194, %bitcast_convert_type3A_1176 : vector<16xf32>
        %max3A_1196 = arith.constant 0.000000e+00 : f32
        %max3A_1197 = vector.broadcast %max3A_1196 : f32 to vector<16xf32>
        %max3A_1198 = arith.maximumf %add3A_1195, %max3A_1197 : vector<16xf32>
        %mul3A_1199 = arith.constant 2 : i32
        %mul3A_1200 = arith.muli %mul3A_1199, %scan3A_814 : i32
        %swap3A_1201 = arith.index_cast %mul3A_1200 : i32 to index
        %swap3A_1202 = arith.constant 112 : index
        %swap3A_1203 = tpu.vector_load %arg16[%swap3A_1201, %swap3A_1202] {strides = array<i32>} : memref<80x128xf32, #tpu.memory_space<vmem>>, vector<1x16xf32>,
        %swap3A_1204 = vector.shape_cast %swap3A_1203 : vector<1x16xf32> to vector<16xf32>
        %swap3A_1205 = vector.shape_cast %max3A_1186 : vector<16xf32> to vector<1x16xf32>
        tpu.vector_store %arg16[%swap3A_1201, %swap3A_1202], %swap3A_1205 {strides = array<i32>} : memref<80x128xf32, #tpu.memory_space<vmem>>, vector<1x16xf32>,
        %mul3A_1206 = arith.constant 2 : i32
        %mul3A_1207 = arith.muli %mul3A_1206, %scan3A_814 : i32
        %add3A_1208 = arith.constant 1 : i32
        %add3A_1209 = arith.addi %mul3A_1207, %add3A_1208 : i32
        %swap3A_1210 = arith.index_cast %add3A_1209 : i32 to index
        %swap3A_1211 = arith.constant 112 : index
        %swap3A_1212 = tpu.vector_load %arg16[%swap3A_1210, %swap3A_1211] {strides = array<i32>} : memref<80x128xf32, #tpu.memory_space<vmem>>, vector<1x16xf32>,
        %swap3A_1213 = vector.shape_cast %swap3A_1212 : vector<1x16xf32> to vector<16xf32>
        %swap3A_1214 = vector.shape_cast %max3A_1198 : vector<16xf32> to vector<1x16xf32>
        tpu.vector_store %arg16[%swap3A_1210, %swap3A_1211], %swap3A_1214 {strides = array<i32>} : memref<80x128xf32, #tpu.memory_space<vmem>>, vector<1x16xf32>,
        %mul3A_1215 = arith.mulf %max3A_1186, %max3A_1186 : vector<16xf32>
        %add3A_1216 = arith.addf %scan3A_822, %mul3A_1215 : vector<16xf32>
        %mul3A_1217 = arith.mulf %max3A_1198, %max3A_1198 : vector<16xf32>
        %add3A_1218 = arith.addf %add3A_1216, %mul3A_1217 : vector<16xf32>
        scf.yield %add3A_868, %add3A_918, %add3A_968, %add3A_1018, %add3A_1068, %add3A_1118, %add3A_1168, %add3A_1218 : vector<16xf32>, vector<16xf32>, vector<16xf32>, vector<16xf32>, vector<16xf32>, vector<16xf32>, vector<16xf32>, vector<16xf32>
      }
      %scan3A_562 = arith.constant 40 : i32
      %dma_start3A_563 = arith.constant 0 : i32
      %dma_start3A_564 = arith.constant 0 : i32
      %dma_start3A_565 = tpu.memref_slice %arg21[%dma_start3A_563, %dma_start3A_564] : memref<10240x128xf32, #tpu.memory_space<vmem_shared>> -> memref<10240x128xf32, #tpu.memory_space<vmem_shared>>
      tpu.enqueue_indirect_dma source(%arg16 : memref<80x128xf32, #tpu.memory_space<vmem>>) target(%dma_start3A_565 : memref<10240x128xf32, #tpu.memory_space<vmem_shared>>) offsets(%arg12 : memref<80xi32, #tpu.memory_space<vmem>>) semaphore(%arg28 : memref<!tpu.dma_semaphore, #tpu.memory_space<semaphore_mem>>) {add = true}
      %dma_start3A_566 = arith.constant 0 : i32
      %dma_start3A_567 = tpu.memref_slice %arg22[%dma_start3A_566] : memref<10240xf32, #tpu.memory_space<vmem_shared>> -> memref<10240xf32, #tpu.memory_space<vmem_shared>>
      tpu.enqueue_indirect_dma source(%arg19 : memref<80xf32, #tpu.memory_space<vmem>>) target(%dma_start3A_567 : memref<10240xf32, #tpu.memory_space<vmem_shared>>) offsets(%arg12 : memref<80xi32, #tpu.memory_space<vmem>>) semaphore(%arg28 : memref<!tpu.dma_semaphore, #tpu.memory_space<semaphore_mem>>) {add = true}
      %add3A_568 = arith.constant 2 : i32
      %add3A_569 = arith.addi %add3A_509, %add3A_568 : i32
      %min3A_570 = arith.constant 124 : i32
      %min3A_571 = arith.minsi %add3A_569, %min3A_570 : i32
      %mul3A_572 = arith.constant 32 : i32
      %mul3A_573 = arith.muli %mul3A_572, %min3A_571 : i32
      %add3A_574 = arith.addi %add3A, %mul3A_573 : i32
      %mul3A_575 = arith.constant 80 : i32
      %mul3A_576 = arith.muli %add3A_574, %mul3A_575 : i32
      %jit3A_577 = arith.constant 2 : i32
      %div3A_578 = arith.divsi %mul3A_576, %jit3A_577 : i32
      %sign3A_579 = arith.constant 0 : i32
      %sign3A_580 = arith.cmpi sgt, %mul3A_576, %sign3A_579 : i32
      %sign3A_581 = arith.extui %sign3A_580 : i1 to i32
      %sign3A_582 = arith.constant 0 : i32
      %sign3A_583 = arith.cmpi slt, %mul3A_576, %sign3A_582 : i32
      %sign3A_584 = arith.extui %sign3A_583 : i1 to i32
      %sign3A_585 = arith.subi %sign3A_581, %sign3A_584 : i32
      %sign3A_586 = arith.constant 0 : i32
      %sign3A_587 = arith.cmpi sgt, %jit3A_577, %sign3A_586 : i32
      %sign3A_588 = arith.extui %sign3A_587 : i1 to i32
      %sign3A_589 = arith.constant 0 : i32
      %sign3A_590 = arith.cmpi slt, %jit3A_577, %sign3A_589 : i32
      %sign3A_591 = arith.extui %sign3A_590 : i1 to i32
      %sign3A_592 = arith.subi %sign3A_588, %sign3A_591 : i32
      %ne3A_593 = arith.cmpi ne, %sign3A_585, %sign3A_592 : i32
      %rem3A_594 = arith.remsi %mul3A_576, %jit3A_577 : i32
      %ne3A_595 = arith.constant 0 : i32
      %ne3A_596 = arith.cmpi ne, %rem3A_594, %ne3A_595 : i32
      %and3A_597 = arith.andi %ne3A_593, %ne3A_596 : i1
      %sub3A_598 = arith.constant 1 : i32
      %sub3A_599 = arith.subi %div3A_578, %sub3A_598 : i32
      %select_n3A_600 = arith.select %and3A_597, %sub3A_599, %div3A_578 : i32
      %multiple_of3A_601 = tpu.assume_multiple %select_n3A_600, 8 : i32
      %dma_start3A_602 = tpu.memref_slice %arg3[%mul3A_576] : memref<320000xi32, #tpu.memory_space<hbm>> -> memref<80xi32, #tpu.memory_space<hbm>>
      %dma_start3A_603 = tpu.memref_slice %arg3[%mul3A_576] : memref<320000xi32, #tpu.memory_space<hbm>> -> memref<80xi32, #tpu.memory_space<hbm>>
      tpu.enqueue_dma source(%dma_start3A_603 : memref<80xi32, #tpu.memory_space<hbm>>) target(%arg10 : memref<80xi32, #tpu.memory_space<vmem>>) target_semaphore(%arg24 : memref<!tpu.dma_semaphore, #tpu.memory_space<semaphore_mem>>)
      %dma_start3A_604 = tpu.memref_slice %arg4[%mul3A_576] : memref<320000xi32, #tpu.memory_space<hbm>> -> memref<80xi32, #tpu.memory_space<hbm>>
      %dma_start3A_605 = tpu.memref_slice %arg4[%mul3A_576] : memref<320000xi32, #tpu.memory_space<hbm>> -> memref<80xi32, #tpu.memory_space<hbm>>
      tpu.enqueue_dma source(%dma_start3A_605 : memref<80xi32, #tpu.memory_space<hbm>>) target(%arg14 : memref<80xi32, #tpu.memory_space<vmem>>) target_semaphore(%arg24 : memref<!tpu.dma_semaphore, #tpu.memory_space<semaphore_mem>>)
      %dma_start3A_606 = arith.constant 0 : i32
      %dma_start3A_607 = tpu.memref_slice %arg5[%multiple_of3A_601, %dma_start3A_606] : memref<160000x128xi32, #tpu.memory_space<hbm>> -> memref<40x128xi32, #tpu.memory_space<hbm>>
      %dma_start3A_608 = arith.constant 0 : i32
      %dma_start3A_609 = tpu.memref_slice %arg5[%multiple_of3A_601, %dma_start3A_608] : memref<160000x128xi32, #tpu.memory_space<hbm>> -> memref<40x128xi32, #tpu.memory_space<hbm>>
      tpu.enqueue_dma source(%dma_start3A_609 : memref<40x128xi32, #tpu.memory_space<hbm>>) target(%arg18 : memref<40x128xi32, #tpu.memory_space<vmem>>) target_semaphore(%arg24 : memref<!tpu.dma_semaphore, #tpu.memory_space<semaphore_mem>>)
      %add3A_610 = arith.constant 2 : i32
      %add3A_611 = arith.addi %mul3A_405, %add3A_610 : i32
      %dma_wait3A_612 = arith.constant 0 : i32
      %dma_wait3A_613 = tpu.memref_slice %arg3[%dma_wait3A_612] : memref<320000xi32, #tpu.memory_space<hbm>> -> memref<80xi32, #tpu.memory_space<hbm>>
      %dma_wait3A_614 = arith.constant 0 : i32
      %dma_wait3A_615 = tpu.memref_slice %arg3[%dma_wait3A_614] : memref<320000xi32, #tpu.memory_space<hbm>> -> memref<80xi32, #tpu.memory_space<hbm>>
      tpu.wait_dma2 semaphore(%arg24 : memref<!tpu.dma_semaphore, #tpu.memory_space<semaphore_mem>>) src(%dma_wait3A_615 : memref<80xi32, #tpu.memory_space<hbm>>) dst(%arg10 : memref<80xi32, #tpu.memory_space<vmem>>)
      %dma_wait3A_616 = arith.constant 0 : i32
      %dma_wait3A_617 = tpu.memref_slice %arg4[%dma_wait3A_616] : memref<320000xi32, #tpu.memory_space<hbm>> -> memref<80xi32, #tpu.memory_space<hbm>>
      %dma_wait3A_618 = arith.constant 0 : i32
      %dma_wait3A_619 = tpu.memref_slice %arg4[%dma_wait3A_618] : memref<320000xi32, #tpu.memory_space<hbm>> -> memref<80xi32, #tpu.memory_space<hbm>>
      tpu.wait_dma2 semaphore(%arg24 : memref<!tpu.dma_semaphore, #tpu.memory_space<semaphore_mem>>) src(%dma_wait3A_619 : memref<80xi32, #tpu.memory_space<hbm>>) dst(%arg14 : memref<80xi32, #tpu.memory_space<vmem>>)
      %dma_wait3A_620 = arith.constant 0 : i32
      %dma_wait3A_621 = arith.constant 0 : i32
      %dma_wait3A_622 = tpu.memref_slice %arg5[%dma_wait3A_620, %dma_wait3A_621] : memref<160000x128xi32, #tpu.memory_space<hbm>> -> memref<40x128xi32, #tpu.memory_space<hbm>>
      %dma_wait3A_623 = arith.constant 0 : i32
      %dma_wait3A_624 = arith.constant 0 : i32
      %dma_wait3A_625 = tpu.memref_slice %arg5[%dma_wait3A_623, %dma_wait3A_624] : memref<160000x128xi32, #tpu.memory_space<hbm>> -> memref<40x128xi32, #tpu.memory_space<hbm>>
      tpu.wait_dma2 semaphore(%arg24 : memref<!tpu.dma_semaphore, #tpu.memory_space<semaphore_mem>>) src(%dma_wait3A_625 : memref<40x128xi32, #tpu.memory_space<hbm>>) dst(%arg18 : memref<40x128xi32, #tpu.memory_space<vmem>>)
      %dma_wait3A_626 = arith.constant 0 : i32
      %dma_wait3A_627 = arith.constant 0 : i32
      %dma_wait3A_628 = arith.constant 0 : i32
      %dma_wait3A_629 = tpu.memref_slice %arg6[%dma_wait3A_626, %dma_wait3A_627, %dma_wait3A_628] : memref<2x10240x128xf32, #tpu.memory_space<hbm>> -> memref<1x80x128xf32, #tpu.memory_space<hbm>>
      %dma_wait3A_630 = tpu.memref_squeeze %dma_wait3A_629 : memref<1x80x128xf32, #tpu.memory_space<hbm>> -> memref<80x128xf32, #tpu.memory_space<hbm>>
      %dma_wait3A_631 = arith.constant 0 : i32
      %dma_wait3A_632 = arith.constant 0 : i32
      %dma_wait3A_633 = tpu.memref_slice %arg6[%dma_wait3A_626, %dma_wait3A_631, %dma_wait3A_632] : memref<2x10240x128xf32, #tpu.memory_space<hbm>> -> memref<1x80x128xf32, #tpu.memory_space<hbm>>
      %dma_wait3A_634 = tpu.memref_squeeze %dma_wait3A_633 : memref<1x80x128xf32, #tpu.memory_space<hbm>> -> memref<80x128xf32, #tpu.memory_space<hbm>>
      tpu.wait_dma2 semaphore(%arg28 : memref<!tpu.dma_semaphore, #tpu.memory_space<semaphore_mem>>) src(%dma_wait3A_634 : memref<80x128xf32, #tpu.memory_space<hbm>>) dst(%arg16 : memref<80x128xf32, #tpu.memory_space<vmem>>)
      %dma_wait3A_635 = arith.constant 0 : i32
      %dma_wait3A_636 = arith.constant 0 : i32
      %dma_wait3A_637 = arith.constant 0 : i32
      %dma_wait3A_638 = tpu.memref_slice %arg6[%dma_wait3A_635, %dma_wait3A_636, %dma_wait3A_637] : memref<2x10240x128xf32, #tpu.memory_space<hbm>> -> memref<1x1x80xf32, #tpu.memory_space<hbm>>
      %dma_wait3A_639 = tpu.memref_squeeze %dma_wait3A_638 : memref<1x1x80xf32, #tpu.memory_space<hbm>> -> memref<80xf32, #tpu.memory_space<hbm>>
      %dma_wait3A_640 = arith.constant 0 : i32
      %dma_wait3A_641 = tpu.memref_slice %arg6[%dma_wait3A_635, %dma_wait3A_636, %dma_wait3A_640] : memref<2x10240x128xf32, #tpu.memory_space<hbm>> -> memref<1x1x80xf32, #tpu.memory_space<hbm>>
      %dma_wait3A_642 = tpu.memref_squeeze %dma_wait3A_641 : memref<1x1x80xf32, #tpu.memory_space<hbm>> -> memref<80xf32, #tpu.memory_space<hbm>>
      tpu.wait_dma2 semaphore(%arg28 : memref<!tpu.dma_semaphore, #tpu.memory_space<semaphore_mem>>) src(%dma_wait3A_642 : memref<80xf32, #tpu.memory_space<hbm>>) dst(%arg19 : memref<80xf32, #tpu.memory_space<vmem>>)
      %dma_start3A_643 = arith.constant 0 : i32
      %dma_start3A_644 = arith.constant 0 : i32
      %dma_start3A_645 = tpu.memref_slice %arg2[%dma_start3A_643, %dma_start3A_644] : memref<10000x128xf32, #tpu.memory_space<hbm>> -> memref<10000x128xf32, #tpu.memory_space<hbm>>
      tpu.enqueue_indirect_dma source(%dma_start3A_645 : memref<10000x128xf32, #tpu.memory_space<hbm>>) target(%arg16 : memref<80x128xf32, #tpu.memory_space<vmem>>) offsets(%arg10 : memref<80xi32, #tpu.memory_space<vmem>>) semaphore(%arg26 : memref<!tpu.dma_semaphore, #tpu.memory_space<semaphore_mem>>)
      %dma_wait3A_646 = arith.constant 0 : i32
      %dma_wait3A_647 = arith.constant 0 : i32
      %dma_wait3A_648 = arith.constant 0 : i32
      %dma_wait3A_649 = tpu.memref_slice %arg6[%dma_wait3A_646, %dma_wait3A_647, %dma_wait3A_648] : memref<2x10240x128xf32, #tpu.memory_space<hbm>> -> memref<1x80x128xf32, #tpu.memory_space<hbm>>
      %dma_wait3A_650 = tpu.memref_squeeze %dma_wait3A_649 : memref<1x80x128xf32, #tpu.memory_space<hbm>> -> memref<80x128xf32, #tpu.memory_space<hbm>>
      %dma_wait3A_651 = arith.constant 0 : i32
      %dma_wait3A_652 = arith.constant 0 : i32
      %dma_wait3A_653 = tpu.memref_slice %arg6[%dma_wait3A_646, %dma_wait3A_651, %dma_wait3A_652] : memref<2x10240x128xf32, #tpu.memory_space<hbm>> -> memref<1x80x128xf32, #tpu.memory_space<hbm>>
      %dma_wait3A_654 = tpu.memref_squeeze %dma_wait3A_653 : memref<1x80x128xf32, #tpu.memory_space<hbm>> -> memref<80x128xf32, #tpu.memory_space<hbm>>
      tpu.wait_dma2 semaphore(%arg25 : memref<!tpu.dma_semaphore, #tpu.memory_space<semaphore_mem>>) src(%dma_wait3A_654 : memref<80x128xf32, #tpu.memory_space<hbm>>) dst(%arg15 : memref<80x128xf32, #tpu.memory_space<vmem>>)
      %broadcast_in_dim3A_655 = arith.constant 16 : i32
      %broadcast_in_dim3A_656 = vector.broadcast %broadcast_in_dim3A_655 : i32 to vector<16xi32>
      %broadcast_in_dim3A_657 = arith.constant -65536 : i32
      %broadcast_in_dim3A_658 = vector.broadcast %broadcast_in_dim3A_657 : i32 to vector<16xi32>
      %scan3A_659 = arith.constant 0 : i32
      %scan3A_660 = arith.constant 40 : i32
      %scan3A_661 = arith.addi %scan3A_659, %scan3A_660 : i32
      %scan3A_662 = arith.constant 1 : i32
      %scan3A_663:8 = scf.for %scan3A_814 = %scan3A_659 to %scan3A_661 step %scan3A_662 iter_args(%scan3A_815 = %scan3A_561#0, %scan3A_816 = %scan3A_561#1, %scan3A_817 = %scan3A_561#2, %scan3A_818 = %scan3A_561#3, %scan3A_819 = %scan3A_561#4, %scan3A_820 = %scan3A_561#5, %scan3A_821 = %scan3A_561#6, %scan3A_822 = %scan3A_561#7) -> (vector<16xf32>, vector<16xf32>, vector<16xf32>, vector<16xf32>, vector<16xf32>, vector<16xf32>, vector<16xf32>, vector<16xf32>)  : i32 {
        %get3A = arith.index_cast %scan3A_814 : i32 to index
        %get3A_823 = arith.constant 0 : index
        %get3A_824 = tpu.vector_load %arg17[%get3A, %get3A_823] {strides = array<i32>} : memref<40x128xi32, #tpu.memory_space<vmem>>, vector<1x16xi32>,
        %get3A_825 = vector.shape_cast %get3A_824 : vector<1x16xi32> to vector<16xi32>
        %shift_left3A = arith.shli %get3A_825, %broadcast_in_dim3A_656 : vector<16xi32>
        %bitcast_convert_type3A = tpu.bitcast %shift_left3A : vector<16xi32> -> vector<16xf32>
        %and3A_826 = arith.andi %get3A_825, %broadcast_in_dim3A_658 : vector<16xi32>
        %bitcast_convert_type3A_827 = tpu.bitcast %and3A_826 : vector<16xi32> -> vector<16xf32>
        %mul3A_828 = arith.constant 2 : i32
        %mul3A_829 = arith.muli %mul3A_828, %scan3A_814 : i32
        %get3A_830 = arith.index_cast %mul3A_829 : i32 to index
        %get3A_831 = arith.constant 0 : index
        %get3A_832 = tpu.vector_load %arg15[%get3A_830, %get3A_831] {strides = array<i32>} : memref<80x128xf32, #tpu.memory_space<vmem>>, vector<1x16xf32>,
        %get3A_833 = vector.shape_cast %get3A_832 : vector<1x16xf32> to vector<16xf32>
        %add3A_834 = arith.addf %get3A_833, %bitcast_convert_type3A : vector<16xf32>
        %max3A = arith.constant 0.000000e+00 : f32
        %max3A_835 = vector.broadcast %max3A : f32 to vector<16xf32>
        %max3A_836 = arith.maximumf %add3A_834, %max3A_835 : vector<16xf32>
        %mul3A_837 = arith.constant 2 : i32
        %mul3A_838 = arith.muli %mul3A_837, %scan3A_814 : i32
        %add3A_839 = arith.constant 1 : i32
        %add3A_840 = arith.addi %mul3A_838, %add3A_839 : i32
        %get3A_841 = arith.index_cast %add3A_840 : i32 to index
        %get3A_842 = arith.constant 0 : index
        %get3A_843 = tpu.vector_load %arg15[%get3A_841, %get3A_842] {strides = array<i32>} : memref<80x128xf32, #tpu.memory_space<vmem>>, vector<1x16xf32>,
        %get3A_844 = vector.shape_cast %get3A_843 : vector<1x16xf32> to vector<16xf32>
        %add3A_845 = arith.addf %get3A_844, %bitcast_convert_type3A_827 : vector<16xf32>
        %max3A_846 = arith.constant 0.000000e+00 : f32
        %max3A_847 = vector.broadcast %max3A_846 : f32 to vector<16xf32>
        %max3A_848 = arith.maximumf %add3A_845, %max3A_847 : vector<16xf32>
        %mul3A_849 = arith.constant 2 : i32
        %mul3A_850 = arith.muli %mul3A_849, %scan3A_814 : i32
        %swap3A_851 = arith.index_cast %mul3A_850 : i32 to index
        %swap3A_852 = arith.constant 0 : index
        %swap3A_853 = tpu.vector_load %arg15[%swap3A_851, %swap3A_852] {strides = array<i32>} : memref<80x128xf32, #tpu.memory_space<vmem>>, vector<1x16xf32>,
        %swap3A_854 = vector.shape_cast %swap3A_853 : vector<1x16xf32> to vector<16xf32>
        %swap3A_855 = vector.shape_cast %max3A_836 : vector<16xf32> to vector<1x16xf32>
        tpu.vector_store %arg15[%swap3A_851, %swap3A_852], %swap3A_855 {strides = array<i32>} : memref<80x128xf32, #tpu.memory_space<vmem>>, vector<1x16xf32>,
        %mul3A_856 = arith.constant 2 : i32
        %mul3A_857 = arith.muli %mul3A_856, %scan3A_814 : i32
        %add3A_858 = arith.constant 1 : i32
        %add3A_859 = arith.addi %mul3A_857, %add3A_858 : i32
        %swap3A_860 = arith.index_cast %add3A_859 : i32 to index
        %swap3A_861 = arith.constant 0 : index
        %swap3A_862 = tpu.vector_load %arg15[%swap3A_860, %swap3A_861] {strides = array<i32>} : memref<80x128xf32, #tpu.memory_space<vmem>>, vector<1x16xf32>,
        %swap3A_863 = vector.shape_cast %swap3A_862 : vector<1x16xf32> to vector<16xf32>
        %swap3A_864 = vector.shape_cast %max3A_848 : vector<16xf32> to vector<1x16xf32>
        tpu.vector_store %arg15[%swap3A_860, %swap3A_861], %swap3A_864 {strides = array<i32>} : memref<80x128xf32, #tpu.memory_space<vmem>>, vector<1x16xf32>,
        %mul3A_865 = arith.mulf %max3A_836, %max3A_836 : vector<16xf32>
        %add3A_866 = arith.addf %scan3A_815, %mul3A_865 : vector<16xf32>
        %mul3A_867 = arith.mulf %max3A_848, %max3A_848 : vector<16xf32>
        %add3A_868 = arith.addf %add3A_866, %mul3A_867 : vector<16xf32>
        %get3A_869 = arith.index_cast %scan3A_814 : i32 to index
        %get3A_870 = arith.constant 16 : index
        %get3A_871 = tpu.vector_load %arg17[%get3A_869, %get3A_870] {strides = array<i32>} : memref<40x128xi32, #tpu.memory_space<vmem>>, vector<1x16xi32>,
        %get3A_872 = vector.shape_cast %get3A_871 : vector<1x16xi32> to vector<16xi32>
        %shift_left3A_873 = arith.shli %get3A_872, %broadcast_in_dim3A_656 : vector<16xi32>
        %bitcast_convert_type3A_874 = tpu.bitcast %shift_left3A_873 : vector<16xi32> -> vector<16xf32>
        %and3A_875 = arith.andi %get3A_872, %broadcast_in_dim3A_658 : vector<16xi32>
        %bitcast_convert_type3A_876 = tpu.bitcast %and3A_875 : vector<16xi32> -> vector<16xf32>
        %mul3A_877 = arith.constant 2 : i32
        %mul3A_878 = arith.muli %mul3A_877, %scan3A_814 : i32
        %get3A_879 = arith.index_cast %mul3A_878 : i32 to index
        %get3A_880 = arith.constant 16 : index
        %get3A_881 = tpu.vector_load %arg15[%get3A_879, %get3A_880] {strides = array<i32>} : memref<80x128xf32, #tpu.memory_space<vmem>>, vector<1x16xf32>,
        %get3A_882 = vector.shape_cast %get3A_881 : vector<1x16xf32> to vector<16xf32>
        %add3A_883 = arith.addf %get3A_882, %bitcast_convert_type3A_874 : vector<16xf32>
        %max3A_884 = arith.constant 0.000000e+00 : f32
        %max3A_885 = vector.broadcast %max3A_884 : f32 to vector<16xf32>
        %max3A_886 = arith.maximumf %add3A_883, %max3A_885 : vector<16xf32>
        %mul3A_887 = arith.constant 2 : i32
        %mul3A_888 = arith.muli %mul3A_887, %scan3A_814 : i32
        %add3A_889 = arith.constant 1 : i32
        %add3A_890 = arith.addi %mul3A_888, %add3A_889 : i32
        %get3A_891 = arith.index_cast %add3A_890 : i32 to index
        %get3A_892 = arith.constant 16 : index
        %get3A_893 = tpu.vector_load %arg15[%get3A_891, %get3A_892] {strides = array<i32>} : memref<80x128xf32, #tpu.memory_space<vmem>>, vector<1x16xf32>,
        %get3A_894 = vector.shape_cast %get3A_893 : vector<1x16xf32> to vector<16xf32>
        %add3A_895 = arith.addf %get3A_894, %bitcast_convert_type3A_876 : vector<16xf32>
        %max3A_896 = arith.constant 0.000000e+00 : f32
        %max3A_897 = vector.broadcast %max3A_896 : f32 to vector<16xf32>
        %max3A_898 = arith.maximumf %add3A_895, %max3A_897 : vector<16xf32>
        %mul3A_899 = arith.constant 2 : i32
        %mul3A_900 = arith.muli %mul3A_899, %scan3A_814 : i32
        %swap3A_901 = arith.index_cast %mul3A_900 : i32 to index
        %swap3A_902 = arith.constant 16 : index
        %swap3A_903 = tpu.vector_load %arg15[%swap3A_901, %swap3A_902] {strides = array<i32>} : memref<80x128xf32, #tpu.memory_space<vmem>>, vector<1x16xf32>,
        %swap3A_904 = vector.shape_cast %swap3A_903 : vector<1x16xf32> to vector<16xf32>
        %swap3A_905 = vector.shape_cast %max3A_886 : vector<16xf32> to vector<1x16xf32>
        tpu.vector_store %arg15[%swap3A_901, %swap3A_902], %swap3A_905 {strides = array<i32>} : memref<80x128xf32, #tpu.memory_space<vmem>>, vector<1x16xf32>,
        %mul3A_906 = arith.constant 2 : i32
        %mul3A_907 = arith.muli %mul3A_906, %scan3A_814 : i32
        %add3A_908 = arith.constant 1 : i32
        %add3A_909 = arith.addi %mul3A_907, %add3A_908 : i32
        %swap3A_910 = arith.index_cast %add3A_909 : i32 to index
        %swap3A_911 = arith.constant 16 : index
        %swap3A_912 = tpu.vector_load %arg15[%swap3A_910, %swap3A_911] {strides = array<i32>} : memref<80x128xf32, #tpu.memory_space<vmem>>, vector<1x16xf32>,
        %swap3A_913 = vector.shape_cast %swap3A_912 : vector<1x16xf32> to vector<16xf32>
        %swap3A_914 = vector.shape_cast %max3A_898 : vector<16xf32> to vector<1x16xf32>
        tpu.vector_store %arg15[%swap3A_910, %swap3A_911], %swap3A_914 {strides = array<i32>} : memref<80x128xf32, #tpu.memory_space<vmem>>, vector<1x16xf32>,
        %mul3A_915 = arith.mulf %max3A_886, %max3A_886 : vector<16xf32>
        %add3A_916 = arith.addf %scan3A_816, %mul3A_915 : vector<16xf32>
        %mul3A_917 = arith.mulf %max3A_898, %max3A_898 : vector<16xf32>
        %add3A_918 = arith.addf %add3A_916, %mul3A_917 : vector<16xf32>
        %get3A_919 = arith.index_cast %scan3A_814 : i32 to index
        %get3A_920 = arith.constant 32 : index
        %get3A_921 = tpu.vector_load %arg17[%get3A_919, %get3A_920] {strides = array<i32>} : memref<40x128xi32, #tpu.memory_space<vmem>>, vector<1x16xi32>,
        %get3A_922 = vector.shape_cast %get3A_921 : vector<1x16xi32> to vector<16xi32>
        %shift_left3A_923 = arith.shli %get3A_922, %broadcast_in_dim3A_656 : vector<16xi32>
        %bitcast_convert_type3A_924 = tpu.bitcast %shift_left3A_923 : vector<16xi32> -> vector<16xf32>
        %and3A_925 = arith.andi %get3A_922, %broadcast_in_dim3A_658 : vector<16xi32>
        %bitcast_convert_type3A_926 = tpu.bitcast %and3A_925 : vector<16xi32> -> vector<16xf32>
        %mul3A_927 = arith.constant 2 : i32
        %mul3A_928 = arith.muli %mul3A_927, %scan3A_814 : i32
        %get3A_929 = arith.index_cast %mul3A_928 : i32 to index
        %get3A_930 = arith.constant 32 : index
        %get3A_931 = tpu.vector_load %arg15[%get3A_929, %get3A_930] {strides = array<i32>} : memref<80x128xf32, #tpu.memory_space<vmem>>, vector<1x16xf32>,
        %get3A_932 = vector.shape_cast %get3A_931 : vector<1x16xf32> to vector<16xf32>
        %add3A_933 = arith.addf %get3A_932, %bitcast_convert_type3A_924 : vector<16xf32>
        %max3A_934 = arith.constant 0.000000e+00 : f32
        %max3A_935 = vector.broadcast %max3A_934 : f32 to vector<16xf32>
        %max3A_936 = arith.maximumf %add3A_933, %max3A_935 : vector<16xf32>
        %mul3A_937 = arith.constant 2 : i32
        %mul3A_938 = arith.muli %mul3A_937, %scan3A_814 : i32
        %add3A_939 = arith.constant 1 : i32
        %add3A_940 = arith.addi %mul3A_938, %add3A_939 : i32
        %get3A_941 = arith.index_cast %add3A_940 : i32 to index
        %get3A_942 = arith.constant 32 : index
        %get3A_943 = tpu.vector_load %arg15[%get3A_941, %get3A_942] {strides = array<i32>} : memref<80x128xf32, #tpu.memory_space<vmem>>, vector<1x16xf32>,
        %get3A_944 = vector.shape_cast %get3A_943 : vector<1x16xf32> to vector<16xf32>
        %add3A_945 = arith.addf %get3A_944, %bitcast_convert_type3A_926 : vector<16xf32>
        %max3A_946 = arith.constant 0.000000e+00 : f32
        %max3A_947 = vector.broadcast %max3A_946 : f32 to vector<16xf32>
        %max3A_948 = arith.maximumf %add3A_945, %max3A_947 : vector<16xf32>
        %mul3A_949 = arith.constant 2 : i32
        %mul3A_950 = arith.muli %mul3A_949, %scan3A_814 : i32
        %swap3A_951 = arith.index_cast %mul3A_950 : i32 to index
        %swap3A_952 = arith.constant 32 : index
        %swap3A_953 = tpu.vector_load %arg15[%swap3A_951, %swap3A_952] {strides = array<i32>} : memref<80x128xf32, #tpu.memory_space<vmem>>, vector<1x16xf32>,
        %swap3A_954 = vector.shape_cast %swap3A_953 : vector<1x16xf32> to vector<16xf32>
        %swap3A_955 = vector.shape_cast %max3A_936 : vector<16xf32> to vector<1x16xf32>
        tpu.vector_store %arg15[%swap3A_951, %swap3A_952], %swap3A_955 {strides = array<i32>} : memref<80x128xf32, #tpu.memory_space<vmem>>, vector<1x16xf32>,
        %mul3A_956 = arith.constant 2 : i32
        %mul3A_957 = arith.muli %mul3A_956, %scan3A_814 : i32
        %add3A_958 = arith.constant 1 : i32
        %add3A_959 = arith.addi %mul3A_957, %add3A_958 : i32
        %swap3A_960 = arith.index_cast %add3A_959 : i32 to index
        %swap3A_961 = arith.constant 32 : index
        %swap3A_962 = tpu.vector_load %arg15[%swap3A_960, %swap3A_961] {strides = array<i32>} : memref<80x128xf32, #tpu.memory_space<vmem>>, vector<1x16xf32>,
        %swap3A_963 = vector.shape_cast %swap3A_962 : vector<1x16xf32> to vector<16xf32>
        %swap3A_964 = vector.shape_cast %max3A_948 : vector<16xf32> to vector<1x16xf32>
        tpu.vector_store %arg15[%swap3A_960, %swap3A_961], %swap3A_964 {strides = array<i32>} : memref<80x128xf32, #tpu.memory_space<vmem>>, vector<1x16xf32>,
        %mul3A_965 = arith.mulf %max3A_936, %max3A_936 : vector<16xf32>
        %add3A_966 = arith.addf %scan3A_817, %mul3A_965 : vector<16xf32>
        %mul3A_967 = arith.mulf %max3A_948, %max3A_948 : vector<16xf32>
        %add3A_968 = arith.addf %add3A_966, %mul3A_967 : vector<16xf32>
        %get3A_969 = arith.index_cast %scan3A_814 : i32 to index
        %get3A_970 = arith.constant 48 : index
        %get3A_971 = tpu.vector_load %arg17[%get3A_969, %get3A_970] {strides = array<i32>} : memref<40x128xi32, #tpu.memory_space<vmem>>, vector<1x16xi32>,
        %get3A_972 = vector.shape_cast %get3A_971 : vector<1x16xi32> to vector<16xi32>
        %shift_left3A_973 = arith.shli %get3A_972, %broadcast_in_dim3A_656 : vector<16xi32>
        %bitcast_convert_type3A_974 = tpu.bitcast %shift_left3A_973 : vector<16xi32> -> vector<16xf32>
        %and3A_975 = arith.andi %get3A_972, %broadcast_in_dim3A_658 : vector<16xi32>
        %bitcast_convert_type3A_976 = tpu.bitcast %and3A_975 : vector<16xi32> -> vector<16xf32>
        %mul3A_977 = arith.constant 2 : i32
        %mul3A_978 = arith.muli %mul3A_977, %scan3A_814 : i32
        %get3A_979 = arith.index_cast %mul3A_978 : i32 to index
        %get3A_980 = arith.constant 48 : index
        %get3A_981 = tpu.vector_load %arg15[%get3A_979, %get3A_980] {strides = array<i32>} : memref<80x128xf32, #tpu.memory_space<vmem>>, vector<1x16xf32>,
        %get3A_982 = vector.shape_cast %get3A_981 : vector<1x16xf32> to vector<16xf32>
        %add3A_983 = arith.addf %get3A_982, %bitcast_convert_type3A_974 : vector<16xf32>
        %max3A_984 = arith.constant 0.000000e+00 : f32
        %max3A_985 = vector.broadcast %max3A_984 : f32 to vector<16xf32>
        %max3A_986 = arith.maximumf %add3A_983, %max3A_985 : vector<16xf32>
        %mul3A_987 = arith.constant 2 : i32
        %mul3A_988 = arith.muli %mul3A_987, %scan3A_814 : i32
        %add3A_989 = arith.constant 1 : i32
        %add3A_990 = arith.addi %mul3A_988, %add3A_989 : i32
        %get3A_991 = arith.index_cast %add3A_990 : i32 to index
        %get3A_992 = arith.constant 48 : index
        %get3A_993 = tpu.vector_load %arg15[%get3A_991, %get3A_992] {strides = array<i32>} : memref<80x128xf32, #tpu.memory_space<vmem>>, vector<1x16xf32>,
        %get3A_994 = vector.shape_cast %get3A_993 : vector<1x16xf32> to vector<16xf32>
        %add3A_995 = arith.addf %get3A_994, %bitcast_convert_type3A_976 : vector<16xf32>
        %max3A_996 = arith.constant 0.000000e+00 : f32
        %max3A_997 = vector.broadcast %max3A_996 : f32 to vector<16xf32>
        %max3A_998 = arith.maximumf %add3A_995, %max3A_997 : vector<16xf32>
        %mul3A_999 = arith.constant 2 : i32
        %mul3A_1000 = arith.muli %mul3A_999, %scan3A_814 : i32
        %swap3A_1001 = arith.index_cast %mul3A_1000 : i32 to index
        %swap3A_1002 = arith.constant 48 : index
        %swap3A_1003 = tpu.vector_load %arg15[%swap3A_1001, %swap3A_1002] {strides = array<i32>} : memref<80x128xf32, #tpu.memory_space<vmem>>, vector<1x16xf32>,
        %swap3A_1004 = vector.shape_cast %swap3A_1003 : vector<1x16xf32> to vector<16xf32>
        %swap3A_1005 = vector.shape_cast %max3A_986 : vector<16xf32> to vector<1x16xf32>
        tpu.vector_store %arg15[%swap3A_1001, %swap3A_1002], %swap3A_1005 {strides = array<i32>} : memref<80x128xf32, #tpu.memory_space<vmem>>, vector<1x16xf32>,
        %mul3A_1006 = arith.constant 2 : i32
        %mul3A_1007 = arith.muli %mul3A_1006, %scan3A_814 : i32
        %add3A_1008 = arith.constant 1 : i32
        %add3A_1009 = arith.addi %mul3A_1007, %add3A_1008 : i32
        %swap3A_1010 = arith.index_cast %add3A_1009 : i32 to index
        %swap3A_1011 = arith.constant 48 : index
        %swap3A_1012 = tpu.vector_load %arg15[%swap3A_1010, %swap3A_1011] {strides = array<i32>} : memref<80x128xf32, #tpu.memory_space<vmem>>, vector<1x16xf32>,
        %swap3A_1013 = vector.shape_cast %swap3A_1012 : vector<1x16xf32> to vector<16xf32>
        %swap3A_1014 = vector.shape_cast %max3A_998 : vector<16xf32> to vector<1x16xf32>
        tpu.vector_store %arg15[%swap3A_1010, %swap3A_1011], %swap3A_1014 {strides = array<i32>} : memref<80x128xf32, #tpu.memory_space<vmem>>, vector<1x16xf32>,
        %mul3A_1015 = arith.mulf %max3A_986, %max3A_986 : vector<16xf32>
        %add3A_1016 = arith.addf %scan3A_818, %mul3A_1015 : vector<16xf32>
        %mul3A_1017 = arith.mulf %max3A_998, %max3A_998 : vector<16xf32>
        %add3A_1018 = arith.addf %add3A_1016, %mul3A_1017 : vector<16xf32>
        %get3A_1019 = arith.index_cast %scan3A_814 : i32 to index
        %get3A_1020 = arith.constant 64 : index
        %get3A_1021 = tpu.vector_load %arg17[%get3A_1019, %get3A_1020] {strides = array<i32>} : memref<40x128xi32, #tpu.memory_space<vmem>>, vector<1x16xi32>,
        %get3A_1022 = vector.shape_cast %get3A_1021 : vector<1x16xi32> to vector<16xi32>
        %shift_left3A_1023 = arith.shli %get3A_1022, %broadcast_in_dim3A_656 : vector<16xi32>
        %bitcast_convert_type3A_1024 = tpu.bitcast %shift_left3A_1023 : vector<16xi32> -> vector<16xf32>
        %and3A_1025 = arith.andi %get3A_1022, %broadcast_in_dim3A_658 : vector<16xi32>
        %bitcast_convert_type3A_1026 = tpu.bitcast %and3A_1025 : vector<16xi32> -> vector<16xf32>
        %mul3A_1027 = arith.constant 2 : i32
        %mul3A_1028 = arith.muli %mul3A_1027, %scan3A_814 : i32
        %get3A_1029 = arith.index_cast %mul3A_1028 : i32 to index
        %get3A_1030 = arith.constant 64 : index
        %get3A_1031 = tpu.vector_load %arg15[%get3A_1029, %get3A_1030] {strides = array<i32>} : memref<80x128xf32, #tpu.memory_space<vmem>>, vector<1x16xf32>,
        %get3A_1032 = vector.shape_cast %get3A_1031 : vector<1x16xf32> to vector<16xf32>
        %add3A_1033 = arith.addf %get3A_1032, %bitcast_convert_type3A_1024 : vector<16xf32>
        %max3A_1034 = arith.constant 0.000000e+00 : f32
        %max3A_1035 = vector.broadcast %max3A_1034 : f32 to vector<16xf32>
        %max3A_1036 = arith.maximumf %add3A_1033, %max3A_1035 : vector<16xf32>
        %mul3A_1037 = arith.constant 2 : i32
        %mul3A_1038 = arith.muli %mul3A_1037, %scan3A_814 : i32
        %add3A_1039 = arith.constant 1 : i32
        %add3A_1040 = arith.addi %mul3A_1038, %add3A_1039 : i32
        %get3A_1041 = arith.index_cast %add3A_1040 : i32 to index
        %get3A_1042 = arith.constant 64 : index
        %get3A_1043 = tpu.vector_load %arg15[%get3A_1041, %get3A_1042] {strides = array<i32>} : memref<80x128xf32, #tpu.memory_space<vmem>>, vector<1x16xf32>,
        %get3A_1044 = vector.shape_cast %get3A_1043 : vector<1x16xf32> to vector<16xf32>
        %add3A_1045 = arith.addf %get3A_1044, %bitcast_convert_type3A_1026 : vector<16xf32>
        %max3A_1046 = arith.constant 0.000000e+00 : f32
        %max3A_1047 = vector.broadcast %max3A_1046 : f32 to vector<16xf32>
        %max3A_1048 = arith.maximumf %add3A_1045, %max3A_1047 : vector<16xf32>
        %mul3A_1049 = arith.constant 2 : i32
        %mul3A_1050 = arith.muli %mul3A_1049, %scan3A_814 : i32
        %swap3A_1051 = arith.index_cast %mul3A_1050 : i32 to index
        %swap3A_1052 = arith.constant 64 : index
        %swap3A_1053 = tpu.vector_load %arg15[%swap3A_1051, %swap3A_1052] {strides = array<i32>} : memref<80x128xf32, #tpu.memory_space<vmem>>, vector<1x16xf32>,
        %swap3A_1054 = vector.shape_cast %swap3A_1053 : vector<1x16xf32> to vector<16xf32>
        %swap3A_1055 = vector.shape_cast %max3A_1036 : vector<16xf32> to vector<1x16xf32>
        tpu.vector_store %arg15[%swap3A_1051, %swap3A_1052], %swap3A_1055 {strides = array<i32>} : memref<80x128xf32, #tpu.memory_space<vmem>>, vector<1x16xf32>,
        %mul3A_1056 = arith.constant 2 : i32
        %mul3A_1057 = arith.muli %mul3A_1056, %scan3A_814 : i32
        %add3A_1058 = arith.constant 1 : i32
        %add3A_1059 = arith.addi %mul3A_1057, %add3A_1058 : i32
        %swap3A_1060 = arith.index_cast %add3A_1059 : i32 to index
        %swap3A_1061 = arith.constant 64 : index
        %swap3A_1062 = tpu.vector_load %arg15[%swap3A_1060, %swap3A_1061] {strides = array<i32>} : memref<80x128xf32, #tpu.memory_space<vmem>>, vector<1x16xf32>,
        %swap3A_1063 = vector.shape_cast %swap3A_1062 : vector<1x16xf32> to vector<16xf32>
        %swap3A_1064 = vector.shape_cast %max3A_1048 : vector<16xf32> to vector<1x16xf32>
        tpu.vector_store %arg15[%swap3A_1060, %swap3A_1061], %swap3A_1064 {strides = array<i32>} : memref<80x128xf32, #tpu.memory_space<vmem>>, vector<1x16xf32>,
        %mul3A_1065 = arith.mulf %max3A_1036, %max3A_1036 : vector<16xf32>
        %add3A_1066 = arith.addf %scan3A_819, %mul3A_1065 : vector<16xf32>
        %mul3A_1067 = arith.mulf %max3A_1048, %max3A_1048 : vector<16xf32>
        %add3A_1068 = arith.addf %add3A_1066, %mul3A_1067 : vector<16xf32>
        %get3A_1069 = arith.index_cast %scan3A_814 : i32 to index
        %get3A_1070 = arith.constant 80 : index
        %get3A_1071 = tpu.vector_load %arg17[%get3A_1069, %get3A_1070] {strides = array<i32>} : memref<40x128xi32, #tpu.memory_space<vmem>>, vector<1x16xi32>,
        %get3A_1072 = vector.shape_cast %get3A_1071 : vector<1x16xi32> to vector<16xi32>
        %shift_left3A_1073 = arith.shli %get3A_1072, %broadcast_in_dim3A_656 : vector<16xi32>
        %bitcast_convert_type3A_1074 = tpu.bitcast %shift_left3A_1073 : vector<16xi32> -> vector<16xf32>
        %and3A_1075 = arith.andi %get3A_1072, %broadcast_in_dim3A_658 : vector<16xi32>
        %bitcast_convert_type3A_1076 = tpu.bitcast %and3A_1075 : vector<16xi32> -> vector<16xf32>
        %mul3A_1077 = arith.constant 2 : i32
        %mul3A_1078 = arith.muli %mul3A_1077, %scan3A_814 : i32
        %get3A_1079 = arith.index_cast %mul3A_1078 : i32 to index
        %get3A_1080 = arith.constant 80 : index
        %get3A_1081 = tpu.vector_load %arg15[%get3A_1079, %get3A_1080] {strides = array<i32>} : memref<80x128xf32, #tpu.memory_space<vmem>>, vector<1x16xf32>,
        %get3A_1082 = vector.shape_cast %get3A_1081 : vector<1x16xf32> to vector<16xf32>
        %add3A_1083 = arith.addf %get3A_1082, %bitcast_convert_type3A_1074 : vector<16xf32>
        %max3A_1084 = arith.constant 0.000000e+00 : f32
        %max3A_1085 = vector.broadcast %max3A_1084 : f32 to vector<16xf32>
        %max3A_1086 = arith.maximumf %add3A_1083, %max3A_1085 : vector<16xf32>
        %mul3A_1087 = arith.constant 2 : i32
        %mul3A_1088 = arith.muli %mul3A_1087, %scan3A_814 : i32
        %add3A_1089 = arith.constant 1 : i32
        %add3A_1090 = arith.addi %mul3A_1088, %add3A_1089 : i32
        %get3A_1091 = arith.index_cast %add3A_1090 : i32 to index
        %get3A_1092 = arith.constant 80 : index
        %get3A_1093 = tpu.vector_load %arg15[%get3A_1091, %get3A_1092] {strides = array<i32>} : memref<80x128xf32, #tpu.memory_space<vmem>>, vector<1x16xf32>,
        %get3A_1094 = vector.shape_cast %get3A_1093 : vector<1x16xf32> to vector<16xf32>
        %add3A_1095 = arith.addf %get3A_1094, %bitcast_convert_type3A_1076 : vector<16xf32>
        %max3A_1096 = arith.constant 0.000000e+00 : f32
        %max3A_1097 = vector.broadcast %max3A_1096 : f32 to vector<16xf32>
        %max3A_1098 = arith.maximumf %add3A_1095, %max3A_1097 : vector<16xf32>
        %mul3A_1099 = arith.constant 2 : i32
        %mul3A_1100 = arith.muli %mul3A_1099, %scan3A_814 : i32
        %swap3A_1101 = arith.index_cast %mul3A_1100 : i32 to index
        %swap3A_1102 = arith.constant 80 : index
        %swap3A_1103 = tpu.vector_load %arg15[%swap3A_1101, %swap3A_1102] {strides = array<i32>} : memref<80x128xf32, #tpu.memory_space<vmem>>, vector<1x16xf32>,
        %swap3A_1104 = vector.shape_cast %swap3A_1103 : vector<1x16xf32> to vector<16xf32>
        %swap3A_1105 = vector.shape_cast %max3A_1086 : vector<16xf32> to vector<1x16xf32>
        tpu.vector_store %arg15[%swap3A_1101, %swap3A_1102], %swap3A_1105 {strides = array<i32>} : memref<80x128xf32, #tpu.memory_space<vmem>>, vector<1x16xf32>,
        %mul3A_1106 = arith.constant 2 : i32
        %mul3A_1107 = arith.muli %mul3A_1106, %scan3A_814 : i32
        %add3A_1108 = arith.constant 1 : i32
        %add3A_1109 = arith.addi %mul3A_1107, %add3A_1108 : i32
        %swap3A_1110 = arith.index_cast %add3A_1109 : i32 to index
        %swap3A_1111 = arith.constant 80 : index
        %swap3A_1112 = tpu.vector_load %arg15[%swap3A_1110, %swap3A_1111] {strides = array<i32>} : memref<80x128xf32, #tpu.memory_space<vmem>>, vector<1x16xf32>,
        %swap3A_1113 = vector.shape_cast %swap3A_1112 : vector<1x16xf32> to vector<16xf32>
        %swap3A_1114 = vector.shape_cast %max3A_1098 : vector<16xf32> to vector<1x16xf32>
        tpu.vector_store %arg15[%swap3A_1110, %swap3A_1111], %swap3A_1114 {strides = array<i32>} : memref<80x128xf32, #tpu.memory_space<vmem>>, vector<1x16xf32>,
        %mul3A_1115 = arith.mulf %max3A_1086, %max3A_1086 : vector<16xf32>
        %add3A_1116 = arith.addf %scan3A_820, %mul3A_1115 : vector<16xf32>
        %mul3A_1117 = arith.mulf %max3A_1098, %max3A_1098 : vector<16xf32>
        %add3A_1118 = arith.addf %add3A_1116, %mul3A_1117 : vector<16xf32>
        %get3A_1119 = arith.index_cast %scan3A_814 : i32 to index
        %get3A_1120 = arith.constant 96 : index
        %get3A_1121 = tpu.vector_load %arg17[%get3A_1119, %get3A_1120] {strides = array<i32>} : memref<40x128xi32, #tpu.memory_space<vmem>>, vector<1x16xi32>,
        %get3A_1122 = vector.shape_cast %get3A_1121 : vector<1x16xi32> to vector<16xi32>
        %shift_left3A_1123 = arith.shli %get3A_1122, %broadcast_in_dim3A_656 : vector<16xi32>
        %bitcast_convert_type3A_1124 = tpu.bitcast %shift_left3A_1123 : vector<16xi32> -> vector<16xf32>
        %and3A_1125 = arith.andi %get3A_1122, %broadcast_in_dim3A_658 : vector<16xi32>
        %bitcast_convert_type3A_1126 = tpu.bitcast %and3A_1125 : vector<16xi32> -> vector<16xf32>
        %mul3A_1127 = arith.constant 2 : i32
        %mul3A_1128 = arith.muli %mul3A_1127, %scan3A_814 : i32
        %get3A_1129 = arith.index_cast %mul3A_1128 : i32 to index
        %get3A_1130 = arith.constant 96 : index
        %get3A_1131 = tpu.vector_load %arg15[%get3A_1129, %get3A_1130] {strides = array<i32>} : memref<80x128xf32, #tpu.memory_space<vmem>>, vector<1x16xf32>,
        %get3A_1132 = vector.shape_cast %get3A_1131 : vector<1x16xf32> to vector<16xf32>
        %add3A_1133 = arith.addf %get3A_1132, %bitcast_convert_type3A_1124 : vector<16xf32>
        %max3A_1134 = arith.constant 0.000000e+00 : f32
        %max3A_1135 = vector.broadcast %max3A_1134 : f32 to vector<16xf32>
        %max3A_1136 = arith.maximumf %add3A_1133, %max3A_1135 : vector<16xf32>
        %mul3A_1137 = arith.constant 2 : i32
        %mul3A_1138 = arith.muli %mul3A_1137, %scan3A_814 : i32
        %add3A_1139 = arith.constant 1 : i32
        %add3A_1140 = arith.addi %mul3A_1138, %add3A_1139 : i32
        %get3A_1141 = arith.index_cast %add3A_1140 : i32 to index
        %get3A_1142 = arith.constant 96 : index
        %get3A_1143 = tpu.vector_load %arg15[%get3A_1141, %get3A_1142] {strides = array<i32>} : memref<80x128xf32, #tpu.memory_space<vmem>>, vector<1x16xf32>,
        %get3A_1144 = vector.shape_cast %get3A_1143 : vector<1x16xf32> to vector<16xf32>
        %add3A_1145 = arith.addf %get3A_1144, %bitcast_convert_type3A_1126 : vector<16xf32>
        %max3A_1146 = arith.constant 0.000000e+00 : f32
        %max3A_1147 = vector.broadcast %max3A_1146 : f32 to vector<16xf32>
        %max3A_1148 = arith.maximumf %add3A_1145, %max3A_1147 : vector<16xf32>
        %mul3A_1149 = arith.constant 2 : i32
        %mul3A_1150 = arith.muli %mul3A_1149, %scan3A_814 : i32
        %swap3A_1151 = arith.index_cast %mul3A_1150 : i32 to index
        %swap3A_1152 = arith.constant 96 : index
        %swap3A_1153 = tpu.vector_load %arg15[%swap3A_1151, %swap3A_1152] {strides = array<i32>} : memref<80x128xf32, #tpu.memory_space<vmem>>, vector<1x16xf32>,
        %swap3A_1154 = vector.shape_cast %swap3A_1153 : vector<1x16xf32> to vector<16xf32>
        %swap3A_1155 = vector.shape_cast %max3A_1136 : vector<16xf32> to vector<1x16xf32>
        tpu.vector_store %arg15[%swap3A_1151, %swap3A_1152], %swap3A_1155 {strides = array<i32>} : memref<80x128xf32, #tpu.memory_space<vmem>>, vector<1x16xf32>,
        %mul3A_1156 = arith.constant 2 : i32
        %mul3A_1157 = arith.muli %mul3A_1156, %scan3A_814 : i32
        %add3A_1158 = arith.constant 1 : i32
        %add3A_1159 = arith.addi %mul3A_1157, %add3A_1158 : i32
        %swap3A_1160 = arith.index_cast %add3A_1159 : i32 to index
        %swap3A_1161 = arith.constant 96 : index
        %swap3A_1162 = tpu.vector_load %arg15[%swap3A_1160, %swap3A_1161] {strides = array<i32>} : memref<80x128xf32, #tpu.memory_space<vmem>>, vector<1x16xf32>,
        %swap3A_1163 = vector.shape_cast %swap3A_1162 : vector<1x16xf32> to vector<16xf32>
        %swap3A_1164 = vector.shape_cast %max3A_1148 : vector<16xf32> to vector<1x16xf32>
        tpu.vector_store %arg15[%swap3A_1160, %swap3A_1161], %swap3A_1164 {strides = array<i32>} : memref<80x128xf32, #tpu.memory_space<vmem>>, vector<1x16xf32>,
        %mul3A_1165 = arith.mulf %max3A_1136, %max3A_1136 : vector<16xf32>
        %add3A_1166 = arith.addf %scan3A_821, %mul3A_1165 : vector<16xf32>
        %mul3A_1167 = arith.mulf %max3A_1148, %max3A_1148 : vector<16xf32>
        %add3A_1168 = arith.addf %add3A_1166, %mul3A_1167 : vector<16xf32>
        %get3A_1169 = arith.index_cast %scan3A_814 : i32 to index
        %get3A_1170 = arith.constant 112 : index
        %get3A_1171 = tpu.vector_load %arg17[%get3A_1169, %get3A_1170] {strides = array<i32>} : memref<40x128xi32, #tpu.memory_space<vmem>>, vector<1x16xi32>,
        %get3A_1172 = vector.shape_cast %get3A_1171 : vector<1x16xi32> to vector<16xi32>
        %shift_left3A_1173 = arith.shli %get3A_1172, %broadcast_in_dim3A_656 : vector<16xi32>
        %bitcast_convert_type3A_1174 = tpu.bitcast %shift_left3A_1173 : vector<16xi32> -> vector<16xf32>
        %and3A_1175 = arith.andi %get3A_1172, %broadcast_in_dim3A_658 : vector<16xi32>
        %bitcast_convert_type3A_1176 = tpu.bitcast %and3A_1175 : vector<16xi32> -> vector<16xf32>
        %mul3A_1177 = arith.constant 2 : i32
        %mul3A_1178 = arith.muli %mul3A_1177, %scan3A_814 : i32
        %get3A_1179 = arith.index_cast %mul3A_1178 : i32 to index
        %get3A_1180 = arith.constant 112 : index
        %get3A_1181 = tpu.vector_load %arg15[%get3A_1179, %get3A_1180] {strides = array<i32>} : memref<80x128xf32, #tpu.memory_space<vmem>>, vector<1x16xf32>,
        %get3A_1182 = vector.shape_cast %get3A_1181 : vector<1x16xf32> to vector<16xf32>
        %add3A_1183 = arith.addf %get3A_1182, %bitcast_convert_type3A_1174 : vector<16xf32>
        %max3A_1184 = arith.constant 0.000000e+00 : f32
        %max3A_1185 = vector.broadcast %max3A_1184 : f32 to vector<16xf32>
        %max3A_1186 = arith.maximumf %add3A_1183, %max3A_1185 : vector<16xf32>
        %mul3A_1187 = arith.constant 2 : i32
        %mul3A_1188 = arith.muli %mul3A_1187, %scan3A_814 : i32
        %add3A_1189 = arith.constant 1 : i32
        %add3A_1190 = arith.addi %mul3A_1188, %add3A_1189 : i32
        %get3A_1191 = arith.index_cast %add3A_1190 : i32 to index
        %get3A_1192 = arith.constant 112 : index
        %get3A_1193 = tpu.vector_load %arg15[%get3A_1191, %get3A_1192] {strides = array<i32>} : memref<80x128xf32, #tpu.memory_space<vmem>>, vector<1x16xf32>,
        %get3A_1194 = vector.shape_cast %get3A_1193 : vector<1x16xf32> to vector<16xf32>
        %add3A_1195 = arith.addf %get3A_1194, %bitcast_convert_type3A_1176 : vector<16xf32>
        %max3A_1196 = arith.constant 0.000000e+00 : f32
        %max3A_1197 = vector.broadcast %max3A_1196 : f32 to vector<16xf32>
        %max3A_1198 = arith.maximumf %add3A_1195, %max3A_1197 : vector<16xf32>
        %mul3A_1199 = arith.constant 2 : i32
        %mul3A_1200 = arith.muli %mul3A_1199, %scan3A_814 : i32
        %swap3A_1201 = arith.index_cast %mul3A_1200 : i32 to index
        %swap3A_1202 = arith.constant 112 : index
        %swap3A_1203 = tpu.vector_load %arg15[%swap3A_1201, %swap3A_1202] {strides = array<i32>} : memref<80x128xf32, #tpu.memory_space<vmem>>, vector<1x16xf32>,
        %swap3A_1204 = vector.shape_cast %swap3A_1203 : vector<1x16xf32> to vector<16xf32>
        %swap3A_1205 = vector.shape_cast %max3A_1186 : vector<16xf32> to vector<1x16xf32>
        tpu.vector_store %arg15[%swap3A_1201, %swap3A_1202], %swap3A_1205 {strides = array<i32>} : memref<80x128xf32, #tpu.memory_space<vmem>>, vector<1x16xf32>,
        %mul3A_1206 = arith.constant 2 : i32
        %mul3A_1207 = arith.muli %mul3A_1206, %scan3A_814 : i32
        %add3A_1208 = arith.constant 1 : i32
        %add3A_1209 = arith.addi %mul3A_1207, %add3A_1208 : i32
        %swap3A_1210 = arith.index_cast %add3A_1209 : i32 to index
        %swap3A_1211 = arith.constant 112 : index
        %swap3A_1212 = tpu.vector_load %arg15[%swap3A_1210, %swap3A_1211] {strides = array<i32>} : memref<80x128xf32, #tpu.memory_space<vmem>>, vector<1x16xf32>,
        %swap3A_1213 = vector.shape_cast %swap3A_1212 : vector<1x16xf32> to vector<16xf32>
        %swap3A_1214 = vector.shape_cast %max3A_1198 : vector<16xf32> to vector<1x16xf32>
        tpu.vector_store %arg15[%swap3A_1210, %swap3A_1211], %swap3A_1214 {strides = array<i32>} : memref<80x128xf32, #tpu.memory_space<vmem>>, vector<1x16xf32>,
        %mul3A_1215 = arith.mulf %max3A_1186, %max3A_1186 : vector<16xf32>
        %add3A_1216 = arith.addf %scan3A_822, %mul3A_1215 : vector<16xf32>
        %mul3A_1217 = arith.mulf %max3A_1198, %max3A_1198 : vector<16xf32>
        %add3A_1218 = arith.addf %add3A_1216, %mul3A_1217 : vector<16xf32>
        scf.yield %add3A_868, %add3A_918, %add3A_968, %add3A_1018, %add3A_1068, %add3A_1118, %add3A_1168, %add3A_1218 : vector<16xf32>, vector<16xf32>, vector<16xf32>, vector<16xf32>, vector<16xf32>, vector<16xf32>, vector<16xf32>, vector<16xf32>
      }
      %scan3A_664 = arith.constant 40 : i32
      %dma_start3A_665 = arith.constant 0 : i32
      %dma_start3A_666 = arith.constant 0 : i32
      %dma_start3A_667 = tpu.memref_slice %arg21[%dma_start3A_665, %dma_start3A_666] : memref<10240x128xf32, #tpu.memory_space<vmem_shared>> -> memref<10240x128xf32, #tpu.memory_space<vmem_shared>>
      tpu.enqueue_indirect_dma source(%arg15 : memref<80x128xf32, #tpu.memory_space<vmem>>) target(%dma_start3A_667 : memref<10240x128xf32, #tpu.memory_space<vmem_shared>>) offsets(%arg13 : memref<80xi32, #tpu.memory_space<vmem>>) semaphore(%arg27 : memref<!tpu.dma_semaphore, #tpu.memory_space<semaphore_mem>>) {add = true}
      %dma_start3A_668 = arith.constant 0 : i32
      %dma_start3A_669 = tpu.memref_slice %arg22[%dma_start3A_668] : memref<10240xf32, #tpu.memory_space<vmem_shared>> -> memref<10240xf32, #tpu.memory_space<vmem_shared>>
      tpu.enqueue_indirect_dma source(%arg19 : memref<80xf32, #tpu.memory_space<vmem>>) target(%dma_start3A_669 : memref<10240xf32, #tpu.memory_space<vmem_shared>>) offsets(%arg13 : memref<80xi32, #tpu.memory_space<vmem>>) semaphore(%arg27 : memref<!tpu.dma_semaphore, #tpu.memory_space<semaphore_mem>>) {add = true}
      %add3A_670 = arith.constant 2 : i32
      %add3A_671 = arith.addi %add3A_611, %add3A_670 : i32
      %min3A_672 = arith.constant 124 : i32
      %min3A_673 = arith.minsi %add3A_671, %min3A_672 : i32
      %mul3A_674 = arith.constant 32 : i32
      %mul3A_675 = arith.muli %mul3A_674, %min3A_673 : i32
      %add3A_676 = arith.addi %add3A, %mul3A_675 : i32
      %mul3A_677 = arith.constant 80 : i32
      %mul3A_678 = arith.muli %add3A_676, %mul3A_677 : i32
      %jit3A_679 = arith.constant 2 : i32
      %div3A_680 = arith.divsi %mul3A_678, %jit3A_679 : i32
      %sign3A_681 = arith.constant 0 : i32
      %sign3A_682 = arith.cmpi sgt, %mul3A_678, %sign3A_681 : i32
      %sign3A_683 = arith.extui %sign3A_682 : i1 to i32
      %sign3A_684 = arith.constant 0 : i32
      %sign3A_685 = arith.cmpi slt, %mul3A_678, %sign3A_684 : i32
      %sign3A_686 = arith.extui %sign3A_685 : i1 to i32
      %sign3A_687 = arith.subi %sign3A_683, %sign3A_686 : i32
      %sign3A_688 = arith.constant 0 : i32
      %sign3A_689 = arith.cmpi sgt, %jit3A_679, %sign3A_688 : i32
      %sign3A_690 = arith.extui %sign3A_689 : i1 to i32
      %sign3A_691 = arith.constant 0 : i32
      %sign3A_692 = arith.cmpi slt, %jit3A_679, %sign3A_691 : i32
      %sign3A_693 = arith.extui %sign3A_692 : i1 to i32
      %sign3A_694 = arith.subi %sign3A_690, %sign3A_693 : i32
      %ne3A_695 = arith.cmpi ne, %sign3A_687, %sign3A_694 : i32
      %rem3A_696 = arith.remsi %mul3A_678, %jit3A_679 : i32
      %ne3A_697 = arith.constant 0 : i32
      %ne3A_698 = arith.cmpi ne, %rem3A_696, %ne3A_697 : i32
      %and3A_699 = arith.andi %ne3A_695, %ne3A_698 : i1
      %sub3A_700 = arith.constant 1 : i32
      %sub3A_701 = arith.subi %div3A_680, %sub3A_700 : i32
      %select_n3A_702 = arith.select %and3A_699, %sub3A_701, %div3A_680 : i32
      %multiple_of3A_703 = tpu.assume_multiple %select_n3A_702, 8 : i32
      %dma_start3A_704 = tpu.memref_slice %arg3[%mul3A_678] : memref<320000xi32, #tpu.memory_space<hbm>> -> memref<80xi32, #tpu.memory_space<hbm>>
      %dma_start3A_705 = tpu.memref_slice %arg3[%mul3A_678] : memref<320000xi32, #tpu.memory_space<hbm>> -> memref<80xi32, #tpu.memory_space<hbm>>
      tpu.enqueue_dma source(%dma_start3A_705 : memref<80xi32, #tpu.memory_space<hbm>>) target(%arg9 : memref<80xi32, #tpu.memory_space<vmem>>) target_semaphore(%arg23 : memref<!tpu.dma_semaphore, #tpu.memory_space<semaphore_mem>>)
      %dma_start3A_706 = tpu.memref_slice %arg4[%mul3A_678] : memref<320000xi32, #tpu.memory_space<hbm>> -> memref<80xi32, #tpu.memory_space<hbm>>
      %dma_start3A_707 = tpu.memref_slice %arg4[%mul3A_678] : memref<320000xi32, #tpu.memory_space<hbm>> -> memref<80xi32, #tpu.memory_space<hbm>>
      tpu.enqueue_dma source(%dma_start3A_707 : memref<80xi32, #tpu.memory_space<hbm>>) target(%arg11 : memref<80xi32, #tpu.memory_space<vmem>>) target_semaphore(%arg23 : memref<!tpu.dma_semaphore, #tpu.memory_space<semaphore_mem>>)
      %dma_start3A_708 = arith.constant 0 : i32
      %dma_start3A_709 = tpu.memref_slice %arg5[%multiple_of3A_703, %dma_start3A_708] : memref<160000x128xi32, #tpu.memory_space<hbm>> -> memref<40x128xi32, #tpu.memory_space<hbm>>
      %dma_start3A_710 = arith.constant 0 : i32
      %dma_start3A_711 = tpu.memref_slice %arg5[%multiple_of3A_703, %dma_start3A_710] : memref<160000x128xi32, #tpu.memory_space<hbm>> -> memref<40x128xi32, #tpu.memory_space<hbm>>
      tpu.enqueue_dma source(%dma_start3A_711 : memref<40x128xi32, #tpu.memory_space<hbm>>) target(%arg17 : memref<40x128xi32, #tpu.memory_space<vmem>>) target_semaphore(%arg23 : memref<!tpu.dma_semaphore, #tpu.memory_space<semaphore_mem>>)
      %add3A_712 = arith.constant 3 : i32
      %add3A_713 = arith.addi %mul3A_405, %add3A_712 : i32
      %dma_wait3A_714 = arith.constant 0 : i32
      %dma_wait3A_715 = tpu.memref_slice %arg3[%dma_wait3A_714] : memref<320000xi32, #tpu.memory_space<hbm>> -> memref<80xi32, #tpu.memory_space<hbm>>
      %dma_wait3A_716 = arith.constant 0 : i32
      %dma_wait3A_717 = tpu.memref_slice %arg3[%dma_wait3A_716] : memref<320000xi32, #tpu.memory_space<hbm>> -> memref<80xi32, #tpu.memory_space<hbm>>
      tpu.wait_dma2 semaphore(%arg23 : memref<!tpu.dma_semaphore, #tpu.memory_space<semaphore_mem>>) src(%dma_wait3A_717 : memref<80xi32, #tpu.memory_space<hbm>>) dst(%arg9 : memref<80xi32, #tpu.memory_space<vmem>>)
      %dma_wait3A_718 = arith.constant 0 : i32
      %dma_wait3A_719 = tpu.memref_slice %arg4[%dma_wait3A_718] : memref<320000xi32, #tpu.memory_space<hbm>> -> memref<80xi32, #tpu.memory_space<hbm>>
      %dma_wait3A_720 = arith.constant 0 : i32
      %dma_wait3A_721 = tpu.memref_slice %arg4[%dma_wait3A_720] : memref<320000xi32, #tpu.memory_space<hbm>> -> memref<80xi32, #tpu.memory_space<hbm>>
      tpu.wait_dma2 semaphore(%arg23 : memref<!tpu.dma_semaphore, #tpu.memory_space<semaphore_mem>>) src(%dma_wait3A_721 : memref<80xi32, #tpu.memory_space<hbm>>) dst(%arg11 : memref<80xi32, #tpu.memory_space<vmem>>)
      %dma_wait3A_722 = arith.constant 0 : i32
      %dma_wait3A_723 = arith.constant 0 : i32
      %dma_wait3A_724 = tpu.memref_slice %arg5[%dma_wait3A_722, %dma_wait3A_723] : memref<160000x128xi32, #tpu.memory_space<hbm>> -> memref<40x128xi32, #tpu.memory_space<hbm>>
      %dma_wait3A_725 = arith.constant 0 : i32
      %dma_wait3A_726 = arith.constant 0 : i32
      %dma_wait3A_727 = tpu.memref_slice %arg5[%dma_wait3A_725, %dma_wait3A_726] : memref<160000x128xi32, #tpu.memory_space<hbm>> -> memref<40x128xi32, #tpu.memory_space<hbm>>
      tpu.wait_dma2 semaphore(%arg23 : memref<!tpu.dma_semaphore, #tpu.memory_space<semaphore_mem>>) src(%dma_wait3A_727 : memref<40x128xi32, #tpu.memory_space<hbm>>) dst(%arg17 : memref<40x128xi32, #tpu.memory_space<vmem>>)
      %dma_wait3A_728 = arith.constant 0 : i32
      %dma_wait3A_729 = arith.constant 0 : i32
      %dma_wait3A_730 = arith.constant 0 : i32
      %dma_wait3A_731 = tpu.memref_slice %arg6[%dma_wait3A_728, %dma_wait3A_729, %dma_wait3A_730] : memref<2x10240x128xf32, #tpu.memory_space<hbm>> -> memref<1x80x128xf32, #tpu.memory_space<hbm>>
      %dma_wait3A_732 = tpu.memref_squeeze %dma_wait3A_731 : memref<1x80x128xf32, #tpu.memory_space<hbm>> -> memref<80x128xf32, #tpu.memory_space<hbm>>
      %dma_wait3A_733 = arith.constant 0 : i32
      %dma_wait3A_734 = arith.constant 0 : i32
      %dma_wait3A_735 = tpu.memref_slice %arg6[%dma_wait3A_728, %dma_wait3A_733, %dma_wait3A_734] : memref<2x10240x128xf32, #tpu.memory_space<hbm>> -> memref<1x80x128xf32, #tpu.memory_space<hbm>>
      %dma_wait3A_736 = tpu.memref_squeeze %dma_wait3A_735 : memref<1x80x128xf32, #tpu.memory_space<hbm>> -> memref<80x128xf32, #tpu.memory_space<hbm>>
      tpu.wait_dma2 semaphore(%arg27 : memref<!tpu.dma_semaphore, #tpu.memory_space<semaphore_mem>>) src(%dma_wait3A_736 : memref<80x128xf32, #tpu.memory_space<hbm>>) dst(%arg15 : memref<80x128xf32, #tpu.memory_space<vmem>>)
      %dma_wait3A_737 = arith.constant 0 : i32
      %dma_wait3A_738 = arith.constant 0 : i32
      %dma_wait3A_739 = arith.constant 0 : i32
      %dma_wait3A_740 = tpu.memref_slice %arg6[%dma_wait3A_737, %dma_wait3A_738, %dma_wait3A_739] : memref<2x10240x128xf32, #tpu.memory_space<hbm>> -> memref<1x1x80xf32, #tpu.memory_space<hbm>>
      %dma_wait3A_741 = tpu.memref_squeeze %dma_wait3A_740 : memref<1x1x80xf32, #tpu.memory_space<hbm>> -> memref<80xf32, #tpu.memory_space<hbm>>
      %dma_wait3A_742 = arith.constant 0 : i32
      %dma_wait3A_743 = tpu.memref_slice %arg6[%dma_wait3A_737, %dma_wait3A_738, %dma_wait3A_742] : memref<2x10240x128xf32, #tpu.memory_space<hbm>> -> memref<1x1x80xf32, #tpu.memory_space<hbm>>
      %dma_wait3A_744 = tpu.memref_squeeze %dma_wait3A_743 : memref<1x1x80xf32, #tpu.memory_space<hbm>> -> memref<80xf32, #tpu.memory_space<hbm>>
      tpu.wait_dma2 semaphore(%arg27 : memref<!tpu.dma_semaphore, #tpu.memory_space<semaphore_mem>>) src(%dma_wait3A_744 : memref<80xf32, #tpu.memory_space<hbm>>) dst(%arg19 : memref<80xf32, #tpu.memory_space<vmem>>)
      %dma_start3A_745 = arith.constant 0 : i32
      %dma_start3A_746 = arith.constant 0 : i32
      %dma_start3A_747 = tpu.memref_slice %arg2[%dma_start3A_745, %dma_start3A_746] : memref<10000x128xf32, #tpu.memory_space<hbm>> -> memref<10000x128xf32, #tpu.memory_space<hbm>>
      tpu.enqueue_indirect_dma source(%dma_start3A_747 : memref<10000x128xf32, #tpu.memory_space<hbm>>) target(%arg15 : memref<80x128xf32, #tpu.memory_space<vmem>>) offsets(%arg9 : memref<80xi32, #tpu.memory_space<vmem>>) semaphore(%arg25 : memref<!tpu.dma_semaphore, #tpu.memory_space<semaphore_mem>>)
      %dma_wait3A_748 = arith.constant 0 : i32
      %dma_wait3A_749 = arith.constant 0 : i32
      %dma_wait3A_750 = arith.constant 0 : i32
      %dma_wait3A_751 = tpu.memref_slice %arg6[%dma_wait3A_748, %dma_wait3A_749, %dma_wait3A_750] : memref<2x10240x128xf32, #tpu.memory_space<hbm>> -> memref<1x80x128xf32, #tpu.memory_space<hbm>>
      %dma_wait3A_752 = tpu.memref_squeeze %dma_wait3A_751 : memref<1x80x128xf32, #tpu.memory_space<hbm>> -> memref<80x128xf32, #tpu.memory_space<hbm>>
      %dma_wait3A_753 = arith.constant 0 : i32
      %dma_wait3A_754 = arith.constant 0 : i32
      %dma_wait3A_755 = tpu.memref_slice %arg6[%dma_wait3A_748, %dma_wait3A_753, %dma_wait3A_754] : memref<2x10240x128xf32, #tpu.memory_space<hbm>> -> memref<1x80x128xf32, #tpu.memory_space<hbm>>
      %dma_wait3A_756 = tpu.memref_squeeze %dma_wait3A_755 : memref<1x80x128xf32, #tpu.memory_space<hbm>> -> memref<80x128xf32, #tpu.memory_space<hbm>>
      tpu.wait_dma2 semaphore(%arg26 : memref<!tpu.dma_semaphore, #tpu.memory_space<semaphore_mem>>) src(%dma_wait3A_756 : memref<80x128xf32, #tpu.memory_space<hbm>>) dst(%arg16 : memref<80x128xf32, #tpu.memory_space<vmem>>)
      %broadcast_in_dim3A_757 = arith.constant 16 : i32
      %broadcast_in_dim3A_758 = vector.broadcast %broadcast_in_dim3A_757 : i32 to vector<16xi32>
      %broadcast_in_dim3A_759 = arith.constant -65536 : i32
      %broadcast_in_dim3A_760 = vector.broadcast %broadcast_in_dim3A_759 : i32 to vector<16xi32>
      %scan3A_761 = arith.constant 0 : i32
      %scan3A_762 = arith.constant 40 : i32
      %scan3A_763 = arith.addi %scan3A_761, %scan3A_762 : i32
      %scan3A_764 = arith.constant 1 : i32
      %scan3A_765:8 = scf.for %scan3A_814 = %scan3A_761 to %scan3A_763 step %scan3A_764 iter_args(%scan3A_815 = %scan3A_663#0, %scan3A_816 = %scan3A_663#1, %scan3A_817 = %scan3A_663#2, %scan3A_818 = %scan3A_663#3, %scan3A_819 = %scan3A_663#4, %scan3A_820 = %scan3A_663#5, %scan3A_821 = %scan3A_663#6, %scan3A_822 = %scan3A_663#7) -> (vector<16xf32>, vector<16xf32>, vector<16xf32>, vector<16xf32>, vector<16xf32>, vector<16xf32>, vector<16xf32>, vector<16xf32>)  : i32 {
        %get3A = arith.index_cast %scan3A_814 : i32 to index
        %get3A_823 = arith.constant 0 : index
        %get3A_824 = tpu.vector_load %arg18[%get3A, %get3A_823] {strides = array<i32>} : memref<40x128xi32, #tpu.memory_space<vmem>>, vector<1x16xi32>,
        %get3A_825 = vector.shape_cast %get3A_824 : vector<1x16xi32> to vector<16xi32>
        %shift_left3A = arith.shli %get3A_825, %broadcast_in_dim3A_758 : vector<16xi32>
        %bitcast_convert_type3A = tpu.bitcast %shift_left3A : vector<16xi32> -> vector<16xf32>
        %and3A_826 = arith.andi %get3A_825, %broadcast_in_dim3A_760 : vector<16xi32>
        %bitcast_convert_type3A_827 = tpu.bitcast %and3A_826 : vector<16xi32> -> vector<16xf32>
        %mul3A_828 = arith.constant 2 : i32
        %mul3A_829 = arith.muli %mul3A_828, %scan3A_814 : i32
        %get3A_830 = arith.index_cast %mul3A_829 : i32 to index
        %get3A_831 = arith.constant 0 : index
        %get3A_832 = tpu.vector_load %arg16[%get3A_830, %get3A_831] {strides = array<i32>} : memref<80x128xf32, #tpu.memory_space<vmem>>, vector<1x16xf32>,
        %get3A_833 = vector.shape_cast %get3A_832 : vector<1x16xf32> to vector<16xf32>
        %add3A_834 = arith.addf %get3A_833, %bitcast_convert_type3A : vector<16xf32>
        %max3A = arith.constant 0.000000e+00 : f32
        %max3A_835 = vector.broadcast %max3A : f32 to vector<16xf32>
        %max3A_836 = arith.maximumf %add3A_834, %max3A_835 : vector<16xf32>
        %mul3A_837 = arith.constant 2 : i32
        %mul3A_838 = arith.muli %mul3A_837, %scan3A_814 : i32
        %add3A_839 = arith.constant 1 : i32
        %add3A_840 = arith.addi %mul3A_838, %add3A_839 : i32
        %get3A_841 = arith.index_cast %add3A_840 : i32 to index
        %get3A_842 = arith.constant 0 : index
        %get3A_843 = tpu.vector_load %arg16[%get3A_841, %get3A_842] {strides = array<i32>} : memref<80x128xf32, #tpu.memory_space<vmem>>, vector<1x16xf32>,
        %get3A_844 = vector.shape_cast %get3A_843 : vector<1x16xf32> to vector<16xf32>
        %add3A_845 = arith.addf %get3A_844, %bitcast_convert_type3A_827 : vector<16xf32>
        %max3A_846 = arith.constant 0.000000e+00 : f32
        %max3A_847 = vector.broadcast %max3A_846 : f32 to vector<16xf32>
        %max3A_848 = arith.maximumf %add3A_845, %max3A_847 : vector<16xf32>
        %mul3A_849 = arith.constant 2 : i32
        %mul3A_850 = arith.muli %mul3A_849, %scan3A_814 : i32
        %swap3A_851 = arith.index_cast %mul3A_850 : i32 to index
        %swap3A_852 = arith.constant 0 : index
        %swap3A_853 = tpu.vector_load %arg16[%swap3A_851, %swap3A_852] {strides = array<i32>} : memref<80x128xf32, #tpu.memory_space<vmem>>, vector<1x16xf32>,
        %swap3A_854 = vector.shape_cast %swap3A_853 : vector<1x16xf32> to vector<16xf32>
        %swap3A_855 = vector.shape_cast %max3A_836 : vector<16xf32> to vector<1x16xf32>
        tpu.vector_store %arg16[%swap3A_851, %swap3A_852], %swap3A_855 {strides = array<i32>} : memref<80x128xf32, #tpu.memory_space<vmem>>, vector<1x16xf32>,
        %mul3A_856 = arith.constant 2 : i32
        %mul3A_857 = arith.muli %mul3A_856, %scan3A_814 : i32
        %add3A_858 = arith.constant 1 : i32
        %add3A_859 = arith.addi %mul3A_857, %add3A_858 : i32
        %swap3A_860 = arith.index_cast %add3A_859 : i32 to index
        %swap3A_861 = arith.constant 0 : index
        %swap3A_862 = tpu.vector_load %arg16[%swap3A_860, %swap3A_861] {strides = array<i32>} : memref<80x128xf32, #tpu.memory_space<vmem>>, vector<1x16xf32>,
        %swap3A_863 = vector.shape_cast %swap3A_862 : vector<1x16xf32> to vector<16xf32>
        %swap3A_864 = vector.shape_cast %max3A_848 : vector<16xf32> to vector<1x16xf32>
        tpu.vector_store %arg16[%swap3A_860, %swap3A_861], %swap3A_864 {strides = array<i32>} : memref<80x128xf32, #tpu.memory_space<vmem>>, vector<1x16xf32>,
        %mul3A_865 = arith.mulf %max3A_836, %max3A_836 : vector<16xf32>
        %add3A_866 = arith.addf %scan3A_815, %mul3A_865 : vector<16xf32>
        %mul3A_867 = arith.mulf %max3A_848, %max3A_848 : vector<16xf32>
        %add3A_868 = arith.addf %add3A_866, %mul3A_867 : vector<16xf32>
        %get3A_869 = arith.index_cast %scan3A_814 : i32 to index
        %get3A_870 = arith.constant 16 : index
        %get3A_871 = tpu.vector_load %arg18[%get3A_869, %get3A_870] {strides = array<i32>} : memref<40x128xi32, #tpu.memory_space<vmem>>, vector<1x16xi32>,
        %get3A_872 = vector.shape_cast %get3A_871 : vector<1x16xi32> to vector<16xi32>
        %shift_left3A_873 = arith.shli %get3A_872, %broadcast_in_dim3A_758 : vector<16xi32>
        %bitcast_convert_type3A_874 = tpu.bitcast %shift_left3A_873 : vector<16xi32> -> vector<16xf32>
        %and3A_875 = arith.andi %get3A_872, %broadcast_in_dim3A_760 : vector<16xi32>
        %bitcast_convert_type3A_876 = tpu.bitcast %and3A_875 : vector<16xi32> -> vector<16xf32>
        %mul3A_877 = arith.constant 2 : i32
        %mul3A_878 = arith.muli %mul3A_877, %scan3A_814 : i32
        %get3A_879 = arith.index_cast %mul3A_878 : i32 to index
        %get3A_880 = arith.constant 16 : index
        %get3A_881 = tpu.vector_load %arg16[%get3A_879, %get3A_880] {strides = array<i32>} : memref<80x128xf32, #tpu.memory_space<vmem>>, vector<1x16xf32>,
        %get3A_882 = vector.shape_cast %get3A_881 : vector<1x16xf32> to vector<16xf32>
        %add3A_883 = arith.addf %get3A_882, %bitcast_convert_type3A_874 : vector<16xf32>
        %max3A_884 = arith.constant 0.000000e+00 : f32
        %max3A_885 = vector.broadcast %max3A_884 : f32 to vector<16xf32>
        %max3A_886 = arith.maximumf %add3A_883, %max3A_885 : vector<16xf32>
        %mul3A_887 = arith.constant 2 : i32
        %mul3A_888 = arith.muli %mul3A_887, %scan3A_814 : i32
        %add3A_889 = arith.constant 1 : i32
        %add3A_890 = arith.addi %mul3A_888, %add3A_889 : i32
        %get3A_891 = arith.index_cast %add3A_890 : i32 to index
        %get3A_892 = arith.constant 16 : index
        %get3A_893 = tpu.vector_load %arg16[%get3A_891, %get3A_892] {strides = array<i32>} : memref<80x128xf32, #tpu.memory_space<vmem>>, vector<1x16xf32>,
        %get3A_894 = vector.shape_cast %get3A_893 : vector<1x16xf32> to vector<16xf32>
        %add3A_895 = arith.addf %get3A_894, %bitcast_convert_type3A_876 : vector<16xf32>
        %max3A_896 = arith.constant 0.000000e+00 : f32
        %max3A_897 = vector.broadcast %max3A_896 : f32 to vector<16xf32>
        %max3A_898 = arith.maximumf %add3A_895, %max3A_897 : vector<16xf32>
        %mul3A_899 = arith.constant 2 : i32
        %mul3A_900 = arith.muli %mul3A_899, %scan3A_814 : i32
        %swap3A_901 = arith.index_cast %mul3A_900 : i32 to index
        %swap3A_902 = arith.constant 16 : index
        %swap3A_903 = tpu.vector_load %arg16[%swap3A_901, %swap3A_902] {strides = array<i32>} : memref<80x128xf32, #tpu.memory_space<vmem>>, vector<1x16xf32>,
        %swap3A_904 = vector.shape_cast %swap3A_903 : vector<1x16xf32> to vector<16xf32>
        %swap3A_905 = vector.shape_cast %max3A_886 : vector<16xf32> to vector<1x16xf32>
        tpu.vector_store %arg16[%swap3A_901, %swap3A_902], %swap3A_905 {strides = array<i32>} : memref<80x128xf32, #tpu.memory_space<vmem>>, vector<1x16xf32>,
        %mul3A_906 = arith.constant 2 : i32
        %mul3A_907 = arith.muli %mul3A_906, %scan3A_814 : i32
        %add3A_908 = arith.constant 1 : i32
        %add3A_909 = arith.addi %mul3A_907, %add3A_908 : i32
        %swap3A_910 = arith.index_cast %add3A_909 : i32 to index
        %swap3A_911 = arith.constant 16 : index
        %swap3A_912 = tpu.vector_load %arg16[%swap3A_910, %swap3A_911] {strides = array<i32>} : memref<80x128xf32, #tpu.memory_space<vmem>>, vector<1x16xf32>,
        %swap3A_913 = vector.shape_cast %swap3A_912 : vector<1x16xf32> to vector<16xf32>
        %swap3A_914 = vector.shape_cast %max3A_898 : vector<16xf32> to vector<1x16xf32>
        tpu.vector_store %arg16[%swap3A_910, %swap3A_911], %swap3A_914 {strides = array<i32>} : memref<80x128xf32, #tpu.memory_space<vmem>>, vector<1x16xf32>,
        %mul3A_915 = arith.mulf %max3A_886, %max3A_886 : vector<16xf32>
        %add3A_916 = arith.addf %scan3A_816, %mul3A_915 : vector<16xf32>
        %mul3A_917 = arith.mulf %max3A_898, %max3A_898 : vector<16xf32>
        %add3A_918 = arith.addf %add3A_916, %mul3A_917 : vector<16xf32>
        %get3A_919 = arith.index_cast %scan3A_814 : i32 to index
        %get3A_920 = arith.constant 32 : index
        %get3A_921 = tpu.vector_load %arg18[%get3A_919, %get3A_920] {strides = array<i32>} : memref<40x128xi32, #tpu.memory_space<vmem>>, vector<1x16xi32>,
        %get3A_922 = vector.shape_cast %get3A_921 : vector<1x16xi32> to vector<16xi32>
        %shift_left3A_923 = arith.shli %get3A_922, %broadcast_in_dim3A_758 : vector<16xi32>
        %bitcast_convert_type3A_924 = tpu.bitcast %shift_left3A_923 : vector<16xi32> -> vector<16xf32>
        %and3A_925 = arith.andi %get3A_922, %broadcast_in_dim3A_760 : vector<16xi32>
        %bitcast_convert_type3A_926 = tpu.bitcast %and3A_925 : vector<16xi32> -> vector<16xf32>
        %mul3A_927 = arith.constant 2 : i32
        %mul3A_928 = arith.muli %mul3A_927, %scan3A_814 : i32
        %get3A_929 = arith.index_cast %mul3A_928 : i32 to index
        %get3A_930 = arith.constant 32 : index
        %get3A_931 = tpu.vector_load %arg16[%get3A_929, %get3A_930] {strides = array<i32>} : memref<80x128xf32, #tpu.memory_space<vmem>>, vector<1x16xf32>,
        %get3A_932 = vector.shape_cast %get3A_931 : vector<1x16xf32> to vector<16xf32>
        %add3A_933 = arith.addf %get3A_932, %bitcast_convert_type3A_924 : vector<16xf32>
        %max3A_934 = arith.constant 0.000000e+00 : f32
        %max3A_935 = vector.broadcast %max3A_934 : f32 to vector<16xf32>
        %max3A_936 = arith.maximumf %add3A_933, %max3A_935 : vector<16xf32>
        %mul3A_937 = arith.constant 2 : i32
        %mul3A_938 = arith.muli %mul3A_937, %scan3A_814 : i32
        %add3A_939 = arith.constant 1 : i32
        %add3A_940 = arith.addi %mul3A_938, %add3A_939 : i32
        %get3A_941 = arith.index_cast %add3A_940 : i32 to index
        %get3A_942 = arith.constant 32 : index
        %get3A_943 = tpu.vector_load %arg16[%get3A_941, %get3A_942] {strides = array<i32>} : memref<80x128xf32, #tpu.memory_space<vmem>>, vector<1x16xf32>,
        %get3A_944 = vector.shape_cast %get3A_943 : vector<1x16xf32> to vector<16xf32>
        %add3A_945 = arith.addf %get3A_944, %bitcast_convert_type3A_926 : vector<16xf32>
        %max3A_946 = arith.constant 0.000000e+00 : f32
        %max3A_947 = vector.broadcast %max3A_946 : f32 to vector<16xf32>
        %max3A_948 = arith.maximumf %add3A_945, %max3A_947 : vector<16xf32>
        %mul3A_949 = arith.constant 2 : i32
        %mul3A_950 = arith.muli %mul3A_949, %scan3A_814 : i32
        %swap3A_951 = arith.index_cast %mul3A_950 : i32 to index
        %swap3A_952 = arith.constant 32 : index
        %swap3A_953 = tpu.vector_load %arg16[%swap3A_951, %swap3A_952] {strides = array<i32>} : memref<80x128xf32, #tpu.memory_space<vmem>>, vector<1x16xf32>,
        %swap3A_954 = vector.shape_cast %swap3A_953 : vector<1x16xf32> to vector<16xf32>
        %swap3A_955 = vector.shape_cast %max3A_936 : vector<16xf32> to vector<1x16xf32>
        tpu.vector_store %arg16[%swap3A_951, %swap3A_952], %swap3A_955 {strides = array<i32>} : memref<80x128xf32, #tpu.memory_space<vmem>>, vector<1x16xf32>,
        %mul3A_956 = arith.constant 2 : i32
        %mul3A_957 = arith.muli %mul3A_956, %scan3A_814 : i32
        %add3A_958 = arith.constant 1 : i32
        %add3A_959 = arith.addi %mul3A_957, %add3A_958 : i32
        %swap3A_960 = arith.index_cast %add3A_959 : i32 to index
        %swap3A_961 = arith.constant 32 : index
        %swap3A_962 = tpu.vector_load %arg16[%swap3A_960, %swap3A_961] {strides = array<i32>} : memref<80x128xf32, #tpu.memory_space<vmem>>, vector<1x16xf32>,
        %swap3A_963 = vector.shape_cast %swap3A_962 : vector<1x16xf32> to vector<16xf32>
        %swap3A_964 = vector.shape_cast %max3A_948 : vector<16xf32> to vector<1x16xf32>
        tpu.vector_store %arg16[%swap3A_960, %swap3A_961], %swap3A_964 {strides = array<i32>} : memref<80x128xf32, #tpu.memory_space<vmem>>, vector<1x16xf32>,
        %mul3A_965 = arith.mulf %max3A_936, %max3A_936 : vector<16xf32>
        %add3A_966 = arith.addf %scan3A_817, %mul3A_965 : vector<16xf32>
        %mul3A_967 = arith.mulf %max3A_948, %max3A_948 : vector<16xf32>
        %add3A_968 = arith.addf %add3A_966, %mul3A_967 : vector<16xf32>
        %get3A_969 = arith.index_cast %scan3A_814 : i32 to index
        %get3A_970 = arith.constant 48 : index
        %get3A_971 = tpu.vector_load %arg18[%get3A_969, %get3A_970] {strides = array<i32>} : memref<40x128xi32, #tpu.memory_space<vmem>>, vector<1x16xi32>,
        %get3A_972 = vector.shape_cast %get3A_971 : vector<1x16xi32> to vector<16xi32>
        %shift_left3A_973 = arith.shli %get3A_972, %broadcast_in_dim3A_758 : vector<16xi32>
        %bitcast_convert_type3A_974 = tpu.bitcast %shift_left3A_973 : vector<16xi32> -> vector<16xf32>
        %and3A_975 = arith.andi %get3A_972, %broadcast_in_dim3A_760 : vector<16xi32>
        %bitcast_convert_type3A_976 = tpu.bitcast %and3A_975 : vector<16xi32> -> vector<16xf32>
        %mul3A_977 = arith.constant 2 : i32
        %mul3A_978 = arith.muli %mul3A_977, %scan3A_814 : i32
        %get3A_979 = arith.index_cast %mul3A_978 : i32 to index
        %get3A_980 = arith.constant 48 : index
        %get3A_981 = tpu.vector_load %arg16[%get3A_979, %get3A_980] {strides = array<i32>} : memref<80x128xf32, #tpu.memory_space<vmem>>, vector<1x16xf32>,
        %get3A_982 = vector.shape_cast %get3A_981 : vector<1x16xf32> to vector<16xf32>
        %add3A_983 = arith.addf %get3A_982, %bitcast_convert_type3A_974 : vector<16xf32>
        %max3A_984 = arith.constant 0.000000e+00 : f32
        %max3A_985 = vector.broadcast %max3A_984 : f32 to vector<16xf32>
        %max3A_986 = arith.maximumf %add3A_983, %max3A_985 : vector<16xf32>
        %mul3A_987 = arith.constant 2 : i32
        %mul3A_988 = arith.muli %mul3A_987, %scan3A_814 : i32
        %add3A_989 = arith.constant 1 : i32
        %add3A_990 = arith.addi %mul3A_988, %add3A_989 : i32
        %get3A_991 = arith.index_cast %add3A_990 : i32 to index
        %get3A_992 = arith.constant 48 : index
        %get3A_993 = tpu.vector_load %arg16[%get3A_991, %get3A_992] {strides = array<i32>} : memref<80x128xf32, #tpu.memory_space<vmem>>, vector<1x16xf32>,
        %get3A_994 = vector.shape_cast %get3A_993 : vector<1x16xf32> to vector<16xf32>
        %add3A_995 = arith.addf %get3A_994, %bitcast_convert_type3A_976 : vector<16xf32>
        %max3A_996 = arith.constant 0.000000e+00 : f32
        %max3A_997 = vector.broadcast %max3A_996 : f32 to vector<16xf32>
        %max3A_998 = arith.maximumf %add3A_995, %max3A_997 : vector<16xf32>
        %mul3A_999 = arith.constant 2 : i32
        %mul3A_1000 = arith.muli %mul3A_999, %scan3A_814 : i32
        %swap3A_1001 = arith.index_cast %mul3A_1000 : i32 to index
        %swap3A_1002 = arith.constant 48 : index
        %swap3A_1003 = tpu.vector_load %arg16[%swap3A_1001, %swap3A_1002] {strides = array<i32>} : memref<80x128xf32, #tpu.memory_space<vmem>>, vector<1x16xf32>,
        %swap3A_1004 = vector.shape_cast %swap3A_1003 : vector<1x16xf32> to vector<16xf32>
        %swap3A_1005 = vector.shape_cast %max3A_986 : vector<16xf32> to vector<1x16xf32>
        tpu.vector_store %arg16[%swap3A_1001, %swap3A_1002], %swap3A_1005 {strides = array<i32>} : memref<80x128xf32, #tpu.memory_space<vmem>>, vector<1x16xf32>,
        %mul3A_1006 = arith.constant 2 : i32
        %mul3A_1007 = arith.muli %mul3A_1006, %scan3A_814 : i32
        %add3A_1008 = arith.constant 1 : i32
        %add3A_1009 = arith.addi %mul3A_1007, %add3A_1008 : i32
        %swap3A_1010 = arith.index_cast %add3A_1009 : i32 to index
        %swap3A_1011 = arith.constant 48 : index
        %swap3A_1012 = tpu.vector_load %arg16[%swap3A_1010, %swap3A_1011] {strides = array<i32>} : memref<80x128xf32, #tpu.memory_space<vmem>>, vector<1x16xf32>,
        %swap3A_1013 = vector.shape_cast %swap3A_1012 : vector<1x16xf32> to vector<16xf32>
        %swap3A_1014 = vector.shape_cast %max3A_998 : vector<16xf32> to vector<1x16xf32>
        tpu.vector_store %arg16[%swap3A_1010, %swap3A_1011], %swap3A_1014 {strides = array<i32>} : memref<80x128xf32, #tpu.memory_space<vmem>>, vector<1x16xf32>,
        %mul3A_1015 = arith.mulf %max3A_986, %max3A_986 : vector<16xf32>
        %add3A_1016 = arith.addf %scan3A_818, %mul3A_1015 : vector<16xf32>
        %mul3A_1017 = arith.mulf %max3A_998, %max3A_998 : vector<16xf32>
        %add3A_1018 = arith.addf %add3A_1016, %mul3A_1017 : vector<16xf32>
        %get3A_1019 = arith.index_cast %scan3A_814 : i32 to index
        %get3A_1020 = arith.constant 64 : index
        %get3A_1021 = tpu.vector_load %arg18[%get3A_1019, %get3A_1020] {strides = array<i32>} : memref<40x128xi32, #tpu.memory_space<vmem>>, vector<1x16xi32>,
        %get3A_1022 = vector.shape_cast %get3A_1021 : vector<1x16xi32> to vector<16xi32>
        %shift_left3A_1023 = arith.shli %get3A_1022, %broadcast_in_dim3A_758 : vector<16xi32>
        %bitcast_convert_type3A_1024 = tpu.bitcast %shift_left3A_1023 : vector<16xi32> -> vector<16xf32>
        %and3A_1025 = arith.andi %get3A_1022, %broadcast_in_dim3A_760 : vector<16xi32>
        %bitcast_convert_type3A_1026 = tpu.bitcast %and3A_1025 : vector<16xi32> -> vector<16xf32>
        %mul3A_1027 = arith.constant 2 : i32
        %mul3A_1028 = arith.muli %mul3A_1027, %scan3A_814 : i32
        %get3A_1029 = arith.index_cast %mul3A_1028 : i32 to index
        %get3A_1030 = arith.constant 64 : index
        %get3A_1031 = tpu.vector_load %arg16[%get3A_1029, %get3A_1030] {strides = array<i32>} : memref<80x128xf32, #tpu.memory_space<vmem>>, vector<1x16xf32>,
        %get3A_1032 = vector.shape_cast %get3A_1031 : vector<1x16xf32> to vector<16xf32>
        %add3A_1033 = arith.addf %get3A_1032, %bitcast_convert_type3A_1024 : vector<16xf32>
        %max3A_1034 = arith.constant 0.000000e+00 : f32
        %max3A_1035 = vector.broadcast %max3A_1034 : f32 to vector<16xf32>
        %max3A_1036 = arith.maximumf %add3A_1033, %max3A_1035 : vector<16xf32>
        %mul3A_1037 = arith.constant 2 : i32
        %mul3A_1038 = arith.muli %mul3A_1037, %scan3A_814 : i32
        %add3A_1039 = arith.constant 1 : i32
        %add3A_1040 = arith.addi %mul3A_1038, %add3A_1039 : i32
        %get3A_1041 = arith.index_cast %add3A_1040 : i32 to index
        %get3A_1042 = arith.constant 64 : index
        %get3A_1043 = tpu.vector_load %arg16[%get3A_1041, %get3A_1042] {strides = array<i32>} : memref<80x128xf32, #tpu.memory_space<vmem>>, vector<1x16xf32>,
        %get3A_1044 = vector.shape_cast %get3A_1043 : vector<1x16xf32> to vector<16xf32>
        %add3A_1045 = arith.addf %get3A_1044, %bitcast_convert_type3A_1026 : vector<16xf32>
        %max3A_1046 = arith.constant 0.000000e+00 : f32
        %max3A_1047 = vector.broadcast %max3A_1046 : f32 to vector<16xf32>
        %max3A_1048 = arith.maximumf %add3A_1045, %max3A_1047 : vector<16xf32>
        %mul3A_1049 = arith.constant 2 : i32
        %mul3A_1050 = arith.muli %mul3A_1049, %scan3A_814 : i32
        %swap3A_1051 = arith.index_cast %mul3A_1050 : i32 to index
        %swap3A_1052 = arith.constant 64 : index
        %swap3A_1053 = tpu.vector_load %arg16[%swap3A_1051, %swap3A_1052] {strides = array<i32>} : memref<80x128xf32, #tpu.memory_space<vmem>>, vector<1x16xf32>,
        %swap3A_1054 = vector.shape_cast %swap3A_1053 : vector<1x16xf32> to vector<16xf32>
        %swap3A_1055 = vector.shape_cast %max3A_1036 : vector<16xf32> to vector<1x16xf32>
        tpu.vector_store %arg16[%swap3A_1051, %swap3A_1052], %swap3A_1055 {strides = array<i32>} : memref<80x128xf32, #tpu.memory_space<vmem>>, vector<1x16xf32>,
        %mul3A_1056 = arith.constant 2 : i32
        %mul3A_1057 = arith.muli %mul3A_1056, %scan3A_814 : i32
        %add3A_1058 = arith.constant 1 : i32
        %add3A_1059 = arith.addi %mul3A_1057, %add3A_1058 : i32
        %swap3A_1060 = arith.index_cast %add3A_1059 : i32 to index
        %swap3A_1061 = arith.constant 64 : index
        %swap3A_1062 = tpu.vector_load %arg16[%swap3A_1060, %swap3A_1061] {strides = array<i32>} : memref<80x128xf32, #tpu.memory_space<vmem>>, vector<1x16xf32>,
        %swap3A_1063 = vector.shape_cast %swap3A_1062 : vector<1x16xf32> to vector<16xf32>
        %swap3A_1064 = vector.shape_cast %max3A_1048 : vector<16xf32> to vector<1x16xf32>
        tpu.vector_store %arg16[%swap3A_1060, %swap3A_1061], %swap3A_1064 {strides = array<i32>} : memref<80x128xf32, #tpu.memory_space<vmem>>, vector<1x16xf32>,
        %mul3A_1065 = arith.mulf %max3A_1036, %max3A_1036 : vector<16xf32>
        %add3A_1066 = arith.addf %scan3A_819, %mul3A_1065 : vector<16xf32>
        %mul3A_1067 = arith.mulf %max3A_1048, %max3A_1048 : vector<16xf32>
        %add3A_1068 = arith.addf %add3A_1066, %mul3A_1067 : vector<16xf32>
        %get3A_1069 = arith.index_cast %scan3A_814 : i32 to index
        %get3A_1070 = arith.constant 80 : index
        %get3A_1071 = tpu.vector_load %arg18[%get3A_1069, %get3A_1070] {strides = array<i32>} : memref<40x128xi32, #tpu.memory_space<vmem>>, vector<1x16xi32>,
        %get3A_1072 = vector.shape_cast %get3A_1071 : vector<1x16xi32> to vector<16xi32>
        %shift_left3A_1073 = arith.shli %get3A_1072, %broadcast_in_dim3A_758 : vector<16xi32>
        %bitcast_convert_type3A_1074 = tpu.bitcast %shift_left3A_1073 : vector<16xi32> -> vector<16xf32>
        %and3A_1075 = arith.andi %get3A_1072, %broadcast_in_dim3A_760 : vector<16xi32>
        %bitcast_convert_type3A_1076 = tpu.bitcast %and3A_1075 : vector<16xi32> -> vector<16xf32>
        %mul3A_1077 = arith.constant 2 : i32
        %mul3A_1078 = arith.muli %mul3A_1077, %scan3A_814 : i32
        %get3A_1079 = arith.index_cast %mul3A_1078 : i32 to index
        %get3A_1080 = arith.constant 80 : index
        %get3A_1081 = tpu.vector_load %arg16[%get3A_1079, %get3A_1080] {strides = array<i32>} : memref<80x128xf32, #tpu.memory_space<vmem>>, vector<1x16xf32>,
        %get3A_1082 = vector.shape_cast %get3A_1081 : vector<1x16xf32> to vector<16xf32>
        %add3A_1083 = arith.addf %get3A_1082, %bitcast_convert_type3A_1074 : vector<16xf32>
        %max3A_1084 = arith.constant 0.000000e+00 : f32
        %max3A_1085 = vector.broadcast %max3A_1084 : f32 to vector<16xf32>
        %max3A_1086 = arith.maximumf %add3A_1083, %max3A_1085 : vector<16xf32>
        %mul3A_1087 = arith.constant 2 : i32
        %mul3A_1088 = arith.muli %mul3A_1087, %scan3A_814 : i32
        %add3A_1089 = arith.constant 1 : i32
        %add3A_1090 = arith.addi %mul3A_1088, %add3A_1089 : i32
        %get3A_1091 = arith.index_cast %add3A_1090 : i32 to index
        %get3A_1092 = arith.constant 80 : index
        %get3A_1093 = tpu.vector_load %arg16[%get3A_1091, %get3A_1092] {strides = array<i32>} : memref<80x128xf32, #tpu.memory_space<vmem>>, vector<1x16xf32>,
        %get3A_1094 = vector.shape_cast %get3A_1093 : vector<1x16xf32> to vector<16xf32>
        %add3A_1095 = arith.addf %get3A_1094, %bitcast_convert_type3A_1076 : vector<16xf32>
        %max3A_1096 = arith.constant 0.000000e+00 : f32
        %max3A_1097 = vector.broadcast %max3A_1096 : f32 to vector<16xf32>
        %max3A_1098 = arith.maximumf %add3A_1095, %max3A_1097 : vector<16xf32>
        %mul3A_1099 = arith.constant 2 : i32
        %mul3A_1100 = arith.muli %mul3A_1099, %scan3A_814 : i32
        %swap3A_1101 = arith.index_cast %mul3A_1100 : i32 to index
        %swap3A_1102 = arith.constant 80 : index
        %swap3A_1103 = tpu.vector_load %arg16[%swap3A_1101, %swap3A_1102] {strides = array<i32>} : memref<80x128xf32, #tpu.memory_space<vmem>>, vector<1x16xf32>,
        %swap3A_1104 = vector.shape_cast %swap3A_1103 : vector<1x16xf32> to vector<16xf32>
        %swap3A_1105 = vector.shape_cast %max3A_1086 : vector<16xf32> to vector<1x16xf32>
        tpu.vector_store %arg16[%swap3A_1101, %swap3A_1102], %swap3A_1105 {strides = array<i32>} : memref<80x128xf32, #tpu.memory_space<vmem>>, vector<1x16xf32>,
        %mul3A_1106 = arith.constant 2 : i32
        %mul3A_1107 = arith.muli %mul3A_1106, %scan3A_814 : i32
        %add3A_1108 = arith.constant 1 : i32
        %add3A_1109 = arith.addi %mul3A_1107, %add3A_1108 : i32
        %swap3A_1110 = arith.index_cast %add3A_1109 : i32 to index
        %swap3A_1111 = arith.constant 80 : index
        %swap3A_1112 = tpu.vector_load %arg16[%swap3A_1110, %swap3A_1111] {strides = array<i32>} : memref<80x128xf32, #tpu.memory_space<vmem>>, vector<1x16xf32>,
        %swap3A_1113 = vector.shape_cast %swap3A_1112 : vector<1x16xf32> to vector<16xf32>
        %swap3A_1114 = vector.shape_cast %max3A_1098 : vector<16xf32> to vector<1x16xf32>
        tpu.vector_store %arg16[%swap3A_1110, %swap3A_1111], %swap3A_1114 {strides = array<i32>} : memref<80x128xf32, #tpu.memory_space<vmem>>, vector<1x16xf32>,
        %mul3A_1115 = arith.mulf %max3A_1086, %max3A_1086 : vector<16xf32>
        %add3A_1116 = arith.addf %scan3A_820, %mul3A_1115 : vector<16xf32>
        %mul3A_1117 = arith.mulf %max3A_1098, %max3A_1098 : vector<16xf32>
        %add3A_1118 = arith.addf %add3A_1116, %mul3A_1117 : vector<16xf32>
        %get3A_1119 = arith.index_cast %scan3A_814 : i32 to index
        %get3A_1120 = arith.constant 96 : index
        %get3A_1121 = tpu.vector_load %arg18[%get3A_1119, %get3A_1120] {strides = array<i32>} : memref<40x128xi32, #tpu.memory_space<vmem>>, vector<1x16xi32>,
        %get3A_1122 = vector.shape_cast %get3A_1121 : vector<1x16xi32> to vector<16xi32>
        %shift_left3A_1123 = arith.shli %get3A_1122, %broadcast_in_dim3A_758 : vector<16xi32>
        %bitcast_convert_type3A_1124 = tpu.bitcast %shift_left3A_1123 : vector<16xi32> -> vector<16xf32>
        %and3A_1125 = arith.andi %get3A_1122, %broadcast_in_dim3A_760 : vector<16xi32>
        %bitcast_convert_type3A_1126 = tpu.bitcast %and3A_1125 : vector<16xi32> -> vector<16xf32>
        %mul3A_1127 = arith.constant 2 : i32
        %mul3A_1128 = arith.muli %mul3A_1127, %scan3A_814 : i32
        %get3A_1129 = arith.index_cast %mul3A_1128 : i32 to index
        %get3A_1130 = arith.constant 96 : index
        %get3A_1131 = tpu.vector_load %arg16[%get3A_1129, %get3A_1130] {strides = array<i32>} : memref<80x128xf32, #tpu.memory_space<vmem>>, vector<1x16xf32>,
        %get3A_1132 = vector.shape_cast %get3A_1131 : vector<1x16xf32> to vector<16xf32>
        %add3A_1133 = arith.addf %get3A_1132, %bitcast_convert_type3A_1124 : vector<16xf32>
        %max3A_1134 = arith.constant 0.000000e+00 : f32
        %max3A_1135 = vector.broadcast %max3A_1134 : f32 to vector<16xf32>
        %max3A_1136 = arith.maximumf %add3A_1133, %max3A_1135 : vector<16xf32>
        %mul3A_1137 = arith.constant 2 : i32
        %mul3A_1138 = arith.muli %mul3A_1137, %scan3A_814 : i32
        %add3A_1139 = arith.constant 1 : i32
        %add3A_1140 = arith.addi %mul3A_1138, %add3A_1139 : i32
        %get3A_1141 = arith.index_cast %add3A_1140 : i32 to index
        %get3A_1142 = arith.constant 96 : index
        %get3A_1143 = tpu.vector_load %arg16[%get3A_1141, %get3A_1142] {strides = array<i32>} : memref<80x128xf32, #tpu.memory_space<vmem>>, vector<1x16xf32>,
        %get3A_1144 = vector.shape_cast %get3A_1143 : vector<1x16xf32> to vector<16xf32>
        %add3A_1145 = arith.addf %get3A_1144, %bitcast_convert_type3A_1126 : vector<16xf32>
        %max3A_1146 = arith.constant 0.000000e+00 : f32
        %max3A_1147 = vector.broadcast %max3A_1146 : f32 to vector<16xf32>
        %max3A_1148 = arith.maximumf %add3A_1145, %max3A_1147 : vector<16xf32>
        %mul3A_1149 = arith.constant 2 : i32
        %mul3A_1150 = arith.muli %mul3A_1149, %scan3A_814 : i32
        %swap3A_1151 = arith.index_cast %mul3A_1150 : i32 to index
        %swap3A_1152 = arith.constant 96 : index
        %swap3A_1153 = tpu.vector_load %arg16[%swap3A_1151, %swap3A_1152] {strides = array<i32>} : memref<80x128xf32, #tpu.memory_space<vmem>>, vector<1x16xf32>,
        %swap3A_1154 = vector.shape_cast %swap3A_1153 : vector<1x16xf32> to vector<16xf32>
        %swap3A_1155 = vector.shape_cast %max3A_1136 : vector<16xf32> to vector<1x16xf32>
        tpu.vector_store %arg16[%swap3A_1151, %swap3A_1152], %swap3A_1155 {strides = array<i32>} : memref<80x128xf32, #tpu.memory_space<vmem>>, vector<1x16xf32>,
        %mul3A_1156 = arith.constant 2 : i32
        %mul3A_1157 = arith.muli %mul3A_1156, %scan3A_814 : i32
        %add3A_1158 = arith.constant 1 : i32
        %add3A_1159 = arith.addi %mul3A_1157, %add3A_1158 : i32
        %swap3A_1160 = arith.index_cast %add3A_1159 : i32 to index
        %swap3A_1161 = arith.constant 96 : index
        %swap3A_1162 = tpu.vector_load %arg16[%swap3A_1160, %swap3A_1161] {strides = array<i32>} : memref<80x128xf32, #tpu.memory_space<vmem>>, vector<1x16xf32>,
        %swap3A_1163 = vector.shape_cast %swap3A_1162 : vector<1x16xf32> to vector<16xf32>
        %swap3A_1164 = vector.shape_cast %max3A_1148 : vector<16xf32> to vector<1x16xf32>
        tpu.vector_store %arg16[%swap3A_1160, %swap3A_1161], %swap3A_1164 {strides = array<i32>} : memref<80x128xf32, #tpu.memory_space<vmem>>, vector<1x16xf32>,
        %mul3A_1165 = arith.mulf %max3A_1136, %max3A_1136 : vector<16xf32>
        %add3A_1166 = arith.addf %scan3A_821, %mul3A_1165 : vector<16xf32>
        %mul3A_1167 = arith.mulf %max3A_1148, %max3A_1148 : vector<16xf32>
        %add3A_1168 = arith.addf %add3A_1166, %mul3A_1167 : vector<16xf32>
        %get3A_1169 = arith.index_cast %scan3A_814 : i32 to index
        %get3A_1170 = arith.constant 112 : index
        %get3A_1171 = tpu.vector_load %arg18[%get3A_1169, %get3A_1170] {strides = array<i32>} : memref<40x128xi32, #tpu.memory_space<vmem>>, vector<1x16xi32>,
        %get3A_1172 = vector.shape_cast %get3A_1171 : vector<1x16xi32> to vector<16xi32>
        %shift_left3A_1173 = arith.shli %get3A_1172, %broadcast_in_dim3A_758 : vector<16xi32>
        %bitcast_convert_type3A_1174 = tpu.bitcast %shift_left3A_1173 : vector<16xi32> -> vector<16xf32>
        %and3A_1175 = arith.andi %get3A_1172, %broadcast_in_dim3A_760 : vector<16xi32>
        %bitcast_convert_type3A_1176 = tpu.bitcast %and3A_1175 : vector<16xi32> -> vector<16xf32>
        %mul3A_1177 = arith.constant 2 : i32
        %mul3A_1178 = arith.muli %mul3A_1177, %scan3A_814 : i32
        %get3A_1179 = arith.index_cast %mul3A_1178 : i32 to index
        %get3A_1180 = arith.constant 112 : index
        %get3A_1181 = tpu.vector_load %arg16[%get3A_1179, %get3A_1180] {strides = array<i32>} : memref<80x128xf32, #tpu.memory_space<vmem>>, vector<1x16xf32>,
        %get3A_1182 = vector.shape_cast %get3A_1181 : vector<1x16xf32> to vector<16xf32>
        %add3A_1183 = arith.addf %get3A_1182, %bitcast_convert_type3A_1174 : vector<16xf32>
        %max3A_1184 = arith.constant 0.000000e+00 : f32
        %max3A_1185 = vector.broadcast %max3A_1184 : f32 to vector<16xf32>
        %max3A_1186 = arith.maximumf %add3A_1183, %max3A_1185 : vector<16xf32>
        %mul3A_1187 = arith.constant 2 : i32
        %mul3A_1188 = arith.muli %mul3A_1187, %scan3A_814 : i32
        %add3A_1189 = arith.constant 1 : i32
        %add3A_1190 = arith.addi %mul3A_1188, %add3A_1189 : i32
        %get3A_1191 = arith.index_cast %add3A_1190 : i32 to index
        %get3A_1192 = arith.constant 112 : index
        %get3A_1193 = tpu.vector_load %arg16[%get3A_1191, %get3A_1192] {strides = array<i32>} : memref<80x128xf32, #tpu.memory_space<vmem>>, vector<1x16xf32>,
        %get3A_1194 = vector.shape_cast %get3A_1193 : vector<1x16xf32> to vector<16xf32>
        %add3A_1195 = arith.addf %get3A_1194, %bitcast_convert_type3A_1176 : vector<16xf32>
        %max3A_1196 = arith.constant 0.000000e+00 : f32
        %max3A_1197 = vector.broadcast %max3A_1196 : f32 to vector<16xf32>
        %max3A_1198 = arith.maximumf %add3A_1195, %max3A_1197 : vector<16xf32>
        %mul3A_1199 = arith.constant 2 : i32
        %mul3A_1200 = arith.muli %mul3A_1199, %scan3A_814 : i32
        %swap3A_1201 = arith.index_cast %mul3A_1200 : i32 to index
        %swap3A_1202 = arith.constant 112 : index
        %swap3A_1203 = tpu.vector_load %arg16[%swap3A_1201, %swap3A_1202] {strides = array<i32>} : memref<80x128xf32, #tpu.memory_space<vmem>>, vector<1x16xf32>,
        %swap3A_1204 = vector.shape_cast %swap3A_1203 : vector<1x16xf32> to vector<16xf32>
        %swap3A_1205 = vector.shape_cast %max3A_1186 : vector<16xf32> to vector<1x16xf32>
        tpu.vector_store %arg16[%swap3A_1201, %swap3A_1202], %swap3A_1205 {strides = array<i32>} : memref<80x128xf32, #tpu.memory_space<vmem>>, vector<1x16xf32>,
        %mul3A_1206 = arith.constant 2 : i32
        %mul3A_1207 = arith.muli %mul3A_1206, %scan3A_814 : i32
        %add3A_1208 = arith.constant 1 : i32
        %add3A_1209 = arith.addi %mul3A_1207, %add3A_1208 : i32
        %swap3A_1210 = arith.index_cast %add3A_1209 : i32 to index
        %swap3A_1211 = arith.constant 112 : index
        %swap3A_1212 = tpu.vector_load %arg16[%swap3A_1210, %swap3A_1211] {strides = array<i32>} : memref<80x128xf32, #tpu.memory_space<vmem>>, vector<1x16xf32>,
        %swap3A_1213 = vector.shape_cast %swap3A_1212 : vector<1x16xf32> to vector<16xf32>
        %swap3A_1214 = vector.shape_cast %max3A_1198 : vector<16xf32> to vector<1x16xf32>
        tpu.vector_store %arg16[%swap3A_1210, %swap3A_1211], %swap3A_1214 {strides = array<i32>} : memref<80x128xf32, #tpu.memory_space<vmem>>, vector<1x16xf32>,
        %mul3A_1215 = arith.mulf %max3A_1186, %max3A_1186 : vector<16xf32>
        %add3A_1216 = arith.addf %scan3A_822, %mul3A_1215 : vector<16xf32>
        %mul3A_1217 = arith.mulf %max3A_1198, %max3A_1198 : vector<16xf32>
        %add3A_1218 = arith.addf %add3A_1216, %mul3A_1217 : vector<16xf32>
        scf.yield %add3A_868, %add3A_918, %add3A_968, %add3A_1018, %add3A_1068, %add3A_1118, %add3A_1168, %add3A_1218 : vector<16xf32>, vector<16xf32>, vector<16xf32>, vector<16xf32>, vector<16xf32>, vector<16xf32>, vector<16xf32>, vector<16xf32>
      }
      %scan3A_766 = arith.constant 40 : i32
      %dma_start3A_767 = arith.constant 0 : i32
      %dma_start3A_768 = arith.constant 0 : i32
      %dma_start3A_769 = tpu.memref_slice %arg21[%dma_start3A_767, %dma_start3A_768] : memref<10240x128xf32, #tpu.memory_space<vmem_shared>> -> memref<10240x128xf32, #tpu.memory_space<vmem_shared>>
      tpu.enqueue_indirect_dma source(%arg16 : memref<80x128xf32, #tpu.memory_space<vmem>>) target(%dma_start3A_769 : memref<10240x128xf32, #tpu.memory_space<vmem_shared>>) offsets(%arg14 : memref<80xi32, #tpu.memory_space<vmem>>) semaphore(%arg28 : memref<!tpu.dma_semaphore, #tpu.memory_space<semaphore_mem>>) {add = true}
      %dma_start3A_770 = arith.constant 0 : i32
      %dma_start3A_771 = tpu.memref_slice %arg22[%dma_start3A_770] : memref<10240xf32, #tpu.memory_space<vmem_shared>> -> memref<10240xf32, #tpu.memory_space<vmem_shared>>
      tpu.enqueue_indirect_dma source(%arg19 : memref<80xf32, #tpu.memory_space<vmem>>) target(%dma_start3A_771 : memref<10240xf32, #tpu.memory_space<vmem_shared>>) offsets(%arg14 : memref<80xi32, #tpu.memory_space<vmem>>) semaphore(%arg28 : memref<!tpu.dma_semaphore, #tpu.memory_space<semaphore_mem>>) {add = true}
      %add3A_772 = arith.constant 2 : i32
      %add3A_773 = arith.addi %add3A_713, %add3A_772 : i32
      %min3A_774 = arith.constant 124 : i32
      %min3A_775 = arith.minsi %add3A_773, %min3A_774 : i32
      %mul3A_776 = arith.constant 32 : i32
      %mul3A_777 = arith.muli %mul3A_776, %min3A_775 : i32
      %add3A_778 = arith.addi %add3A, %mul3A_777 : i32
      %mul3A_779 = arith.constant 80 : i32
      %mul3A_780 = arith.muli %add3A_778, %mul3A_779 : i32
      %jit3A_781 = arith.constant 2 : i32
      %div3A_782 = arith.divsi %mul3A_780, %jit3A_781 : i32
      %sign3A_783 = arith.constant 0 : i32
      %sign3A_784 = arith.cmpi sgt, %mul3A_780, %sign3A_783 : i32
      %sign3A_785 = arith.extui %sign3A_784 : i1 to i32
      %sign3A_786 = arith.constant 0 : i32
      %sign3A_787 = arith.cmpi slt, %mul3A_780, %sign3A_786 : i32
      %sign3A_788 = arith.extui %sign3A_787 : i1 to i32
      %sign3A_789 = arith.subi %sign3A_785, %sign3A_788 : i32
      %sign3A_790 = arith.constant 0 : i32
      %sign3A_791 = arith.cmpi sgt, %jit3A_781, %sign3A_790 : i32
      %sign3A_792 = arith.extui %sign3A_791 : i1 to i32
      %sign3A_793 = arith.constant 0 : i32
      %sign3A_794 = arith.cmpi slt, %jit3A_781, %sign3A_793 : i32
      %sign3A_795 = arith.extui %sign3A_794 : i1 to i32
      %sign3A_796 = arith.subi %sign3A_792, %sign3A_795 : i32
      %ne3A_797 = arith.cmpi ne, %sign3A_789, %sign3A_796 : i32
      %rem3A_798 = arith.remsi %mul3A_780, %jit3A_781 : i32
      %ne3A_799 = arith.constant 0 : i32
      %ne3A_800 = arith.cmpi ne, %rem3A_798, %ne3A_799 : i32
      %and3A_801 = arith.andi %ne3A_797, %ne3A_800 : i1
      %sub3A_802 = arith.constant 1 : i32
      %sub3A_803 = arith.subi %div3A_782, %sub3A_802 : i32
      %select_n3A_804 = arith.select %and3A_801, %sub3A_803, %div3A_782 : i32
      %multiple_of3A_805 = tpu.assume_multiple %select_n3A_804, 8 : i32
      %dma_start3A_806 = tpu.memref_slice %arg3[%mul3A_780] : memref<320000xi32, #tpu.memory_space<hbm>> -> memref<80xi32, #tpu.memory_space<hbm>>
      %dma_start3A_807 = tpu.memref_slice %arg3[%mul3A_780] : memref<320000xi32, #tpu.memory_space<hbm>> -> memref<80xi32, #tpu.memory_space<hbm>>
      tpu.enqueue_dma source(%dma_start3A_807 : memref<80xi32, #tpu.memory_space<hbm>>) target(%arg10 : memref<80xi32, #tpu.memory_space<vmem>>) target_semaphore(%arg24 : memref<!tpu.dma_semaphore, #tpu.memory_space<semaphore_mem>>)
      %dma_start3A_808 = tpu.memref_slice %arg4[%mul3A_780] : memref<320000xi32, #tpu.memory_space<hbm>> -> memref<80xi32, #tpu.memory_space<hbm>>
      %dma_start3A_809 = tpu.memref_slice %arg4[%mul3A_780] : memref<320000xi32, #tpu.memory_space<hbm>> -> memref<80xi32, #tpu.memory_space<hbm>>
      tpu.enqueue_dma source(%dma_start3A_809 : memref<80xi32, #tpu.memory_space<hbm>>) target(%arg12 : memref<80xi32, #tpu.memory_space<vmem>>) target_semaphore(%arg24 : memref<!tpu.dma_semaphore, #tpu.memory_space<semaphore_mem>>)
      %dma_start3A_810 = arith.constant 0 : i32
      %dma_start3A_811 = tpu.memref_slice %arg5[%multiple_of3A_805, %dma_start3A_810] : memref<160000x128xi32, #tpu.memory_space<hbm>> -> memref<40x128xi32, #tpu.memory_space<hbm>>
      %dma_start3A_812 = arith.constant 0 : i32
      %dma_start3A_813 = tpu.memref_slice %arg5[%multiple_of3A_805, %dma_start3A_812] : memref<160000x128xi32, #tpu.memory_space<hbm>> -> memref<40x128xi32, #tpu.memory_space<hbm>>
      tpu.enqueue_dma source(%dma_start3A_813 : memref<40x128xi32, #tpu.memory_space<hbm>>) target(%arg18 : memref<40x128xi32, #tpu.memory_space<vmem>>) target_semaphore(%arg24 : memref<!tpu.dma_semaphore, #tpu.memory_space<semaphore_mem>>)
      scf.yield %scan3A_765#0, %scan3A_765#1, %scan3A_765#2, %scan3A_765#3, %scan3A_765#4, %scan3A_765#5, %scan3A_765#6, %scan3A_765#7 : vector<16xf32>, vector<16xf32>, vector<16xf32>, vector<16xf32>, vector<16xf32>, vector<16xf32>, vector<16xf32>, vector<16xf32>
    }
    %scan3A_189 = arith.constant 31 : i32
    %dma_wait3A_190 = arith.constant 0 : i32
    %dma_wait3A_191 = tpu.memref_slice %arg3[%dma_wait3A_190] : memref<320000xi32, #tpu.memory_space<hbm>> -> memref<80xi32, #tpu.memory_space<hbm>>
    %dma_wait3A_192 = arith.constant 0 : i32
    %dma_wait3A_193 = tpu.memref_slice %arg3[%dma_wait3A_192] : memref<320000xi32, #tpu.memory_space<hbm>> -> memref<80xi32, #tpu.memory_space<hbm>>
    tpu.wait_dma2 semaphore(%arg24 : memref<!tpu.dma_semaphore, #tpu.memory_space<semaphore_mem>>) src(%dma_wait3A_193 : memref<80xi32, #tpu.memory_space<hbm>>) dst(%arg10 : memref<80xi32, #tpu.memory_space<vmem>>)
    %dma_wait3A_194 = arith.constant 0 : i32
    %dma_wait3A_195 = tpu.memref_slice %arg4[%dma_wait3A_194] : memref<320000xi32, #tpu.memory_space<hbm>> -> memref<80xi32, #tpu.memory_space<hbm>>
    %dma_wait3A_196 = arith.constant 0 : i32
    %dma_wait3A_197 = tpu.memref_slice %arg4[%dma_wait3A_196] : memref<320000xi32, #tpu.memory_space<hbm>> -> memref<80xi32, #tpu.memory_space<hbm>>
    tpu.wait_dma2 semaphore(%arg24 : memref<!tpu.dma_semaphore, #tpu.memory_space<semaphore_mem>>) src(%dma_wait3A_197 : memref<80xi32, #tpu.memory_space<hbm>>) dst(%arg12 : memref<80xi32, #tpu.memory_space<vmem>>)
    %dma_wait3A_198 = arith.constant 0 : i32
    %dma_wait3A_199 = arith.constant 0 : i32
    %dma_wait3A_200 = tpu.memref_slice %arg5[%dma_wait3A_198, %dma_wait3A_199] : memref<160000x128xi32, #tpu.memory_space<hbm>> -> memref<40x128xi32, #tpu.memory_space<hbm>>
    %dma_wait3A_201 = arith.constant 0 : i32
    %dma_wait3A_202 = arith.constant 0 : i32
    %dma_wait3A_203 = tpu.memref_slice %arg5[%dma_wait3A_201, %dma_wait3A_202] : memref<160000x128xi32, #tpu.memory_space<hbm>> -> memref<40x128xi32, #tpu.memory_space<hbm>>
    tpu.wait_dma2 semaphore(%arg24 : memref<!tpu.dma_semaphore, #tpu.memory_space<semaphore_mem>>) src(%dma_wait3A_203 : memref<40x128xi32, #tpu.memory_space<hbm>>) dst(%arg18 : memref<40x128xi32, #tpu.memory_space<vmem>>)
    %dma_wait3A_204 = arith.constant 0 : i32
    %dma_wait3A_205 = arith.constant 0 : i32
    %dma_wait3A_206 = arith.constant 0 : i32
    %dma_wait3A_207 = tpu.memref_slice %arg6[%dma_wait3A_204, %dma_wait3A_205, %dma_wait3A_206] : memref<2x10240x128xf32, #tpu.memory_space<hbm>> -> memref<1x80x128xf32, #tpu.memory_space<hbm>>
    %dma_wait3A_208 = tpu.memref_squeeze %dma_wait3A_207 : memref<1x80x128xf32, #tpu.memory_space<hbm>> -> memref<80x128xf32, #tpu.memory_space<hbm>>
    %dma_wait3A_209 = arith.constant 0 : i32
    %dma_wait3A_210 = arith.constant 0 : i32
    %dma_wait3A_211 = tpu.memref_slice %arg6[%dma_wait3A_204, %dma_wait3A_209, %dma_wait3A_210] : memref<2x10240x128xf32, #tpu.memory_space<hbm>> -> memref<1x80x128xf32, #tpu.memory_space<hbm>>
    %dma_wait3A_212 = tpu.memref_squeeze %dma_wait3A_211 : memref<1x80x128xf32, #tpu.memory_space<hbm>> -> memref<80x128xf32, #tpu.memory_space<hbm>>
    tpu.wait_dma2 semaphore(%arg28 : memref<!tpu.dma_semaphore, #tpu.memory_space<semaphore_mem>>) src(%dma_wait3A_212 : memref<80x128xf32, #tpu.memory_space<hbm>>) dst(%arg16 : memref<80x128xf32, #tpu.memory_space<vmem>>)
    %dma_wait3A_213 = arith.constant 0 : i32
    %dma_wait3A_214 = arith.constant 0 : i32
    %dma_wait3A_215 = arith.constant 0 : i32
    %dma_wait3A_216 = tpu.memref_slice %arg6[%dma_wait3A_213, %dma_wait3A_214, %dma_wait3A_215] : memref<2x10240x128xf32, #tpu.memory_space<hbm>> -> memref<1x1x80xf32, #tpu.memory_space<hbm>>
    %dma_wait3A_217 = tpu.memref_squeeze %dma_wait3A_216 : memref<1x1x80xf32, #tpu.memory_space<hbm>> -> memref<80xf32, #tpu.memory_space<hbm>>
    %dma_wait3A_218 = arith.constant 0 : i32
    %dma_wait3A_219 = tpu.memref_slice %arg6[%dma_wait3A_213, %dma_wait3A_214, %dma_wait3A_218] : memref<2x10240x128xf32, #tpu.memory_space<hbm>> -> memref<1x1x80xf32, #tpu.memory_space<hbm>>
    %dma_wait3A_220 = tpu.memref_squeeze %dma_wait3A_219 : memref<1x1x80xf32, #tpu.memory_space<hbm>> -> memref<80xf32, #tpu.memory_space<hbm>>
    tpu.wait_dma2 semaphore(%arg28 : memref<!tpu.dma_semaphore, #tpu.memory_space<semaphore_mem>>) src(%dma_wait3A_220 : memref<80xf32, #tpu.memory_space<hbm>>) dst(%arg19 : memref<80xf32, #tpu.memory_space<vmem>>)
    %dma_start3A_221 = arith.constant 0 : i32
    %dma_start3A_222 = arith.constant 0 : i32
    %dma_start3A_223 = tpu.memref_slice %arg2[%dma_start3A_221, %dma_start3A_222] : memref<10000x128xf32, #tpu.memory_space<hbm>> -> memref<10000x128xf32, #tpu.memory_space<hbm>>
    tpu.enqueue_indirect_dma source(%dma_start3A_223 : memref<10000x128xf32, #tpu.memory_space<hbm>>) target(%arg16 : memref<80x128xf32, #tpu.memory_space<vmem>>) offsets(%arg10 : memref<80xi32, #tpu.memory_space<vmem>>) semaphore(%arg26 : memref<!tpu.dma_semaphore, #tpu.memory_space<semaphore_mem>>)
    %dma_wait3A_224 = arith.constant 0 : i32
    %dma_wait3A_225 = arith.constant 0 : i32
    %dma_wait3A_226 = arith.constant 0 : i32
    %dma_wait3A_227 = tpu.memref_slice %arg6[%dma_wait3A_224, %dma_wait3A_225, %dma_wait3A_226] : memref<2x10240x128xf32, #tpu.memory_space<hbm>> -> memref<1x80x128xf32, #tpu.memory_space<hbm>>
    %dma_wait3A_228 = tpu.memref_squeeze %dma_wait3A_227 : memref<1x80x128xf32, #tpu.memory_space<hbm>> -> memref<80x128xf32, #tpu.memory_space<hbm>>
    %dma_wait3A_229 = arith.constant 0 : i32
    %dma_wait3A_230 = arith.constant 0 : i32
    %dma_wait3A_231 = tpu.memref_slice %arg6[%dma_wait3A_224, %dma_wait3A_229, %dma_wait3A_230] : memref<2x10240x128xf32, #tpu.memory_space<hbm>> -> memref<1x80x128xf32, #tpu.memory_space<hbm>>
    %dma_wait3A_232 = tpu.memref_squeeze %dma_wait3A_231 : memref<1x80x128xf32, #tpu.memory_space<hbm>> -> memref<80x128xf32, #tpu.memory_space<hbm>>
    tpu.wait_dma2 semaphore(%arg25 : memref<!tpu.dma_semaphore, #tpu.memory_space<semaphore_mem>>) src(%dma_wait3A_232 : memref<80x128xf32, #tpu.memory_space<hbm>>) dst(%arg15 : memref<80x128xf32, #tpu.memory_space<vmem>>)
    %broadcast_in_dim3A_233 = arith.constant 16 : i32
    %broadcast_in_dim3A_234 = vector.broadcast %broadcast_in_dim3A_233 : i32 to vector<16xi32>
    %broadcast_in_dim3A_235 = arith.constant -65536 : i32
    %broadcast_in_dim3A_236 = vector.broadcast %broadcast_in_dim3A_235 : i32 to vector<16xi32>
    %scan3A_237 = arith.constant 0 : i32
    %scan3A_238 = arith.constant 40 : i32
    %scan3A_239 = arith.addi %scan3A_237, %scan3A_238 : i32
    %scan3A_240 = arith.constant 1 : i32
    %scan3A_241:8 = scf.for %scan3A_395 = %scan3A_237 to %scan3A_239 step %scan3A_240 iter_args(%scan3A_396 = %scan3A_188#0, %scan3A_397 = %scan3A_188#1, %scan3A_398 = %scan3A_188#2, %scan3A_399 = %scan3A_188#3, %scan3A_400 = %scan3A_188#4, %scan3A_401 = %scan3A_188#5, %scan3A_402 = %scan3A_188#6, %scan3A_403 = %scan3A_188#7) -> (vector<16xf32>, vector<16xf32>, vector<16xf32>, vector<16xf32>, vector<16xf32>, vector<16xf32>, vector<16xf32>, vector<16xf32>)  : i32 {
      %get3A = arith.index_cast %scan3A_395 : i32 to index
      %get3A_404 = arith.constant 0 : index
      %get3A_405 = tpu.vector_load %arg17[%get3A, %get3A_404] {strides = array<i32>} : memref<40x128xi32, #tpu.memory_space<vmem>>, vector<1x16xi32>,
      %get3A_406 = vector.shape_cast %get3A_405 : vector<1x16xi32> to vector<16xi32>
      %shift_left3A = arith.shli %get3A_406, %broadcast_in_dim3A_234 : vector<16xi32>
      %bitcast_convert_type3A = tpu.bitcast %shift_left3A : vector<16xi32> -> vector<16xf32>
      %and3A_407 = arith.andi %get3A_406, %broadcast_in_dim3A_236 : vector<16xi32>
      %bitcast_convert_type3A_408 = tpu.bitcast %and3A_407 : vector<16xi32> -> vector<16xf32>
      %mul3A_409 = arith.constant 2 : i32
      %mul3A_410 = arith.muli %mul3A_409, %scan3A_395 : i32
      %get3A_411 = arith.index_cast %mul3A_410 : i32 to index
      %get3A_412 = arith.constant 0 : index
      %get3A_413 = tpu.vector_load %arg15[%get3A_411, %get3A_412] {strides = array<i32>} : memref<80x128xf32, #tpu.memory_space<vmem>>, vector<1x16xf32>,
      %get3A_414 = vector.shape_cast %get3A_413 : vector<1x16xf32> to vector<16xf32>
      %add3A_415 = arith.addf %get3A_414, %bitcast_convert_type3A : vector<16xf32>
      %max3A = arith.constant 0.000000e+00 : f32
      %max3A_416 = vector.broadcast %max3A : f32 to vector<16xf32>
      %max3A_417 = arith.maximumf %add3A_415, %max3A_416 : vector<16xf32>
      %mul3A_418 = arith.constant 2 : i32
      %mul3A_419 = arith.muli %mul3A_418, %scan3A_395 : i32
      %add3A_420 = arith.constant 1 : i32
      %add3A_421 = arith.addi %mul3A_419, %add3A_420 : i32
      %get3A_422 = arith.index_cast %add3A_421 : i32 to index
      %get3A_423 = arith.constant 0 : index
      %get3A_424 = tpu.vector_load %arg15[%get3A_422, %get3A_423] {strides = array<i32>} : memref<80x128xf32, #tpu.memory_space<vmem>>, vector<1x16xf32>,
      %get3A_425 = vector.shape_cast %get3A_424 : vector<1x16xf32> to vector<16xf32>
      %add3A_426 = arith.addf %get3A_425, %bitcast_convert_type3A_408 : vector<16xf32>
      %max3A_427 = arith.constant 0.000000e+00 : f32
      %max3A_428 = vector.broadcast %max3A_427 : f32 to vector<16xf32>
      %max3A_429 = arith.maximumf %add3A_426, %max3A_428 : vector<16xf32>
      %mul3A_430 = arith.constant 2 : i32
      %mul3A_431 = arith.muli %mul3A_430, %scan3A_395 : i32
      %swap3A_432 = arith.index_cast %mul3A_431 : i32 to index
      %swap3A_433 = arith.constant 0 : index
      %swap3A_434 = tpu.vector_load %arg15[%swap3A_432, %swap3A_433] {strides = array<i32>} : memref<80x128xf32, #tpu.memory_space<vmem>>, vector<1x16xf32>,
      %swap3A_435 = vector.shape_cast %swap3A_434 : vector<1x16xf32> to vector<16xf32>
      %swap3A_436 = vector.shape_cast %max3A_417 : vector<16xf32> to vector<1x16xf32>
      tpu.vector_store %arg15[%swap3A_432, %swap3A_433], %swap3A_436 {strides = array<i32>} : memref<80x128xf32, #tpu.memory_space<vmem>>, vector<1x16xf32>,
      %mul3A_437 = arith.constant 2 : i32
      %mul3A_438 = arith.muli %mul3A_437, %scan3A_395 : i32
      %add3A_439 = arith.constant 1 : i32
      %add3A_440 = arith.addi %mul3A_438, %add3A_439 : i32
      %swap3A_441 = arith.index_cast %add3A_440 : i32 to index
      %swap3A_442 = arith.constant 0 : index
      %swap3A_443 = tpu.vector_load %arg15[%swap3A_441, %swap3A_442] {strides = array<i32>} : memref<80x128xf32, #tpu.memory_space<vmem>>, vector<1x16xf32>,
      %swap3A_444 = vector.shape_cast %swap3A_443 : vector<1x16xf32> to vector<16xf32>
      %swap3A_445 = vector.shape_cast %max3A_429 : vector<16xf32> to vector<1x16xf32>
      tpu.vector_store %arg15[%swap3A_441, %swap3A_442], %swap3A_445 {strides = array<i32>} : memref<80x128xf32, #tpu.memory_space<vmem>>, vector<1x16xf32>,
      %mul3A_446 = arith.mulf %max3A_417, %max3A_417 : vector<16xf32>
      %add3A_447 = arith.addf %scan3A_396, %mul3A_446 : vector<16xf32>
      %mul3A_448 = arith.mulf %max3A_429, %max3A_429 : vector<16xf32>
      %add3A_449 = arith.addf %add3A_447, %mul3A_448 : vector<16xf32>
      %get3A_450 = arith.index_cast %scan3A_395 : i32 to index
      %get3A_451 = arith.constant 16 : index
      %get3A_452 = tpu.vector_load %arg17[%get3A_450, %get3A_451] {strides = array<i32>} : memref<40x128xi32, #tpu.memory_space<vmem>>, vector<1x16xi32>,
      %get3A_453 = vector.shape_cast %get3A_452 : vector<1x16xi32> to vector<16xi32>
      %shift_left3A_454 = arith.shli %get3A_453, %broadcast_in_dim3A_234 : vector<16xi32>
      %bitcast_convert_type3A_455 = tpu.bitcast %shift_left3A_454 : vector<16xi32> -> vector<16xf32>
      %and3A_456 = arith.andi %get3A_453, %broadcast_in_dim3A_236 : vector<16xi32>
      %bitcast_convert_type3A_457 = tpu.bitcast %and3A_456 : vector<16xi32> -> vector<16xf32>
      %mul3A_458 = arith.constant 2 : i32
      %mul3A_459 = arith.muli %mul3A_458, %scan3A_395 : i32
      %get3A_460 = arith.index_cast %mul3A_459 : i32 to index
      %get3A_461 = arith.constant 16 : index
      %get3A_462 = tpu.vector_load %arg15[%get3A_460, %get3A_461] {strides = array<i32>} : memref<80x128xf32, #tpu.memory_space<vmem>>, vector<1x16xf32>,
      %get3A_463 = vector.shape_cast %get3A_462 : vector<1x16xf32> to vector<16xf32>
      %add3A_464 = arith.addf %get3A_463, %bitcast_convert_type3A_455 : vector<16xf32>
      %max3A_465 = arith.constant 0.000000e+00 : f32
      %max3A_466 = vector.broadcast %max3A_465 : f32 to vector<16xf32>
      %max3A_467 = arith.maximumf %add3A_464, %max3A_466 : vector<16xf32>
      %mul3A_468 = arith.constant 2 : i32
      %mul3A_469 = arith.muli %mul3A_468, %scan3A_395 : i32
      %add3A_470 = arith.constant 1 : i32
      %add3A_471 = arith.addi %mul3A_469, %add3A_470 : i32
      %get3A_472 = arith.index_cast %add3A_471 : i32 to index
      %get3A_473 = arith.constant 16 : index
      %get3A_474 = tpu.vector_load %arg15[%get3A_472, %get3A_473] {strides = array<i32>} : memref<80x128xf32, #tpu.memory_space<vmem>>, vector<1x16xf32>,
      %get3A_475 = vector.shape_cast %get3A_474 : vector<1x16xf32> to vector<16xf32>
      %add3A_476 = arith.addf %get3A_475, %bitcast_convert_type3A_457 : vector<16xf32>
      %max3A_477 = arith.constant 0.000000e+00 : f32
      %max3A_478 = vector.broadcast %max3A_477 : f32 to vector<16xf32>
      %max3A_479 = arith.maximumf %add3A_476, %max3A_478 : vector<16xf32>
      %mul3A_480 = arith.constant 2 : i32
      %mul3A_481 = arith.muli %mul3A_480, %scan3A_395 : i32
      %swap3A_482 = arith.index_cast %mul3A_481 : i32 to index
      %swap3A_483 = arith.constant 16 : index
      %swap3A_484 = tpu.vector_load %arg15[%swap3A_482, %swap3A_483] {strides = array<i32>} : memref<80x128xf32, #tpu.memory_space<vmem>>, vector<1x16xf32>,
      %swap3A_485 = vector.shape_cast %swap3A_484 : vector<1x16xf32> to vector<16xf32>
      %swap3A_486 = vector.shape_cast %max3A_467 : vector<16xf32> to vector<1x16xf32>
      tpu.vector_store %arg15[%swap3A_482, %swap3A_483], %swap3A_486 {strides = array<i32>} : memref<80x128xf32, #tpu.memory_space<vmem>>, vector<1x16xf32>,
      %mul3A_487 = arith.constant 2 : i32
      %mul3A_488 = arith.muli %mul3A_487, %scan3A_395 : i32
      %add3A_489 = arith.constant 1 : i32
      %add3A_490 = arith.addi %mul3A_488, %add3A_489 : i32
      %swap3A_491 = arith.index_cast %add3A_490 : i32 to index
      %swap3A_492 = arith.constant 16 : index
      %swap3A_493 = tpu.vector_load %arg15[%swap3A_491, %swap3A_492] {strides = array<i32>} : memref<80x128xf32, #tpu.memory_space<vmem>>, vector<1x16xf32>,
      %swap3A_494 = vector.shape_cast %swap3A_493 : vector<1x16xf32> to vector<16xf32>
      %swap3A_495 = vector.shape_cast %max3A_479 : vector<16xf32> to vector<1x16xf32>
      tpu.vector_store %arg15[%swap3A_491, %swap3A_492], %swap3A_495 {strides = array<i32>} : memref<80x128xf32, #tpu.memory_space<vmem>>, vector<1x16xf32>,
      %mul3A_496 = arith.mulf %max3A_467, %max3A_467 : vector<16xf32>
      %add3A_497 = arith.addf %scan3A_397, %mul3A_496 : vector<16xf32>
      %mul3A_498 = arith.mulf %max3A_479, %max3A_479 : vector<16xf32>
      %add3A_499 = arith.addf %add3A_497, %mul3A_498 : vector<16xf32>
      %get3A_500 = arith.index_cast %scan3A_395 : i32 to index
      %get3A_501 = arith.constant 32 : index
      %get3A_502 = tpu.vector_load %arg17[%get3A_500, %get3A_501] {strides = array<i32>} : memref<40x128xi32, #tpu.memory_space<vmem>>, vector<1x16xi32>,
      %get3A_503 = vector.shape_cast %get3A_502 : vector<1x16xi32> to vector<16xi32>
      %shift_left3A_504 = arith.shli %get3A_503, %broadcast_in_dim3A_234 : vector<16xi32>
      %bitcast_convert_type3A_505 = tpu.bitcast %shift_left3A_504 : vector<16xi32> -> vector<16xf32>
      %and3A_506 = arith.andi %get3A_503, %broadcast_in_dim3A_236 : vector<16xi32>
      %bitcast_convert_type3A_507 = tpu.bitcast %and3A_506 : vector<16xi32> -> vector<16xf32>
      %mul3A_508 = arith.constant 2 : i32
      %mul3A_509 = arith.muli %mul3A_508, %scan3A_395 : i32
      %get3A_510 = arith.index_cast %mul3A_509 : i32 to index
      %get3A_511 = arith.constant 32 : index
      %get3A_512 = tpu.vector_load %arg15[%get3A_510, %get3A_511] {strides = array<i32>} : memref<80x128xf32, #tpu.memory_space<vmem>>, vector<1x16xf32>,
      %get3A_513 = vector.shape_cast %get3A_512 : vector<1x16xf32> to vector<16xf32>
      %add3A_514 = arith.addf %get3A_513, %bitcast_convert_type3A_505 : vector<16xf32>
      %max3A_515 = arith.constant 0.000000e+00 : f32
      %max3A_516 = vector.broadcast %max3A_515 : f32 to vector<16xf32>
      %max3A_517 = arith.maximumf %add3A_514, %max3A_516 : vector<16xf32>
      %mul3A_518 = arith.constant 2 : i32
      %mul3A_519 = arith.muli %mul3A_518, %scan3A_395 : i32
      %add3A_520 = arith.constant 1 : i32
      %add3A_521 = arith.addi %mul3A_519, %add3A_520 : i32
      %get3A_522 = arith.index_cast %add3A_521 : i32 to index
      %get3A_523 = arith.constant 32 : index
      %get3A_524 = tpu.vector_load %arg15[%get3A_522, %get3A_523] {strides = array<i32>} : memref<80x128xf32, #tpu.memory_space<vmem>>, vector<1x16xf32>,
      %get3A_525 = vector.shape_cast %get3A_524 : vector<1x16xf32> to vector<16xf32>
      %add3A_526 = arith.addf %get3A_525, %bitcast_convert_type3A_507 : vector<16xf32>
      %max3A_527 = arith.constant 0.000000e+00 : f32
      %max3A_528 = vector.broadcast %max3A_527 : f32 to vector<16xf32>
      %max3A_529 = arith.maximumf %add3A_526, %max3A_528 : vector<16xf32>
      %mul3A_530 = arith.constant 2 : i32
      %mul3A_531 = arith.muli %mul3A_530, %scan3A_395 : i32
      %swap3A_532 = arith.index_cast %mul3A_531 : i32 to index
      %swap3A_533 = arith.constant 32 : index
      %swap3A_534 = tpu.vector_load %arg15[%swap3A_532, %swap3A_533] {strides = array<i32>} : memref<80x128xf32, #tpu.memory_space<vmem>>, vector<1x16xf32>,
      %swap3A_535 = vector.shape_cast %swap3A_534 : vector<1x16xf32> to vector<16xf32>
      %swap3A_536 = vector.shape_cast %max3A_517 : vector<16xf32> to vector<1x16xf32>
      tpu.vector_store %arg15[%swap3A_532, %swap3A_533], %swap3A_536 {strides = array<i32>} : memref<80x128xf32, #tpu.memory_space<vmem>>, vector<1x16xf32>,
      %mul3A_537 = arith.constant 2 : i32
      %mul3A_538 = arith.muli %mul3A_537, %scan3A_395 : i32
      %add3A_539 = arith.constant 1 : i32
      %add3A_540 = arith.addi %mul3A_538, %add3A_539 : i32
      %swap3A_541 = arith.index_cast %add3A_540 : i32 to index
      %swap3A_542 = arith.constant 32 : index
      %swap3A_543 = tpu.vector_load %arg15[%swap3A_541, %swap3A_542] {strides = array<i32>} : memref<80x128xf32, #tpu.memory_space<vmem>>, vector<1x16xf32>,
      %swap3A_544 = vector.shape_cast %swap3A_543 : vector<1x16xf32> to vector<16xf32>
      %swap3A_545 = vector.shape_cast %max3A_529 : vector<16xf32> to vector<1x16xf32>
      tpu.vector_store %arg15[%swap3A_541, %swap3A_542], %swap3A_545 {strides = array<i32>} : memref<80x128xf32, #tpu.memory_space<vmem>>, vector<1x16xf32>,
      %mul3A_546 = arith.mulf %max3A_517, %max3A_517 : vector<16xf32>
      %add3A_547 = arith.addf %scan3A_398, %mul3A_546 : vector<16xf32>
      %mul3A_548 = arith.mulf %max3A_529, %max3A_529 : vector<16xf32>
      %add3A_549 = arith.addf %add3A_547, %mul3A_548 : vector<16xf32>
      %get3A_550 = arith.index_cast %scan3A_395 : i32 to index
      %get3A_551 = arith.constant 48 : index
      %get3A_552 = tpu.vector_load %arg17[%get3A_550, %get3A_551] {strides = array<i32>} : memref<40x128xi32, #tpu.memory_space<vmem>>, vector<1x16xi32>,
      %get3A_553 = vector.shape_cast %get3A_552 : vector<1x16xi32> to vector<16xi32>
      %shift_left3A_554 = arith.shli %get3A_553, %broadcast_in_dim3A_234 : vector<16xi32>
      %bitcast_convert_type3A_555 = tpu.bitcast %shift_left3A_554 : vector<16xi32> -> vector<16xf32>
      %and3A_556 = arith.andi %get3A_553, %broadcast_in_dim3A_236 : vector<16xi32>
      %bitcast_convert_type3A_557 = tpu.bitcast %and3A_556 : vector<16xi32> -> vector<16xf32>
      %mul3A_558 = arith.constant 2 : i32
      %mul3A_559 = arith.muli %mul3A_558, %scan3A_395 : i32
      %get3A_560 = arith.index_cast %mul3A_559 : i32 to index
      %get3A_561 = arith.constant 48 : index
      %get3A_562 = tpu.vector_load %arg15[%get3A_560, %get3A_561] {strides = array<i32>} : memref<80x128xf32, #tpu.memory_space<vmem>>, vector<1x16xf32>,
      %get3A_563 = vector.shape_cast %get3A_562 : vector<1x16xf32> to vector<16xf32>
      %add3A_564 = arith.addf %get3A_563, %bitcast_convert_type3A_555 : vector<16xf32>
      %max3A_565 = arith.constant 0.000000e+00 : f32
      %max3A_566 = vector.broadcast %max3A_565 : f32 to vector<16xf32>
      %max3A_567 = arith.maximumf %add3A_564, %max3A_566 : vector<16xf32>
      %mul3A_568 = arith.constant 2 : i32
      %mul3A_569 = arith.muli %mul3A_568, %scan3A_395 : i32
      %add3A_570 = arith.constant 1 : i32
      %add3A_571 = arith.addi %mul3A_569, %add3A_570 : i32
      %get3A_572 = arith.index_cast %add3A_571 : i32 to index
      %get3A_573 = arith.constant 48 : index
      %get3A_574 = tpu.vector_load %arg15[%get3A_572, %get3A_573] {strides = array<i32>} : memref<80x128xf32, #tpu.memory_space<vmem>>, vector<1x16xf32>,
      %get3A_575 = vector.shape_cast %get3A_574 : vector<1x16xf32> to vector<16xf32>
      %add3A_576 = arith.addf %get3A_575, %bitcast_convert_type3A_557 : vector<16xf32>
      %max3A_577 = arith.constant 0.000000e+00 : f32
      %max3A_578 = vector.broadcast %max3A_577 : f32 to vector<16xf32>
      %max3A_579 = arith.maximumf %add3A_576, %max3A_578 : vector<16xf32>
      %mul3A_580 = arith.constant 2 : i32
      %mul3A_581 = arith.muli %mul3A_580, %scan3A_395 : i32
      %swap3A_582 = arith.index_cast %mul3A_581 : i32 to index
      %swap3A_583 = arith.constant 48 : index
      %swap3A_584 = tpu.vector_load %arg15[%swap3A_582, %swap3A_583] {strides = array<i32>} : memref<80x128xf32, #tpu.memory_space<vmem>>, vector<1x16xf32>,
      %swap3A_585 = vector.shape_cast %swap3A_584 : vector<1x16xf32> to vector<16xf32>
      %swap3A_586 = vector.shape_cast %max3A_567 : vector<16xf32> to vector<1x16xf32>
      tpu.vector_store %arg15[%swap3A_582, %swap3A_583], %swap3A_586 {strides = array<i32>} : memref<80x128xf32, #tpu.memory_space<vmem>>, vector<1x16xf32>,
      %mul3A_587 = arith.constant 2 : i32
      %mul3A_588 = arith.muli %mul3A_587, %scan3A_395 : i32
      %add3A_589 = arith.constant 1 : i32
      %add3A_590 = arith.addi %mul3A_588, %add3A_589 : i32
      %swap3A_591 = arith.index_cast %add3A_590 : i32 to index
      %swap3A_592 = arith.constant 48 : index
      %swap3A_593 = tpu.vector_load %arg15[%swap3A_591, %swap3A_592] {strides = array<i32>} : memref<80x128xf32, #tpu.memory_space<vmem>>, vector<1x16xf32>,
      %swap3A_594 = vector.shape_cast %swap3A_593 : vector<1x16xf32> to vector<16xf32>
      %swap3A_595 = vector.shape_cast %max3A_579 : vector<16xf32> to vector<1x16xf32>
      tpu.vector_store %arg15[%swap3A_591, %swap3A_592], %swap3A_595 {strides = array<i32>} : memref<80x128xf32, #tpu.memory_space<vmem>>, vector<1x16xf32>,
      %mul3A_596 = arith.mulf %max3A_567, %max3A_567 : vector<16xf32>
      %add3A_597 = arith.addf %scan3A_399, %mul3A_596 : vector<16xf32>
      %mul3A_598 = arith.mulf %max3A_579, %max3A_579 : vector<16xf32>
      %add3A_599 = arith.addf %add3A_597, %mul3A_598 : vector<16xf32>
      %get3A_600 = arith.index_cast %scan3A_395 : i32 to index
      %get3A_601 = arith.constant 64 : index
      %get3A_602 = tpu.vector_load %arg17[%get3A_600, %get3A_601] {strides = array<i32>} : memref<40x128xi32, #tpu.memory_space<vmem>>, vector<1x16xi32>,
      %get3A_603 = vector.shape_cast %get3A_602 : vector<1x16xi32> to vector<16xi32>
      %shift_left3A_604 = arith.shli %get3A_603, %broadcast_in_dim3A_234 : vector<16xi32>
      %bitcast_convert_type3A_605 = tpu.bitcast %shift_left3A_604 : vector<16xi32> -> vector<16xf32>
      %and3A_606 = arith.andi %get3A_603, %broadcast_in_dim3A_236 : vector<16xi32>
      %bitcast_convert_type3A_607 = tpu.bitcast %and3A_606 : vector<16xi32> -> vector<16xf32>
      %mul3A_608 = arith.constant 2 : i32
      %mul3A_609 = arith.muli %mul3A_608, %scan3A_395 : i32
      %get3A_610 = arith.index_cast %mul3A_609 : i32 to index
      %get3A_611 = arith.constant 64 : index
      %get3A_612 = tpu.vector_load %arg15[%get3A_610, %get3A_611] {strides = array<i32>} : memref<80x128xf32, #tpu.memory_space<vmem>>, vector<1x16xf32>,
      %get3A_613 = vector.shape_cast %get3A_612 : vector<1x16xf32> to vector<16xf32>
      %add3A_614 = arith.addf %get3A_613, %bitcast_convert_type3A_605 : vector<16xf32>
      %max3A_615 = arith.constant 0.000000e+00 : f32
      %max3A_616 = vector.broadcast %max3A_615 : f32 to vector<16xf32>
      %max3A_617 = arith.maximumf %add3A_614, %max3A_616 : vector<16xf32>
      %mul3A_618 = arith.constant 2 : i32
      %mul3A_619 = arith.muli %mul3A_618, %scan3A_395 : i32
      %add3A_620 = arith.constant 1 : i32
      %add3A_621 = arith.addi %mul3A_619, %add3A_620 : i32
      %get3A_622 = arith.index_cast %add3A_621 : i32 to index
      %get3A_623 = arith.constant 64 : index
      %get3A_624 = tpu.vector_load %arg15[%get3A_622, %get3A_623] {strides = array<i32>} : memref<80x128xf32, #tpu.memory_space<vmem>>, vector<1x16xf32>,
      %get3A_625 = vector.shape_cast %get3A_624 : vector<1x16xf32> to vector<16xf32>
      %add3A_626 = arith.addf %get3A_625, %bitcast_convert_type3A_607 : vector<16xf32>
      %max3A_627 = arith.constant 0.000000e+00 : f32
      %max3A_628 = vector.broadcast %max3A_627 : f32 to vector<16xf32>
      %max3A_629 = arith.maximumf %add3A_626, %max3A_628 : vector<16xf32>
      %mul3A_630 = arith.constant 2 : i32
      %mul3A_631 = arith.muli %mul3A_630, %scan3A_395 : i32
      %swap3A_632 = arith.index_cast %mul3A_631 : i32 to index
      %swap3A_633 = arith.constant 64 : index
      %swap3A_634 = tpu.vector_load %arg15[%swap3A_632, %swap3A_633] {strides = array<i32>} : memref<80x128xf32, #tpu.memory_space<vmem>>, vector<1x16xf32>,
      %swap3A_635 = vector.shape_cast %swap3A_634 : vector<1x16xf32> to vector<16xf32>
      %swap3A_636 = vector.shape_cast %max3A_617 : vector<16xf32> to vector<1x16xf32>
      tpu.vector_store %arg15[%swap3A_632, %swap3A_633], %swap3A_636 {strides = array<i32>} : memref<80x128xf32, #tpu.memory_space<vmem>>, vector<1x16xf32>,
      %mul3A_637 = arith.constant 2 : i32
      %mul3A_638 = arith.muli %mul3A_637, %scan3A_395 : i32
      %add3A_639 = arith.constant 1 : i32
      %add3A_640 = arith.addi %mul3A_638, %add3A_639 : i32
      %swap3A_641 = arith.index_cast %add3A_640 : i32 to index
      %swap3A_642 = arith.constant 64 : index
      %swap3A_643 = tpu.vector_load %arg15[%swap3A_641, %swap3A_642] {strides = array<i32>} : memref<80x128xf32, #tpu.memory_space<vmem>>, vector<1x16xf32>,
      %swap3A_644 = vector.shape_cast %swap3A_643 : vector<1x16xf32> to vector<16xf32>
      %swap3A_645 = vector.shape_cast %max3A_629 : vector<16xf32> to vector<1x16xf32>
      tpu.vector_store %arg15[%swap3A_641, %swap3A_642], %swap3A_645 {strides = array<i32>} : memref<80x128xf32, #tpu.memory_space<vmem>>, vector<1x16xf32>,
      %mul3A_646 = arith.mulf %max3A_617, %max3A_617 : vector<16xf32>
      %add3A_647 = arith.addf %scan3A_400, %mul3A_646 : vector<16xf32>
      %mul3A_648 = arith.mulf %max3A_629, %max3A_629 : vector<16xf32>
      %add3A_649 = arith.addf %add3A_647, %mul3A_648 : vector<16xf32>
      %get3A_650 = arith.index_cast %scan3A_395 : i32 to index
      %get3A_651 = arith.constant 80 : index
      %get3A_652 = tpu.vector_load %arg17[%get3A_650, %get3A_651] {strides = array<i32>} : memref<40x128xi32, #tpu.memory_space<vmem>>, vector<1x16xi32>,
      %get3A_653 = vector.shape_cast %get3A_652 : vector<1x16xi32> to vector<16xi32>
      %shift_left3A_654 = arith.shli %get3A_653, %broadcast_in_dim3A_234 : vector<16xi32>
      %bitcast_convert_type3A_655 = tpu.bitcast %shift_left3A_654 : vector<16xi32> -> vector<16xf32>
      %and3A_656 = arith.andi %get3A_653, %broadcast_in_dim3A_236 : vector<16xi32>
      %bitcast_convert_type3A_657 = tpu.bitcast %and3A_656 : vector<16xi32> -> vector<16xf32>
      %mul3A_658 = arith.constant 2 : i32
      %mul3A_659 = arith.muli %mul3A_658, %scan3A_395 : i32
      %get3A_660 = arith.index_cast %mul3A_659 : i32 to index
      %get3A_661 = arith.constant 80 : index
      %get3A_662 = tpu.vector_load %arg15[%get3A_660, %get3A_661] {strides = array<i32>} : memref<80x128xf32, #tpu.memory_space<vmem>>, vector<1x16xf32>,
      %get3A_663 = vector.shape_cast %get3A_662 : vector<1x16xf32> to vector<16xf32>
      %add3A_664 = arith.addf %get3A_663, %bitcast_convert_type3A_655 : vector<16xf32>
      %max3A_665 = arith.constant 0.000000e+00 : f32
      %max3A_666 = vector.broadcast %max3A_665 : f32 to vector<16xf32>
      %max3A_667 = arith.maximumf %add3A_664, %max3A_666 : vector<16xf32>
      %mul3A_668 = arith.constant 2 : i32
      %mul3A_669 = arith.muli %mul3A_668, %scan3A_395 : i32
      %add3A_670 = arith.constant 1 : i32
      %add3A_671 = arith.addi %mul3A_669, %add3A_670 : i32
      %get3A_672 = arith.index_cast %add3A_671 : i32 to index
      %get3A_673 = arith.constant 80 : index
      %get3A_674 = tpu.vector_load %arg15[%get3A_672, %get3A_673] {strides = array<i32>} : memref<80x128xf32, #tpu.memory_space<vmem>>, vector<1x16xf32>,
      %get3A_675 = vector.shape_cast %get3A_674 : vector<1x16xf32> to vector<16xf32>
      %add3A_676 = arith.addf %get3A_675, %bitcast_convert_type3A_657 : vector<16xf32>
      %max3A_677 = arith.constant 0.000000e+00 : f32
      %max3A_678 = vector.broadcast %max3A_677 : f32 to vector<16xf32>
      %max3A_679 = arith.maximumf %add3A_676, %max3A_678 : vector<16xf32>
      %mul3A_680 = arith.constant 2 : i32
      %mul3A_681 = arith.muli %mul3A_680, %scan3A_395 : i32
      %swap3A_682 = arith.index_cast %mul3A_681 : i32 to index
      %swap3A_683 = arith.constant 80 : index
      %swap3A_684 = tpu.vector_load %arg15[%swap3A_682, %swap3A_683] {strides = array<i32>} : memref<80x128xf32, #tpu.memory_space<vmem>>, vector<1x16xf32>,
      %swap3A_685 = vector.shape_cast %swap3A_684 : vector<1x16xf32> to vector<16xf32>
      %swap3A_686 = vector.shape_cast %max3A_667 : vector<16xf32> to vector<1x16xf32>
      tpu.vector_store %arg15[%swap3A_682, %swap3A_683], %swap3A_686 {strides = array<i32>} : memref<80x128xf32, #tpu.memory_space<vmem>>, vector<1x16xf32>,
      %mul3A_687 = arith.constant 2 : i32
      %mul3A_688 = arith.muli %mul3A_687, %scan3A_395 : i32
      %add3A_689 = arith.constant 1 : i32
      %add3A_690 = arith.addi %mul3A_688, %add3A_689 : i32
      %swap3A_691 = arith.index_cast %add3A_690 : i32 to index
      %swap3A_692 = arith.constant 80 : index
      %swap3A_693 = tpu.vector_load %arg15[%swap3A_691, %swap3A_692] {strides = array<i32>} : memref<80x128xf32, #tpu.memory_space<vmem>>, vector<1x16xf32>,
      %swap3A_694 = vector.shape_cast %swap3A_693 : vector<1x16xf32> to vector<16xf32>
      %swap3A_695 = vector.shape_cast %max3A_679 : vector<16xf32> to vector<1x16xf32>
      tpu.vector_store %arg15[%swap3A_691, %swap3A_692], %swap3A_695 {strides = array<i32>} : memref<80x128xf32, #tpu.memory_space<vmem>>, vector<1x16xf32>,
      %mul3A_696 = arith.mulf %max3A_667, %max3A_667 : vector<16xf32>
      %add3A_697 = arith.addf %scan3A_401, %mul3A_696 : vector<16xf32>
      %mul3A_698 = arith.mulf %max3A_679, %max3A_679 : vector<16xf32>
      %add3A_699 = arith.addf %add3A_697, %mul3A_698 : vector<16xf32>
      %get3A_700 = arith.index_cast %scan3A_395 : i32 to index
      %get3A_701 = arith.constant 96 : index
      %get3A_702 = tpu.vector_load %arg17[%get3A_700, %get3A_701] {strides = array<i32>} : memref<40x128xi32, #tpu.memory_space<vmem>>, vector<1x16xi32>,
      %get3A_703 = vector.shape_cast %get3A_702 : vector<1x16xi32> to vector<16xi32>
      %shift_left3A_704 = arith.shli %get3A_703, %broadcast_in_dim3A_234 : vector<16xi32>
      %bitcast_convert_type3A_705 = tpu.bitcast %shift_left3A_704 : vector<16xi32> -> vector<16xf32>
      %and3A_706 = arith.andi %get3A_703, %broadcast_in_dim3A_236 : vector<16xi32>
      %bitcast_convert_type3A_707 = tpu.bitcast %and3A_706 : vector<16xi32> -> vector<16xf32>
      %mul3A_708 = arith.constant 2 : i32
      %mul3A_709 = arith.muli %mul3A_708, %scan3A_395 : i32
      %get3A_710 = arith.index_cast %mul3A_709 : i32 to index
      %get3A_711 = arith.constant 96 : index
      %get3A_712 = tpu.vector_load %arg15[%get3A_710, %get3A_711] {strides = array<i32>} : memref<80x128xf32, #tpu.memory_space<vmem>>, vector<1x16xf32>,
      %get3A_713 = vector.shape_cast %get3A_712 : vector<1x16xf32> to vector<16xf32>
      %add3A_714 = arith.addf %get3A_713, %bitcast_convert_type3A_705 : vector<16xf32>
      %max3A_715 = arith.constant 0.000000e+00 : f32
      %max3A_716 = vector.broadcast %max3A_715 : f32 to vector<16xf32>
      %max3A_717 = arith.maximumf %add3A_714, %max3A_716 : vector<16xf32>
      %mul3A_718 = arith.constant 2 : i32
      %mul3A_719 = arith.muli %mul3A_718, %scan3A_395 : i32
      %add3A_720 = arith.constant 1 : i32
      %add3A_721 = arith.addi %mul3A_719, %add3A_720 : i32
      %get3A_722 = arith.index_cast %add3A_721 : i32 to index
      %get3A_723 = arith.constant 96 : index
      %get3A_724 = tpu.vector_load %arg15[%get3A_722, %get3A_723] {strides = array<i32>} : memref<80x128xf32, #tpu.memory_space<vmem>>, vector<1x16xf32>,
      %get3A_725 = vector.shape_cast %get3A_724 : vector<1x16xf32> to vector<16xf32>
      %add3A_726 = arith.addf %get3A_725, %bitcast_convert_type3A_707 : vector<16xf32>
      %max3A_727 = arith.constant 0.000000e+00 : f32
      %max3A_728 = vector.broadcast %max3A_727 : f32 to vector<16xf32>
      %max3A_729 = arith.maximumf %add3A_726, %max3A_728 : vector<16xf32>
      %mul3A_730 = arith.constant 2 : i32
      %mul3A_731 = arith.muli %mul3A_730, %scan3A_395 : i32
      %swap3A_732 = arith.index_cast %mul3A_731 : i32 to index
      %swap3A_733 = arith.constant 96 : index
      %swap3A_734 = tpu.vector_load %arg15[%swap3A_732, %swap3A_733] {strides = array<i32>} : memref<80x128xf32, #tpu.memory_space<vmem>>, vector<1x16xf32>,
      %swap3A_735 = vector.shape_cast %swap3A_734 : vector<1x16xf32> to vector<16xf32>
      %swap3A_736 = vector.shape_cast %max3A_717 : vector<16xf32> to vector<1x16xf32>
      tpu.vector_store %arg15[%swap3A_732, %swap3A_733], %swap3A_736 {strides = array<i32>} : memref<80x128xf32, #tpu.memory_space<vmem>>, vector<1x16xf32>,
      %mul3A_737 = arith.constant 2 : i32
      %mul3A_738 = arith.muli %mul3A_737, %scan3A_395 : i32
      %add3A_739 = arith.constant 1 : i32
      %add3A_740 = arith.addi %mul3A_738, %add3A_739 : i32
      %swap3A_741 = arith.index_cast %add3A_740 : i32 to index
      %swap3A_742 = arith.constant 96 : index
      %swap3A_743 = tpu.vector_load %arg15[%swap3A_741, %swap3A_742] {strides = array<i32>} : memref<80x128xf32, #tpu.memory_space<vmem>>, vector<1x16xf32>,
      %swap3A_744 = vector.shape_cast %swap3A_743 : vector<1x16xf32> to vector<16xf32>
      %swap3A_745 = vector.shape_cast %max3A_729 : vector<16xf32> to vector<1x16xf32>
      tpu.vector_store %arg15[%swap3A_741, %swap3A_742], %swap3A_745 {strides = array<i32>} : memref<80x128xf32, #tpu.memory_space<vmem>>, vector<1x16xf32>,
      %mul3A_746 = arith.mulf %max3A_717, %max3A_717 : vector<16xf32>
      %add3A_747 = arith.addf %scan3A_402, %mul3A_746 : vector<16xf32>
      %mul3A_748 = arith.mulf %max3A_729, %max3A_729 : vector<16xf32>
      %add3A_749 = arith.addf %add3A_747, %mul3A_748 : vector<16xf32>
      %get3A_750 = arith.index_cast %scan3A_395 : i32 to index
      %get3A_751 = arith.constant 112 : index
      %get3A_752 = tpu.vector_load %arg17[%get3A_750, %get3A_751] {strides = array<i32>} : memref<40x128xi32, #tpu.memory_space<vmem>>, vector<1x16xi32>,
      %get3A_753 = vector.shape_cast %get3A_752 : vector<1x16xi32> to vector<16xi32>
      %shift_left3A_754 = arith.shli %get3A_753, %broadcast_in_dim3A_234 : vector<16xi32>
      %bitcast_convert_type3A_755 = tpu.bitcast %shift_left3A_754 : vector<16xi32> -> vector<16xf32>
      %and3A_756 = arith.andi %get3A_753, %broadcast_in_dim3A_236 : vector<16xi32>
      %bitcast_convert_type3A_757 = tpu.bitcast %and3A_756 : vector<16xi32> -> vector<16xf32>
      %mul3A_758 = arith.constant 2 : i32
      %mul3A_759 = arith.muli %mul3A_758, %scan3A_395 : i32
      %get3A_760 = arith.index_cast %mul3A_759 : i32 to index
      %get3A_761 = arith.constant 112 : index
      %get3A_762 = tpu.vector_load %arg15[%get3A_760, %get3A_761] {strides = array<i32>} : memref<80x128xf32, #tpu.memory_space<vmem>>, vector<1x16xf32>,
      %get3A_763 = vector.shape_cast %get3A_762 : vector<1x16xf32> to vector<16xf32>
      %add3A_764 = arith.addf %get3A_763, %bitcast_convert_type3A_755 : vector<16xf32>
      %max3A_765 = arith.constant 0.000000e+00 : f32
      %max3A_766 = vector.broadcast %max3A_765 : f32 to vector<16xf32>
      %max3A_767 = arith.maximumf %add3A_764, %max3A_766 : vector<16xf32>
      %mul3A_768 = arith.constant 2 : i32
      %mul3A_769 = arith.muli %mul3A_768, %scan3A_395 : i32
      %add3A_770 = arith.constant 1 : i32
      %add3A_771 = arith.addi %mul3A_769, %add3A_770 : i32
      %get3A_772 = arith.index_cast %add3A_771 : i32 to index
      %get3A_773 = arith.constant 112 : index
      %get3A_774 = tpu.vector_load %arg15[%get3A_772, %get3A_773] {strides = array<i32>} : memref<80x128xf32, #tpu.memory_space<vmem>>, vector<1x16xf32>,
      %get3A_775 = vector.shape_cast %get3A_774 : vector<1x16xf32> to vector<16xf32>
      %add3A_776 = arith.addf %get3A_775, %bitcast_convert_type3A_757 : vector<16xf32>
      %max3A_777 = arith.constant 0.000000e+00 : f32
      %max3A_778 = vector.broadcast %max3A_777 : f32 to vector<16xf32>
      %max3A_779 = arith.maximumf %add3A_776, %max3A_778 : vector<16xf32>
      %mul3A_780 = arith.constant 2 : i32
      %mul3A_781 = arith.muli %mul3A_780, %scan3A_395 : i32
      %swap3A_782 = arith.index_cast %mul3A_781 : i32 to index
      %swap3A_783 = arith.constant 112 : index
      %swap3A_784 = tpu.vector_load %arg15[%swap3A_782, %swap3A_783] {strides = array<i32>} : memref<80x128xf32, #tpu.memory_space<vmem>>, vector<1x16xf32>,
      %swap3A_785 = vector.shape_cast %swap3A_784 : vector<1x16xf32> to vector<16xf32>
      %swap3A_786 = vector.shape_cast %max3A_767 : vector<16xf32> to vector<1x16xf32>
      tpu.vector_store %arg15[%swap3A_782, %swap3A_783], %swap3A_786 {strides = array<i32>} : memref<80x128xf32, #tpu.memory_space<vmem>>, vector<1x16xf32>,
      %mul3A_787 = arith.constant 2 : i32
      %mul3A_788 = arith.muli %mul3A_787, %scan3A_395 : i32
      %add3A_789 = arith.constant 1 : i32
      %add3A_790 = arith.addi %mul3A_788, %add3A_789 : i32
      %swap3A_791 = arith.index_cast %add3A_790 : i32 to index
      %swap3A_792 = arith.constant 112 : index
      %swap3A_793 = tpu.vector_load %arg15[%swap3A_791, %swap3A_792] {strides = array<i32>} : memref<80x128xf32, #tpu.memory_space<vmem>>, vector<1x16xf32>,
      %swap3A_794 = vector.shape_cast %swap3A_793 : vector<1x16xf32> to vector<16xf32>
      %swap3A_795 = vector.shape_cast %max3A_779 : vector<16xf32> to vector<1x16xf32>
      tpu.vector_store %arg15[%swap3A_791, %swap3A_792], %swap3A_795 {strides = array<i32>} : memref<80x128xf32, #tpu.memory_space<vmem>>, vector<1x16xf32>,
      %mul3A_796 = arith.mulf %max3A_767, %max3A_767 : vector<16xf32>
      %add3A_797 = arith.addf %scan3A_403, %mul3A_796 : vector<16xf32>
      %mul3A_798 = arith.mulf %max3A_779, %max3A_779 : vector<16xf32>
      %add3A_799 = arith.addf %add3A_797, %mul3A_798 : vector<16xf32>
      scf.yield %add3A_449, %add3A_499, %add3A_549, %add3A_599, %add3A_649, %add3A_699, %add3A_749, %add3A_799 : vector<16xf32>, vector<16xf32>, vector<16xf32>, vector<16xf32>, vector<16xf32>, vector<16xf32>, vector<16xf32>, vector<16xf32>
    }
    %scan3A_242 = arith.constant 40 : i32
    %dma_start3A_243 = arith.constant 0 : i32
    %dma_start3A_244 = arith.constant 0 : i32
    %dma_start3A_245 = tpu.memref_slice %arg21[%dma_start3A_243, %dma_start3A_244] : memref<10240x128xf32, #tpu.memory_space<vmem_shared>> -> memref<10240x128xf32, #tpu.memory_space<vmem_shared>>
    tpu.enqueue_indirect_dma source(%arg15 : memref<80x128xf32, #tpu.memory_space<vmem>>) target(%dma_start3A_245 : memref<10240x128xf32, #tpu.memory_space<vmem_shared>>) offsets(%arg11 : memref<80xi32, #tpu.memory_space<vmem>>) semaphore(%arg27 : memref<!tpu.dma_semaphore, #tpu.memory_space<semaphore_mem>>) {add = true}
    %dma_start3A_246 = arith.constant 0 : i32
    %dma_start3A_247 = tpu.memref_slice %arg22[%dma_start3A_246] : memref<10240xf32, #tpu.memory_space<vmem_shared>> -> memref<10240xf32, #tpu.memory_space<vmem_shared>>
    tpu.enqueue_indirect_dma source(%arg19 : memref<80xf32, #tpu.memory_space<vmem>>) target(%dma_start3A_247 : memref<10240xf32, #tpu.memory_space<vmem_shared>>) offsets(%arg11 : memref<80xi32, #tpu.memory_space<vmem>>) semaphore(%arg27 : memref<!tpu.dma_semaphore, #tpu.memory_space<semaphore_mem>>) {add = true}
    %min3A_248 = arith.constant 126 : i32
    %min3A_249 = arith.constant 124 : i32
    %min3A_250 = arith.minsi %min3A_248, %min3A_249 : i32
    %mul3A_251 = arith.constant 32 : i32
    %mul3A_252 = arith.muli %mul3A_251, %min3A_250 : i32
    %add3A_253 = arith.addi %add3A, %mul3A_252 : i32
    %mul3A_254 = arith.constant 80 : i32
    %mul3A_255 = arith.muli %add3A_253, %mul3A_254 : i32
    %jit3A_256 = arith.constant 2 : i32
    %div3A_257 = arith.divsi %mul3A_255, %jit3A_256 : i32
    %sign3A_258 = arith.constant 0 : i32
    %sign3A_259 = arith.cmpi sgt, %mul3A_255, %sign3A_258 : i32
    %sign3A_260 = arith.extui %sign3A_259 : i1 to i32
    %sign3A_261 = arith.constant 0 : i32
    %sign3A_262 = arith.cmpi slt, %mul3A_255, %sign3A_261 : i32
    %sign3A_263 = arith.extui %sign3A_262 : i1 to i32
    %sign3A_264 = arith.subi %sign3A_260, %sign3A_263 : i32
    %sign3A_265 = arith.constant 0 : i32
    %sign3A_266 = arith.cmpi sgt, %jit3A_256, %sign3A_265 : i32
    %sign3A_267 = arith.extui %sign3A_266 : i1 to i32
    %sign3A_268 = arith.constant 0 : i32
    %sign3A_269 = arith.cmpi slt, %jit3A_256, %sign3A_268 : i32
    %sign3A_270 = arith.extui %sign3A_269 : i1 to i32
    %sign3A_271 = arith.subi %sign3A_267, %sign3A_270 : i32
    %ne3A_272 = arith.cmpi ne, %sign3A_264, %sign3A_271 : i32
    %rem3A_273 = arith.remsi %mul3A_255, %jit3A_256 : i32
    %ne3A_274 = arith.constant 0 : i32
    %ne3A_275 = arith.cmpi ne, %rem3A_273, %ne3A_274 : i32
    %and3A_276 = arith.andi %ne3A_272, %ne3A_275 : i1
    %sub3A_277 = arith.constant 1 : i32
    %sub3A_278 = arith.subi %div3A_257, %sub3A_277 : i32
    %select_n3A_279 = arith.select %and3A_276, %sub3A_278, %div3A_257 : i32
    %multiple_of3A_280 = tpu.assume_multiple %select_n3A_279, 8 : i32
    %dma_start3A_281 = tpu.memref_slice %arg3[%mul3A_255] : memref<320000xi32, #tpu.memory_space<hbm>> -> memref<80xi32, #tpu.memory_space<hbm>>
    %dma_start3A_282 = tpu.memref_slice %arg3[%mul3A_255] : memref<320000xi32, #tpu.memory_space<hbm>> -> memref<80xi32, #tpu.memory_space<hbm>>
    tpu.enqueue_dma source(%dma_start3A_282 : memref<80xi32, #tpu.memory_space<hbm>>) target(%arg9 : memref<80xi32, #tpu.memory_space<vmem>>) target_semaphore(%arg23 : memref<!tpu.dma_semaphore, #tpu.memory_space<semaphore_mem>>)
    %dma_start3A_283 = tpu.memref_slice %arg4[%mul3A_255] : memref<320000xi32, #tpu.memory_space<hbm>> -> memref<80xi32, #tpu.memory_space<hbm>>
    %dma_start3A_284 = tpu.memref_slice %arg4[%mul3A_255] : memref<320000xi32, #tpu.memory_space<hbm>> -> memref<80xi32, #tpu.memory_space<hbm>>
    tpu.enqueue_dma source(%dma_start3A_284 : memref<80xi32, #tpu.memory_space<hbm>>) target(%arg13 : memref<80xi32, #tpu.memory_space<vmem>>) target_semaphore(%arg23 : memref<!tpu.dma_semaphore, #tpu.memory_space<semaphore_mem>>)
    %dma_start3A_285 = arith.constant 0 : i32
    %dma_start3A_286 = tpu.memref_slice %arg5[%multiple_of3A_280, %dma_start3A_285] : memref<160000x128xi32, #tpu.memory_space<hbm>> -> memref<40x128xi32, #tpu.memory_space<hbm>>
    %dma_start3A_287 = arith.constant 0 : i32
    %dma_start3A_288 = tpu.memref_slice %arg5[%multiple_of3A_280, %dma_start3A_287] : memref<160000x128xi32, #tpu.memory_space<hbm>> -> memref<40x128xi32, #tpu.memory_space<hbm>>
    tpu.enqueue_dma source(%dma_start3A_288 : memref<40x128xi32, #tpu.memory_space<hbm>>) target(%arg17 : memref<40x128xi32, #tpu.memory_space<vmem>>) target_semaphore(%arg23 : memref<!tpu.dma_semaphore, #tpu.memory_space<semaphore_mem>>)
    %dma_wait3A_289 = arith.constant 0 : i32
    %dma_wait3A_290 = tpu.memref_slice %arg3[%dma_wait3A_289] : memref<320000xi32, #tpu.memory_space<hbm>> -> memref<80xi32, #tpu.memory_space<hbm>>
    %dma_wait3A_291 = arith.constant 0 : i32
    %dma_wait3A_292 = tpu.memref_slice %arg3[%dma_wait3A_291] : memref<320000xi32, #tpu.memory_space<hbm>> -> memref<80xi32, #tpu.memory_space<hbm>>
    tpu.wait_dma2 semaphore(%arg23 : memref<!tpu.dma_semaphore, #tpu.memory_space<semaphore_mem>>) src(%dma_wait3A_292 : memref<80xi32, #tpu.memory_space<hbm>>) dst(%arg9 : memref<80xi32, #tpu.memory_space<vmem>>)
    %dma_wait3A_293 = arith.constant 0 : i32
    %dma_wait3A_294 = tpu.memref_slice %arg4[%dma_wait3A_293] : memref<320000xi32, #tpu.memory_space<hbm>> -> memref<80xi32, #tpu.memory_space<hbm>>
    %dma_wait3A_295 = arith.constant 0 : i32
    %dma_wait3A_296 = tpu.memref_slice %arg4[%dma_wait3A_295] : memref<320000xi32, #tpu.memory_space<hbm>> -> memref<80xi32, #tpu.memory_space<hbm>>
    tpu.wait_dma2 semaphore(%arg23 : memref<!tpu.dma_semaphore, #tpu.memory_space<semaphore_mem>>) src(%dma_wait3A_296 : memref<80xi32, #tpu.memory_space<hbm>>) dst(%arg13 : memref<80xi32, #tpu.memory_space<vmem>>)
    %dma_wait3A_297 = arith.constant 0 : i32
    %dma_wait3A_298 = arith.constant 0 : i32
    %dma_wait3A_299 = tpu.memref_slice %arg5[%dma_wait3A_297, %dma_wait3A_298] : memref<160000x128xi32, #tpu.memory_space<hbm>> -> memref<40x128xi32, #tpu.memory_space<hbm>>
    %dma_wait3A_300 = arith.constant 0 : i32
    %dma_wait3A_301 = arith.constant 0 : i32
    %dma_wait3A_302 = tpu.memref_slice %arg5[%dma_wait3A_300, %dma_wait3A_301] : memref<160000x128xi32, #tpu.memory_space<hbm>> -> memref<40x128xi32, #tpu.memory_space<hbm>>
    tpu.wait_dma2 semaphore(%arg23 : memref<!tpu.dma_semaphore, #tpu.memory_space<semaphore_mem>>) src(%dma_wait3A_302 : memref<40x128xi32, #tpu.memory_space<hbm>>) dst(%arg17 : memref<40x128xi32, #tpu.memory_space<vmem>>)
    %dma_wait3A_303 = arith.constant 0 : i32
    %dma_wait3A_304 = arith.constant 0 : i32
    %dma_wait3A_305 = arith.constant 0 : i32
    %dma_wait3A_306 = tpu.memref_slice %arg6[%dma_wait3A_303, %dma_wait3A_304, %dma_wait3A_305] : memref<2x10240x128xf32, #tpu.memory_space<hbm>> -> memref<1x80x128xf32, #tpu.memory_space<hbm>>
    %dma_wait3A_307 = tpu.memref_squeeze %dma_wait3A_306 : memref<1x80x128xf32, #tpu.memory_space<hbm>> -> memref<80x128xf32, #tpu.memory_space<hbm>>
    %dma_wait3A_308 = arith.constant 0 : i32
    %dma_wait3A_309 = arith.constant 0 : i32
    %dma_wait3A_310 = tpu.memref_slice %arg6[%dma_wait3A_303, %dma_wait3A_308, %dma_wait3A_309] : memref<2x10240x128xf32, #tpu.memory_space<hbm>> -> memref<1x80x128xf32, #tpu.memory_space<hbm>>
    %dma_wait3A_311 = tpu.memref_squeeze %dma_wait3A_310 : memref<1x80x128xf32, #tpu.memory_space<hbm>> -> memref<80x128xf32, #tpu.memory_space<hbm>>
    tpu.wait_dma2 semaphore(%arg26 : memref<!tpu.dma_semaphore, #tpu.memory_space<semaphore_mem>>) src(%dma_wait3A_311 : memref<80x128xf32, #tpu.memory_space<hbm>>) dst(%arg16 : memref<80x128xf32, #tpu.memory_space<vmem>>)
    %dma_wait3A_312 = arith.constant 0 : i32
    %dma_wait3A_313 = arith.constant 0 : i32
    %dma_wait3A_314 = arith.constant 0 : i32
    %dma_wait3A_315 = tpu.memref_slice %arg6[%dma_wait3A_312, %dma_wait3A_313, %dma_wait3A_314] : memref<2x10240x128xf32, #tpu.memory_space<hbm>> -> memref<1x80x128xf32, #tpu.memory_space<hbm>>
    %dma_wait3A_316 = tpu.memref_squeeze %dma_wait3A_315 : memref<1x80x128xf32, #tpu.memory_space<hbm>> -> memref<80x128xf32, #tpu.memory_space<hbm>>
    %dma_wait3A_317 = arith.constant 0 : i32
    %dma_wait3A_318 = arith.constant 0 : i32
    %dma_wait3A_319 = tpu.memref_slice %arg6[%dma_wait3A_312, %dma_wait3A_317, %dma_wait3A_318] : memref<2x10240x128xf32, #tpu.memory_space<hbm>> -> memref<1x80x128xf32, #tpu.memory_space<hbm>>
    %dma_wait3A_320 = tpu.memref_squeeze %dma_wait3A_319 : memref<1x80x128xf32, #tpu.memory_space<hbm>> -> memref<80x128xf32, #tpu.memory_space<hbm>>
    tpu.wait_dma2 semaphore(%arg27 : memref<!tpu.dma_semaphore, #tpu.memory_space<semaphore_mem>>) src(%dma_wait3A_320 : memref<80x128xf32, #tpu.memory_space<hbm>>) dst(%arg15 : memref<80x128xf32, #tpu.memory_space<vmem>>)
    %dma_wait3A_321 = arith.constant 0 : i32
    %dma_wait3A_322 = arith.constant 0 : i32
    %dma_wait3A_323 = arith.constant 0 : i32
    %dma_wait3A_324 = tpu.memref_slice %arg6[%dma_wait3A_321, %dma_wait3A_322, %dma_wait3A_323] : memref<2x10240x128xf32, #tpu.memory_space<hbm>> -> memref<1x1x80xf32, #tpu.memory_space<hbm>>
    %dma_wait3A_325 = tpu.memref_squeeze %dma_wait3A_324 : memref<1x1x80xf32, #tpu.memory_space<hbm>> -> memref<80xf32, #tpu.memory_space<hbm>>
    %dma_wait3A_326 = arith.constant 0 : i32
    %dma_wait3A_327 = tpu.memref_slice %arg6[%dma_wait3A_321, %dma_wait3A_322, %dma_wait3A_326] : memref<2x10240x128xf32, #tpu.memory_space<hbm>> -> memref<1x1x80xf32, #tpu.memory_space<hbm>>
    %dma_wait3A_328 = tpu.memref_squeeze %dma_wait3A_327 : memref<1x1x80xf32, #tpu.memory_space<hbm>> -> memref<80xf32, #tpu.memory_space<hbm>>
    tpu.wait_dma2 semaphore(%arg27 : memref<!tpu.dma_semaphore, #tpu.memory_space<semaphore_mem>>) src(%dma_wait3A_328 : memref<80xf32, #tpu.memory_space<hbm>>) dst(%arg19 : memref<80xf32, #tpu.memory_space<vmem>>)
    %swap3A = arith.constant 0 : index
    %swap3A_329 = tpu.vector_load %arg20[%swap3A] {strides = array<i32>} : memref<128xf32, #tpu.memory_space<vmem>>, vector<16xf32>,
    %swap3A_330 = vector.shape_cast %swap3A_329 : vector<16xf32> to vector<16xf32>
    %swap3A_331 = vector.shape_cast %scan3A_241#0 : vector<16xf32> to vector<16xf32>
    tpu.vector_store %arg20[%swap3A], %swap3A_331 {strides = array<i32>} : memref<128xf32, #tpu.memory_space<vmem>>, vector<16xf32>,
    %swap3A_332 = arith.constant 16 : index
    %swap3A_333 = tpu.vector_load %arg20[%swap3A_332] {strides = array<i32>} : memref<128xf32, #tpu.memory_space<vmem>>, vector<16xf32>,
    %swap3A_334 = vector.shape_cast %swap3A_333 : vector<16xf32> to vector<16xf32>
    %swap3A_335 = vector.shape_cast %scan3A_241#1 : vector<16xf32> to vector<16xf32>
    tpu.vector_store %arg20[%swap3A_332], %swap3A_335 {strides = array<i32>} : memref<128xf32, #tpu.memory_space<vmem>>, vector<16xf32>,
    %swap3A_336 = arith.constant 32 : index
    %swap3A_337 = tpu.vector_load %arg20[%swap3A_336] {strides = array<i32>} : memref<128xf32, #tpu.memory_space<vmem>>, vector<16xf32>,
    %swap3A_338 = vector.shape_cast %swap3A_337 : vector<16xf32> to vector<16xf32>
    %swap3A_339 = vector.shape_cast %scan3A_241#2 : vector<16xf32> to vector<16xf32>
    tpu.vector_store %arg20[%swap3A_336], %swap3A_339 {strides = array<i32>} : memref<128xf32, #tpu.memory_space<vmem>>, vector<16xf32>,
    %swap3A_340 = arith.constant 48 : index
    %swap3A_341 = tpu.vector_load %arg20[%swap3A_340] {strides = array<i32>} : memref<128xf32, #tpu.memory_space<vmem>>, vector<16xf32>,
    %swap3A_342 = vector.shape_cast %swap3A_341 : vector<16xf32> to vector<16xf32>
    %swap3A_343 = vector.shape_cast %scan3A_241#3 : vector<16xf32> to vector<16xf32>
    tpu.vector_store %arg20[%swap3A_340], %swap3A_343 {strides = array<i32>} : memref<128xf32, #tpu.memory_space<vmem>>, vector<16xf32>,
    %swap3A_344 = arith.constant 64 : index
    %swap3A_345 = tpu.vector_load %arg20[%swap3A_344] {strides = array<i32>} : memref<128xf32, #tpu.memory_space<vmem>>, vector<16xf32>,
    %swap3A_346 = vector.shape_cast %swap3A_345 : vector<16xf32> to vector<16xf32>
    %swap3A_347 = vector.shape_cast %scan3A_241#4 : vector<16xf32> to vector<16xf32>
    tpu.vector_store %arg20[%swap3A_344], %swap3A_347 {strides = array<i32>} : memref<128xf32, #tpu.memory_space<vmem>>, vector<16xf32>,
    %swap3A_348 = arith.constant 80 : index
    %swap3A_349 = tpu.vector_load %arg20[%swap3A_348] {strides = array<i32>} : memref<128xf32, #tpu.memory_space<vmem>>, vector<16xf32>,
    %swap3A_350 = vector.shape_cast %swap3A_349 : vector<16xf32> to vector<16xf32>
    %swap3A_351 = vector.shape_cast %scan3A_241#5 : vector<16xf32> to vector<16xf32>
    tpu.vector_store %arg20[%swap3A_348], %swap3A_351 {strides = array<i32>} : memref<128xf32, #tpu.memory_space<vmem>>, vector<16xf32>,
    %swap3A_352 = arith.constant 96 : index
    %swap3A_353 = tpu.vector_load %arg20[%swap3A_352] {strides = array<i32>} : memref<128xf32, #tpu.memory_space<vmem>>, vector<16xf32>,
    %swap3A_354 = vector.shape_cast %swap3A_353 : vector<16xf32> to vector<16xf32>
    %swap3A_355 = vector.shape_cast %scan3A_241#6 : vector<16xf32> to vector<16xf32>
    tpu.vector_store %arg20[%swap3A_352], %swap3A_355 {strides = array<i32>} : memref<128xf32, #tpu.memory_space<vmem>>, vector<16xf32>,
    %swap3A_356 = arith.constant 112 : index
    %swap3A_357 = tpu.vector_load %arg20[%swap3A_356] {strides = array<i32>} : memref<128xf32, #tpu.memory_space<vmem>>, vector<16xf32>,
    %swap3A_358 = vector.shape_cast %swap3A_357 : vector<16xf32> to vector<16xf32>
    %swap3A_359 = vector.shape_cast %scan3A_241#7 : vector<16xf32> to vector<16xf32>
    tpu.vector_store %arg20[%swap3A_356], %swap3A_359 {strides = array<i32>} : memref<128xf32, #tpu.memory_space<vmem>>, vector<16xf32>,
    %barrier3A_360 = arith.constant 0 : index
    tpu.barrier barrier_id(%barrier3A_360)
    %mul3A_361 = arith.constant 640 : i32
    %mul3A_362 = arith.muli %arg1, %mul3A_361 : i32
    %add3A_363 = arith.constant 0 : i32
    %add3A_364 = arith.addi %mul3A_362, %add3A_363 : i32
    "tpu.region"() ({
      %run_scoped3A_395 = tpu.sem_alloc : memref<!tpu.dma_semaphore, #tpu.memory_space<semaphore_mem>>
      %dma_start3A_396 = arith.constant 0 : i32
      %dma_start3A_397 = tpu.memref_slice %arg6[%arg0, %add3A_364, %dma_start3A_396] : memref<2x10240x128xf32, #tpu.memory_space<hbm>> -> memref<1x80x128xf32, #tpu.memory_space<hbm>>
      %dma_start3A_398 = tpu.memref_squeeze %dma_start3A_397 : memref<1x80x128xf32, #tpu.memory_space<hbm>> -> memref<80x128xf32, #tpu.memory_space<hbm>>
      %dma_start3A_399 = arith.constant 0 : i32
      %dma_start3A_400 = tpu.memref_slice %arg21[%add3A_364, %dma_start3A_399] : memref<10240x128xf32, #tpu.memory_space<vmem_shared>> -> memref<80x128xf32, #tpu.memory_space<vmem_shared>>
      tpu.enqueue_dma source(%dma_start3A_400 : memref<80x128xf32, #tpu.memory_space<vmem_shared>>) target(%dma_start3A_398 : memref<80x128xf32, #tpu.memory_space<hbm>>) target_semaphore(%run_scoped3A_395 : memref<!tpu.dma_semaphore, #tpu.memory_space<semaphore_mem>>)
      %dma_wait3A_401 = arith.constant 0 : i32
      %dma_wait3A_402 = tpu.memref_slice %arg6[%arg0, %add3A_364, %dma_wait3A_401] : memref<2x10240x128xf32, #tpu.memory_space<hbm>> -> memref<1x80x128xf32, #tpu.memory_space<hbm>>
      %dma_wait3A_403 = tpu.memref_squeeze %dma_wait3A_402 : memref<1x80x128xf32, #tpu.memory_space<hbm>> -> memref<80x128xf32, #tpu.memory_space<hbm>>
      %dma_wait3A_404 = arith.constant 0 : i32
      %dma_wait3A_405 = tpu.memref_slice %arg21[%add3A_364, %dma_wait3A_404] : memref<10240x128xf32, #tpu.memory_space<vmem_shared>> -> memref<80x128xf32, #tpu.memory_space<vmem_shared>>
      tpu.wait_dma2 semaphore(%run_scoped3A_395 : memref<!tpu.dma_semaphore, #tpu.memory_space<semaphore_mem>>) src(%dma_wait3A_405 : memref<80x128xf32, #tpu.memory_space<vmem_shared>>) dst(%dma_wait3A_403 : memref<80x128xf32, #tpu.memory_space<hbm>>)
      tpu.yield
    }) : () -> ()
    %mul3A_365 = arith.constant 640 : i32
    %mul3A_366 = arith.muli %arg1, %mul3A_365 : i32
    %add3A_367 = arith.constant 80 : i32
    %add3A_368 = arith.addi %mul3A_366, %add3A_367 : i32
    "tpu.region"() ({
      %run_scoped3A_395 = tpu.sem_alloc : memref<!tpu.dma_semaphore, #tpu.memory_space<semaphore_mem>>
      %dma_start3A_396 = arith.constant 0 : i32
      %dma_start3A_397 = tpu.memref_slice %arg6[%arg0, %add3A_368, %dma_start3A_396] : memref<2x10240x128xf32, #tpu.memory_space<hbm>> -> memref<1x80x128xf32, #tpu.memory_space<hbm>>
      %dma_start3A_398 = tpu.memref_squeeze %dma_start3A_397 : memref<1x80x128xf32, #tpu.memory_space<hbm>> -> memref<80x128xf32, #tpu.memory_space<hbm>>
      %dma_start3A_399 = arith.constant 0 : i32
      %dma_start3A_400 = tpu.memref_slice %arg21[%add3A_368, %dma_start3A_399] : memref<10240x128xf32, #tpu.memory_space<vmem_shared>> -> memref<80x128xf32, #tpu.memory_space<vmem_shared>>
      tpu.enqueue_dma source(%dma_start3A_400 : memref<80x128xf32, #tpu.memory_space<vmem_shared>>) target(%dma_start3A_398 : memref<80x128xf32, #tpu.memory_space<hbm>>) target_semaphore(%run_scoped3A_395 : memref<!tpu.dma_semaphore, #tpu.memory_space<semaphore_mem>>)
      %dma_wait3A_401 = arith.constant 0 : i32
      %dma_wait3A_402 = tpu.memref_slice %arg6[%arg0, %add3A_368, %dma_wait3A_401] : memref<2x10240x128xf32, #tpu.memory_space<hbm>> -> memref<1x80x128xf32, #tpu.memory_space<hbm>>
      %dma_wait3A_403 = tpu.memref_squeeze %dma_wait3A_402 : memref<1x80x128xf32, #tpu.memory_space<hbm>> -> memref<80x128xf32, #tpu.memory_space<hbm>>
      %dma_wait3A_404 = arith.constant 0 : i32
      %dma_wait3A_405 = tpu.memref_slice %arg21[%add3A_368, %dma_wait3A_404] : memref<10240x128xf32, #tpu.memory_space<vmem_shared>> -> memref<80x128xf32, #tpu.memory_space<vmem_shared>>
      tpu.wait_dma2 semaphore(%run_scoped3A_395 : memref<!tpu.dma_semaphore, #tpu.memory_space<semaphore_mem>>) src(%dma_wait3A_405 : memref<80x128xf32, #tpu.memory_space<vmem_shared>>) dst(%dma_wait3A_403 : memref<80x128xf32, #tpu.memory_space<hbm>>)
      tpu.yield
    }) : () -> ()
    %mul3A_369 = arith.constant 640 : i32
    %mul3A_370 = arith.muli %arg1, %mul3A_369 : i32
    %add3A_371 = arith.constant 160 : i32
    %add3A_372 = arith.addi %mul3A_370, %add3A_371 : i32
    "tpu.region"() ({
      %run_scoped3A_395 = tpu.sem_alloc : memref<!tpu.dma_semaphore, #tpu.memory_space<semaphore_mem>>
      %dma_start3A_396 = arith.constant 0 : i32
      %dma_start3A_397 = tpu.memref_slice %arg6[%arg0, %add3A_372, %dma_start3A_396] : memref<2x10240x128xf32, #tpu.memory_space<hbm>> -> memref<1x80x128xf32, #tpu.memory_space<hbm>>
      %dma_start3A_398 = tpu.memref_squeeze %dma_start3A_397 : memref<1x80x128xf32, #tpu.memory_space<hbm>> -> memref<80x128xf32, #tpu.memory_space<hbm>>
      %dma_start3A_399 = arith.constant 0 : i32
      %dma_start3A_400 = tpu.memref_slice %arg21[%add3A_372, %dma_start3A_399] : memref<10240x128xf32, #tpu.memory_space<vmem_shared>> -> memref<80x128xf32, #tpu.memory_space<vmem_shared>>
      tpu.enqueue_dma source(%dma_start3A_400 : memref<80x128xf32, #tpu.memory_space<vmem_shared>>) target(%dma_start3A_398 : memref<80x128xf32, #tpu.memory_space<hbm>>) target_semaphore(%run_scoped3A_395 : memref<!tpu.dma_semaphore, #tpu.memory_space<semaphore_mem>>)
      %dma_wait3A_401 = arith.constant 0 : i32
      %dma_wait3A_402 = tpu.memref_slice %arg6[%arg0, %add3A_372, %dma_wait3A_401] : memref<2x10240x128xf32, #tpu.memory_space<hbm>> -> memref<1x80x128xf32, #tpu.memory_space<hbm>>
      %dma_wait3A_403 = tpu.memref_squeeze %dma_wait3A_402 : memref<1x80x128xf32, #tpu.memory_space<hbm>> -> memref<80x128xf32, #tpu.memory_space<hbm>>
      %dma_wait3A_404 = arith.constant 0 : i32
      %dma_wait3A_405 = tpu.memref_slice %arg21[%add3A_372, %dma_wait3A_404] : memref<10240x128xf32, #tpu.memory_space<vmem_shared>> -> memref<80x128xf32, #tpu.memory_space<vmem_shared>>
      tpu.wait_dma2 semaphore(%run_scoped3A_395 : memref<!tpu.dma_semaphore, #tpu.memory_space<semaphore_mem>>) src(%dma_wait3A_405 : memref<80x128xf32, #tpu.memory_space<vmem_shared>>) dst(%dma_wait3A_403 : memref<80x128xf32, #tpu.memory_space<hbm>>)
      tpu.yield
    }) : () -> ()
    %mul3A_373 = arith.constant 640 : i32
    %mul3A_374 = arith.muli %arg1, %mul3A_373 : i32
    %add3A_375 = arith.constant 240 : i32
    %add3A_376 = arith.addi %mul3A_374, %add3A_375 : i32
    "tpu.region"() ({
      %run_scoped3A_395 = tpu.sem_alloc : memref<!tpu.dma_semaphore, #tpu.memory_space<semaphore_mem>>
      %dma_start3A_396 = arith.constant 0 : i32
      %dma_start3A_397 = tpu.memref_slice %arg6[%arg0, %add3A_376, %dma_start3A_396] : memref<2x10240x128xf32, #tpu.memory_space<hbm>> -> memref<1x80x128xf32, #tpu.memory_space<hbm>>
      %dma_start3A_398 = tpu.memref_squeeze %dma_start3A_397 : memref<1x80x128xf32, #tpu.memory_space<hbm>> -> memref<80x128xf32, #tpu.memory_space<hbm>>
      %dma_start3A_399 = arith.constant 0 : i32
      %dma_start3A_400 = tpu.memref_slice %arg21[%add3A_376, %dma_start3A_399] : memref<10240x128xf32, #tpu.memory_space<vmem_shared>> -> memref<80x128xf32, #tpu.memory_space<vmem_shared>>
      tpu.enqueue_dma source(%dma_start3A_400 : memref<80x128xf32, #tpu.memory_space<vmem_shared>>) target(%dma_start3A_398 : memref<80x128xf32, #tpu.memory_space<hbm>>) target_semaphore(%run_scoped3A_395 : memref<!tpu.dma_semaphore, #tpu.memory_space<semaphore_mem>>)
      %dma_wait3A_401 = arith.constant 0 : i32
      %dma_wait3A_402 = tpu.memref_slice %arg6[%arg0, %add3A_376, %dma_wait3A_401] : memref<2x10240x128xf32, #tpu.memory_space<hbm>> -> memref<1x80x128xf32, #tpu.memory_space<hbm>>
      %dma_wait3A_403 = tpu.memref_squeeze %dma_wait3A_402 : memref<1x80x128xf32, #tpu.memory_space<hbm>> -> memref<80x128xf32, #tpu.memory_space<hbm>>
      %dma_wait3A_404 = arith.constant 0 : i32
      %dma_wait3A_405 = tpu.memref_slice %arg21[%add3A_376, %dma_wait3A_404] : memref<10240x128xf32, #tpu.memory_space<vmem_shared>> -> memref<80x128xf32, #tpu.memory_space<vmem_shared>>
      tpu.wait_dma2 semaphore(%run_scoped3A_395 : memref<!tpu.dma_semaphore, #tpu.memory_space<semaphore_mem>>) src(%dma_wait3A_405 : memref<80x128xf32, #tpu.memory_space<vmem_shared>>) dst(%dma_wait3A_403 : memref<80x128xf32, #tpu.memory_space<hbm>>)
      tpu.yield
    }) : () -> ()
    %mul3A_377 = arith.constant 640 : i32
    %mul3A_378 = arith.muli %arg1, %mul3A_377 : i32
    %add3A_379 = arith.constant 320 : i32
    %add3A_380 = arith.addi %mul3A_378, %add3A_379 : i32
    "tpu.region"() ({
      %run_scoped3A_395 = tpu.sem_alloc : memref<!tpu.dma_semaphore, #tpu.memory_space<semaphore_mem>>
      %dma_start3A_396 = arith.constant 0 : i32
      %dma_start3A_397 = tpu.memref_slice %arg6[%arg0, %add3A_380, %dma_start3A_396] : memref<2x10240x128xf32, #tpu.memory_space<hbm>> -> memref<1x80x128xf32, #tpu.memory_space<hbm>>
      %dma_start3A_398 = tpu.memref_squeeze %dma_start3A_397 : memref<1x80x128xf32, #tpu.memory_space<hbm>> -> memref<80x128xf32, #tpu.memory_space<hbm>>
      %dma_start3A_399 = arith.constant 0 : i32
      %dma_start3A_400 = tpu.memref_slice %arg21[%add3A_380, %dma_start3A_399] : memref<10240x128xf32, #tpu.memory_space<vmem_shared>> -> memref<80x128xf32, #tpu.memory_space<vmem_shared>>
      tpu.enqueue_dma source(%dma_start3A_400 : memref<80x128xf32, #tpu.memory_space<vmem_shared>>) target(%dma_start3A_398 : memref<80x128xf32, #tpu.memory_space<hbm>>) target_semaphore(%run_scoped3A_395 : memref<!tpu.dma_semaphore, #tpu.memory_space<semaphore_mem>>)
      %dma_wait3A_401 = arith.constant 0 : i32
      %dma_wait3A_402 = tpu.memref_slice %arg6[%arg0, %add3A_380, %dma_wait3A_401] : memref<2x10240x128xf32, #tpu.memory_space<hbm>> -> memref<1x80x128xf32, #tpu.memory_space<hbm>>
      %dma_wait3A_403 = tpu.memref_squeeze %dma_wait3A_402 : memref<1x80x128xf32, #tpu.memory_space<hbm>> -> memref<80x128xf32, #tpu.memory_space<hbm>>
      %dma_wait3A_404 = arith.constant 0 : i32
      %dma_wait3A_405 = tpu.memref_slice %arg21[%add3A_380, %dma_wait3A_404] : memref<10240x128xf32, #tpu.memory_space<vmem_shared>> -> memref<80x128xf32, #tpu.memory_space<vmem_shared>>
      tpu.wait_dma2 semaphore(%run_scoped3A_395 : memref<!tpu.dma_semaphore, #tpu.memory_space<semaphore_mem>>) src(%dma_wait3A_405 : memref<80x128xf32, #tpu.memory_space<vmem_shared>>) dst(%dma_wait3A_403 : memref<80x128xf32, #tpu.memory_space<hbm>>)
      tpu.yield
    }) : () -> ()
    %mul3A_381 = arith.constant 640 : i32
    %mul3A_382 = arith.muli %arg1, %mul3A_381 : i32
    %add3A_383 = arith.constant 400 : i32
    %add3A_384 = arith.addi %mul3A_382, %add3A_383 : i32
    "tpu.region"() ({
      %run_scoped3A_395 = tpu.sem_alloc : memref<!tpu.dma_semaphore, #tpu.memory_space<semaphore_mem>>
      %dma_start3A_396 = arith.constant 0 : i32
      %dma_start3A_397 = tpu.memref_slice %arg6[%arg0, %add3A_384, %dma_start3A_396] : memref<2x10240x128xf32, #tpu.memory_space<hbm>> -> memref<1x80x128xf32, #tpu.memory_space<hbm>>
      %dma_start3A_398 = tpu.memref_squeeze %dma_start3A_397 : memref<1x80x128xf32, #tpu.memory_space<hbm>> -> memref<80x128xf32, #tpu.memory_space<hbm>>
      %dma_start3A_399 = arith.constant 0 : i32
      %dma_start3A_400 = tpu.memref_slice %arg21[%add3A_384, %dma_start3A_399] : memref<10240x128xf32, #tpu.memory_space<vmem_shared>> -> memref<80x128xf32, #tpu.memory_space<vmem_shared>>
      tpu.enqueue_dma source(%dma_start3A_400 : memref<80x128xf32, #tpu.memory_space<vmem_shared>>) target(%dma_start3A_398 : memref<80x128xf32, #tpu.memory_space<hbm>>) target_semaphore(%run_scoped3A_395 : memref<!tpu.dma_semaphore, #tpu.memory_space<semaphore_mem>>)
      %dma_wait3A_401 = arith.constant 0 : i32
      %dma_wait3A_402 = tpu.memref_slice %arg6[%arg0, %add3A_384, %dma_wait3A_401] : memref<2x10240x128xf32, #tpu.memory_space<hbm>> -> memref<1x80x128xf32, #tpu.memory_space<hbm>>
      %dma_wait3A_403 = tpu.memref_squeeze %dma_wait3A_402 : memref<1x80x128xf32, #tpu.memory_space<hbm>> -> memref<80x128xf32, #tpu.memory_space<hbm>>
      %dma_wait3A_404 = arith.constant 0 : i32
      %dma_wait3A_405 = tpu.memref_slice %arg21[%add3A_384, %dma_wait3A_404] : memref<10240x128xf32, #tpu.memory_space<vmem_shared>> -> memref<80x128xf32, #tpu.memory_space<vmem_shared>>
      tpu.wait_dma2 semaphore(%run_scoped3A_395 : memref<!tpu.dma_semaphore, #tpu.memory_space<semaphore_mem>>) src(%dma_wait3A_405 : memref<80x128xf32, #tpu.memory_space<vmem_shared>>) dst(%dma_wait3A_403 : memref<80x128xf32, #tpu.memory_space<hbm>>)
      tpu.yield
    }) : () -> ()
    %mul3A_385 = arith.constant 640 : i32
    %mul3A_386 = arith.muli %arg1, %mul3A_385 : i32
    %add3A_387 = arith.constant 480 : i32
    %add3A_388 = arith.addi %mul3A_386, %add3A_387 : i32
    "tpu.region"() ({
      %run_scoped3A_395 = tpu.sem_alloc : memref<!tpu.dma_semaphore, #tpu.memory_space<semaphore_mem>>
      %dma_start3A_396 = arith.constant 0 : i32
      %dma_start3A_397 = tpu.memref_slice %arg6[%arg0, %add3A_388, %dma_start3A_396] : memref<2x10240x128xf32, #tpu.memory_space<hbm>> -> memref<1x80x128xf32, #tpu.memory_space<hbm>>
      %dma_start3A_398 = tpu.memref_squeeze %dma_start3A_397 : memref<1x80x128xf32, #tpu.memory_space<hbm>> -> memref<80x128xf32, #tpu.memory_space<hbm>>
      %dma_start3A_399 = arith.constant 0 : i32
      %dma_start3A_400 = tpu.memref_slice %arg21[%add3A_388, %dma_start3A_399] : memref<10240x128xf32, #tpu.memory_space<vmem_shared>> -> memref<80x128xf32, #tpu.memory_space<vmem_shared>>
      tpu.enqueue_dma source(%dma_start3A_400 : memref<80x128xf32, #tpu.memory_space<vmem_shared>>) target(%dma_start3A_398 : memref<80x128xf32, #tpu.memory_space<hbm>>) target_semaphore(%run_scoped3A_395 : memref<!tpu.dma_semaphore, #tpu.memory_space<semaphore_mem>>)
      %dma_wait3A_401 = arith.constant 0 : i32
      %dma_wait3A_402 = tpu.memref_slice %arg6[%arg0, %add3A_388, %dma_wait3A_401] : memref<2x10240x128xf32, #tpu.memory_space<hbm>> -> memref<1x80x128xf32, #tpu.memory_space<hbm>>
      %dma_wait3A_403 = tpu.memref_squeeze %dma_wait3A_402 : memref<1x80x128xf32, #tpu.memory_space<hbm>> -> memref<80x128xf32, #tpu.memory_space<hbm>>
      %dma_wait3A_404 = arith.constant 0 : i32
      %dma_wait3A_405 = tpu.memref_slice %arg21[%add3A_388, %dma_wait3A_404] : memref<10240x128xf32, #tpu.memory_space<vmem_shared>> -> memref<80x128xf32, #tpu.memory_space<vmem_shared>>
      tpu.wait_dma2 semaphore(%run_scoped3A_395 : memref<!tpu.dma_semaphore, #tpu.memory_space<semaphore_mem>>) src(%dma_wait3A_405 : memref<80x128xf32, #tpu.memory_space<vmem_shared>>) dst(%dma_wait3A_403 : memref<80x128xf32, #tpu.memory_space<hbm>>)
      tpu.yield
    }) : () -> ()
    %mul3A_389 = arith.constant 640 : i32
    %mul3A_390 = arith.muli %arg1, %mul3A_389 : i32
    %add3A_391 = arith.constant 560 : i32
    %add3A_392 = arith.addi %mul3A_390, %add3A_391 : i32
    "tpu.region"() ({
      %run_scoped3A_395 = tpu.sem_alloc : memref<!tpu.dma_semaphore, #tpu.memory_space<semaphore_mem>>
      %dma_start3A_396 = arith.constant 0 : i32
      %dma_start3A_397 = tpu.memref_slice %arg6[%arg0, %add3A_392, %dma_start3A_396] : memref<2x10240x128xf32, #tpu.memory_space<hbm>> -> memref<1x80x128xf32, #tpu.memory_space<hbm>>
      %dma_start3A_398 = tpu.memref_squeeze %dma_start3A_397 : memref<1x80x128xf32, #tpu.memory_space<hbm>> -> memref<80x128xf32, #tpu.memory_space<hbm>>
      %dma_start3A_399 = arith.constant 0 : i32
      %dma_start3A_400 = tpu.memref_slice %arg21[%add3A_392, %dma_start3A_399] : memref<10240x128xf32, #tpu.memory_space<vmem_shared>> -> memref<80x128xf32, #tpu.memory_space<vmem_shared>>
      tpu.enqueue_dma source(%dma_start3A_400 : memref<80x128xf32, #tpu.memory_space<vmem_shared>>) target(%dma_start3A_398 : memref<80x128xf32, #tpu.memory_space<hbm>>) target_semaphore(%run_scoped3A_395 : memref<!tpu.dma_semaphore, #tpu.memory_space<semaphore_mem>>)
      %dma_wait3A_401 = arith.constant 0 : i32
      %dma_wait3A_402 = tpu.memref_slice %arg6[%arg0, %add3A_392, %dma_wait3A_401] : memref<2x10240x128xf32, #tpu.memory_space<hbm>> -> memref<1x80x128xf32, #tpu.memory_space<hbm>>
      %dma_wait3A_403 = tpu.memref_squeeze %dma_wait3A_402 : memref<1x80x128xf32, #tpu.memory_space<hbm>> -> memref<80x128xf32, #tpu.memory_space<hbm>>
      %dma_wait3A_404 = arith.constant 0 : i32
      %dma_wait3A_405 = tpu.memref_slice %arg21[%add3A_392, %dma_wait3A_404] : memref<10240x128xf32, #tpu.memory_space<vmem_shared>> -> memref<80x128xf32, #tpu.memory_space<vmem_shared>>
      tpu.wait_dma2 semaphore(%run_scoped3A_395 : memref<!tpu.dma_semaphore, #tpu.memory_space<semaphore_mem>>) src(%dma_wait3A_405 : memref<80x128xf32, #tpu.memory_space<vmem_shared>>) dst(%dma_wait3A_403 : memref<80x128xf32, #tpu.memory_space<hbm>>)
      tpu.yield
    }) : () -> ()
    %mul3A_393 = arith.constant 640 : i32
    %mul3A_394 = arith.muli %arg1, %mul3A_393 : i32
    "tpu.region"() ({
      %run_scoped3A_395 = tpu.sem_alloc : memref<!tpu.dma_semaphore, #tpu.memory_space<semaphore_mem>>
      %dma_start3A_396 = tpu.memref_slice %arg7[%arg0, %mul3A_394] : memref<2x10240xf32, #tpu.memory_space<hbm>> -> memref<1x640xf32, #tpu.memory_space<hbm>>
      %dma_start3A_397 = tpu.memref_squeeze %dma_start3A_396 : memref<1x640xf32, #tpu.memory_space<hbm>> -> memref<640xf32, #tpu.memory_space<hbm>>
      %dma_start3A_398 = tpu.memref_slice %arg22[%mul3A_394] : memref<10240xf32, #tpu.memory_space<vmem_shared>> -> memref<640xf32, #tpu.memory_space<vmem_shared>>
      tpu.enqueue_dma source(%dma_start3A_398 : memref<640xf32, #tpu.memory_space<vmem_shared>>) target(%dma_start3A_397 : memref<640xf32, #tpu.memory_space<hbm>>) target_semaphore(%run_scoped3A_395 : memref<!tpu.dma_semaphore, #tpu.memory_space<semaphore_mem>>)
      %dma_wait3A_399 = tpu.memref_slice %arg7[%arg0, %mul3A_394] : memref<2x10240xf32, #tpu.memory_space<hbm>> -> memref<1x640xf32, #tpu.memory_space<hbm>>
      %dma_wait3A_400 = tpu.memref_squeeze %dma_wait3A_399 : memref<1x640xf32, #tpu.memory_space<hbm>> -> memref<640xf32, #tpu.memory_space<hbm>>
      %dma_wait3A_401 = tpu.memref_slice %arg22[%mul3A_394] : memref<10240xf32, #tpu.memory_space<vmem_shared>> -> memref<640xf32, #tpu.memory_space<vmem_shared>>
      tpu.wait_dma2 semaphore(%run_scoped3A_395 : memref<!tpu.dma_semaphore, #tpu.memory_space<semaphore_mem>>) src(%dma_wait3A_401 : memref<640xf32, #tpu.memory_space<vmem_shared>>) dst(%dma_wait3A_400 : memref<640xf32, #tpu.memory_space<hbm>>)
      tpu.yield
    }) : () -> ()
    "tpu.region"() ({
      %run_scoped3A_395 = tpu.sem_alloc : memref<!tpu.dma_semaphore, #tpu.memory_space<semaphore_mem>>
      %dma_start3A_396 = arith.constant 0 : i32
      %dma_start3A_397 = tpu.memref_slice %arg8[%add3A, %dma_start3A_396] : memref<32x128xf32, #tpu.memory_space<hbm>> -> memref<1x128xf32, #tpu.memory_space<hbm>>
      %dma_start3A_398 = tpu.memref_squeeze %dma_start3A_397 : memref<1x128xf32, #tpu.memory_space<hbm>> -> memref<128xf32, #tpu.memory_space<hbm>>
      %dma_start3A_399 = arith.constant 0 : i32
      %dma_start3A_400 = tpu.memref_slice %arg8[%add3A, %dma_start3A_399] : memref<32x128xf32, #tpu.memory_space<hbm>> -> memref<1x128xf32, #tpu.memory_space<hbm>>
      %dma_start3A_401 = tpu.memref_squeeze %dma_start3A_400 : memref<1x128xf32, #tpu.memory_space<hbm>> -> memref<128xf32, #tpu.memory_space<hbm>>
      tpu.enqueue_dma source(%arg20 : memref<128xf32, #tpu.memory_space<vmem>>) target(%dma_start3A_401 : memref<128xf32, #tpu.memory_space<hbm>>) target_semaphore(%run_scoped3A_395 : memref<!tpu.dma_semaphore, #tpu.memory_space<semaphore_mem>>)
      %dma_wait3A_402 = arith.constant 0 : i32
      %dma_wait3A_403 = tpu.memref_slice %arg8[%add3A, %dma_wait3A_402] : memref<32x128xf32, #tpu.memory_space<hbm>> -> memref<1x128xf32, #tpu.memory_space<hbm>>
      %dma_wait3A_404 = tpu.memref_squeeze %dma_wait3A_403 : memref<1x128xf32, #tpu.memory_space<hbm>> -> memref<128xf32, #tpu.memory_space<hbm>>
      %dma_wait3A_405 = arith.constant 0 : i32
      %dma_wait3A_406 = tpu.memref_slice %arg8[%add3A, %dma_wait3A_405] : memref<32x128xf32, #tpu.memory_space<hbm>> -> memref<1x128xf32, #tpu.memory_space<hbm>>
      %dma_wait3A_407 = tpu.memref_squeeze %dma_wait3A_406 : memref<1x128xf32, #tpu.memory_space<hbm>> -> memref<128xf32, #tpu.memory_space<hbm>>
      tpu.wait_dma2 semaphore(%run_scoped3A_395 : memref<!tpu.dma_semaphore, #tpu.memory_space<semaphore_mem>>) src(%arg20 : memref<128xf32, #tpu.memory_space<vmem>>) dst(%dma_wait3A_407 : memref<128xf32, #tpu.memory_space<hbm>>)
      tpu.yield
    }) : () -> ()
    return
  }
}

module attributes {stable_mosaic.version = 14 : i64} {
  func.func @_ep_body(%arg0: i32, %arg1: memref<2000x128xf32, #tpu.memory_space<vmem>>, %arg2: memref<128x1024xf32, #tpu.memory_space<vmem>>, %arg3: memref<8000x128xi32, #tpu.memory_space<vmem>>) attributes {dimension_semantics = [#tpu.dimension_semantics<arbitrary>], iteration_bounds = array<i64: 20>, scalar_prefetch = 0 : i64, scratch_operands = 0 : i64, tpu.core_type = #tpu.core_type<tc>, window_params = [{transform_indices = @transform_0, window_bounds = array<i64: 2000, 128>}, {pipeline_mode = #tpu.pipeline_mode<synchronous>, transform_indices = @transform_1, window_bounds = array<i64: 128, 1024>}, {transform_indices = @transform_2, window_bounds = array<i64: 8000, 128>}]} {
    %get3A = arith.constant 0 : index
    %get3A_0 = arith.constant 0 : index
    %get3A_1 = vector.load %arg1[%get3A, %get3A_0] : memref<2000x128xf32, #tpu.memory_space<vmem>>, vector<2000x128xf32>
    %get3A_2 = arith.constant 0 : index
    %get3A_3 = arith.constant 0 : index
    %get3A_4 = vector.load %arg2[%get3A_2, %get3A_3] : memref<128x1024xf32, #tpu.memory_space<vmem>>, vector<128x1024xf32>
    %dot_general3A = arith.constant dense<0.000000e+00> : vector<2000x1024xf32>
    %dot_general3A_5 = tpu.matmul %get3A_1, %get3A_4, %dot_general3A {dimension_numbers = #tpu.dot_dimension_numbers<[1], [0], [0], [1], [0, 0, 1, 1], [], []>, transpose_lhs_hint = false} : vector<2000x128xf32>, vector<128x1024xf32>, vector<2000x1024xf32> -> vector<2000x1024xf32>
    %reshape3A = vector.shape_cast %dot_general3A_5 : vector<2000x1024xf32> to vector<16000x128xf32>
    %convert_element_type3A = arith.truncf %reshape3A : vector<16000x128xf32> to vector<16000x128xbf16>
    %bitcast3A = tpu.bitcast %convert_element_type3A : vector<16000x128xbf16> -> vector<8000x128xi32>
    %swap3A = arith.constant 0 : index
    %swap3A_6 = arith.constant 0 : index
    %swap3A_7 = vector.load %arg3[%swap3A, %swap3A_6] : memref<8000x128xi32, #tpu.memory_space<vmem>>, vector<8000x128xi32>
    tpu.vector_store %arg3[%swap3A, %swap3A_6], %bitcast3A {strides = array<i32>} : memref<8000x128xi32, #tpu.memory_space<vmem>>, vector<8000x128xi32>,
    return
  }
  func.func @transform_0(%arg0: i32) -> (i32, i32) {
    %c0_i32 = arith.constant 0 : i32
    %c0_i32_0 = arith.constant 0 : i32
    return %arg0, %c0_i32 : i32, i32
  }
  func.func @transform_1(%arg0: i32) -> (i32, i32) {
    %c0_i32 = arith.constant 0 : i32
    %c0_i32_0 = arith.constant 0 : i32
    %c0_i32_1 = arith.constant 0 : i32
    return %c0_i32, %c0_i32_0 : i32, i32
  }
  func.func @transform_2(%arg0: i32) -> (i32, i32) {
    %c0_i32 = arith.constant 0 : i32
    %c0_i32_0 = arith.constant 0 : i32
    return %arg0, %c0_i32 : i32, i32
  }
}

module attributes {stable_mosaic.version = 14 : i64} {
  func.func @_y_body(%arg0: memref<10000x128xf32, #tpu.memory_space<vmem>>, %arg1: memref<128x128xf32, #tpu.memory_space<vmem>>, %arg2: memref<1x128xf32, #tpu.memory_space<vmem>>, %arg3: memref<10000x128xf32, #tpu.memory_space<vmem>>) attributes {dimension_semantics = [], scalar_prefetch = 0 : i64, scratch_operands = 0 : i64, tpu.core_type = #tpu.core_type<tc>} {
    %get3A = arith.constant 0 : index
    %get3A_0 = arith.constant 0 : index
    %get3A_1 = vector.load %arg0[%get3A, %get3A_0] : memref<10000x128xf32, #tpu.memory_space<vmem>>, vector<10000x128xf32>
    %get3A_2 = arith.constant 0 : index
    %get3A_3 = arith.constant 0 : index
    %get3A_4 = vector.load %arg1[%get3A_2, %get3A_3] : memref<128x128xf32, #tpu.memory_space<vmem>>, vector<128x128xf32>
    %dot_general3A = arith.constant dense<0.000000e+00> : vector<10000x128xf32>
    %dot_general3A_5 = tpu.matmul %get3A_1, %get3A_4, %dot_general3A {dimension_numbers = #tpu.dot_dimension_numbers<[1], [0], [0], [1], [0, 0, 1, 1], [], []>, transpose_lhs_hint = false} : vector<10000x128xf32>, vector<128x128xf32>, vector<10000x128xf32> -> vector<10000x128xf32>
    %get3A_6 = arith.constant 0 : index
    %get3A_7 = arith.constant 0 : index
    %get3A_8 = vector.load %arg2[%get3A_6, %get3A_7] : memref<1x128xf32, #tpu.memory_space<vmem>>, vector<1x128xf32>
    %add3A = vector.broadcast %get3A_8 : vector<1x128xf32> to vector<10000x128xf32>
    %add3A_9 = arith.addf %dot_general3A_5, %add3A : vector<10000x128xf32>
    %swap3A = arith.constant 0 : index
    %swap3A_10 = arith.constant 0 : index
    %swap3A_11 = vector.load %arg3[%swap3A, %swap3A_10] : memref<10000x128xf32, #tpu.memory_space<vmem>>, vector<10000x128xf32>
    tpu.vector_store %arg3[%swap3A, %swap3A_10], %add3A_9 {strides = array<i32>} : memref<10000x128xf32, #tpu.memory_space<vmem>>, vector<10000x128xf32>,
    return
  }
}

module attributes {stable_mosaic.version = 14 : i64} {
  func.func @_fin_body(%arg0: memref<2x10240x128xf32, #tpu.memory_space<vmem>>, %arg1: memref<10000x1xf32, #tpu.memory_space<vmem>>, %arg2: memref<32x128xf32, #tpu.memory_space<vmem>>, %arg3: memref<10000x128xf32, #tpu.memory_space<vmem>>, %arg4: memref<64x16xf32, #tpu.memory_space<vmem>>, %arg5: memref<10000x1xi32, #tpu.memory_space<vmem>>, %arg6: memref<1x128xf32, #tpu.memory_space<vmem>>, %arg7: memref<1x128xf32, #tpu.memory_space<vmem>>, %arg8: memref<128x16xf32, #tpu.memory_space<vmem>>, %arg9: memref<1x16xf32, #tpu.memory_space<vmem>>, %arg10: memref<160x128xf32, #tpu.memory_space<vmem>>, %arg11: memref<1x128xf32, #tpu.memory_space<vmem>>, %arg12: memref<1x128xf32, #tpu.memory_space<vmem>>, %arg13: memref<1x128xf32, #tpu.memory_space<vmem>>, %arg14: memref<128x16xf32, #tpu.memory_space<vmem>>, %arg15: memref<1x16xf32, #tpu.memory_space<vmem>>, %arg16: memref<10000x16xf32, #tpu.memory_space<vmem>>) attributes {dimension_semantics = [], scalar_prefetch = 0 : i64, scratch_operands = 0 : i64, tpu.core_type = #tpu.core_type<tc>} {
    %get3A = arith.constant 0 : index
    %get3A_0 = arith.constant 0 : index
    %get3A_1 = arith.constant 0 : index
    %get3A_2 = vector.load %arg0[%get3A, %get3A_0, %get3A_1] : memref<2x10240x128xf32, #tpu.memory_space<vmem>>, vector<1x10000x128xf32>
    %get3A_3 = vector.shape_cast %get3A_2 : vector<1x10000x128xf32> to vector<10000x128xf32>
    %get3A_4 = arith.constant 1 : index
    %get3A_5 = arith.constant 0 : index
    %get3A_6 = arith.constant 0 : index
    %get3A_7 = vector.load %arg0[%get3A_4, %get3A_5, %get3A_6] : memref<2x10240x128xf32, #tpu.memory_space<vmem>>, vector<1x10000x128xf32>
    %get3A_8 = vector.shape_cast %get3A_7 : vector<1x10000x128xf32> to vector<10000x128xf32>
    %add3A = arith.addf %get3A_3, %get3A_8 : vector<10000x128xf32>
    %get3A_9 = arith.constant 0 : index
    %get3A_10 = arith.constant 0 : index
    %get3A_11 = vector.load %arg1[%get3A_9, %get3A_10] : memref<10000x1xf32, #tpu.memory_space<vmem>>, vector<10000x1xf32>
    %reduce_sum3A = arith.constant dense<0.000000e+00> : vector<128xf32>
    %reduce_sum3A_12 = vector.multi_reduction <add>, %add3A, %reduce_sum3A [0] : vector<10000x128xf32> to vector<128xf32>
    %broadcast_in_dim3A = vector.shape_cast %reduce_sum3A_12 : vector<128xf32> to vector<1x128xf32>
    %get3A_13 = arith.constant 0 : index
    %get3A_14 = arith.constant 0 : index
    %get3A_15 = vector.load %arg2[%get3A_13, %get3A_14] : memref<32x128xf32, #tpu.memory_space<vmem>>, vector<32x128xf32>
    %reduce_sum3A_16 = arith.constant dense<0.000000e+00> : vector<128xf32>
    %reduce_sum3A_17 = vector.multi_reduction <add>, %get3A_15, %reduce_sum3A_16 [0] : vector<32x128xf32> to vector<128xf32>
    %broadcast_in_dim3A_18 = vector.shape_cast %reduce_sum3A_17 : vector<128xf32> to vector<1x128xf32>
    %div3A = arith.constant 3.200000e+05 : f32
    %div3A_19 = vector.broadcast %div3A : f32 to vector<1x128xf32>
    %div3A_20 = arith.divf %broadcast_in_dim3A, %div3A_19 : vector<1x128xf32>
    %div3A_21 = arith.constant 3.200000e+05 : f32
    %div3A_22 = vector.broadcast %div3A_21 : f32 to vector<1x128xf32>
    %div3A_23 = arith.divf %broadcast_in_dim3A_18, %div3A_22 : vector<1x128xf32>
    %mul3A = arith.mulf %div3A_20, %div3A_20 : vector<1x128xf32>
    %sub3A = arith.subf %div3A_23, %mul3A : vector<1x128xf32>
    %get3A_24 = arith.constant 0 : index
    %get3A_25 = arith.constant 0 : index
    %get3A_26 = vector.load %arg6[%get3A_24, %get3A_25] : memref<1x128xf32, #tpu.memory_space<vmem>>, vector<1x128xf32>
    %add3A_27 = arith.constant 9.99999974E-6 : f32
    %add3A_28 = vector.broadcast %add3A_27 : f32 to vector<1x128xf32>
    %add3A_29 = arith.addf %sub3A, %add3A_28 : vector<1x128xf32>
    %rsqrt3A = math.rsqrt %add3A_29 : vector<1x128xf32>
    %mul3A_30 = arith.mulf %get3A_26, %rsqrt3A : vector<1x128xf32>
    %get3A_31 = arith.constant 0 : index
    %get3A_32 = arith.constant 0 : index
    %get3A_33 = vector.load %arg9[%get3A_31, %get3A_32] : memref<1x16xf32, #tpu.memory_space<vmem>>, vector<1x16xf32>
    %get3A_34 = arith.constant 0 : index
    %get3A_35 = arith.constant 0 : index
    %get3A_36 = vector.load %arg7[%get3A_34, %get3A_35] : memref<1x128xf32, #tpu.memory_space<vmem>>, vector<1x128xf32>
    %mul3A_37 = arith.mulf %div3A_20, %mul3A_30 : vector<1x128xf32>
    %sub3A_38 = arith.subf %get3A_36, %mul3A_37 : vector<1x128xf32>
    %get3A_39 = arith.constant 0 : index
    %get3A_40 = arith.constant 0 : index
    %get3A_41 = vector.load %arg8[%get3A_39, %get3A_40] : memref<128x16xf32, #tpu.memory_space<vmem>>, vector<128x16xf32>
    %dot_general3A = arith.constant dense<0.000000e+00> : vector<1x16xf32>
    %dot_general3A_42 = tpu.matmul %sub3A_38, %get3A_41, %dot_general3A {dimension_numbers = #tpu.dot_dimension_numbers<[1], [0], [0], [1], [0, 0, 1, 1], [], []>, transpose_lhs_hint = false} : vector<1x128xf32>, vector<128x16xf32>, vector<1x16xf32> -> vector<1x16xf32>
    %add3A_43 = arith.addf %get3A_33, %dot_general3A_42 : vector<1x16xf32>
    %mul3A_44 = vector.broadcast %mul3A_30 : vector<1x128xf32> to vector<10000x128xf32>
    %mul3A_45 = arith.mulf %add3A, %mul3A_44 : vector<10000x128xf32>
    %get3A_46 = arith.constant 0 : index
    %get3A_47 = arith.constant 0 : index
    %get3A_48 = vector.load %arg8[%get3A_46, %get3A_47] : memref<128x16xf32, #tpu.memory_space<vmem>>, vector<128x16xf32>
    %dot_general3A_49 = arith.constant dense<0.000000e+00> : vector<10000x16xf32>
    %dot_general3A_50 = tpu.matmul %mul3A_45, %get3A_48, %dot_general3A_49 {dimension_numbers = #tpu.dot_dimension_numbers<[1], [0], [0], [1], [0, 0, 1, 1], [], []>, transpose_lhs_hint = false} : vector<10000x128xf32>, vector<128x16xf32>, vector<10000x16xf32> -> vector<10000x16xf32>
    %mul3A_51 = vector.broadcast %get3A_11 : vector<10000x1xf32> to vector<10000x16xf32>
    %mul3A_52 = vector.broadcast %add3A_43 : vector<1x16xf32> to vector<10000x16xf32>
    %mul3A_53 = arith.mulf %mul3A_51, %mul3A_52 : vector<10000x16xf32>
    %add3A_54 = arith.addf %dot_general3A_50, %mul3A_53 : vector<10000x16xf32>
    %max3A = arith.constant 1.000000e+00 : f32
    %max3A_55 = vector.broadcast %max3A : f32 to vector<10000x1xf32>
    %max3A_56 = arith.maximumf %get3A_11, %max3A_55 : vector<10000x1xf32>
    %div3A_57 = vector.broadcast %max3A_56 : vector<10000x1xf32> to vector<10000x16xf32>
    %div3A_58 = arith.divf %add3A_54, %div3A_57 : vector<10000x16xf32>
    %get3A_59 = arith.constant 0 : index
    %get3A_60 = arith.constant 0 : index
    %get3A_61 = vector.load %arg5[%get3A_59, %get3A_60] : memref<10000x1xi32, #tpu.memory_space<vmem>>, vector<10000x1xi32>
    %iota3A = tpu.iota {dimensions = array<i32: 1>} : vector<10000x64xi32>
    %eq3A = vector.broadcast %get3A_61 : vector<10000x1xi32> to vector<10000x64xi32>
    %eq3A_62 = arith.cmpi eq, %eq3A, %iota3A : vector<10000x64xi32>
    %convert_element_type3A = arith.extui %eq3A_62 : vector<10000x64xi1> to vector<10000x64xi32>
    %convert_element_type3A_63 = arith.sitofp %convert_element_type3A : vector<10000x64xi32> to vector<10000x64xf32>
    %get3A_64 = arith.constant 0 : index
    %get3A_65 = arith.constant 0 : index
    %get3A_66 = vector.load %arg4[%get3A_64, %get3A_65] : memref<64x16xf32, #tpu.memory_space<vmem>>, vector<64x16xf32>
    %dot_general3A_67 = arith.constant dense<0.000000e+00> : vector<10000x16xf32>
    %dot_general3A_68 = tpu.matmul %convert_element_type3A_63, %get3A_66, %dot_general3A_67 {dimension_numbers = #tpu.dot_dimension_numbers<[1], [0], [0], [1], [0, 0, 1, 1], [], []>, transpose_lhs_hint = false} : vector<10000x64xf32>, vector<64x16xf32>, vector<10000x16xf32> -> vector<10000x16xf32>
    %get3A_69 = arith.constant 0 : index
    %get3A_70 = arith.constant 0 : index
    %get3A_71 = vector.load %arg3[%get3A_69, %get3A_70] : memref<10000x128xf32, #tpu.memory_space<vmem>>, vector<10000x128xf32>
    %get3A_72 = arith.constant 0 : index
    %get3A_73 = arith.constant 0 : index
    %get3A_74 = vector.load %arg10[%get3A_72, %get3A_73] : memref<160x128xf32, #tpu.memory_space<vmem>>, vector<128x128xf32>
    %dot_general3A_75 = arith.constant dense<0.000000e+00> : vector<10000x128xf32>
    %dot_general3A_76 = tpu.matmul %get3A_71, %get3A_74, %dot_general3A_75 {dimension_numbers = #tpu.dot_dimension_numbers<[1], [0], [0], [1], [0, 0, 1, 1], [], []>, transpose_lhs_hint = false} : vector<10000x128xf32>, vector<128x128xf32>, vector<10000x128xf32> -> vector<10000x128xf32>
    %get3A_77 = arith.constant 128 : index
    %get3A_78 = arith.constant 0 : index
    %get3A_79 = vector.load %arg10[%get3A_77, %get3A_78] : memref<160x128xf32, #tpu.memory_space<vmem>>, vector<16x128xf32>
    %dot_general3A_80 = arith.constant dense<0.000000e+00> : vector<10000x128xf32>
    %dot_general3A_81 = tpu.matmul %div3A_58, %get3A_79, %dot_general3A_80 {dimension_numbers = #tpu.dot_dimension_numbers<[1], [0], [0], [1], [0, 0, 1, 1], [], []>, transpose_lhs_hint = false} : vector<10000x16xf32>, vector<16x128xf32>, vector<10000x128xf32> -> vector<10000x128xf32>
    %add3A_82 = arith.addf %dot_general3A_76, %dot_general3A_81 : vector<10000x128xf32>
    %get3A_83 = arith.constant 144 : index
    %get3A_84 = arith.constant 0 : index
    %get3A_85 = vector.load %arg10[%get3A_83, %get3A_84] : memref<160x128xf32, #tpu.memory_space<vmem>>, vector<16x128xf32>
    %dot_general3A_86 = arith.constant dense<0.000000e+00> : vector<10000x128xf32>
    %dot_general3A_87 = tpu.matmul %dot_general3A_68, %get3A_85, %dot_general3A_86 {dimension_numbers = #tpu.dot_dimension_numbers<[1], [0], [0], [1], [0, 0, 1, 1], [], []>, transpose_lhs_hint = false} : vector<10000x16xf32>, vector<16x128xf32>, vector<10000x128xf32> -> vector<10000x128xf32>
    %add3A_88 = arith.addf %add3A_82, %dot_general3A_87 : vector<10000x128xf32>
    %get3A_89 = arith.constant 0 : index
    %get3A_90 = arith.constant 0 : index
    %get3A_91 = vector.load %arg11[%get3A_89, %get3A_90] : memref<1x128xf32, #tpu.memory_space<vmem>>, vector<1x128xf32>
    %add3A_92 = vector.broadcast %get3A_91 : vector<1x128xf32> to vector<10000x128xf32>
    %add3A_93 = arith.addf %add3A_88, %add3A_92 : vector<10000x128xf32>
    %max3A_94 = arith.constant 0.000000e+00 : f32
    %max3A_95 = vector.broadcast %max3A_94 : f32 to vector<10000x128xf32>
    %max3A_96 = arith.maximumf %add3A_93, %max3A_95 : vector<10000x128xf32>
    %reduce_sum3A_97 = arith.constant dense<0.000000e+00> : vector<128xf32>
    %reduce_sum3A_98 = vector.multi_reduction <add>, %max3A_96, %reduce_sum3A_97 [0] : vector<10000x128xf32> to vector<128xf32>
    %broadcast_in_dim3A_99 = vector.shape_cast %reduce_sum3A_98 : vector<128xf32> to vector<1x128xf32>
    %div3A_100 = arith.constant 1.000000e+04 : f32
    %div3A_101 = vector.broadcast %div3A_100 : f32 to vector<1x128xf32>
    %div3A_102 = arith.divf %broadcast_in_dim3A_99, %div3A_101 : vector<1x128xf32>
    %mul3A_103 = arith.mulf %max3A_96, %max3A_96 : vector<10000x128xf32>
    %reduce_sum3A_104 = arith.constant dense<0.000000e+00> : vector<128xf32>
    %reduce_sum3A_105 = vector.multi_reduction <add>, %mul3A_103, %reduce_sum3A_104 [0] : vector<10000x128xf32> to vector<128xf32>
    %broadcast_in_dim3A_106 = vector.shape_cast %reduce_sum3A_105 : vector<128xf32> to vector<1x128xf32>
    %div3A_107 = arith.constant 1.000000e+04 : f32
    %div3A_108 = vector.broadcast %div3A_107 : f32 to vector<1x128xf32>
    %div3A_109 = arith.divf %broadcast_in_dim3A_106, %div3A_108 : vector<1x128xf32>
    %mul3A_110 = arith.mulf %div3A_102, %div3A_102 : vector<1x128xf32>
    %sub3A_111 = arith.subf %div3A_109, %mul3A_110 : vector<1x128xf32>
    %sub3A_112 = vector.broadcast %div3A_102 : vector<1x128xf32> to vector<10000x128xf32>
    %sub3A_113 = arith.subf %max3A_96, %sub3A_112 : vector<10000x128xf32>
    %add3A_114 = arith.constant 9.99999974E-6 : f32
    %add3A_115 = vector.broadcast %add3A_114 : f32 to vector<1x128xf32>
    %add3A_116 = arith.addf %sub3A_111, %add3A_115 : vector<1x128xf32>
    %rsqrt3A_117 = math.rsqrt %add3A_116 : vector<1x128xf32>
    %mul3A_118 = vector.broadcast %rsqrt3A_117 : vector<1x128xf32> to vector<10000x128xf32>
    %mul3A_119 = arith.mulf %sub3A_113, %mul3A_118 : vector<10000x128xf32>
    %get3A_120 = arith.constant 0 : index
    %get3A_121 = arith.constant 0 : index
    %get3A_122 = vector.load %arg12[%get3A_120, %get3A_121] : memref<1x128xf32, #tpu.memory_space<vmem>>, vector<1x128xf32>
    %mul3A_123 = vector.broadcast %get3A_122 : vector<1x128xf32> to vector<10000x128xf32>
    %mul3A_124 = arith.mulf %mul3A_119, %mul3A_123 : vector<10000x128xf32>
    %get3A_125 = arith.constant 0 : index
    %get3A_126 = arith.constant 0 : index
    %get3A_127 = vector.load %arg13[%get3A_125, %get3A_126] : memref<1x128xf32, #tpu.memory_space<vmem>>, vector<1x128xf32>
    %add3A_128 = vector.broadcast %get3A_127 : vector<1x128xf32> to vector<10000x128xf32>
    %add3A_129 = arith.addf %mul3A_124, %add3A_128 : vector<10000x128xf32>
    %get3A_130 = arith.constant 0 : index
    %get3A_131 = arith.constant 0 : index
    %get3A_132 = vector.load %arg14[%get3A_130, %get3A_131] : memref<128x16xf32, #tpu.memory_space<vmem>>, vector<128x16xf32>
    %dot_general3A_133 = arith.constant dense<0.000000e+00> : vector<10000x16xf32>
    %dot_general3A_134 = tpu.matmul %add3A_129, %get3A_132, %dot_general3A_133 {dimension_numbers = #tpu.dot_dimension_numbers<[1], [0], [0], [1], [0, 0, 1, 1], [], []>, transpose_lhs_hint = false} : vector<10000x128xf32>, vector<128x16xf32>, vector<10000x16xf32> -> vector<10000x16xf32>
    %get3A_135 = arith.constant 0 : index
    %get3A_136 = arith.constant 0 : index
    %get3A_137 = vector.load %arg15[%get3A_135, %get3A_136] : memref<1x16xf32, #tpu.memory_space<vmem>>, vector<1x16xf32>
    %add3A_138 = vector.broadcast %get3A_137 : vector<1x16xf32> to vector<10000x16xf32>
    %add3A_139 = arith.addf %dot_general3A_134, %add3A_138 : vector<10000x16xf32>
    %swap3A = arith.constant 0 : index
    %swap3A_140 = arith.constant 0 : index
    %swap3A_141 = vector.load %arg16[%swap3A, %swap3A_140] : memref<10000x16xf32, #tpu.memory_space<vmem>>, vector<10000x16xf32>
    tpu.vector_store %arg16[%swap3A, %swap3A_140], %add3A_139 {strides = array<i32>} : memref<10000x16xf32, #tpu.memory_space<vmem>>, vector<10000x16xf32>,
    return
  }
}

</mosaic_0001>

<sc_bundles>
// kernel: kernel.6.cloned.1.call-start
scs
__scs_entry_jumppad:
0x0: {  	(pc) =	sbr.rel $0x88, $3  }
0x1: {  	(tag) =	ssettag $0x0;
	lr =	simm.s32 $0x1  }
0x2: {  	[smem:$0x3F90] =	sst lr;
	_ =	strace $0xD0000000  }
0x3: {  	_ = 	snop  }
0x4: {  	_ = 	snop  }
0x5: {  	_ = 	snop  }
0x6: {  	_ = 	snop  }
0x7: {  	_ = 	snop  }
__scs_overlays_trampoline_lowered:
0x8: {  	[smem:$0x3F9F] =	sst s0  }
0x9: {  	[smem:$0x3FA0] =	sst s1  }
0xa: {  	[smem:$0x3FA1] =	sst s2  }
0xb: {  	[smem:$0x3FA2] =	sst s3  }
0xc: {  	[smem:$0x3FA3] =	sst s4  }
0xd: {  	[smem:$0x3FA4] =	sst s5  }
0xe: {  	[smem:$0x3FA5] =	sst s6  }
0xf: {  	[smem:$0x3FA6] =	sst s7  }
0x10: {  	[smem:$0x3FA7] =	sst s8  }
0x11: {  	[smem:$0x3FA8] =	sst s9;
	s0 =	simm.s32 @!p0 $0x0  }
0x12: {  	s1 =	sld [smem:$0x3F8E];
	s0 =	simm.s32 @p0 $0x1  }
0x13: {  	[smem:$0x3FA9] =	sst s0;
	s0 =	simm.s32 @!p1 $0x0  }
0x14: {  	s2 =	sld [smem:$0x3F8D];
	s0 =	simm.s32 @p1 $0x1  }
0x15: {  	[smem:$0x3FAA] =	sst s0;
	s0 =	simm.s32 @!p2 $0x0  }
0x16: {  	s3 =	sld [smem:$0x3FDB];
	s0 =	simm.s32 @p2 $0x1  }
0x17: {  	s4 =	simm.s32 $0x1BF5;
	[smem:$0x3FAC] =	sst s0  }
0x18: {  	s0 =	sld [smem:$0x3F8F];
	_ =	swait.ge [sflag:s4], $0x0  }
0x19: {  	s7 =	sld [smem:$0x3F90]  }
0x1a: {  	s8 =	sadd.s32 $0xFFFFE003, lr  }
0x1b: {  	s9 =	sadd.s32 $0xFFFFFEF7, lr;
	s5 =	simm.s32 $0xFFFFFFFF;
	p2 =	slt.u32 s8, $0xFFFFF086  }
0x1c: {  	p1 =	slt.u32 s9, $0xF7A;
	s5 =	simm.s32 @!p2 $0x0  }
0x1d: {  	s5 =	simm.s32 @p1 $0x1;
	p0 =	seq.s32 s7, s2  }
0x1e: {  	s7 =	smul.u32 @!p0 $0xF7A, s2;
	p2 =	seq.s32 @!p0 s5, $0x0  }
0x1f: {  	s9 =	smul.u32 $0xF7A, s1;
	s8 =	simm.s32 @!p0 $0x1BF5;
	p2 =	por !p2, p0  }
0x20: {  	[sflag:s8] =	ssyncset.s32 @!p0 $0xFFFFF086;
	s6 =	sadd.s32 @!p0 s3, s7;
	s7 =	simm.s32 @!p0 $0x108  }
0x21: {  	s3 =	sadd.s32 s3, s9;
	s6 =	sadd.s32 @!p0 $0x88, s6;
	s7 =	simm.s32 @p2 $0x1082  }
0x22: {  	[simem:s7], [sflag:s8] =	dma.local @!p0 [hbm:s6], $0xF7A  }
0x23: {  	s9 =	sor.u32 $0xD0000000, s2;
	s6 =	simm.s32 $0x108;
	_ =	swait.ge @!p0 [sflag:s8], $0x0  }
0x24: {  	s3 =	sadd.s32 $0x88, s3;
	s6 =	simm.s32 @!p1 $0x1082;
	[sflag:s4] =	ssyncset.s32 $0xFFFFF086  }
0x25: {  	[simem:s6], [sflag:s4] =	dma.local [hbm:s3], $0xF7A  }
0x26: {  	[smem:$0x3F90] =	sst s1;
	(tag) =	ssettag s2;
	_ =	strace s9  }
0x27: {  	s1 =	sld [smem:$0x3FA0]  }
0x28: {  	s2 =	sld [smem:$0x3FA1]  }
0x29: {  	s4 =	sld [smem:$0x3FA3]  }
0x2a: {  	p0 =	seq.s32 s5, $0x0;
	s5 =	sld [smem:$0x3FA4]  }
0x2b: {  	s6 =	sld [smem:$0x3FA5]  }
0x2c: {  	s7 =	sld [smem:$0x3FA6]  }
0x2d: {  	s3 =	simm.s32 $0x108;
	s8 =	sld [smem:$0x3FA7]  }
0x2e: {  	s3 =	simm.s32 @!p0 $0x1082;
	s9 =	sld [smem:$0x3FA8]  }
0x2f: {  	lr =	sadd.s32 s0, s3;
	s0 =	sld [smem:$0x3F9F]  }
0x30: {  	s3 =	sld [smem:$0x3FA2]  }
0x31: {  	[smem:$0x3FAB] =	sst s10  }
0x32: {  	s10 =	sld [smem:$0x3FA9];
	_ =	sdelay $0x3  }
0x33: {  	p0 =	seq.s32 s10, $0x1;
	s10 =	sld [smem:$0x3FAB];
	_ =	sdelay $0x3  }
0x34: {  	[smem:$0x3FAB] =	sst s10  }
0x35: {  	s10 =	sld [smem:$0x3FAA];
	_ =	sdelay $0x3  }
0x36: {  	p1 =	seq.s32 s10, $0x1;
	s10 =	sld [smem:$0x3FAB];
	_ =	sdelay $0x3  }
0x37: {  	[smem:$0x3FAB] =	sst s10  }
0x38: {  	s10 =	sld [smem:$0x3FAC]  }
0x39: {  	_ = 	snop;
	(pc) =	sbr.ind lr, $3  }
0x3a: {  	_ = 	snop  }
0x3b: {  	_ = 	snop  }
0x3c: {  	p2 =	seq.s32 s10, $0x1;
	s10 =	sld [smem:$0x3FAB]  }
0x3d: {  	_ =	shalt  }
0x3e: {  	_ =	shalt  }
0x3f: {  	_ =	shalt  }
0x40: {  	_ =	shalt  }
0x41: {  	_ =	shalt  }
0x42: {  	_ =	shalt  }
0x43: {  	_ =	shalt  }
0x44: {  	_ =	shalt  }
0x45: {  	_ =	shalt  }
0x46: {  	_ =	shalt  }
0x47: {  	_ =	shalt  }
0x48: {  	_ =	shalt  }
0x49: {  	_ =	shalt  }
0x4a: {  	_ =	shalt  }
0x4b: {  	_ =	shalt  }
0x4c: {  	_ =	shalt  }
0x4d: {  	_ =	shalt  }
0x4e: {  	_ =	shalt  }
0x4f: {  	_ =	shalt  }
0x50: {  	_ =	shalt  }
0x51: {  	_ =	shalt  }
0x52: {  	_ =	shalt  }
0x53: {  	_ =	shalt  }
0x54: {  	_ =	shalt  }
0x55: {  	_ =	shalt  }
0x56: {  	_ =	shalt  }
0x57: {  	_ =	shalt  }
0x58: {  	_ =	shalt  }
0x59: {  	_ =	shalt  }
0x5a: {  	_ =	shalt  }
0x5b: {  	_ =	shalt  }
0x5c: {  	_ =	shalt  }
0x5d: {  	_ =	shalt  }
0x5e: {  	_ =	shalt  }
0x5f: {  	_ =	shalt  }
0x60: {  	_ =	shalt  }
0x61: {  	_ =	shalt  }
0x62: {  	_ =	shalt  }
0x63: {  	_ =	shalt  }
0x64: {  	_ =	shalt  }
0x65: {  	_ =	shalt  }
0x66: {  	_ =	shalt  }
0x67: {  	_ =	shalt  }
0x68: {  	_ =	shalt  }
0x69: {  	_ =	shalt  }
0x6a: {  	_ =	shalt  }
0x6b: {  	_ =	shalt  }
0x6c: {  	_ =	shalt  }
0x6d: {  	_ =	shalt  }
0x6e: {  	_ =	shalt  }
0x6f: {  	_ =	shalt  }
0x70: {  	_ =	shalt  }
0x71: {  	_ =	shalt  }
0x72: {  	_ =	shalt  }
0x73: {  	_ =	shalt  }
0x74: {  	_ =	shalt  }
0x75: {  	_ =	shalt  }
0x76: {  	_ =	shalt  }
0x77: {  	_ =	shalt  }
0x78: {  	_ =	shalt  }
0x79: {  	_ =	shalt  }
0x7a: {  	_ =	shalt  }
0x7b: {  	_ =	shalt  }
0x7c: {  	_ =	shalt  }
0x7d: {  	_ =	shalt  }
0x7e: {  	_ =	shalt  }
0x7f: {  	_ =	shalt  }
0x80: {  	_ =	shalt  }
0x81: {  	_ =	shalt  }
0x82: {  	_ =	shalt  }
0x83: {  	_ =	shalt  }
0x84: {  	_ =	shalt  }
0x85: {  	_ =	shalt  }
0x86: {  	_ =	shalt  }
0x87: {  	_ =	shalt  }
.Lfunc_end0:
.L_simem_size_0:
called_computation_lowered:
.L_overlay_start_0:
0x88: {  	s2 =	sld [smem:$0x3FD9]  }
0x89: {  	s3 =	sld [smem:$0x3FFE];
	_ =	sdelay $0x1  }
0x8a: {  	s1 =	srdreg.scid  }
0x8b: {  	s0 =	sand.u32 $0x1, s1  }
0x8c: {  	s17 =	sshll.u32 s0, $0xA;
	s2 =	sadd.s32 s3, s2  }
0x8d: {  	s2 =	sadd.s32 s2, s17  }
0x8e: {  	[smem:$0x3FB7] =	sst s2  }
0x8f: {  	_ = 	snop  }
0x90: {  	s2 =	sld [smem:$0x3FD0];
	(tm) =	ssettm $0x1  }
0x91: {  	s18 =	sld [smem:$0x3FFB];
	_ =	sdelay $0x3  }
0x92: {  	_ =	strace s18  }
0x93: {  	s3 =	sld [smem:$0x3FFC];
	_ =	sdelay $0x3  }
0x94: {  	_ =	strace s3  }
0x95: {  	s3 =	sld [smem:$0x3FFD];
	_ =	sdelay $0x3  }
0x96: {  	_ =	strace s3  }
0x97: {  	_ =	strace $0x8FFFFFFF  }
0x98: {  	s19 =	sld [smem:$0x3FDB];
	_ =	sdelay $0x1  }
0x99: {  	s4 =	simm.s32 $_scs_section_size  }
0x9a: {  	s5 =	simm.s32 $_size__tile_overlayer_lowered;
	s6 =	simm.s32 $_tile_overlayer_lowered  }
0x9b: {  	s22 =	simm.s32 $0x1BFF;
	s21 =	sshll.u32 s6, $0x1;
	s3 =	sadd.s32 s4, s19  }
0x9c: {  	s7 =	simm.s32 $0x0;
	s20 =	sshll.u32 s5, $0x1;
	s5 =	sadd.s32 s21, s3  }
0x9d: {  	[timem:s7], [sflag:s22] =	dma.local [hbm:s5], s20  }
0x9e: {  	_ =	swait.ge [sflag:s22], s20  }
0x9f: {  	s4 =	ssub.s32 $0x0, s20;
	[sflag:s22] =	ssyncset.done $0x0  }
0xa0: {  	[sflag:s22] =	ssyncadd.s32 s4;
	_ =	sdelay $0x1  }
0xa1: {  	s23 =	simm.s32 $0x1B8B  }
0xa2: {  	_ =	swait.ge [sflag:s23], $0x1  }
0xa3: {  	[sflag:s23] =	ssyncset.done $0x0  }
0xa4: {  	s25 =	simm.s32 $0x1B8E;
	s24 =	sld [smem:$0x3FFE];
	[sflag:s23] =	ssyncadd.s32 $0xFFFFFFFF  }
0xa5: {  	s26 =	simm.s32 $execute0_lowered;
	[smem:$0x3FD2] =	sst s25  }
0xa6: {  	s5 =	sshll.u32 s26, $0x1;
	_ =	strace $0x80000046;
	[dreg:$0x1] =	wrdreg $0xFFFFFFFF  }
0xa7: {  	s28 =	simm.s32 $_size_execute0_lowered;
	s3 =	sadd.s32 s3, s5;
	[dreg:$0x0] =	wrdreg $0x0  }
0xa8: {  	s5 =	sshll.u32 s28, $0x1;
	[dreg:$0x2] =	wrdreg s3  }
0xa9: {  	[dreg:$0x3] =	wrdreg s5  }
0xaa: {  	[dreg:$0x4] =	wrdreg $0xC0  }
0xab: {  	_ =	task [dreg:s7], $0x5FFFF  }
0xac: {  	[dreg:$0x1] =	wrdreg $0xFFFFFFFF  }
0xad: {  	[dreg:$0x0] =	wrdreg $0x60  }
0xae: {  	[dreg:$0x2] =	wrdreg s24  }
0xaf: {  	[dreg:$0x3] =	wrdreg s2  }
0xb0: {  	[dreg:$0x4] =	wrdreg $0x7C000  }
0xb1: {  	[dreg:$0x5] =	wrdreg $0x1BC000  }
0xb2: {  	[dreg:$0x6] =	wrdreg $0x9  }
0xb3: {  	_ =	task.clear_ibuf [dreg:s7], $0x7FFFF;
	_ =	strace $0x90000046  }
0xb4: {  	s29 =	simm.s32 $0x9;
	_ =	strace $0x80000048  }
0xb5: {  	_ =	swait.ge [sflag:s29], $0x1  }
0xb6: {  	[sflag:s29] =	ssyncadd.s32 $0xFFFFFFFF  }
0xb7: {  	_ =	strace $0x90000048  }
0xb8: {  	_ =	sfence  }
0xb9: {  	s30 =	sld [smem:$0x0];
	_ =	sdelay $0x2  }
0xba: {  	s31 =	sshll.u32 s1, $0xD;
	s1 =	sshrl.u32 s1, $0x2  }
0xbb: {  	s3 =	sand.u32 $0x4000, s31;
	s1 =	sadd.s32 s1, s30  }
0xbc: {  	s0 =	sor.u32 s3, s0;
	s1 =	sshll.u32 s1, $0x11  }
0xbd: {  	s0 =	sor.u32 s1, s0  }
0xbe: {  	s0 =	sadd.s32 $0x8F2B, s0  }
0xbf: {  	[sflag:s0] =	ssyncadd.remote.s32 $0x1  }
0xc0: {  	_ =	sfence.sel $0xFFFF  }
0xc1: {  	[dreg:$0x0] =	wrdreg $0xFFFFFFFF;
	(pc) =	sbr.abs _section_cstart, $3  }
0xc2: {  	[dreg:$0x1] =	wrdreg $0xFFFFFFFF  }
0xc3: {  	_ =	task.clear_ibuf [dreg:s7], $0x2FFFF;
	_ =	strace $0x9FFFFFFF  }
0xc4: {  	(tm) =	ssettm $0x7FFFFFFF  }
0xc5: {  	_ =	shalt  }
tec
execute0_lowered:
.L_overlay_start_1:
0x0: {  	(tag) =	ssettag $0x1  }
0x1: {  	s4 =	rddreg [dreg:$0x0];
	s1 =	simm.s32 $0x0;
	s0 =	srdreg.scid  }
0x2: {  	s17 =	stileid.u32;
	[smem:$0x7FF] =	sst s1;
	s10 =	sand.u32 $0x1, s0  }
0x3: {  	s3 =	smul.u32 $0x280, s17;
	s11 =	sadd.s32 $0x2AEA00, s4;
	s24 =	sshll.u32 s17, $0x1  }
0x4: {  	s14 =	smul.u32 $0x14000, s17;
	s2 =	ssub.s32 $0x2, s10;
	s0 =	sor.u32 s10, s24  }
0x5: {  	s12 =	smul.u32 $0x140000, s10;
	s10 =	sshll.u32 s10, $0x7;
	s6 =	sshrl.u32 s2, $0x1  }
0x6: {  	s5 =	sor.u32 $0x50, s3;
	s7 =	sadd.s32 $0xF0, s3;
	s9 =	sadd.s32 $0x140, s3  }
0x7: {  	s8 =	sadd.s32 $0x190, s3;
	s22 =	sadd.s32 $0x1E0, s3;
	s2 =	ssub.s32 s2, s6  }
0x8: {  	s13 =	sshll.u32 s5, $0x7;
	s6 =	sadd.s32 $0xA0, s3;
	s19 =	sshll.u32 s7, $0x7  }
0x9: {  	s20 =	sshll.u32 s9, $0x7;
	s21 =	sshll.u32 s8, $0x7;
	s14 =	sadd.s32 s14, s12  }
0xa: {  	s23 =	sshll.u32 s22, $0x7;
	s18 =	sshll.u32 s6, $0x7;
	s15 =	sadd.s32 s12, s13  }
0xb: {  	s14 =	sshrl.u32 s14, $0x3;
	s31 =	sadd.s32 s12, s19;
	s16 =	sadd.s32 s12, s20  }
0xc: {  	s15 =	sshrl.u32 s15, $0x3;
	s14 =	sadd.s32 s11, s14;
	s26 =	sadd.s32 s12, s18  }
0xd: {  	s24 =	sshrl.u32 s16, $0x3;
	[dreg:$0x5] =	wrdreg s14;
	s25 =	sadd.s32 s11, s15  }
0xe: {  	s14 =	sshrl.u32 s26, $0x3;
	s15 =	sshrl.u32 s31, $0x3;
	s26 =	sadd.s32 s12, s21  }
0xf: {  	s31 =	sadd.s32 s12, s23;
	[dreg:$0x6] =	wrdreg s25;
	s14 =	sadd.s32 s11, s14  }
0x10: {  	s25 =	sadd.s32 s11, s24;
	s24 =	sadd.s32 $0x230, s3;
	[dreg:$0x7] =	wrdreg s14  }
0x11: {  	s16 =	sshrl.u32 s31, $0x3;
	s14 =	sadd.s32 s11, s15;
	[dreg:$0x9] =	wrdreg s25  }
0x12: {  	s25 =	sshll.u32 s24, $0x7;
	[dreg:$0x8] =	wrdreg s14;
	s14 =	sshrl.u32 s26, $0x3  }
0x13: {  	s31 =	rddreg [dreg:$0x1];
	s12 =	sadd.s32 s12, s25;
	s14 =	sadd.s32 s11, s14  }
0x14: {  	s26 =	smul.u32 $0x500, s17;
	s12 =	sshrl.u32 s12, $0x3;
	[dreg:$0xa] =	wrdreg s14  }
0x15: {  	s14 =	sadd.s32 s11, s16;
	s11 =	sadd.s32 s11, s12;
	s12 =	rddreg [dreg:$0x3]  }
0x16: {  	s10 =	sor.u32 s10, s26;
	[dreg:$0xb] =	wrdreg s14  }
0x17: {  	[dreg:$0xc] =	wrdreg s11;
	s10 =	sshrl.u32 s10, $0x3  }
0x18: {  	s11 =	rddreg [dreg:$0x2];
	s10 =	sadd.s32 s31, s10  }
0x19: {  	s18 =	sadd.s32 s18, s11;
	[dreg:$0xd] =	wrdreg s10  }
0x1a: {  	s19 =	sadd.s32 s19, s11;
	_ =	strace $0x80000047;
	[dreg:$0x10] =	wrdreg s18  }
0x1b: {  	s20 =	sadd.s32 s20, s11;
	[dreg:$0x11] =	wrdreg s19  }
0x1c: {  	s21 =	sadd.s32 s21, s11;
	[dreg:$0x12] =	wrdreg s20  }
0x1d: {  	s31 =	sadd.s32 s23, s11;
	[dreg:$0x13] =	wrdreg s21  }
0x1e: {  	s28 =	simm.s32 $0x80;
	s3 =	sadd.s32 s3, s12;
	[dreg:$0x14] =	wrdreg s31  }
0x1f: {  	s29 =	simm.s32 $0x180;
	s5 =	sadd.s32 s5, s12;
	[dreg:$0x16] =	wrdreg s3  }
0x20: {  	s16 =	smul.u32 $0x50000, s17;
	s6 =	sadd.s32 s6, s12;
	[dreg:$0x17] =	wrdreg s5  }
0x21: {  	s30 =	sadd.s32 s13, s11;
	s13 =	sadd.s32 s7, s12;
	[dreg:$0x18] =	wrdreg s6  }
0x22: {  	s2 =	smax.u32 s2, $0x1;
	s23 =	sadd.s32 s24, s12;
	[dreg:$0x19] =	wrdreg s13  }
0x23: {  	s15 =	sadd.s32 $0xC800, s4;
	s26 =	sshrl.u32 s16, $0x2;
	[dreg:$0x1d] =	wrdreg s23  }
0x24: {  	s17 =	sshll.u32 s0, $0x4;
	s26 =	sadd.s32 s26, s11;
	[smem:$0x7F9] =	sst s2  }
0x25: {  	s14 =	sadd.s32 $0x287600, s4;
	s16 =	sadd.s32 $0x2A00, s4;
	[dreg:$0xe] =	wrdreg s26  }
0x26: {  	s25 =	sadd.s32 s25, s11;
	s24 =	smul.u32 $0x280, s0;
	[dreg:$0xf] =	wrdreg s30  }
0x27: {  	s7 =	simm.s32 $0x50;
	s18 =	sadd.s32 s9, s12;
	[dreg:$0x15] =	wrdreg s25  }
0x28: {  	s10 =	sadd.s32 s17, s4;
	s20 =	sadd.s32 s8, s12;
	[dreg:$0x1a] =	wrdreg s18  }
0x29: {  	s17 =	sadd.s32 $0x16600, s4;
	s21 =	sadd.s32 s22, s12;
	[dreg:$0x1b] =	wrdreg s20  }
0x2a: {  	s19 =	smul.u32 $0x50, s0;
	s5 =	sadd.s32 s17, s24;
	[dreg:$0x1c] =	wrdreg s21  }
0x2b: {  	s22 =	smul.u32 $0xA, s0;
	s23 =	sor.u32 $0x80, s0;
	[smem:$0x7F1] =	sst s5  }
0x2c: {  	s24 =	sor.u32 $0xA0, s0;
	s2 =	simm.s32 $0x0;
	[smem:$0x7FA] =	sst s23  }
0x2d: {  	[smem:$0x7FB] =	sst s24;
	s5 =	simm.s32 $0x100;
	s23 =	simm.s32 $0x5  }
0x2e: {  	s24 =	simm.s32 $0x4;
	s31 =	sadd.s32 $0xA00, s19;
	s8 =	sadd.s32 s15, s22  }
0x2f: {  	s4 =	sadd.s32 s16, s22;
	s3 =	sadd.s32 $0x4D800, s19;
	[dreg:$0x1e] =	wrdreg s8  }
0x30: {  	s22 =	sadd.s32 $0x2AE800, s10;
	[dreg:$0x1f] =	wrdreg s4;
	s9 =	sshrl.u32 s31, $0x3  }
0x31: {  	s18 =	sshll.u32 s31, $0x3;
	[smem:$0x7F8] =	sst s22;
	s31 =	sor.u32 $0x40, s0  }
0x32: {  	s19 =	sshrl.u32 s3, $0x3;
	s0 =	sor.u32 $0x60, s0;
	[smem:$0x7FC] =	sst s31  }
0x33: {  	s3 =	sshll.u32 s3, $0x3;
	s13 =	sadd.s32 s15, s9;
	[smem:$0x7FD] =	sst s0  }
0x34: {  	s8 =	simm.s32 $0x280;
	s4 =	sadd.s32 s16, s9;
	[smem:$0x7F2] =	sst s13  }
0x35: {  	s22 =	simm.s32 $0x200;
	s20 =	sadd.s32 s15, s19;
	[smem:$0x7F3] =	sst s4  }
0x36: {  	s21 =	sadd.s32 s16, s19;
	s3 =	sadd.s32 s17, s3;
	[smem:$0x7F5] =	sst s20  }
0x37: {  	s9 =	simm.s32 $0x1;
	s19 =	simm.s32 $0x6;
	[smem:$0x7F6] =	sst s21  }
0x38: {  	s4 =	sadd.s32 s17, s18;
	[smem:$0x7F7] =	sst s3;
	s3 =	simm.s32 $0x2B00  }
0x39: {  	s13 =	simm.s32 $0x300;
	s18 =	simm.s32 $0x2;
	s20 =	simm.s32 $0x3  }
0x3a: {  	v0 =	vimm.f32 $0.0e+00;
	v1 =	vimm.f32 $1.000000000e+00;
	v2 =	vimm.s32 $0x0;
	s21 =	simm.s32 $0x7B00;
	[smem:$0x7F4] =	sst s4;
	s4 =	simm.s32 $0x7  }
.LBB2_1:
0x3b: {  	[smem:$0x7F0] =	sst s2;
	s0 =	simm.s32 $0x0;
	s2 =	simm.s32 $0x200  }
.LBB2_2:
0x3c: {  	p0 =	sne.s32 s2, $0x9E00;
	[tilespmem:s0+$0x2B70] =	vst v0  }
0x3d: {  	[tilespmem:s0+$0x2B00] =	vst v0  }
0x3e: {  	[tilespmem:s0+$0x2B10] =	vst v0  }
.Ltmp0:
0x3f: {  	[tilespmem:s0+$0x2B20] =	vst v0;
	(pc) =	sbr.rel @p0 .LBB2_2-.Ltmp0, $4  }
0x40: {  	[tilespmem:s0+$0x2B30] =	vst v0  }
0x41: {  	[tilespmem:s0+$0x2B40] =	vst v0  }
0x42: {  	[tilespmem:s0+$0x2B50] =	vst v0  }
0x43: {  	[tilespmem:s0+$0x2B60] =	vst v0;
	s0 =	sshra.s32 s2, $0x2;
	s2 =	sadd.s32 $0x200, s2  }
0x44: {  	[tilespmem:s0+$0x2B70] =	vst v0  }
0x45: {  	[tilespmem:s0+$0x2B00] =	vst v0  }
0x46: {  	[tilespmem:s0+$0x2B10] =	vst v0  }
0x47: {  	[tilespmem:s0+$0x2B20] =	vst v0  }
0x48: {  	[tilespmem:s0+$0x2B30] =	vst v0  }
0x49: {  	[tilespmem:s0+$0x2B40] =	vst v0  }
0x4a: {  	[tilespmem:s0+$0x2B50] =	vst v0  }
0x4b: {  	[tilespmem:s0+$0x2B60] =	vst v0  }
0x4c: {  	[tilespmem:$0x7B00] =	vst v1  }
0x4d: {  	[tilespmem:$0x280] =	vst v2  }
0x4e: {  	[tilespmem:$0x7B10] =	vst v1  }
0x4f: {  	[tilespmem:$0x290] =	vst v2  }
0x50: {  	[tilespmem:$0x7B20] =	vst v1  }
0x51: {  	[tilespmem:$0x2A0] =	vst v2  }
0x52: {  	[tilespmem:$0x7B30] =	vst v1  }
0x53: {  	[tilespmem:$0x2B0] =	vst v2  }
0x54: {  	[tilespmem:$0x7B40] =	vst v1  }
0x55: {  	[tilespmem:$0x2C0] =	vst v2  }
0x56: {  	[spmem:s26] =	stream.linear.scatter [tilespmem:s3], [sflag:$0x7], $0x2800, $0x38;
	[tilespmem:$0x1BE80] =	vst v63  }
0x57: {  	_ =	swait.ge [sflag:s4], $0x2800  }
0x58: {  	[sflag:s4] =	ssyncset.done $0x0  }
0x59: {  	[sflag:s4] =	ssyncadd.s32 $0xFFFFD800  }
0x5a: {  	[spmem:s30] =	stream.linear.scatter [tilespmem:s3], [sflag:$0x7], $0x2800, $0x38;
	[tilespmem:$0x1BE80] =	vst v63  }
0x5b: {  	_ =	swait.ge [sflag:s4], $0x2800  }
0x5c: {  	[sflag:s4] =	ssyncset.done $0x0  }
0x5d: {  	s2 =	rddreg [dreg:$0x10];
	[sflag:s4] =	ssyncadd.s32 $0xFFFFD800  }
0x5e: {  	[spmem:s2] =	stream.linear.scatter [tilespmem:s3], [sflag:$0x7], $0x2800, $0x38;
	[tilespmem:$0x1BE80] =	vst v63  }
0x5f: {  	_ =	swait.ge [sflag:s4], $0x2800  }
0x60: {  	[sflag:s4] =	ssyncset.done $0x0  }
0x61: {  	s6 =	rddreg [dreg:$0x11];
	[sflag:s4] =	ssyncadd.s32 $0xFFFFD800  }
0x62: {  	[spmem:s6] =	stream.linear.scatter [tilespmem:s3], [sflag:$0x7], $0x2800, $0x38;
	[tilespmem:$0x1BE80] =	vst v63  }
0x63: {  	_ =	swait.ge [sflag:s4], $0x2800  }
0x64: {  	[sflag:s4] =	ssyncset.done $0x0  }
0x65: {  	s10 =	rddreg [dreg:$0x12];
	[sflag:s4] =	ssyncadd.s32 $0xFFFFD800  }
0x66: {  	[spmem:s10] =	stream.linear.scatter [tilespmem:s3], [sflag:$0x7], $0x2800, $0x38;
	[tilespmem:$0x1BE80] =	vst v63  }
0x67: {  	_ =	swait.ge [sflag:s4], $0x2800  }
0x68: {  	[sflag:s4] =	ssyncset.done $0x0  }
0x69: {  	s26 =	rddreg [dreg:$0x13];
	[sflag:s4] =	ssyncadd.s32 $0xFFFFD800  }
0x6a: {  	[spmem:s26] =	stream.linear.scatter [tilespmem:s3], [sflag:$0x7], $0x2800, $0x38;
	[tilespmem:$0x1BE80] =	vst v63  }
0x6b: {  	_ =	swait.ge [sflag:s4], $0x2800  }
0x6c: {  	[sflag:s4] =	ssyncset.done $0x0  }
0x6d: {  	s30 =	rddreg [dreg:$0x14];
	[sflag:s4] =	ssyncadd.s32 $0xFFFFD800  }
0x6e: {  	[spmem:s30] =	stream.linear.scatter [tilespmem:s3], [sflag:$0x7], $0x2800, $0x38;
	[tilespmem:$0x1BE80] =	vst v63  }
0x6f: {  	_ =	swait.ge [sflag:s4], $0x2800  }
0x70: {  	[sflag:s4] =	ssyncset.done $0x0  }
0x71: {  	[sflag:s4] =	ssyncadd.s32 $0xFFFFD800  }
0x72: {  	[spmem:s25] =	stream.linear.scatter [tilespmem:s3], [sflag:$0x7], $0x2800, $0x38;
	[tilespmem:$0x1BE80] =	vst v63  }
0x73: {  	_ =	swait.ge [sflag:s4], $0x2800  }
0x74: {  	[sflag:s4] =	ssyncset.done $0x0  }
0x75: {  	s31 =	rddreg [dreg:$0x16];
	[sflag:s4] =	ssyncadd.s32 $0xFFFFD800  }
0x76: {  	[spmem:s31] =	stream.linear.scatter [tilespmem:s3], [sflag:$0x7], $0x50, $0x38;
	[tilespmem:$0x1BE80] =	vst v63  }
0x77: {  	_ =	swait.ge [sflag:s4], $0x50  }
0x78: {  	[sflag:s4] =	ssyncset.done $0x0  }
0x79: {  	s2 =	rddreg [dreg:$0x17];
	[sflag:s4] =	ssyncadd.s32 $0xFFFFFFB0  }
0x7a: {  	[spmem:s2] =	stream.linear.scatter [tilespmem:s3], [sflag:$0x7], $0x50, $0x38;
	[tilespmem:$0x1BE80] =	vst v63  }
0x7b: {  	_ =	swait.ge [sflag:s4], $0x50  }
0x7c: {  	[sflag:s4] =	ssyncset.done $0x0  }
0x7d: {  	s6 =	rddreg [dreg:$0x18];
	[sflag:s4] =	ssyncadd.s32 $0xFFFFFFB0  }
0x7e: {  	[spmem:s6] =	stream.linear.scatter [tilespmem:s3], [sflag:$0x7], $0x50, $0x38;
	[tilespmem:$0x1BE80] =	vst v63  }
0x7f: {  	_ =	swait.ge [sflag:s4], $0x50  }
0x80: {  	[sflag:s4] =	ssyncset.done $0x0  }
0x81: {  	s10 =	rddreg [dreg:$0x19];
	[sflag:s4] =	ssyncadd.s32 $0xFFFFFFB0  }
0x82: {  	[spmem:s10] =	stream.linear.scatter [tilespmem:s3], [sflag:$0x7], $0x50, $0x38;
	[tilespmem:$0x1BE80] =	vst v63  }
0x83: {  	_ =	swait.ge [sflag:s4], $0x50  }
0x84: {  	[sflag:s4] =	ssyncset.done $0x0  }
0x85: {  	s25 =	rddreg [dreg:$0x1a];
	[sflag:s4] =	ssyncadd.s32 $0xFFFFFFB0  }
0x86: {  	[spmem:s25] =	stream.linear.scatter [tilespmem:s3], [sflag:$0x7], $0x50, $0x38;
	[tilespmem:$0x1BE80] =	vst v63  }
0x87: {  	_ =	swait.ge [sflag:s4], $0x50  }
0x88: {  	[sflag:s4] =	ssyncset.done $0x0  }
0x89: {  	s26 =	rddreg [dreg:$0x1b];
	[sflag:s4] =	ssyncadd.s32 $0xFFFFFFB0  }
0x8a: {  	[spmem:s26] =	stream.linear.scatter [tilespmem:s3], [sflag:$0x7], $0x50, $0x38;
	[tilespmem:$0x1BE80] =	vst v63  }
0x8b: {  	_ =	swait.ge [sflag:s4], $0x50  }
0x8c: {  	[sflag:s4] =	ssyncset.done $0x0  }
0x8d: {  	s30 =	rddreg [dreg:$0x1c];
	[sflag:s4] =	ssyncadd.s32 $0xFFFFFFB0  }
0x8e: {  	[spmem:s30] =	stream.linear.scatter [tilespmem:s3], [sflag:$0x7], $0x50, $0x38;
	[tilespmem:$0x1BE80] =	vst v63  }
0x8f: {  	_ =	swait.ge [sflag:s4], $0x50  }
0x90: {  	[sflag:s4] =	ssyncset.done $0x0  }
0x91: {  	s31 =	rddreg [dreg:$0x1d];
	[sflag:s4] =	ssyncadd.s32 $0xFFFFFFB0  }
0x92: {  	[spmem:s31] =	stream.linear.scatter [tilespmem:s3], [sflag:$0x7], $0x50, $0x38;
	[tilespmem:$0x1BE80] =	vst v63  }
0x93: {  	_ =	swait.ge [sflag:s4], $0x50  }
0x94: {  	[sflag:s4] =	ssyncset.done $0x0  }
0x95: {  	[sflag:s4] =	ssyncadd.s32 $0xFFFFFFB0  }
0x96: {  	[bflag:$0x0] =	sbarrier.arrive $0xFFFF  }
0x97: {  	s2 =	rddreg [dreg:$0x1e]  }
0x98: {  	s26 =	simm.s32 $0x0;
	s6 =	rddreg [dreg:$0x1f]  }
0x99: {  	[tilespmem:s26], [sflag:$0x1] =	stream.linear.gather [hbm4b:s2+s26], $0x50, $0x38;
	[tilespmem:$0x1BE80] =	vst v63  }
0x9a: {  	s10 =	sld [smem:$0x7F1]  }
0x9b: {  	[tilespmem:s5], [sflag:$0x1] =	stream.linear.gather [hbm4b:s6+s26], $0x50, $0x38;
	[tilespmem:$0x1BE80] =	vst v63  }
0x9c: {  	s6 =	simm.s32 $0x5300  }
0x9d: {  	[tilespmem:s6], [sflag:$0x1] =	stream.linear.gather [hbm4b:s10+s26], $0x1400, $0x38;
	[tilespmem:$0x1BE80] =	vst v63  }
0x9e: {  	_ = 	snop  }
0x9f: {  	[spmem:s11] =	stream.indirect.scatter.add.f32 [tilespmem:s3], [sflag:$0x6], $0x80, s8, s7, $0xb8;
	[tilespmem:$0x1BE80] =	vst v63  }
0xa0: {  	_ = 	snop  }
0xa1: {  	[spmem:s12] =	stream.indirect.scatter.add.f32 [tilespmem:s3], [sflag:$0x6], $0x1, s8, s7, $0xb8;
	[tilespmem:$0x1BE80] =	vst v63  }
0xa2: {  	_ =	swait.ge [sflag:s9], $0x50  }
0xa3: {  	[sflag:s9] =	ssyncset.done $0x0  }
0xa4: {  	[sflag:s9] =	ssyncadd.s32 $0xFFFFFFB0  }
0xa5: {  	_ =	swait.ge [sflag:s9], $0x50  }
0xa6: {  	[sflag:s9] =	ssyncset.done $0x0  }
0xa7: {  	[sflag:s9] =	ssyncadd.s32 $0xFFFFFFB0  }
0xa8: {  	_ =	swait.ge [sflag:s9], $0x1400  }
0xa9: {  	[sflag:s9] =	ssyncset.done $0x0  }
0xaa: {  	s25 =	sld [smem:$0x7F2];
	[sflag:s9] =	ssyncadd.s32 $0xFFFFEC00  }
0xab: {  	[tilespmem:s13], [sflag:$0x3] =	stream.indirect.gather [hbm4b:s14+s7], $0x80, s26, s7, $0xb8;
	[tilespmem:$0x1BE80] =	vst v63  }
0xac: {  	s30 =	sld [smem:$0x7F3]  }
0xad: {  	[tilespmem:s28], [sflag:$0x2] =	stream.linear.gather [hbm4b:s25+s26], $0x50, $0x38;
	[tilespmem:$0x1BE80] =	vst v63  }
0xae: {  	s31 =	sld [smem:$0x7F4]  }
0xaf: {  	v3 =	vimm.f32 $0.0e+00;
	v4 =	vimm.f32 $0.0e+00;
	[tilespmem:s29], [sflag:$0x2] =	stream.linear.gather [hbm4b:s30+s26], $0x50, $0x38;
	[tilespmem:$0x1BE80] =	vst v63  }
0xb0: {  	v5 =	vimm.f32 $0.0e+00;
	v6 =	vimm.f32 $0.0e+00;
	v7 =	vimm.f32 $0.0e+00;
	s2 =	simm.s32 $0x6700  }
0xb1: {  	v8 =	vimm.f32 $0.0e+00;
	v9 =	vimm.f32 $0.0e+00;
	v10 =	vimm.f32 $0.0e+00;
	[tilespmem:s2], [sflag:$0x2] =	stream.linear.gather [hbm4b:s31+s26], $0x1400, $0x38;
	[tilespmem:$0x1BE80] =	vst v63  }
.LBB2_4:
0xb2: {  	_ =	swait.ge [sflag:s18], $0x50  }
0xb3: {  	[sflag:s18] =	ssyncset.done $0x0  }
0xb4: {  	[sflag:s18] =	ssyncadd.s32 $0xFFFFFFB0  }
0xb5: {  	_ =	swait.ge [sflag:s18], $0x50  }
0xb6: {  	[sflag:s18] =	ssyncset.done $0x0  }
0xb7: {  	[sflag:s18] =	ssyncadd.s32 $0xFFFFFFB0  }
0xb8: {  	_ =	swait.ge [sflag:s18], $0x1400  }
0xb9: {  	[sflag:s18] =	ssyncset.done $0x0  }
0xba: {  	[sflag:s18] =	ssyncadd.s32 $0xFFFFEC00  }
0xbb: {  	_ =	swait.ge [sflag:s19], $0x2800  }
0xbc: {  	[sflag:s19] =	ssyncset.done $0x0  }
0xbd: {  	[sflag:s19] =	ssyncadd.s32 $0xFFFFD800  }
0xbe: {  	_ =	swait.ge [sflag:s19], $0x50  }
0xbf: {  	[sflag:s19] =	ssyncset.done $0x0  }
0xc0: {  	[sflag:s19] =	ssyncadd.s32 $0xFFFFFFB0  }
0xc1: {  	[tilespmem:s3], [sflag:$0x4] =	stream.indirect.gather [hbm4b:s14+s7], $0x80, s28, s7, $0xb8;
	[tilespmem:$0x1BE80] =	vst v63  }
0xc2: {  	_ =	swait.ge [sflag:s20], $0x2800  }
0xc3: {  	[sflag:s20] =	ssyncset.done $0x0  }
0xc4: {  	s0 =	simm.s32 $0x0;
	[sflag:s20] =	ssyncadd.s32 $0xFFFFD800  }
0xc5: {  	s10 =	simm.s32 $0x380;
	v11 =	vld [tilespmem:s0+$0x5300]  }
0xc6: {  	v12 =	vld [tilespmem:s10+$0xFFFFFF80]  }
0xc7: {  	v13 =	vld [tilespmem:s10+$0x0];
	_ =	sdelay $0x2  }
0xc8: {  	v14 =	vshll.u32 v11, $0x10  }
0xc9: {  	v11 =	vand.u32 $0xFFFF0000, v11;
	v12 =	vadd.f32 v14, v12  }
0xca: {  	v11 =	vadd.f32 v11, v13  }
0xcb: {  	v12 =	vmax.f32 v12, $0.0e+00  }
0xcc: {  	v11 =	vmax.f32 v11, $0.0e+00;
	[tilespmem:s10+$0xFFFFFF80] =	vst v12  }
0xcd: {  	[tilespmem:s10+$0x0] =	vst v11  }
0xce: {  	v13 =	vld [tilespmem:s0+$0x5310]  }
0xcf: {  	v14 =	vld [tilespmem:s10+$0xFFFFFF90]  }
0xd0: {  	v15 =	vld [tilespmem:s10+$0x10];
	_ =	sdelay $0x2  }
0xd1: {  	v16 =	vshll.u32 v13, $0x10  }
0xd2: {  	v13 =	vand.u32 $0xFFFF0000, v13;
	v14 =	vadd.f32 v16, v14  }
0xd3: {  	v13 =	vadd.f32 v13, v15  }
0xd4: {  	v14 =	vmax.f32 v14, $0.0e+00  }
0xd5: {  	v13 =	vmax.f32 v13, $0.0e+00;
	[tilespmem:s10+$0xFFFFFF90] =	vst v14  }
0xd6: {  	[tilespmem:s10+$0x10] =	vst v13  }
0xd7: {  	v15 =	vld [tilespmem:s0+$0x5320]  }
0xd8: {  	v50 =	vld [tilespmem:s10+$0xFFFFFFA0]  }
0xd9: {  	v17 =	vld [tilespmem:s10+$0x20];
	_ =	sdelay $0x2  }
0xda: {  	v18 =	vshll.u32 v15, $0x10  }
0xdb: {  	v15 =	vand.u32 $0xFFFF0000, v15;
	v16 =	vadd.f32 v18, v50  }
0xdc: {  	v15 =	vadd.f32 v15, v17  }
0xdd: {  	v16 =	vmax.f32 v16, $0.0e+00  }
0xde: {  	v15 =	vmax.f32 v15, $0.0e+00;
	[tilespmem:s10+$0xFFFFFFA0] =	vst v16  }
0xdf: {  	[tilespmem:s10+$0x20] =	vst v15  }
0xe0: {  	v51 =	vld [tilespmem:s0+$0x5330]  }
0xe1: {  	v52 =	vld [tilespmem:s10+$0xFFFFFFB0]  }
0xe2: {  	v19 =	vld [tilespmem:s10+$0x30];
	_ =	sdelay $0x2  }
0xe3: {  	v20 =	vshll.u32 v51, $0x10  }
0xe4: {  	v17 =	vand.u32 $0xFFFF0000, v51;
	v18 =	vadd.f32 v20, v52  }
0xe5: {  	v17 =	vadd.f32 v17, v19  }
0xe6: {  	v18 =	vmax.f32 v18, $0.0e+00  }
0xe7: {  	v17 =	vmax.f32 v17, $0.0e+00;
	[tilespmem:s10+$0xFFFFFFB0] =	vst v18  }
0xe8: {  	[tilespmem:s10+$0x30] =	vst v17  }
0xe9: {  	v53 =	vld [tilespmem:s0+$0x5340]  }
0xea: {  	v54 =	vld [tilespmem:s10+$0xFFFFFFC0]  }
0xeb: {  	v21 =	vld [tilespmem:s10+$0x40];
	_ =	sdelay $0x2  }
0xec: {  	v22 =	vshll.u32 v53, $0x10  }
0xed: {  	v19 =	vand.u32 $0xFFFF0000, v53;
	v20 =	vadd.f32 v22, v54  }
0xee: {  	v19 =	vadd.f32 v19, v21  }
0xef: {  	v20 =	vmax.f32 v20, $0.0e+00  }
0xf0: {  	v19 =	vmax.f32 v19, $0.0e+00;
	[tilespmem:s10+$0xFFFFFFC0] =	vst v20  }
0xf1: {  	[tilespmem:s10+$0x40] =	vst v19  }
0xf2: {  	v55 =	vld [tilespmem:s0+$0x5350]  }
0xf3: {  	v56 =	vld [tilespmem:s10+$0xFFFFFFD0]  }
0xf4: {  	v23 =	vld [tilespmem:s10+$0x50];
	_ =	sdelay $0x2  }
0xf5: {  	v24 =	vshll.u32 v55, $0x10  }
0xf6: {  	v21 =	vand.u32 $0xFFFF0000, v55;
	v22 =	vadd.f32 v24, v56  }
0xf7: {  	v21 =	vadd.f32 v21, v23  }
0xf8: {  	v22 =	vmax.f32 v22, $0.0e+00  }
0xf9: {  	v21 =	vmax.f32 v21, $0.0e+00;
	[tilespmem:s10+$0xFFFFFFD0] =	vst v22  }
0xfa: {  	[tilespmem:s10+$0x50] =	vst v21  }
0xfb: {  	v57 =	vld [tilespmem:s0+$0x5360]  }
0xfc: {  	v58 =	vld [tilespmem:s10+$0xFFFFFFE0]  }
0xfd: {  	v25 =	vld [tilespmem:s10+$0x60]  }
0xfe: {  	v12 =	vmul.f32 v12, v12;
	_ =	sdelay $0x1  }
0xff: {  	v10 =	vadd.f32 v12, v10;
	v12 =	vmul.f32 v14, v14;
	v14 =	vshll.u32 v57, $0x10  }
0x100: {  	v59 =	vmul.f32 v11, v11;
	v23 =	vand.u32 $0xFFFF0000, v57;
	v14 =	vadd.f32 v14, v58  }
0x101: {  	v13 =	vmul.f32 v13, v13;
	v16 =	vmul.f32 v16, v16;
	v23 =	vadd.f32 v23, v25  }
0x102: {  	v9 =	vadd.f32 v12, v9;
	v15 =	vmul.f32 v15, v15;
	v14 =	vmax.f32 v14, $0.0e+00  }
0x103: {  	v8 =	vadd.f32 v16, v8;
	v60 =	vmul.f32 v18, v18;
	v61 =	vmax.f32 v23, $0.0e+00;
	[tilespmem:s10+$0xFFFFFFE0] =	vst v14  }
0x104: {  	v10 =	vadd.f32 v10, v59;
	v9 =	vadd.f32 v9, v13;
	v13 =	vmul.f32 v20, v20;
	[tilespmem:s10+$0x60] =	vst v61  }
0x105: {  	v8 =	vadd.f32 v8, v15;
	v7 =	vadd.f32 v60, v7;
	v15 =	vmul.f32 v22, v22;
	v62 =	vld [tilespmem:s0+$0x5370]  }
0x106: {  	v11 =	vld [tilespmem:s10+$0xFFFFFFF0];
	v13 =	vadd.f32 v13, v6;
	v6 =	vmul.f32 v17, v17;
	v14 =	vmul.f32 v14, v14  }
0x107: {  	v12 =	vld [tilespmem:s10+$0x70];
	v63 =	vmul.f32 v21, v21;
	v5 =	vadd.f32 v15, v5;
	v15 =	vmul.f32 v19, v19  }
0x108: {  	v6 =	vadd.f32 v7, v6;
	v4 =	vadd.f32 v14, v4;
	v14 =	vmul.f32 v61, v61  }
0x109: {  	v7 =	vadd.f32 v13, v15;
	v5 =	vadd.f32 v5, v63  }
0x10a: {  	s25 =	simm.s32 $0x380;
	s0 =	simm.s32 $0x200;
	v4 =	vadd.f32 v4, v14;
	v13 =	vshll.u32 v62, $0x10;
	v14 =	vand.u32 $0xFFFF0000, v62  }
.LBB2_5:
0x10b: {  	p0 =	sne.s32 s0, $0x4E00  }
0x10c: {  	v11 =	vadd.f32 v13, v11;
	v12 =	vadd.f32 v14, v12;
	s10 =	sadd.s32 $0x100, s10;
	s2 =	smov.u32 s0;
	s0 =	sadd.s32 $0x200, s0  }
0x10d: {  	_ = 	snop  }
0x10e: {  	v11 =	vmax.f32 v11, $0.0e+00;
	v12 =	vmax.f32 v12, $0.0e+00  }
0x10f: {  	[tilespmem:s25+$0x70] =	vst v12;
	v13 =	vmul.f32 v11, v11;
	v12 =	vmul.f32 v12, v12  }
0x110: {  	s2 =	sshra.s32 s2, $0x2;
	v14 =	vld [tilespmem:s10+$0x0];
	[tilespmem:s25+$0xFFFFFFF0] =	vst v11;
	s25 =	smov.u32 s10  }
0x111: {  	v11 =	vld [tilespmem:s2+$0x5300];
	v3 =	vadd.f32 v13, v3  }
0x112: {  	v13 =	vld [tilespmem:s10+$0xFFFFFF80]  }
0x113: {  	v3 =	vadd.f32 v3, v12;
	_ =	sdelay $0x2  }
0x114: {  	v12 =	vshll.u32 v11, $0x10;
	v11 =	vand.u32 $0xFFFF0000, v11  }
0x115: {  	v12 =	vadd.f32 v12, v13;
	v11 =	vadd.f32 v11, v14;
	_ =	sdelay $0x1  }
0x116: {  	v12 =	vmax.f32 v12, $0.0e+00;
	v11 =	vmax.f32 v11, $0.0e+00  }
0x117: {  	[tilespmem:s10+$0xFFFFFF80] =	vst v12;
	v12 =	vmul.f32 v12, v12  }
0x118: {  	[tilespmem:s10+$0x0] =	vst v11;
	v13 =	vld [tilespmem:s10+$0x10]  }
0x119: {  	v11 =	vmul.f32 v11, v11;
	v10 =	vadd.f32 v12, v10;
	v12 =	vld [tilespmem:s2+$0x5310]  }
0x11a: {  	v14 =	vld [tilespmem:s10+$0xFFFFFF90]  }
0x11b: {  	v10 =	vadd.f32 v10, v11;
	_ =	sdelay $0x2  }
0x11c: {  	v11 =	vshll.u32 v12, $0x10;
	v12 =	vand.u32 $0xFFFF0000, v12  }
0x11d: {  	v11 =	vadd.f32 v11, v14;
	v12 =	vadd.f32 v12, v13;
	_ =	sdelay $0x1  }
0x11e: {  	v11 =	vmax.f32 v11, $0.0e+00;
	v12 =	vmax.f32 v12, $0.0e+00  }
0x11f: {  	[tilespmem:s10+$0xFFFFFF90] =	vst v11;
	v11 =	vmul.f32 v11, v11  }
0x120: {  	[tilespmem:s10+$0x10] =	vst v12;
	v13 =	vld [tilespmem:s10+$0x20]  }
0x121: {  	v9 =	vadd.f32 v11, v9;
	v11 =	vmul.f32 v12, v12;
	v12 =	vld [tilespmem:s2+$0x5320]  }
0x122: {  	v14 =	vld [tilespmem:s10+$0xFFFFFFA0]  }
0x123: {  	v9 =	vadd.f32 v9, v11;
	_ =	sdelay $0x2  }
0x124: {  	v11 =	vshll.u32 v12, $0x10;
	v12 =	vand.u32 $0xFFFF0000, v12  }
0x125: {  	v11 =	vadd.f32 v11, v14;
	v12 =	vadd.f32 v12, v13;
	_ =	sdelay $0x1  }
0x126: {  	v11 =	vmax.f32 v11, $0.0e+00;
	v12 =	vmax.f32 v12, $0.0e+00  }
0x127: {  	[tilespmem:s10+$0xFFFFFFA0] =	vst v11;
	v11 =	vmul.f32 v11, v11  }
0x128: {  	[tilespmem:s10+$0x20] =	vst v12;
	v13 =	vld [tilespmem:s10+$0x30]  }
0x129: {  	v8 =	vadd.f32 v11, v8;
	v11 =	vmul.f32 v12, v12;
	v12 =	vld [tilespmem:s2+$0x5330]  }
0x12a: {  	v14 =	vld [tilespmem:s10+$0xFFFFFFB0]  }
0x12b: {  	v8 =	vadd.f32 v8, v11;
	_ =	sdelay $0x2  }
0x12c: {  	v11 =	vshll.u32 v12, $0x10;
	v12 =	vand.u32 $0xFFFF0000, v12  }
0x12d: {  	v11 =	vadd.f32 v11, v14;
	v12 =	vadd.f32 v12, v13;
	_ =	sdelay $0x1  }
0x12e: {  	v11 =	vmax.f32 v11, $0.0e+00;
	v12 =	vmax.f32 v12, $0.0e+00  }
0x12f: {  	[tilespmem:s10+$0xFFFFFFB0] =	vst v11;
	v11 =	vmul.f32 v11, v11  }
0x130: {  	[tilespmem:s10+$0x30] =	vst v12;
	v13 =	vld [tilespmem:s10+$0x40]  }
0x131: {  	v6 =	vadd.f32 v11, v6;
	v11 =	vmul.f32 v12, v12;
	v12 =	vld [tilespmem:s2+$0x5340]  }
0x132: {  	v14 =	vld [tilespmem:s10+$0xFFFFFFC0]  }
0x133: {  	v6 =	vadd.f32 v6, v11;
	_ =	sdelay $0x2  }
0x134: {  	v11 =	vshll.u32 v12, $0x10;
	v12 =	vand.u32 $0xFFFF0000, v12  }
0x135: {  	v11 =	vadd.f32 v11, v14;
	v12 =	vadd.f32 v12, v13;
	_ =	sdelay $0x1  }
0x136: {  	v11 =	vmax.f32 v11, $0.0e+00;
	v12 =	vmax.f32 v12, $0.0e+00  }
0x137: {  	[tilespmem:s10+$0xFFFFFFC0] =	vst v11;
	v11 =	vmul.f32 v11, v11  }
0x138: {  	[tilespmem:s10+$0x40] =	vst v12;
	v13 =	vld [tilespmem:s10+$0x50]  }
0x139: {  	v7 =	vadd.f32 v11, v7;
	v11 =	vmul.f32 v12, v12;
	v12 =	vld [tilespmem:s2+$0x5350]  }
0x13a: {  	v14 =	vld [tilespmem:s10+$0xFFFFFFD0]  }
0x13b: {  	v7 =	vadd.f32 v7, v11;
	_ =	sdelay $0x2  }
0x13c: {  	v11 =	vshll.u32 v12, $0x10;
	v12 =	vand.u32 $0xFFFF0000, v12  }
0x13d: {  	v11 =	vadd.f32 v11, v14;
	v12 =	vadd.f32 v12, v13;
	_ =	sdelay $0x1  }
0x13e: {  	v11 =	vmax.f32 v11, $0.0e+00;
	v12 =	vmax.f32 v12, $0.0e+00  }
0x13f: {  	[tilespmem:s10+$0xFFFFFFD0] =	vst v11;
	v11 =	vmul.f32 v11, v11  }
0x140: {  	[tilespmem:s10+$0x50] =	vst v12;
	v13 =	vld [tilespmem:s10+$0x60]  }
0x141: {  	v5 =	vadd.f32 v11, v5;
	v11 =	vmul.f32 v12, v12;
	v12 =	vld [tilespmem:s2+$0x5360]  }
0x142: {  	v14 =	vld [tilespmem:s10+$0xFFFFFFE0]  }
0x143: {  	v5 =	vadd.f32 v5, v11;
	_ =	sdelay $0x2  }
0x144: {  	v15 =	vshll.u32 v12, $0x10;
	v12 =	vand.u32 $0xFFFF0000, v12;
	v11 =	vld [tilespmem:s10+$0xFFFFFFF0]  }
0x145: {  	v14 =	vadd.f32 v15, v14;
	v13 =	vadd.f32 v12, v13  }
0x146: {  	v12 =	vld [tilespmem:s10+$0x70]  }
0x147: {  	v14 =	vmax.f32 v14, $0.0e+00;
	v13 =	vmax.f32 v13, $0.0e+00  }
0x148: {  	[tilespmem:s10+$0xFFFFFFE0] =	vst v14;
	v14 =	vmul.f32 v14, v14  }
0x149: {  	[tilespmem:s10+$0x60] =	vst v13  }
0x14a: {  	v13 =	vmul.f32 v13, v13;
	v4 =	vadd.f32 v14, v4;
	v14 =	vld [tilespmem:s2+$0x5370]  }
.Ltmp1:
0x14b: {  	(pc) =	sbr.rel @p0 .LBB2_5-.Ltmp1, $2  }
0x14c: {  	v4 =	vadd.f32 v4, v13;
	_ =	sdelay $0x2  }
0x14d: {  	v13 =	vshll.u32 v14, $0x10;
	v14 =	vand.u32 $0xFFFF0000, v14  }
0x14e: {  	v12 =	vadd.f32 v14, v12  }
0x14f: {  	v11 =	vadd.f32 v13, v11;
	s0 =	sld [smem:$0x7FC]  }
0x150: {  	v12 =	vmax.f32 v12, $0.0e+00  }
0x151: {  	s31 =	sshll.u32 s26, $0x7;
	v11 =	vmax.f32 v11, $0.0e+00;
	[tilespmem:s25+$0x70] =	vst v12  }
0x152: {  	[tilespmem:s25+$0xFFFFFFF0] =	vst v11;
	s0 =	sor.u32 s0, s31  }
0x153: {  	[spmem:s11] =	stream.indirect.scatter.add.f32 [tilespmem:s13], [sflag:$0x5], $0x80, s5, s7, $0xb8;
	[tilespmem:$0x1BE80] =	vst v63  }
0x154: {  	s2 =	smul.u32 $0xA, s0  }
0x155: {  	[spmem:s12] =	stream.indirect.scatter.add.f32 [tilespmem:s21], [sflag:$0x5], $0x1, s5, s7, $0xb8;
	[tilespmem:$0x1BE80] =	vst v63  }
0x156: {  	s30 =	simm.s32 $0x0;
	s10 =	sadd.s32 s15, s2  }
0x157: {  	[tilespmem:s30], [sflag:$0x1] =	stream.linear.gather [hbm4b:s10+s30], $0x50, $0x38;
	[tilespmem:$0x1BE80] =	vst v63  }
0x158: {  	s0 =	smul.u32 $0x280, s0;
	s2 =	sadd.s32 s16, s2  }
0x159: {  	[tilespmem:s22], [sflag:$0x1] =	stream.linear.gather [hbm4b:s2+s30], $0x50, $0x38;
	[tilespmem:$0x1BE80] =	vst v63  }
0x15a: {  	s0 =	sadd.s32 s17, s0  }
0x15b: {  	[tilespmem:s6], [sflag:$0x1] =	stream.linear.gather [hbm4b:s0+s30], $0x1400, $0x38;
	[tilespmem:$0x1BE80] =	vst v63  }
0x15c: {  	_ =	swait.ge [sflag:s9], $0x50  }
0x15d: {  	[sflag:s9] =	ssyncset.done $0x0  }
0x15e: {  	[sflag:s9] =	ssyncadd.s32 $0xFFFFFFB0  }
0x15f: {  	_ =	swait.ge [sflag:s9], $0x50  }
0x160: {  	[sflag:s9] =	ssyncset.done $0x0  }
0x161: {  	[sflag:s9] =	ssyncadd.s32 $0xFFFFFFB0  }
0x162: {  	_ =	swait.ge [sflag:s9], $0x1400  }
0x163: {  	[sflag:s9] =	ssyncset.done $0x0  }
0x164: {  	[sflag:s9] =	ssyncadd.s32 $0xFFFFEC00  }
0x165: {  	_ =	swait.ge [sflag:s23], $0x2800  }
0x166: {  	[sflag:s23] =	ssyncset.done $0x0  }
0x167: {  	[sflag:s23] =	ssyncadd.s32 $0xFFFFD800  }
0x168: {  	_ =	swait.ge [sflag:s23], $0x50  }
0x169: {  	[sflag:s23] =	ssyncset.done $0x0  }
0x16a: {  	[sflag:s23] =	ssyncadd.s32 $0xFFFFFFB0  }
0x16b: {  	[tilespmem:s13], [sflag:$0x3] =	stream.indirect.gather [hbm4b:s14+s7], $0x80, s30, s7, $0xb8;
	[tilespmem:$0x1BE80] =	vst v63  }
0x16c: {  	_ =	swait.ge [sflag:s24], $0x2800  }
0x16d: {  	[sflag:s24] =	ssyncset.done $0x0  }
0x16e: {  	s30 =	simm.s32 $0x0;
	[sflag:s24] =	ssyncadd.s32 $0xFFFFD800  }
0x16f: {  	s10 =	simm.s32 $0x2B80;
	v13 =	vld [tilespmem:s30+$0x6700]  }
0x170: {  	v14 =	vld [tilespmem:s10+$0xFFFFFF80]  }
0x171: {  	v15 =	vld [tilespmem:s10+$0x0];
	_ =	sdelay $0x2  }
0x172: {  	v16 =	vshll.u32 v13, $0x10  }
0x173: {  	v13 =	vand.u32 $0xFFFF0000, v13;
	v14 =	vadd.f32 v16, v14  }
0x174: {  	v13 =	vadd.f32 v13, v15  }
0x175: {  	v14 =	vmax.f32 v14, $0.0e+00  }
0x176: {  	v13 =	vmax.f32 v13, $0.0e+00;
	[tilespmem:s10+$0xFFFFFF80] =	vst v14  }
0x177: {  	[tilespmem:s10+$0x0] =	vst v13  }
0x178: {  	v15 =	vld [tilespmem:s30+$0x6710]  }
0x179: {  	v47 =	vld [tilespmem:s10+$0xFFFFFF90]  }
0x17a: {  	v17 =	vld [tilespmem:s10+$0x10];
	_ =	sdelay $0x2  }
0x17b: {  	v18 =	vshll.u32 v15, $0x10  }
0x17c: {  	v15 =	vand.u32 $0xFFFF0000, v15;
	v16 =	vadd.f32 v18, v47  }
0x17d: {  	v15 =	vadd.f32 v15, v17  }
0x17e: {  	v16 =	vmax.f32 v16, $0.0e+00  }
0x17f: {  	v15 =	vmax.f32 v15, $0.0e+00;
	[tilespmem:s10+$0xFFFFFF90] =	vst v16  }
0x180: {  	[tilespmem:s10+$0x10] =	vst v15  }
0x181: {  	v48 =	vld [tilespmem:s30+$0x6720]  }
0x182: {  	v49 =	vld [tilespmem:s10+$0xFFFFFFA0]  }
0x183: {  	v19 =	vld [tilespmem:s10+$0x20];
	_ =	sdelay $0x2  }
0x184: {  	v20 =	vshll.u32 v48, $0x10  }
0x185: {  	v17 =	vand.u32 $0xFFFF0000, v48;
	v18 =	vadd.f32 v20, v49  }
0x186: {  	v17 =	vadd.f32 v17, v19  }
0x187: {  	v18 =	vmax.f32 v18, $0.0e+00  }
0x188: {  	v17 =	vmax.f32 v17, $0.0e+00;
	[tilespmem:s10+$0xFFFFFFA0] =	vst v18  }
0x189: {  	[tilespmem:s10+$0x20] =	vst v17  }
0x18a: {  	v50 =	vld [tilespmem:s30+$0x6730]  }
0x18b: {  	v51 =	vld [tilespmem:s10+$0xFFFFFFB0]  }
0x18c: {  	v21 =	vld [tilespmem:s10+$0x30];
	_ =	sdelay $0x2  }
0x18d: {  	v22 =	vshll.u32 v50, $0x10  }
0x18e: {  	v19 =	vand.u32 $0xFFFF0000, v50;
	v20 =	vadd.f32 v22, v51  }
0x18f: {  	v19 =	vadd.f32 v19, v21  }
0x190: {  	v20 =	vmax.f32 v20, $0.0e+00  }
0x191: {  	v19 =	vmax.f32 v19, $0.0e+00;
	[tilespmem:s10+$0xFFFFFFB0] =	vst v20  }
0x192: {  	[tilespmem:s10+$0x30] =	vst v19  }
0x193: {  	v52 =	vld [tilespmem:s30+$0x6740]  }
0x194: {  	v53 =	vld [tilespmem:s10+$0xFFFFFFC0]  }
0x195: {  	v23 =	vld [tilespmem:s10+$0x40];
	_ =	sdelay $0x2  }
0x196: {  	v24 =	vshll.u32 v52, $0x10  }
0x197: {  	v21 =	vand.u32 $0xFFFF0000, v52;
	v22 =	vadd.f32 v24, v53  }
0x198: {  	v21 =	vadd.f32 v21, v23  }
0x199: {  	v22 =	vmax.f32 v22, $0.0e+00  }
0x19a: {  	v21 =	vmax.f32 v21, $0.0e+00;
	[tilespmem:s10+$0xFFFFFFC0] =	vst v22  }
0x19b: {  	[tilespmem:s10+$0x40] =	vst v21  }
0x19c: {  	v54 =	vld [tilespmem:s30+$0x6750]  }
0x19d: {  	v55 =	vld [tilespmem:s10+$0xFFFFFFD0]  }
0x19e: {  	v25 =	vld [tilespmem:s10+$0x50];
	_ =	sdelay $0x2  }
0x19f: {  	v26 =	vshll.u32 v54, $0x10  }
0x1a0: {  	v23 =	vand.u32 $0xFFFF0000, v54;
	v24 =	vadd.f32 v26, v55  }
0x1a1: {  	v23 =	vadd.f32 v23, v25  }
0x1a2: {  	v24 =	vmax.f32 v24, $0.0e+00  }
0x1a3: {  	v23 =	vmax.f32 v23, $0.0e+00;
	[tilespmem:s10+$0xFFFFFFD0] =	vst v24  }
0x1a4: {  	[tilespmem:s10+$0x50] =	vst v23  }
0x1a5: {  	v11 =	vmul.f32 v11, v11;
	v56 =	vld [tilespmem:s30+$0x6760]  }
0x1a6: {  	v57 =	vld [tilespmem:s10+$0xFFFFFFE0]  }
0x1a7: {  	v12 =	vmul.f32 v12, v12;
	v3 =	vadd.f32 v11, v3;
	v11 =	vld [tilespmem:s10+$0x60]  }
0x1a8: {  	v14 =	vmul.f32 v14, v14  }
0x1a9: {  	v3 =	vadd.f32 v3, v12  }
0x1aa: {  	v13 =	vmul.f32 v13, v13;
	v10 =	vadd.f32 v14, v10;
	v14 =	vshll.u32 v56, $0x10  }
0x1ab: {  	v12 =	vmul.f32 v16, v16;
	v59 =	vand.u32 $0xFFFF0000, v56;
	v14 =	vadd.f32 v14, v57  }
0x1ac: {  	v15 =	vmul.f32 v15, v15;
	v58 =	vmul.f32 v18, v18;
	v18 =	vadd.f32 v59, v11  }
0x1ad: {  	v9 =	vadd.f32 v12, v9;
	v60 =	vmul.f32 v17, v17;
	v14 =	vmax.f32 v14, $0.0e+00  }
0x1ae: {  	v8 =	vadd.f32 v58, v8;
	v61 =	vmul.f32 v20, v20;
	v18 =	vmax.f32 v18, $0.0e+00;
	[tilespmem:s10+$0xFFFFFFE0] =	vst v14  }
0x1af: {  	v10 =	vadd.f32 v10, v13;
	v9 =	vadd.f32 v9, v15;
	v13 =	vmul.f32 v22, v22;
	[tilespmem:s10+$0x60] =	vst v18  }
0x1b0: {  	v8 =	vadd.f32 v8, v60;
	v6 =	vadd.f32 v61, v6;
	v15 =	vmul.f32 v24, v24;
	v62 =	vld [tilespmem:s30+$0x6770]  }
0x1b1: {  	v12 =	vld [tilespmem:s10+$0x70];
	v7 =	vadd.f32 v13, v7;
	v13 =	vmul.f32 v19, v19;
	v14 =	vmul.f32 v14, v14  }
0x1b2: {  	v63 =	vmul.f32 v23, v23;
	v5 =	vadd.f32 v15, v5;
	v15 =	vmul.f32 v21, v21;
	v11 =	vld [tilespmem:s10+$0xFFFFFFF0]  }
0x1b3: {  	v6 =	vadd.f32 v6, v13;
	v13 =	vmul.f32 v18, v18;
	v4 =	vadd.f32 v14, v4  }
0x1b4: {  	v7 =	vadd.f32 v7, v15;
	v5 =	vadd.f32 v5, v63  }
0x1b5: {  	s25 =	sshll.u32 s26, $0x2;
	s2 =	simm.s32 $0x200;
	s0 =	simm.s32 $0x2B80;
	v4 =	vadd.f32 v4, v13;
	v13 =	vshll.u32 v62, $0x10;
	v14 =	vand.u32 $0xFFFF0000, v62  }
.LBB2_7:
0x1b6: {  	p0 =	sne.s32 s2, $0x4E00  }
0x1b7: {  	v11 =	vadd.f32 v13, v11;
	v12 =	vadd.f32 v14, v12;
	s10 =	sadd.s32 $0x100, s10;
	s30 =	smov.u32 s2;
	s2 =	sadd.s32 $0x200, s2  }
0x1b8: {  	_ = 	snop  }
0x1b9: {  	v11 =	vmax.f32 v11, $0.0e+00;
	v12 =	vmax.f32 v12, $0.0e+00  }
0x1ba: {  	[tilespmem:s0+$0x70] =	vst v12;
	v13 =	vmul.f32 v11, v11;
	v12 =	vmul.f32 v12, v12  }
0x1bb: {  	s30 =	sshra.s32 s30, $0x2;
	v14 =	vld [tilespmem:s10+$0x0];
	[tilespmem:s0+$0xFFFFFFF0] =	vst v11;
	s0 =	smov.u32 s10  }
0x1bc: {  	v11 =	vld [tilespmem:s30+$0x6700];
	v3 =	vadd.f32 v13, v3  }
0x1bd: {  	v13 =	vld [tilespmem:s10+$0xFFFFFF80]  }
0x1be: {  	v3 =	vadd.f32 v3, v12;
	_ =	sdelay $0x2  }
0x1bf: {  	v12 =	vshll.u32 v11, $0x10;
	v11 =	vand.u32 $0xFFFF0000, v11  }
0x1c0: {  	v12 =	vadd.f32 v12, v13;
	v11 =	vadd.f32 v11, v14;
	_ =	sdelay $0x1  }
0x1c1: {  	v12 =	vmax.f32 v12, $0.0e+00;
	v11 =	vmax.f32 v11, $0.0e+00  }
0x1c2: {  	[tilespmem:s10+$0xFFFFFF80] =	vst v12;
	v12 =	vmul.f32 v12, v12  }
0x1c3: {  	[tilespmem:s10+$0x0] =	vst v11;
	v13 =	vld [tilespmem:s10+$0x10]  }
0x1c4: {  	v11 =	vmul.f32 v11, v11;
	v10 =	vadd.f32 v12, v10;
	v12 =	vld [tilespmem:s30+$0x6710]  }
0x1c5: {  	v14 =	vld [tilespmem:s10+$0xFFFFFF90]  }
0x1c6: {  	v10 =	vadd.f32 v10, v11;
	_ =	sdelay $0x2  }
0x1c7: {  	v11 =	vshll.u32 v12, $0x10;
	v12 =	vand.u32 $0xFFFF0000, v12  }
0x1c8: {  	v11 =	vadd.f32 v11, v14;
	v12 =	vadd.f32 v12, v13;
	_ =	sdelay $0x1  }
0x1c9: {  	v11 =	vmax.f32 v11, $0.0e+00;
	v12 =	vmax.f32 v12, $0.0e+00  }
0x1ca: {  	[tilespmem:s10+$0xFFFFFF90] =	vst v11;
	v11 =	vmul.f32 v11, v11  }
0x1cb: {  	[tilespmem:s10+$0x10] =	vst v12;
	v13 =	vld [tilespmem:s10+$0x20]  }
0x1cc: {  	v9 =	vadd.f32 v11, v9;
	v11 =	vmul.f32 v12, v12;
	v12 =	vld [tilespmem:s30+$0x6720]  }
0x1cd: {  	v14 =	vld [tilespmem:s10+$0xFFFFFFA0]  }
0x1ce: {  	v9 =	vadd.f32 v9, v11;
	_ =	sdelay $0x2  }
0x1cf: {  	v11 =	vshll.u32 v12, $0x10;
	v12 =	vand.u32 $0xFFFF0000, v12  }
0x1d0: {  	v11 =	vadd.f32 v11, v14;
	v12 =	vadd.f32 v12, v13;
	_ =	sdelay $0x1  }
0x1d1: {  	v11 =	vmax.f32 v11, $0.0e+00;
	v12 =	vmax.f32 v12, $0.0e+00  }
0x1d2: {  	[tilespmem:s10+$0xFFFFFFA0] =	vst v11;
	v11 =	vmul.f32 v11, v11  }
0x1d3: {  	[tilespmem:s10+$0x20] =	vst v12;
	v13 =	vld [tilespmem:s10+$0x30]  }
0x1d4: {  	v8 =	vadd.f32 v11, v8;
	v11 =	vmul.f32 v12, v12;
	v12 =	vld [tilespmem:s30+$0x6730]  }
0x1d5: {  	v14 =	vld [tilespmem:s10+$0xFFFFFFB0]  }
0x1d6: {  	v8 =	vadd.f32 v8, v11;
	_ =	sdelay $0x2  }
0x1d7: {  	v11 =	vshll.u32 v12, $0x10;
	v12 =	vand.u32 $0xFFFF0000, v12  }
0x1d8: {  	v11 =	vadd.f32 v11, v14;
	v12 =	vadd.f32 v12, v13;
	_ =	sdelay $0x1  }
0x1d9: {  	v11 =	vmax.f32 v11, $0.0e+00;
	v12 =	vmax.f32 v12, $0.0e+00  }
0x1da: {  	[tilespmem:s10+$0xFFFFFFB0] =	vst v11;
	v11 =	vmul.f32 v11, v11  }
0x1db: {  	[tilespmem:s10+$0x30] =	vst v12;
	v13 =	vld [tilespmem:s10+$0x40]  }
0x1dc: {  	v6 =	vadd.f32 v11, v6;
	v11 =	vmul.f32 v12, v12;
	v12 =	vld [tilespmem:s30+$0x6740]  }
0x1dd: {  	v14 =	vld [tilespmem:s10+$0xFFFFFFC0]  }
0x1de: {  	v6 =	vadd.f32 v6, v11;
	_ =	sdelay $0x2  }
0x1df: {  	v11 =	vshll.u32 v12, $0x10;
	v12 =	vand.u32 $0xFFFF0000, v12  }
0x1e0: {  	v11 =	vadd.f32 v11, v14;
	v12 =	vadd.f32 v12, v13;
	_ =	sdelay $0x1  }
0x1e1: {  	v11 =	vmax.f32 v11, $0.0e+00;
	v12 =	vmax.f32 v12, $0.0e+00  }
0x1e2: {  	[tilespmem:s10+$0xFFFFFFC0] =	vst v11;
	v11 =	vmul.f32 v11, v11  }
0x1e3: {  	[tilespmem:s10+$0x40] =	vst v12;
	v13 =	vld [tilespmem:s10+$0x50]  }
0x1e4: {  	v7 =	vadd.f32 v11, v7;
	v11 =	vmul.f32 v12, v12;
	v12 =	vld [tilespmem:s30+$0x6750]  }
0x1e5: {  	v14 =	vld [tilespmem:s10+$0xFFFFFFD0]  }
0x1e6: {  	v7 =	vadd.f32 v7, v11;
	_ =	sdelay $0x2  }
0x1e7: {  	v11 =	vshll.u32 v12, $0x10;
	v12 =	vand.u32 $0xFFFF0000, v12  }
0x1e8: {  	v11 =	vadd.f32 v11, v14;
	v12 =	vadd.f32 v12, v13;
	_ =	sdelay $0x1  }
0x1e9: {  	v11 =	vmax.f32 v11, $0.0e+00;
	v12 =	vmax.f32 v12, $0.0e+00  }
0x1ea: {  	[tilespmem:s10+$0xFFFFFFD0] =	vst v11;
	v11 =	vmul.f32 v11, v11  }
0x1eb: {  	[tilespmem:s10+$0x50] =	vst v12;
	v13 =	vld [tilespmem:s10+$0x60]  }
0x1ec: {  	v5 =	vadd.f32 v11, v5;
	v11 =	vmul.f32 v12, v12;
	v12 =	vld [tilespmem:s30+$0x6760]  }
0x1ed: {  	v14 =	vld [tilespmem:s10+$0xFFFFFFE0]  }
0x1ee: {  	v5 =	vadd.f32 v5, v11;
	_ =	sdelay $0x2  }
0x1ef: {  	v15 =	vshll.u32 v12, $0x10;
	v12 =	vand.u32 $0xFFFF0000, v12;
	v11 =	vld [tilespmem:s10+$0xFFFFFFF0]  }
0x1f0: {  	v14 =	vadd.f32 v15, v14;
	v13 =	vadd.f32 v12, v13  }
0x1f1: {  	v12 =	vld [tilespmem:s10+$0x70]  }
0x1f2: {  	v14 =	vmax.f32 v14, $0.0e+00;
	v13 =	vmax.f32 v13, $0.0e+00  }
0x1f3: {  	[tilespmem:s10+$0xFFFFFFE0] =	vst v14;
	v14 =	vmul.f32 v14, v14  }
0x1f4: {  	[tilespmem:s10+$0x60] =	vst v13  }
0x1f5: {  	v13 =	vmul.f32 v13, v13;
	v4 =	vadd.f32 v14, v4;
	v14 =	vld [tilespmem:s30+$0x6770]  }
.Ltmp2:
0x1f6: {  	(pc) =	sbr.rel @p0 .LBB2_7-.Ltmp2, $2  }
0x1f7: {  	v4 =	vadd.f32 v4, v13;
	_ =	sdelay $0x2  }
0x1f8: {  	v13 =	vshll.u32 v14, $0x10;
	v14 =	vand.u32 $0xFFFF0000, v14  }
0x1f9: {  	v12 =	vadd.f32 v14, v12  }
0x1fa: {  	v11 =	vadd.f32 v13, v11;
	s2 =	sld [smem:$0x7FD]  }
0x1fb: {  	v12 =	vmax.f32 v12, $0.0e+00  }
0x1fc: {  	v11 =	vmax.f32 v11, $0.0e+00;
	[tilespmem:s0+$0x70] =	vst v12  }
0x1fd: {  	[tilespmem:s0+$0xFFFFFFF0] =	vst v11;
	s0 =	sor.u32 s2, s31  }
0x1fe: {  	[spmem:s11] =	stream.indirect.scatter.add.f32 [tilespmem:s3], [sflag:$0x6], $0x80, s29, s7, $0xb8;
	[tilespmem:$0x1BE80] =	vst v63  }
0x1ff: {  	s2 =	smul.u32 $0xA, s0  }
0x200: {  	[spmem:s12] =	stream.indirect.scatter.add.f32 [tilespmem:s21], [sflag:$0x6], $0x1, s29, s7, $0xb8;
	[tilespmem:$0x1BE80] =	vst v63  }
0x201: {  	s30 =	simm.s32 $0x0;
	s10 =	sadd.s32 s15, s2  }
0x202: {  	[tilespmem:s28], [sflag:$0x2] =	stream.linear.gather [hbm4b:s10+s30], $0x50, $0x38;
	[tilespmem:$0x1BE80] =	vst v63  }
0x203: {  	s0 =	smul.u32 $0x280, s0;
	s2 =	sadd.s32 s16, s2  }
0x204: {  	[tilespmem:s8], [sflag:$0x2] =	stream.linear.gather [hbm4b:s2+s30], $0x50, $0x38;
	[tilespmem:$0x1BE80] =	vst v63  }
0x205: {  	s0 =	sadd.s32 s17, s0;
	s10 =	simm.s32 $0x6700  }
0x206: {  	[tilespmem:s10], [sflag:$0x2] =	stream.linear.gather [hbm4b:s0+s30], $0x1400, $0x38;
	[tilespmem:$0x1BE80] =	vst v63  }
0x207: {  	_ =	swait.ge [sflag:s18], $0x50  }
0x208: {  	[sflag:s18] =	ssyncset.done $0x0  }
0x209: {  	[sflag:s18] =	ssyncadd.s32 $0xFFFFFFB0  }
0x20a: {  	_ =	swait.ge [sflag:s18], $0x50  }
0x20b: {  	[sflag:s18] =	ssyncset.done $0x0  }
0x20c: {  	[sflag:s18] =	ssyncadd.s32 $0xFFFFFFB0  }
0x20d: {  	_ =	swait.ge [sflag:s18], $0x1400  }
0x20e: {  	[sflag:s18] =	ssyncset.done $0x0  }
0x20f: {  	[sflag:s18] =	ssyncadd.s32 $0xFFFFEC00  }
0x210: {  	_ =	swait.ge [sflag:s19], $0x2800  }
0x211: {  	[sflag:s19] =	ssyncset.done $0x0  }
0x212: {  	[sflag:s19] =	ssyncadd.s32 $0xFFFFD800  }
0x213: {  	_ =	swait.ge [sflag:s19], $0x50  }
0x214: {  	[sflag:s19] =	ssyncset.done $0x0  }
0x215: {  	[sflag:s19] =	ssyncadd.s32 $0xFFFFFFB0  }
0x216: {  	[tilespmem:s3], [sflag:$0x4] =	stream.indirect.gather [hbm4b:s14+s7], $0x80, s28, s7, $0xb8;
	[tilespmem:$0x1BE80] =	vst v63  }
0x217: {  	_ =	swait.ge [sflag:s20], $0x2800  }
0x218: {  	[sflag:s20] =	ssyncset.done $0x0  }
0x219: {  	s30 =	simm.s32 $0x0;
	[sflag:s20] =	ssyncadd.s32 $0xFFFFD800  }
0x21a: {  	s10 =	simm.s32 $0x380;
	v13 =	vld [tilespmem:s30+$0x5300]  }
0x21b: {  	v14 =	vld [tilespmem:s10+$0xFFFFFF80]  }
0x21c: {  	v15 =	vld [tilespmem:s10+$0x0];
	_ =	sdelay $0x2  }
0x21d: {  	v16 =	vshll.u32 v13, $0x10  }
0x21e: {  	v13 =	vand.u32 $0xFFFF0000, v13;
	v14 =	vadd.f32 v16, v14  }
0x21f: {  	v13 =	vadd.f32 v13, v15  }
0x220: {  	v14 =	vmax.f32 v14, $0.0e+00  }
0x221: {  	v13 =	vmax.f32 v13, $0.0e+00;
	[tilespmem:s10+$0xFFFFFF80] =	vst v14  }
0x222: {  	[tilespmem:s10+$0x0] =	vst v13  }
0x223: {  	v15 =	vld [tilespmem:s30+$0x5310]  }
0x224: {  	v47 =	vld [tilespmem:s10+$0xFFFFFF90]  }
0x225: {  	v17 =	vld [tilespmem:s10+$0x10];
	_ =	sdelay $0x2  }
0x226: {  	v18 =	vshll.u32 v15, $0x10  }
0x227: {  	v15 =	vand.u32 $0xFFFF0000, v15;
	v16 =	vadd.f32 v18, v47  }
0x228: {  	v15 =	vadd.f32 v15, v17  }
0x229: {  	v16 =	vmax.f32 v16, $0.0e+00  }
0x22a: {  	v15 =	vmax.f32 v15, $0.0e+00;
	[tilespmem:s10+$0xFFFFFF90] =	vst v16  }
0x22b: {  	[tilespmem:s10+$0x10] =	vst v15  }
0x22c: {  	v48 =	vld [tilespmem:s30+$0x5320]  }
0x22d: {  	v49 =	vld [tilespmem:s10+$0xFFFFFFA0]  }
0x22e: {  	v19 =	vld [tilespmem:s10+$0x20];
	_ =	sdelay $0x2  }
0x22f: {  	v20 =	vshll.u32 v48, $0x10  }
0x230: {  	v17 =	vand.u32 $0xFFFF0000, v48;
	v18 =	vadd.f32 v20, v49  }
0x231: {  	v17 =	vadd.f32 v17, v19  }
0x232: {  	v18 =	vmax.f32 v18, $0.0e+00  }
0x233: {  	v17 =	vmax.f32 v17, $0.0e+00;
	[tilespmem:s10+$0xFFFFFFA0] =	vst v18  }
0x234: {  	[tilespmem:s10+$0x20] =	vst v17  }
0x235: {  	v50 =	vld [tilespmem:s30+$0x5330]  }
0x236: {  	v51 =	vld [tilespmem:s10+$0xFFFFFFB0]  }
0x237: {  	v21 =	vld [tilespmem:s10+$0x30];
	_ =	sdelay $0x2  }
0x238: {  	v22 =	vshll.u32 v50, $0x10  }
0x239: {  	v19 =	vand.u32 $0xFFFF0000, v50;
	v20 =	vadd.f32 v22, v51  }
0x23a: {  	v19 =	vadd.f32 v19, v21  }
0x23b: {  	v20 =	vmax.f32 v20, $0.0e+00  }
0x23c: {  	v19 =	vmax.f32 v19, $0.0e+00;
	[tilespmem:s10+$0xFFFFFFB0] =	vst v20  }
0x23d: {  	[tilespmem:s10+$0x30] =	vst v19  }
0x23e: {  	v52 =	vld [tilespmem:s30+$0x5340]  }
0x23f: {  	v53 =	vld [tilespmem:s10+$0xFFFFFFC0]  }
0x240: {  	v23 =	vld [tilespmem:s10+$0x40];
	_ =	sdelay $0x2  }
0x241: {  	v24 =	vshll.u32 v52, $0x10  }
0x242: {  	v21 =	vand.u32 $0xFFFF0000, v52;
	v22 =	vadd.f32 v24, v53  }
0x243: {  	v21 =	vadd.f32 v21, v23  }
0x244: {  	v22 =	vmax.f32 v22, $0.0e+00  }
0x245: {  	v21 =	vmax.f32 v21, $0.0e+00;
	[tilespmem:s10+$0xFFFFFFC0] =	vst v22  }
0x246: {  	[tilespmem:s10+$0x40] =	vst v21  }
0x247: {  	v54 =	vld [tilespmem:s30+$0x5350]  }
0x248: {  	v55 =	vld [tilespmem:s10+$0xFFFFFFD0]  }
0x249: {  	v25 =	vld [tilespmem:s10+$0x50];
	_ =	sdelay $0x2  }
0x24a: {  	v26 =	vshll.u32 v54, $0x10  }
0x24b: {  	v23 =	vand.u32 $0xFFFF0000, v54;
	v24 =	vadd.f32 v26, v55  }
0x24c: {  	v23 =	vadd.f32 v23, v25  }
0x24d: {  	v24 =	vmax.f32 v24, $0.0e+00  }
0x24e: {  	v23 =	vmax.f32 v23, $0.0e+00;
	[tilespmem:s10+$0xFFFFFFD0] =	vst v24  }
0x24f: {  	[tilespmem:s10+$0x50] =	vst v23  }
0x250: {  	v11 =	vmul.f32 v11, v11;
	v56 =	vld [tilespmem:s30+$0x5360]  }
0x251: {  	v57 =	vld [tilespmem:s10+$0xFFFFFFE0]  }
0x252: {  	v12 =	vmul.f32 v12, v12;
	v3 =	vadd.f32 v11, v3;
	v11 =	vld [tilespmem:s10+$0x60]  }
0x253: {  	v14 =	vmul.f32 v14, v14  }
0x254: {  	v3 =	vadd.f32 v3, v12  }
0x255: {  	v13 =	vmul.f32 v13, v13;
	v10 =	vadd.f32 v14, v10;
	v14 =	vshll.u32 v56, $0x10  }
0x256: {  	v12 =	vmul.f32 v16, v16;
	v59 =	vand.u32 $0xFFFF0000, v56;
	v14 =	vadd.f32 v14, v57  }
0x257: {  	v15 =	vmul.f32 v15, v15;
	v58 =	vmul.f32 v18, v18;
	v18 =	vadd.f32 v59, v11  }
0x258: {  	v9 =	vadd.f32 v12, v9;
	v60 =	vmul.f32 v17, v17;
	v14 =	vmax.f32 v14, $0.0e+00  }
0x259: {  	v8 =	vadd.f32 v58, v8;
	v61 =	vmul.f32 v20, v20;
	v18 =	vmax.f32 v18, $0.0e+00;
	[tilespmem:s10+$0xFFFFFFE0] =	vst v14  }
0x25a: {  	v10 =	vadd.f32 v10, v13;
	v9 =	vadd.f32 v9, v15;
	v13 =	vmul.f32 v22, v22;
	[tilespmem:s10+$0x60] =	vst v18  }
0x25b: {  	v8 =	vadd.f32 v8, v60;
	v6 =	vadd.f32 v61, v6;
	v15 =	vmul.f32 v24, v24;
	v62 =	vld [tilespmem:s30+$0x5370]  }
0x25c: {  	v12 =	vld [tilespmem:s10+$0x70];
	v7 =	vadd.f32 v13, v7;
	v13 =	vmul.f32 v19, v19;
	v14 =	vmul.f32 v14, v14  }
0x25d: {  	v63 =	vmul.f32 v23, v23;
	v5 =	vadd.f32 v15, v5;
	v15 =	vmul.f32 v21, v21;
	v11 =	vld [tilespmem:s10+$0xFFFFFFF0]  }
0x25e: {  	v6 =	vadd.f32 v6, v13;
	v13 =	vmul.f32 v18, v18;
	v4 =	vadd.f32 v14, v4  }
0x25f: {  	v7 =	vadd.f32 v7, v15;
	v5 =	vadd.f32 v5, v63  }
0x260: {  	s2 =	simm.s32 $0x200;
	s0 =	simm.s32 $0x380;
	v4 =	vadd.f32 v4, v13;
	v13 =	vshll.u32 v62, $0x10;
	v14 =	vand.u32 $0xFFFF0000, v62  }
.LBB2_9:
0x261: {  	p0 =	sne.s32 s2, $0x4E00  }
0x262: {  	v11 =	vadd.f32 v13, v11;
	v12 =	vadd.f32 v14, v12;
	s10 =	sadd.s32 $0x100, s10;
	s30 =	smov.u32 s2;
	s2 =	sadd.s32 $0x200, s2  }
0x263: {  	_ = 	snop  }
0x264: {  	v11 =	vmax.f32 v11, $0.0e+00;
	v12 =	vmax.f32 v12, $0.0e+00  }
0x265: {  	[tilespmem:s0+$0x70] =	vst v12;
	v13 =	vmul.f32 v11, v11;
	v12 =	vmul.f32 v12, v12  }
0x266: {  	s30 =	sshra.s32 s30, $0x2;
	v14 =	vld [tilespmem:s10+$0x0];
	[tilespmem:s0+$0xFFFFFFF0] =	vst v11;
	s0 =	smov.u32 s10  }
0x267: {  	v11 =	vld [tilespmem:s30+$0x5300];
	v3 =	vadd.f32 v13, v3  }
0x268: {  	v13 =	vld [tilespmem:s10+$0xFFFFFF80]  }
0x269: {  	v3 =	vadd.f32 v3, v12;
	_ =	sdelay $0x2  }
0x26a: {  	v12 =	vshll.u32 v11, $0x10;
	v11 =	vand.u32 $0xFFFF0000, v11  }
0x26b: {  	v12 =	vadd.f32 v12, v13;
	v11 =	vadd.f32 v11, v14;
	_ =	sdelay $0x1  }
0x26c: {  	v12 =	vmax.f32 v12, $0.0e+00;
	v11 =	vmax.f32 v11, $0.0e+00  }
0x26d: {  	[tilespmem:s10+$0xFFFFFF80] =	vst v12;
	v12 =	vmul.f32 v12, v12  }
0x26e: {  	[tilespmem:s10+$0x0] =	vst v11;
	v13 =	vld [tilespmem:s10+$0x10]  }
0x26f: {  	v11 =	vmul.f32 v11, v11;
	v10 =	vadd.f32 v12, v10;
	v12 =	vld [tilespmem:s30+$0x5310]  }
0x270: {  	v14 =	vld [tilespmem:s10+$0xFFFFFF90]  }
0x271: {  	v10 =	vadd.f32 v10, v11;
	_ =	sdelay $0x2  }
0x272: {  	v11 =	vshll.u32 v12, $0x10;
	v12 =	vand.u32 $0xFFFF0000, v12  }
0x273: {  	v11 =	vadd.f32 v11, v14;
	v12 =	vadd.f32 v12, v13;
	_ =	sdelay $0x1  }
0x274: {  	v11 =	vmax.f32 v11, $0.0e+00;
	v12 =	vmax.f32 v12, $0.0e+00  }
0x275: {  	[tilespmem:s10+$0xFFFFFF90] =	vst v11;
	v11 =	vmul.f32 v11, v11  }
0x276: {  	[tilespmem:s10+$0x10] =	vst v12;
	v13 =	vld [tilespmem:s10+$0x20]  }
0x277: {  	v9 =	vadd.f32 v11, v9;
	v11 =	vmul.f32 v12, v12;
	v12 =	vld [tilespmem:s30+$0x5320]  }
0x278: {  	v14 =	vld [tilespmem:s10+$0xFFFFFFA0]  }
0x279: {  	v9 =	vadd.f32 v9, v11;
	_ =	sdelay $0x2  }
0x27a: {  	v11 =	vshll.u32 v12, $0x10;
	v12 =	vand.u32 $0xFFFF0000, v12  }
0x27b: {  	v11 =	vadd.f32 v11, v14;
	v12 =	vadd.f32 v12, v13;
	_ =	sdelay $0x1  }
0x27c: {  	v11 =	vmax.f32 v11, $0.0e+00;
	v12 =	vmax.f32 v12, $0.0e+00  }
0x27d: {  	[tilespmem:s10+$0xFFFFFFA0] =	vst v11;
	v11 =	vmul.f32 v11, v11  }
0x27e: {  	[tilespmem:s10+$0x20] =	vst v12;
	v13 =	vld [tilespmem:s10+$0x30]  }
0x27f: {  	v8 =	vadd.f32 v11, v8;
	v11 =	vmul.f32 v12, v12;
	v12 =	vld [tilespmem:s30+$0x5330]  }
0x280: {  	v14 =	vld [tilespmem:s10+$0xFFFFFFB0]  }
0x281: {  	v8 =	vadd.f32 v8, v11;
	_ =	sdelay $0x2  }
0x282: {  	v11 =	vshll.u32 v12, $0x10;
	v12 =	vand.u32 $0xFFFF0000, v12  }
0x283: {  	v11 =	vadd.f32 v11, v14;
	v12 =	vadd.f32 v12, v13;
	_ =	sdelay $0x1  }
0x284: {  	v11 =	vmax.f32 v11, $0.0e+00;
	v12 =	vmax.f32 v12, $0.0e+00  }
0x285: {  	[tilespmem:s10+$0xFFFFFFB0] =	vst v11;
	v11 =	vmul.f32 v11, v11  }
0x286: {  	[tilespmem:s10+$0x30] =	vst v12;
	v13 =	vld [tilespmem:s10+$0x40]  }
0x287: {  	v6 =	vadd.f32 v11, v6;
	v11 =	vmul.f32 v12, v12;
	v12 =	vld [tilespmem:s30+$0x5340]  }
0x288: {  	v14 =	vld [tilespmem:s10+$0xFFFFFFC0]  }
0x289: {  	v6 =	vadd.f32 v6, v11;
	_ =	sdelay $0x2  }
0x28a: {  	v11 =	vshll.u32 v12, $0x10;
	v12 =	vand.u32 $0xFFFF0000, v12  }
0x28b: {  	v11 =	vadd.f32 v11, v14;
	v12 =	vadd.f32 v12, v13;
	_ =	sdelay $0x1  }
0x28c: {  	v11 =	vmax.f32 v11, $0.0e+00;
	v12 =	vmax.f32 v12, $0.0e+00  }
0x28d: {  	[tilespmem:s10+$0xFFFFFFC0] =	vst v11;
	v11 =	vmul.f32 v11, v11  }
0x28e: {  	[tilespmem:s10+$0x40] =	vst v12;
	v13 =	vld [tilespmem:s10+$0x50]  }
0x28f: {  	v7 =	vadd.f32 v11, v7;
	v11 =	vmul.f32 v12, v12;
	v12 =	vld [tilespmem:s30+$0x5350]  }
0x290: {  	v14 =	vld [tilespmem:s10+$0xFFFFFFD0]  }
0x291: {  	v7 =	vadd.f32 v7, v11;
	_ =	sdelay $0x2  }
0x292: {  	v11 =	vshll.u32 v12, $0x10;
	v12 =	vand.u32 $0xFFFF0000, v12  }
0x293: {  	v11 =	vadd.f32 v11, v14;
	v12 =	vadd.f32 v12, v13;
	_ =	sdelay $0x1  }
0x294: {  	v11 =	vmax.f32 v11, $0.0e+00;
	v12 =	vmax.f32 v12, $0.0e+00  }
0x295: {  	[tilespmem:s10+$0xFFFFFFD0] =	vst v11;
	v11 =	vmul.f32 v11, v11  }
0x296: {  	[tilespmem:s10+$0x50] =	vst v12;
	v13 =	vld [tilespmem:s10+$0x60]  }
0x297: {  	v5 =	vadd.f32 v11, v5;
	v11 =	vmul.f32 v12, v12;
	v12 =	vld [tilespmem:s30+$0x5360]  }
0x298: {  	v14 =	vld [tilespmem:s10+$0xFFFFFFE0]  }
0x299: {  	v5 =	vadd.f32 v5, v11;
	_ =	sdelay $0x2  }
0x29a: {  	v15 =	vshll.u32 v12, $0x10;
	v12 =	vand.u32 $0xFFFF0000, v12;
	v11 =	vld [tilespmem:s10+$0xFFFFFFF0]  }
0x29b: {  	v14 =	vadd.f32 v15, v14;
	v13 =	vadd.f32 v12, v13  }
0x29c: {  	v12 =	vld [tilespmem:s10+$0x70]  }
0x29d: {  	v14 =	vmax.f32 v14, $0.0e+00;
	v13 =	vmax.f32 v13, $0.0e+00  }
0x29e: {  	[tilespmem:s10+$0xFFFFFFE0] =	vst v14;
	v14 =	vmul.f32 v14, v14  }
0x29f: {  	[tilespmem:s10+$0x60] =	vst v13  }
0x2a0: {  	v13 =	vmul.f32 v13, v13;
	v4 =	vadd.f32 v14, v4;
	v14 =	vld [tilespmem:s30+$0x5370]  }
.Ltmp3:
0x2a1: {  	(pc) =	sbr.rel @p0 .LBB2_9-.Ltmp3, $2  }
0x2a2: {  	v4 =	vadd.f32 v4, v13;
	_ =	sdelay $0x2  }
0x2a3: {  	v13 =	vshll.u32 v14, $0x10;
	v14 =	vand.u32 $0xFFFF0000, v14  }
0x2a4: {  	v12 =	vadd.f32 v14, v12  }
0x2a5: {  	v11 =	vadd.f32 v13, v11;
	s30 =	sld [smem:$0x7FA]  }
0x2a6: {  	v12 =	vmax.f32 v12, $0.0e+00  }
0x2a7: {  	v11 =	vmax.f32 v11, $0.0e+00;
	[tilespmem:s0+$0x70] =	vst v12  }
0x2a8: {  	[tilespmem:s0+$0xFFFFFFF0] =	vst v11;
	s0 =	sadd.s32 s30, s31  }
0x2a9: {  	[spmem:s11] =	stream.indirect.scatter.add.f32 [tilespmem:s13], [sflag:$0x5], $0x80, s22, s7, $0xb8;
	[tilespmem:$0x1BE80] =	vst v63  }
0x2aa: {  	s2 =	smul.u32 $0xA, s0  }
0x2ab: {  	[spmem:s12] =	stream.indirect.scatter.add.f32 [tilespmem:s21], [sflag:$0x5], $0x1, s22, s7, $0xb8;
	[tilespmem:$0x1BE80] =	vst v63  }
0x2ac: {  	s30 =	simm.s32 $0x0;
	s10 =	sadd.s32 s15, s2  }
0x2ad: {  	[tilespmem:s30], [sflag:$0x1] =	stream.linear.gather [hbm4b:s10+s30], $0x50, $0x38;
	[tilespmem:$0x1BE80] =	vst v63  }
0x2ae: {  	s0 =	smul.u32 $0x280, s0;
	s2 =	sadd.s32 s16, s2  }
0x2af: {  	[tilespmem:s5], [sflag:$0x1] =	stream.linear.gather [hbm4b:s2+s30], $0x50, $0x38;
	[tilespmem:$0x1BE80] =	vst v63  }
0x2b0: {  	s0 =	sadd.s32 s17, s0  }
0x2b1: {  	[tilespmem:s6], [sflag:$0x1] =	stream.linear.gather [hbm4b:s0+s30], $0x1400, $0x38;
	[tilespmem:$0x1BE80] =	vst v63  }
0x2b2: {  	_ =	swait.ge [sflag:s9], $0x50  }
0x2b3: {  	[sflag:s9] =	ssyncset.done $0x0  }
0x2b4: {  	[sflag:s9] =	ssyncadd.s32 $0xFFFFFFB0  }
0x2b5: {  	_ =	swait.ge [sflag:s9], $0x50  }
0x2b6: {  	[sflag:s9] =	ssyncset.done $0x0  }
0x2b7: {  	[sflag:s9] =	ssyncadd.s32 $0xFFFFFFB0  }
0x2b8: {  	_ =	swait.ge [sflag:s9], $0x1400  }
0x2b9: {  	[sflag:s9] =	ssyncset.done $0x0  }
0x2ba: {  	[sflag:s9] =	ssyncadd.s32 $0xFFFFEC00  }
0x2bb: {  	_ =	swait.ge [sflag:s23], $0x2800  }
0x2bc: {  	[sflag:s23] =	ssyncset.done $0x0  }
0x2bd: {  	[sflag:s23] =	ssyncadd.s32 $0xFFFFD800  }
0x2be: {  	_ =	swait.ge [sflag:s23], $0x50  }
0x2bf: {  	[sflag:s23] =	ssyncset.done $0x0  }
0x2c0: {  	[sflag:s23] =	ssyncadd.s32 $0xFFFFFFB0  }
0x2c1: {  	[tilespmem:s13], [sflag:$0x3] =	stream.indirect.gather [hbm4b:s14+s7], $0x80, s30, s7, $0xb8;
	[tilespmem:$0x1BE80] =	vst v63  }
0x2c2: {  	_ =	swait.ge [sflag:s24], $0x2800  }
0x2c3: {  	[sflag:s24] =	ssyncset.done $0x0  }
0x2c4: {  	s31 =	simm.s32 $0x0;
	[sflag:s24] =	ssyncadd.s32 $0xFFFFD800  }
0x2c5: {  	s10 =	simm.s32 $0x2B80;
	v13 =	vld [tilespmem:s31+$0x6700]  }
0x2c6: {  	v14 =	vld [tilespmem:s10+$0xFFFFFF80]  }
0x2c7: {  	v15 =	vld [tilespmem:s10+$0x0];
	_ =	sdelay $0x2  }
0x2c8: {  	v16 =	vshll.u32 v13, $0x10  }
0x2c9: {  	v13 =	vand.u32 $0xFFFF0000, v13;
	v14 =	vadd.f32 v16, v14  }
0x2ca: {  	v13 =	vadd.f32 v13, v15  }
0x2cb: {  	v14 =	vmax.f32 v14, $0.0e+00  }
0x2cc: {  	v13 =	vmax.f32 v13, $0.0e+00;
	[tilespmem:s10+$0xFFFFFF80] =	vst v14  }
0x2cd: {  	[tilespmem:s10+$0x0] =	vst v13  }
0x2ce: {  	v15 =	vld [tilespmem:s31+$0x6710]  }
0x2cf: {  	v47 =	vld [tilespmem:s10+$0xFFFFFF90]  }
0x2d0: {  	v17 =	vld [tilespmem:s10+$0x10];
	_ =	sdelay $0x2  }
0x2d1: {  	v18 =	vshll.u32 v15, $0x10  }
0x2d2: {  	v15 =	vand.u32 $0xFFFF0000, v15;
	v16 =	vadd.f32 v18, v47  }
0x2d3: {  	v15 =	vadd.f32 v15, v17  }
0x2d4: {  	v16 =	vmax.f32 v16, $0.0e+00  }
0x2d5: {  	v15 =	vmax.f32 v15, $0.0e+00;
	[tilespmem:s10+$0xFFFFFF90] =	vst v16  }
0x2d6: {  	[tilespmem:s10+$0x10] =	vst v15  }
0x2d7: {  	v48 =	vld [tilespmem:s31+$0x6720]  }
0x2d8: {  	v49 =	vld [tilespmem:s10+$0xFFFFFFA0]  }
0x2d9: {  	v19 =	vld [tilespmem:s10+$0x20];
	_ =	sdelay $0x2  }
0x2da: {  	v20 =	vshll.u32 v48, $0x10  }
0x2db: {  	v17 =	vand.u32 $0xFFFF0000, v48;
	v18 =	vadd.f32 v20, v49  }
0x2dc: {  	v17 =	vadd.f32 v17, v19  }
0x2dd: {  	v18 =	vmax.f32 v18, $0.0e+00  }
0x2de: {  	v17 =	vmax.f32 v17, $0.0e+00;
	[tilespmem:s10+$0xFFFFFFA0] =	vst v18  }
0x2df: {  	[tilespmem:s10+$0x20] =	vst v17  }
0x2e0: {  	v50 =	vld [tilespmem:s31+$0x6730]  }
0x2e1: {  	v51 =	vld [tilespmem:s10+$0xFFFFFFB0]  }
0x2e2: {  	v21 =	vld [tilespmem:s10+$0x30];
	_ =	sdelay $0x2  }
0x2e3: {  	v22 =	vshll.u32 v50, $0x10  }
0x2e4: {  	v19 =	vand.u32 $0xFFFF0000, v50;
	v20 =	vadd.f32 v22, v51  }
0x2e5: {  	v19 =	vadd.f32 v19, v21  }
0x2e6: {  	v20 =	vmax.f32 v20, $0.0e+00  }
0x2e7: {  	v19 =	vmax.f32 v19, $0.0e+00;
	[tilespmem:s10+$0xFFFFFFB0] =	vst v20  }
0x2e8: {  	[tilespmem:s10+$0x30] =	vst v19  }
0x2e9: {  	v52 =	vld [tilespmem:s31+$0x6740]  }
0x2ea: {  	v53 =	vld [tilespmem:s10+$0xFFFFFFC0]  }
0x2eb: {  	v23 =	vld [tilespmem:s10+$0x40];
	_ =	sdelay $0x2  }
0x2ec: {  	v24 =	vshll.u32 v52, $0x10  }
0x2ed: {  	v21 =	vand.u32 $0xFFFF0000, v52;
	v22 =	vadd.f32 v24, v53  }
0x2ee: {  	v21 =	vadd.f32 v21, v23  }
0x2ef: {  	v22 =	vmax.f32 v22, $0.0e+00  }
0x2f0: {  	v21 =	vmax.f32 v21, $0.0e+00;
	[tilespmem:s10+$0xFFFFFFC0] =	vst v22  }
0x2f1: {  	[tilespmem:s10+$0x40] =	vst v21  }
0x2f2: {  	v54 =	vld [tilespmem:s31+$0x6750]  }
0x2f3: {  	v55 =	vld [tilespmem:s10+$0xFFFFFFD0]  }
0x2f4: {  	v25 =	vld [tilespmem:s10+$0x50];
	_ =	sdelay $0x2  }
0x2f5: {  	v26 =	vshll.u32 v54, $0x10  }
0x2f6: {  	v23 =	vand.u32 $0xFFFF0000, v54;
	v24 =	vadd.f32 v26, v55  }
0x2f7: {  	v23 =	vadd.f32 v23, v25  }
0x2f8: {  	v24 =	vmax.f32 v24, $0.0e+00  }
0x2f9: {  	v23 =	vmax.f32 v23, $0.0e+00;
	[tilespmem:s10+$0xFFFFFFD0] =	vst v24  }
0x2fa: {  	[tilespmem:s10+$0x50] =	vst v23  }
0x2fb: {  	v11 =	vmul.f32 v11, v11;
	v56 =	vld [tilespmem:s31+$0x6760]  }
0x2fc: {  	v57 =	vld [tilespmem:s10+$0xFFFFFFE0]  }
0x2fd: {  	v12 =	vmul.f32 v12, v12;
	v3 =	vadd.f32 v11, v3;
	v11 =	vld [tilespmem:s10+$0x60]  }
0x2fe: {  	v14 =	vmul.f32 v14, v14  }
0x2ff: {  	v3 =	vadd.f32 v3, v12  }
0x300: {  	v13 =	vmul.f32 v13, v13;
	v10 =	vadd.f32 v14, v10;
	v14 =	vshll.u32 v56, $0x10  }
0x301: {  	v12 =	vmul.f32 v16, v16;
	v59 =	vand.u32 $0xFFFF0000, v56;
	v14 =	vadd.f32 v14, v57  }
0x302: {  	v15 =	vmul.f32 v15, v15;
	v58 =	vmul.f32 v18, v18;
	v18 =	vadd.f32 v59, v11  }
0x303: {  	v9 =	vadd.f32 v12, v9;
	v60 =	vmul.f32 v17, v17;
	v14 =	vmax.f32 v14, $0.0e+00  }
0x304: {  	v8 =	vadd.f32 v58, v8;
	v61 =	vmul.f32 v20, v20;
	v18 =	vmax.f32 v18, $0.0e+00;
	[tilespmem:s10+$0xFFFFFFE0] =	vst v14  }
0x305: {  	v10 =	vadd.f32 v10, v13;
	v9 =	vadd.f32 v9, v15;
	v13 =	vmul.f32 v22, v22;
	[tilespmem:s10+$0x60] =	vst v18  }
0x306: {  	v8 =	vadd.f32 v8, v60;
	v6 =	vadd.f32 v61, v6;
	v15 =	vmul.f32 v24, v24;
	v62 =	vld [tilespmem:s31+$0x6770]  }
0x307: {  	v12 =	vld [tilespmem:s10+$0x70];
	v13 =	vadd.f32 v13, v7;
	v7 =	vmul.f32 v19, v19;
	v14 =	vmul.f32 v14, v14  }
0x308: {  	v63 =	vmul.f32 v23, v23;
	v5 =	vadd.f32 v15, v5;
	v15 =	vmul.f32 v21, v21;
	v11 =	vld [tilespmem:s10+$0xFFFFFFF0]  }
0x309: {  	v7 =	vadd.f32 v6, v7;
	v4 =	vadd.f32 v14, v4;
	v14 =	vmul.f32 v18, v18  }
0x30a: {  	v6 =	vadd.f32 v13, v15;
	v5 =	vadd.f32 v5, v63  }
0x30b: {  	s2 =	simm.s32 $0x200;
	s0 =	simm.s32 $0x2B80;
	v4 =	vadd.f32 v4, v14;
	v13 =	vshll.u32 v62, $0x10;
	v14 =	vand.u32 $0xFFFF0000, v62  }
.LBB2_11:
0x30c: {  	p0 =	sne.s32 s2, $0x4E00  }
0x30d: {  	v11 =	vadd.f32 v13, v11;
	v12 =	vadd.f32 v14, v12;
	s10 =	sadd.s32 $0x100, s10;
	s30 =	smov.u32 s2;
	s2 =	sadd.s32 $0x200, s2  }
0x30e: {  	_ = 	snop  }
0x30f: {  	v11 =	vmax.f32 v11, $0.0e+00;
	v12 =	vmax.f32 v12, $0.0e+00  }
0x310: {  	[tilespmem:s0+$0x70] =	vst v12;
	v13 =	vmul.f32 v11, v11;
	v12 =	vmul.f32 v12, v12  }
0x311: {  	s30 =	sshra.s32 s30, $0x2;
	v14 =	vld [tilespmem:s10+$0x0];
	[tilespmem:s0+$0xFFFFFFF0] =	vst v11;
	s0 =	smov.u32 s10  }
0x312: {  	v11 =	vld [tilespmem:s30+$0x6700];
	v3 =	vadd.f32 v13, v3  }
0x313: {  	v13 =	vld [tilespmem:s10+$0xFFFFFF80]  }
0x314: {  	v3 =	vadd.f32 v3, v12;
	_ =	sdelay $0x2  }
0x315: {  	v12 =	vshll.u32 v11, $0x10;
	v11 =	vand.u32 $0xFFFF0000, v11  }
0x316: {  	v12 =	vadd.f32 v12, v13;
	v11 =	vadd.f32 v11, v14;
	_ =	sdelay $0x1  }
0x317: {  	v12 =	vmax.f32 v12, $0.0e+00;
	v11 =	vmax.f32 v11, $0.0e+00  }
0x318: {  	[tilespmem:s10+$0xFFFFFF80] =	vst v12;
	v12 =	vmul.f32 v12, v12  }
0x319: {  	[tilespmem:s10+$0x0] =	vst v11;
	v13 =	vld [tilespmem:s10+$0x10]  }
0x31a: {  	v11 =	vmul.f32 v11, v11;
	v10 =	vadd.f32 v12, v10;
	v12 =	vld [tilespmem:s30+$0x6710]  }
0x31b: {  	v14 =	vld [tilespmem:s10+$0xFFFFFF90]  }
0x31c: {  	v10 =	vadd.f32 v10, v11;
	_ =	sdelay $0x2  }
0x31d: {  	v11 =	vshll.u32 v12, $0x10;
	v12 =	vand.u32 $0xFFFF0000, v12  }
0x31e: {  	v11 =	vadd.f32 v11, v14;
	v12 =	vadd.f32 v12, v13;
	_ =	sdelay $0x1  }
0x31f: {  	v11 =	vmax.f32 v11, $0.0e+00;
	v12 =	vmax.f32 v12, $0.0e+00  }
0x320: {  	[tilespmem:s10+$0xFFFFFF90] =	vst v11;
	v11 =	vmul.f32 v11, v11  }
0x321: {  	[tilespmem:s10+$0x10] =	vst v12;
	v13 =	vld [tilespmem:s10+$0x20]  }
0x322: {  	v9 =	vadd.f32 v11, v9;
	v11 =	vmul.f32 v12, v12;
	v12 =	vld [tilespmem:s30+$0x6720]  }
0x323: {  	v14 =	vld [tilespmem:s10+$0xFFFFFFA0]  }
0x324: {  	v9 =	vadd.f32 v9, v11;
	_ =	sdelay $0x2  }
0x325: {  	v11 =	vshll.u32 v12, $0x10;
	v12 =	vand.u32 $0xFFFF0000, v12  }
0x326: {  	v11 =	vadd.f32 v11, v14;
	v12 =	vadd.f32 v12, v13;
	_ =	sdelay $0x1  }
0x327: {  	v11 =	vmax.f32 v11, $0.0e+00;
	v12 =	vmax.f32 v12, $0.0e+00  }
0x328: {  	[tilespmem:s10+$0xFFFFFFA0] =	vst v11;
	v11 =	vmul.f32 v11, v11  }
0x329: {  	[tilespmem:s10+$0x20] =	vst v12;
	v13 =	vld [tilespmem:s10+$0x30]  }
0x32a: {  	v8 =	vadd.f32 v11, v8;
	v11 =	vmul.f32 v12, v12;
	v12 =	vld [tilespmem:s30+$0x6730]  }
0x32b: {  	v14 =	vld [tilespmem:s10+$0xFFFFFFB0]  }
0x32c: {  	v8 =	vadd.f32 v8, v11;
	_ =	sdelay $0x2  }
0x32d: {  	v11 =	vshll.u32 v12, $0x10;
	v12 =	vand.u32 $0xFFFF0000, v12  }
0x32e: {  	v11 =	vadd.f32 v11, v14;
	v12 =	vadd.f32 v12, v13;
	_ =	sdelay $0x1  }
0x32f: {  	v11 =	vmax.f32 v11, $0.0e+00;
	v12 =	vmax.f32 v12, $0.0e+00  }
0x330: {  	[tilespmem:s10+$0xFFFFFFB0] =	vst v11;
	v11 =	vmul.f32 v11, v11  }
0x331: {  	[tilespmem:s10+$0x30] =	vst v12;
	v13 =	vld [tilespmem:s10+$0x40]  }
0x332: {  	v7 =	vadd.f32 v11, v7;
	v11 =	vmul.f32 v12, v12;
	v12 =	vld [tilespmem:s30+$0x6740]  }
0x333: {  	v14 =	vld [tilespmem:s10+$0xFFFFFFC0]  }
0x334: {  	v7 =	vadd.f32 v7, v11;
	_ =	sdelay $0x2  }
0x335: {  	v11 =	vshll.u32 v12, $0x10;
	v12 =	vand.u32 $0xFFFF0000, v12  }
0x336: {  	v11 =	vadd.f32 v11, v14;
	v12 =	vadd.f32 v12, v13;
	_ =	sdelay $0x1  }
0x337: {  	v11 =	vmax.f32 v11, $0.0e+00;
	v12 =	vmax.f32 v12, $0.0e+00  }
0x338: {  	[tilespmem:s10+$0xFFFFFFC0] =	vst v11;
	v11 =	vmul.f32 v11, v11  }
0x339: {  	[tilespmem:s10+$0x40] =	vst v12;
	v13 =	vld [tilespmem:s10+$0x50]  }
0x33a: {  	v6 =	vadd.f32 v11, v6;
	v11 =	vmul.f32 v12, v12;
	v12 =	vld [tilespmem:s30+$0x6750]  }
0x33b: {  	v14 =	vld [tilespmem:s10+$0xFFFFFFD0]  }
0x33c: {  	v6 =	vadd.f32 v6, v11;
	_ =	sdelay $0x2  }
0x33d: {  	v11 =	vshll.u32 v12, $0x10;
	v12 =	vand.u32 $0xFFFF0000, v12  }
0x33e: {  	v11 =	vadd.f32 v11, v14;
	v12 =	vadd.f32 v12, v13;
	_ =	sdelay $0x1  }
0x33f: {  	v11 =	vmax.f32 v11, $0.0e+00;
	v12 =	vmax.f32 v12, $0.0e+00  }
0x340: {  	[tilespmem:s10+$0xFFFFFFD0] =	vst v11;
	v11 =	vmul.f32 v11, v11  }
0x341: {  	[tilespmem:s10+$0x50] =	vst v12;
	v13 =	vld [tilespmem:s10+$0x60]  }
0x342: {  	v5 =	vadd.f32 v11, v5;
	v11 =	vmul.f32 v12, v12;
	v12 =	vld [tilespmem:s30+$0x6760]  }
0x343: {  	v14 =	vld [tilespmem:s10+$0xFFFFFFE0]  }
0x344: {  	v5 =	vadd.f32 v5, v11;
	_ =	sdelay $0x2  }
0x345: {  	v15 =	vshll.u32 v12, $0x10;
	v12 =	vand.u32 $0xFFFF0000, v12;
	v11 =	vld [tilespmem:s10+$0xFFFFFFF0]  }
0x346: {  	v14 =	vadd.f32 v15, v14;
	v13 =	vadd.f32 v12, v13  }
0x347: {  	v12 =	vld [tilespmem:s10+$0x70]  }
0x348: {  	v14 =	vmax.f32 v14, $0.0e+00;
	v13 =	vmax.f32 v13, $0.0e+00  }
0x349: {  	[tilespmem:s10+$0xFFFFFFE0] =	vst v14;
	v14 =	vmul.f32 v14, v14  }
0x34a: {  	[tilespmem:s10+$0x60] =	vst v13  }
0x34b: {  	v13 =	vmul.f32 v13, v13;
	v4 =	vadd.f32 v14, v4;
	v14 =	vld [tilespmem:s30+$0x6770]  }
.Ltmp4:
0x34c: {  	(pc) =	sbr.rel @p0 .LBB2_11-.Ltmp4, $2  }
0x34d: {  	v4 =	vadd.f32 v4, v13;
	_ =	sdelay $0x2  }
0x34e: {  	v13 =	vshll.u32 v14, $0x10;
	v14 =	vand.u32 $0xFFFF0000, v14  }
0x34f: {  	v12 =	vadd.f32 v14, v12  }
0x350: {  	v11 =	vadd.f32 v13, v11  }
0x351: {  	v12 =	vmax.f32 v12, $0.0e+00  }
0x352: {  	s30 =	smin.u32 s25, $0x77;
	s2 =	sld [smem:$0x7FB];
	v11 =	vmax.f32 v11, $0.0e+00;
	[tilespmem:s0+$0x70] =	vst v12  }
0x353: {  	[tilespmem:s0+$0xFFFFFFF0] =	vst v11;
	s0 =	sshll.u32 s30, $0x5  }
0x354: {  	[spmem:s11] =	stream.indirect.scatter.add.f32 [tilespmem:s3], [sflag:$0x6], $0x80, s8, s7, $0xb8;
	[tilespmem:$0x1BE80] =	vst v63  }
0x355: {  	s0 =	sadd.s32 s2, s0  }
0x356: {  	s26 =	sadd.s32 $0x1, s26;
	s2 =	smul.u32 $0xA, s0  }
0x357: {  	[spmem:s12] =	stream.indirect.scatter.add.f32 [tilespmem:s21], [sflag:$0x6], $0x1, s8, s7, $0xb8;
	[tilespmem:$0x1BE80] =	vst v63  }
0x358: {  	p0 =	sne.s32 s26, $0x1F;
	s10 =	sadd.s32 s15, s2  }
0x359: {  	[tilespmem:s28], [sflag:$0x2] =	stream.linear.gather [hbm4b:s10+s1], $0x50, $0x38;
	[tilespmem:$0x1BE80] =	vst v63  }
.Ltmp5:
0x35a: {  	v11 =	vmul.f32 v11, v11;
	(pc) =	sbr.rel @p0 .LBB2_4-.Ltmp5, $4  }
0x35b: {  	s0 =	smul.u32 $0x280, s0;
	s2 =	sadd.s32 s16, s2  }
0x35c: {  	v12 =	vmul.f32 v12, v12;
	v3 =	vadd.f32 v11, v3;
	[tilespmem:s29], [sflag:$0x2] =	stream.linear.gather [hbm4b:s2+s1], $0x50, $0x38;
	[tilespmem:$0x1BE80] =	vst v63  }
0x35d: {  	s31 =	simm.s32 $0x6700;
	s0 =	sadd.s32 s17, s0  }
0x35e: {  	v3 =	vadd.f32 v3, v12;
	[tilespmem:s31], [sflag:$0x2] =	stream.linear.gather [hbm4b:s0+s1], $0x1400, $0x38;
	[tilespmem:$0x1BE80] =	vst v63  }
0x35f: {  	_ =	swait.ge [sflag:s18], $0x50  }
0x360: {  	[sflag:s18] =	ssyncset.done $0x0  }
0x361: {  	[sflag:s18] =	ssyncadd.s32 $0xFFFFFFB0  }
0x362: {  	_ =	swait.ge [sflag:s18], $0x50  }
0x363: {  	[sflag:s18] =	ssyncset.done $0x0  }
0x364: {  	[sflag:s18] =	ssyncadd.s32 $0xFFFFFFB0  }
0x365: {  	_ =	swait.ge [sflag:s18], $0x1400  }
0x366: {  	[sflag:s18] =	ssyncset.done $0x0  }
0x367: {  	[sflag:s18] =	ssyncadd.s32 $0xFFFFEC00  }
0x368: {  	_ =	swait.ge [sflag:s19], $0x2800  }
0x369: {  	[sflag:s19] =	ssyncset.done $0x0  }
0x36a: {  	[sflag:s19] =	ssyncadd.s32 $0xFFFFD800  }
0x36b: {  	_ =	swait.ge [sflag:s19], $0x50  }
0x36c: {  	[sflag:s19] =	ssyncset.done $0x0  }
0x36d: {  	[sflag:s19] =	ssyncadd.s32 $0xFFFFFFB0  }
0x36e: {  	[tilespmem:s3], [sflag:$0x4] =	stream.indirect.gather [hbm4b:s14+s7], $0x80, s28, s7, $0xb8;
	[tilespmem:$0x1BE80] =	vst v63  }
0x36f: {  	_ =	swait.ge [sflag:s20], $0x2800  }
0x370: {  	[sflag:s20] =	ssyncset.done $0x0  }
0x371: {  	s0 =	simm.s32 $0x0;
	[sflag:s20] =	ssyncadd.s32 $0xFFFFD800  }
0x372: {  	s10 =	simm.s32 $0x380;
	v11 =	vld [tilespmem:s0+$0x5300]  }
0x373: {  	v12 =	vld [tilespmem:s10+$0xFFFFFF80]  }
0x374: {  	v13 =	vld [tilespmem:s10+$0x0];
	_ =	sdelay $0x2  }
0x375: {  	v14 =	vshll.u32 v11, $0x10  }
0x376: {  	v11 =	vand.u32 $0xFFFF0000, v11;
	v12 =	vadd.f32 v14, v12  }
0x377: {  	v11 =	vadd.f32 v11, v13  }
0x378: {  	v12 =	vmax.f32 v12, $0.0e+00  }
0x379: {  	v11 =	vmax.f32 v11, $0.0e+00;
	[tilespmem:s10+$0xFFFFFF80] =	vst v12  }
0x37a: {  	[tilespmem:s10+$0x0] =	vst v11  }
0x37b: {  	v13 =	vld [tilespmem:s0+$0x5310]  }
0x37c: {  	v14 =	vld [tilespmem:s10+$0xFFFFFF90]  }
0x37d: {  	v15 =	vld [tilespmem:s10+$0x10];
	_ =	sdelay $0x2  }
0x37e: {  	v16 =	vshll.u32 v13, $0x10  }
0x37f: {  	v13 =	vand.u32 $0xFFFF0000, v13;
	v14 =	vadd.f32 v16, v14  }
0x380: {  	v13 =	vadd.f32 v13, v15  }
0x381: {  	v14 =	vmax.f32 v14, $0.0e+00  }
0x382: {  	v13 =	vmax.f32 v13, $0.0e+00;
	[tilespmem:s10+$0xFFFFFF90] =	vst v14  }
0x383: {  	[tilespmem:s10+$0x10] =	vst v13  }
0x384: {  	v15 =	vld [tilespmem:s0+$0x5320]  }
0x385: {  	v51 =	vld [tilespmem:s10+$0xFFFFFFA0]  }
0x386: {  	v17 =	vld [tilespmem:s10+$0x20];
	_ =	sdelay $0x2  }
0x387: {  	v18 =	vshll.u32 v15, $0x10  }
0x388: {  	v15 =	vand.u32 $0xFFFF0000, v15;
	v16 =	vadd.f32 v18, v51  }
0x389: {  	v15 =	vadd.f32 v15, v17  }
0x38a: {  	v16 =	vmax.f32 v16, $0.0e+00  }
0x38b: {  	v15 =	vmax.f32 v15, $0.0e+00;
	[tilespmem:s10+$0xFFFFFFA0] =	vst v16  }
0x38c: {  	[tilespmem:s10+$0x20] =	vst v15  }
0x38d: {  	v52 =	vld [tilespmem:s0+$0x5330]  }
0x38e: {  	v53 =	vld [tilespmem:s10+$0xFFFFFFB0]  }
0x38f: {  	v19 =	vld [tilespmem:s10+$0x30];
	_ =	sdelay $0x2  }
0x390: {  	v20 =	vshll.u32 v52, $0x10  }
0x391: {  	v17 =	vand.u32 $0xFFFF0000, v52;
	v18 =	vadd.f32 v20, v53  }
0x392: {  	v17 =	vadd.f32 v17, v19  }
0x393: {  	v18 =	vmax.f32 v18, $0.0e+00  }
0x394: {  	v17 =	vmax.f32 v17, $0.0e+00;
	[tilespmem:s10+$0xFFFFFFB0] =	vst v18  }
0x395: {  	[tilespmem:s10+$0x30] =	vst v17  }
0x396: {  	v54 =	vld [tilespmem:s0+$0x5340]  }
0x397: {  	v55 =	vld [tilespmem:s10+$0xFFFFFFC0]  }
0x398: {  	v21 =	vld [tilespmem:s10+$0x40];
	_ =	sdelay $0x2  }
0x399: {  	v22 =	vshll.u32 v54, $0x10  }
0x39a: {  	v19 =	vand.u32 $0xFFFF0000, v54;
	v20 =	vadd.f32 v22, v55  }
0x39b: {  	v19 =	vadd.f32 v19, v21  }
0x39c: {  	v20 =	vmax.f32 v20, $0.0e+00  }
0x39d: {  	v19 =	vmax.f32 v19, $0.0e+00;
	[tilespmem:s10+$0xFFFFFFC0] =	vst v20  }
0x39e: {  	[tilespmem:s10+$0x40] =	vst v19  }
0x39f: {  	v56 =	vld [tilespmem:s0+$0x5350]  }
0x3a0: {  	v57 =	vld [tilespmem:s10+$0xFFFFFFD0]  }
0x3a1: {  	v23 =	vld [tilespmem:s10+$0x50];
	_ =	sdelay $0x2  }
0x3a2: {  	v24 =	vshll.u32 v56, $0x10  }
0x3a3: {  	v21 =	vand.u32 $0xFFFF0000, v56;
	v22 =	vadd.f32 v24, v57  }
0x3a4: {  	v21 =	vadd.f32 v21, v23  }
0x3a5: {  	v22 =	vmax.f32 v22, $0.0e+00  }
0x3a6: {  	v21 =	vmax.f32 v21, $0.0e+00;
	[tilespmem:s10+$0xFFFFFFD0] =	vst v22  }
0x3a7: {  	[tilespmem:s10+$0x50] =	vst v21  }
0x3a8: {  	v58 =	vld [tilespmem:s0+$0x5360]  }
0x3a9: {  	v59 =	vld [tilespmem:s10+$0xFFFFFFE0]  }
0x3aa: {  	v25 =	vld [tilespmem:s10+$0x60]  }
0x3ab: {  	v12 =	vmul.f32 v12, v12;
	_ =	sdelay $0x1  }
0x3ac: {  	v10 =	vadd.f32 v12, v10;
	v12 =	vmul.f32 v14, v14;
	v14 =	vshll.u32 v58, $0x10  }
0x3ad: {  	v13 =	vmul.f32 v13, v13;
	v23 =	vand.u32 $0xFFFF0000, v58;
	v14 =	vadd.f32 v14, v59  }
0x3ae: {  	v60 =	vadd.f32 v12, v9;
	v16 =	vmul.f32 v16, v16;
	v23 =	vadd.f32 v23, v25  }
0x3af: {  	v9 =	vmul.f32 v11, v11;
	v15 =	vmul.f32 v15, v15;
	v14 =	vmax.f32 v14, $0.0e+00  }
0x3b0: {  	v16 =	vadd.f32 v16, v8;
	v18 =	vmul.f32 v18, v18;
	v23 =	vmax.f32 v23, $0.0e+00;
	[tilespmem:s10+$0xFFFFFFE0] =	vst v14  }
0x3b1: {  	v9 =	vadd.f32 v10, v9;
	v8 =	vadd.f32 v60, v13;
	v13 =	vmul.f32 v20, v20;
	[tilespmem:s10+$0x60] =	vst v23  }
0x3b2: {  	v10 =	vadd.f32 v16, v15;
	v7 =	vadd.f32 v18, v7;
	v15 =	vmul.f32 v22, v22;
	v61 =	vld [tilespmem:s0+$0x5370]  }
0x3b3: {  	v11 =	vld [tilespmem:s10+$0xFFFFFFF0];
	v6 =	vadd.f32 v13, v6;
	v13 =	vmul.f32 v17, v17;
	v14 =	vmul.f32 v14, v14  }
0x3b4: {  	v12 =	vld [tilespmem:s10+$0x70];
	v62 =	vmul.f32 v19, v19;
	v63 =	vmul.f32 v21, v21;
	v15 =	vadd.f32 v15, v5  }
0x3b5: {  	v5 =	vadd.f32 v7, v13;
	v13 =	vadd.f32 v14, v4;
	v14 =	vmul.f32 v23, v23  }
0x3b6: {  	v7 =	vadd.f32 v6, v62;
	v4 =	vadd.f32 v15, v63  }
0x3b7: {  	s2 =	simm.s32 $0x200;
	s0 =	simm.s32 $0x380;
	v6 =	vadd.f32 v13, v14;
	v13 =	vshll.u32 v61, $0x10;
	v14 =	vand.u32 $0xFFFF0000, v61  }
.LBB2_14:
0x3b8: {  	p0 =	sne.s32 s2, $0x4E00  }
0x3b9: {  	v11 =	vadd.f32 v13, v11;
	v12 =	vadd.f32 v14, v12;
	s10 =	sadd.s32 $0x100, s10;
	s25 =	smov.u32 s2;
	s2 =	sadd.s32 $0x200, s2  }
0x3ba: {  	_ = 	snop  }
0x3bb: {  	v11 =	vmax.f32 v11, $0.0e+00;
	v12 =	vmax.f32 v12, $0.0e+00  }
0x3bc: {  	[tilespmem:s0+$0x70] =	vst v12;
	v13 =	vmul.f32 v11, v11;
	v12 =	vmul.f32 v12, v12  }
0x3bd: {  	s25 =	sshra.s32 s25, $0x2;
	v14 =	vld [tilespmem:s10+$0x0];
	[tilespmem:s0+$0xFFFFFFF0] =	vst v11;
	s0 =	smov.u32 s10  }
0x3be: {  	v11 =	vld [tilespmem:s25+$0x5300];
	v3 =	vadd.f32 v13, v3  }
0x3bf: {  	v13 =	vld [tilespmem:s10+$0xFFFFFF80]  }
0x3c0: {  	v3 =	vadd.f32 v3, v12;
	_ =	sdelay $0x2  }
0x3c1: {  	v12 =	vshll.u32 v11, $0x10;
	v11 =	vand.u32 $0xFFFF0000, v11  }
0x3c2: {  	v12 =	vadd.f32 v12, v13;
	v11 =	vadd.f32 v11, v14;
	_ =	sdelay $0x1  }
0x3c3: {  	v12 =	vmax.f32 v12, $0.0e+00;
	v11 =	vmax.f32 v11, $0.0e+00  }
0x3c4: {  	[tilespmem:s10+$0xFFFFFF80] =	vst v12;
	v12 =	vmul.f32 v12, v12  }
0x3c5: {  	[tilespmem:s10+$0x0] =	vst v11;
	v13 =	vld [tilespmem:s10+$0x10]  }
0x3c6: {  	v11 =	vmul.f32 v11, v11;
	v9 =	vadd.f32 v12, v9;
	v12 =	vld [tilespmem:s25+$0x5310]  }
0x3c7: {  	v14 =	vld [tilespmem:s10+$0xFFFFFF90]  }
0x3c8: {  	v9 =	vadd.f32 v9, v11;
	_ =	sdelay $0x2  }
0x3c9: {  	v11 =	vshll.u32 v12, $0x10;
	v12 =	vand.u32 $0xFFFF0000, v12  }
0x3ca: {  	v11 =	vadd.f32 v11, v14;
	v12 =	vadd.f32 v12, v13;
	_ =	sdelay $0x1  }
0x3cb: {  	v11 =	vmax.f32 v11, $0.0e+00;
	v12 =	vmax.f32 v12, $0.0e+00  }
0x3cc: {  	[tilespmem:s10+$0xFFFFFF90] =	vst v11;
	v11 =	vmul.f32 v11, v11  }
0x3cd: {  	[tilespmem:s10+$0x10] =	vst v12;
	v13 =	vld [tilespmem:s10+$0x20]  }
0x3ce: {  	v8 =	vadd.f32 v11, v8;
	v11 =	vmul.f32 v12, v12;
	v12 =	vld [tilespmem:s25+$0x5320]  }
0x3cf: {  	v14 =	vld [tilespmem:s10+$0xFFFFFFA0]  }
0x3d0: {  	v8 =	vadd.f32 v8, v11;
	_ =	sdelay $0x2  }
0x3d1: {  	v11 =	vshll.u32 v12, $0x10;
	v12 =	vand.u32 $0xFFFF0000, v12  }
0x3d2: {  	v11 =	vadd.f32 v11, v14;
	v12 =	vadd.f32 v12, v13;
	_ =	sdelay $0x1  }
0x3d3: {  	v11 =	vmax.f32 v11, $0.0e+00;
	v12 =	vmax.f32 v12, $0.0e+00  }
0x3d4: {  	[tilespmem:s10+$0xFFFFFFA0] =	vst v11;
	v11 =	vmul.f32 v11, v11  }
0x3d5: {  	[tilespmem:s10+$0x20] =	vst v12;
	v13 =	vld [tilespmem:s10+$0x30]  }
0x3d6: {  	v10 =	vadd.f32 v11, v10;
	v11 =	vmul.f32 v12, v12;
	v12 =	vld [tilespmem:s25+$0x5330]  }
0x3d7: {  	v14 =	vld [tilespmem:s10+$0xFFFFFFB0]  }
0x3d8: {  	v10 =	vadd.f32 v10, v11;
	_ =	sdelay $0x2  }
0x3d9: {  	v11 =	vshll.u32 v12, $0x10;
	v12 =	vand.u32 $0xFFFF0000, v12  }
0x3da: {  	v11 =	vadd.f32 v11, v14;
	v12 =	vadd.f32 v12, v13;
	_ =	sdelay $0x1  }
0x3db: {  	v11 =	vmax.f32 v11, $0.0e+00;
	v12 =	vmax.f32 v12, $0.0e+00  }
0x3dc: {  	[tilespmem:s10+$0xFFFFFFB0] =	vst v11;
	v11 =	vmul.f32 v11, v11  }
0x3dd: {  	[tilespmem:s10+$0x30] =	vst v12;
	v13 =	vld [tilespmem:s10+$0x40]  }
0x3de: {  	v5 =	vadd.f32 v11, v5;
	v11 =	vmul.f32 v12, v12;
	v12 =	vld [tilespmem:s25+$0x5340]  }
0x3df: {  	v14 =	vld [tilespmem:s10+$0xFFFFFFC0]  }
0x3e0: {  	v5 =	vadd.f32 v5, v11;
	_ =	sdelay $0x2  }
0x3e1: {  	v11 =	vshll.u32 v12, $0x10;
	v12 =	vand.u32 $0xFFFF0000, v12  }
0x3e2: {  	v11 =	vadd.f32 v11, v14;
	v12 =	vadd.f32 v12, v13;
	_ =	sdelay $0x1  }
0x3e3: {  	v11 =	vmax.f32 v11, $0.0e+00;
	v12 =	vmax.f32 v12, $0.0e+00  }
0x3e4: {  	[tilespmem:s10+$0xFFFFFFC0] =	vst v11;
	v11 =	vmul.f32 v11, v11  }
0x3e5: {  	[tilespmem:s10+$0x40] =	vst v12;
	v13 =	vld [tilespmem:s10+$0x50]  }
0x3e6: {  	v7 =	vadd.f32 v11, v7;
	v11 =	vmul.f32 v12, v12;
	v12 =	vld [tilespmem:s25+$0x5350]  }
0x3e7: {  	v14 =	vld [tilespmem:s10+$0xFFFFFFD0]  }
0x3e8: {  	v7 =	vadd.f32 v7, v11;
	_ =	sdelay $0x2  }
0x3e9: {  	v11 =	vshll.u32 v12, $0x10;
	v12 =	vand.u32 $0xFFFF0000, v12  }
0x3ea: {  	v11 =	vadd.f32 v11, v14;
	v12 =	vadd.f32 v12, v13;
	_ =	sdelay $0x1  }
0x3eb: {  	v11 =	vmax.f32 v11, $0.0e+00;
	v12 =	vmax.f32 v12, $0.0e+00  }
0x3ec: {  	[tilespmem:s10+$0xFFFFFFD0] =	vst v11;
	v11 =	vmul.f32 v11, v11  }
0x3ed: {  	[tilespmem:s10+$0x50] =	vst v12;
	v13 =	vld [tilespmem:s10+$0x60]  }
0x3ee: {  	v4 =	vadd.f32 v11, v4;
	v11 =	vmul.f32 v12, v12;
	v12 =	vld [tilespmem:s25+$0x5360]  }
0x3ef: {  	v14 =	vld [tilespmem:s10+$0xFFFFFFE0]  }
0x3f0: {  	v4 =	vadd.f32 v4, v11;
	_ =	sdelay $0x2  }
0x3f1: {  	v15 =	vshll.u32 v12, $0x10;
	v12 =	vand.u32 $0xFFFF0000, v12;
	v11 =	vld [tilespmem:s10+$0xFFFFFFF0]  }
0x3f2: {  	v14 =	vadd.f32 v15, v14;
	v13 =	vadd.f32 v12, v13  }
0x3f3: {  	v12 =	vld [tilespmem:s10+$0x70]  }
0x3f4: {  	v14 =	vmax.f32 v14, $0.0e+00;
	v13 =	vmax.f32 v13, $0.0e+00  }
0x3f5: {  	[tilespmem:s10+$0xFFFFFFE0] =	vst v14;
	v14 =	vmul.f32 v14, v14  }
0x3f6: {  	[tilespmem:s10+$0x60] =	vst v13  }
0x3f7: {  	v13 =	vmul.f32 v13, v13;
	v6 =	vadd.f32 v14, v6;
	v14 =	vld [tilespmem:s25+$0x5370]  }
.Ltmp6:
0x3f8: {  	(pc) =	sbr.rel @p0 .LBB2_14-.Ltmp6, $2  }
0x3f9: {  	v6 =	vadd.f32 v6, v13;
	_ =	sdelay $0x2  }
0x3fa: {  	v13 =	vshll.u32 v14, $0x10;
	v14 =	vand.u32 $0xFFFF0000, v14  }
0x3fb: {  	v12 =	vadd.f32 v14, v12  }
0x3fc: {  	v11 =	vadd.f32 v13, v11  }
0x3fd: {  	v12 =	vmax.f32 v12, $0.0e+00  }
0x3fe: {  	v11 =	vmax.f32 v11, $0.0e+00;
	[tilespmem:s0+$0x70] =	vst v12  }
0x3ff: {  	[tilespmem:s0+$0xFFFFFFF0] =	vst v11  }
0x400: {  	[spmem:s11] =	stream.indirect.scatter.add.f32 [tilespmem:s13], [sflag:$0x5], $0x80, s5, s7, $0xb8;
	[tilespmem:$0x1BE80] =	vst v63  }
0x401: {  	s2 =	sld [smem:$0x7F5]  }
0x402: {  	[spmem:s12] =	stream.indirect.scatter.add.f32 [tilespmem:s21], [sflag:$0x5], $0x1, s5, s7, $0xb8;
	[tilespmem:$0x1BE80] =	vst v63  }
0x403: {  	s10 =	sld [smem:$0x7F6]  }
0x404: {  	[tilespmem:s1], [sflag:$0x1] =	stream.linear.gather [hbm4b:s2+s1], $0x50, $0x38;
	[tilespmem:$0x1BE80] =	vst v63  }
0x405: {  	s25 =	sld [smem:$0x7F7]  }
0x406: {  	[tilespmem:s22], [sflag:$0x1] =	stream.linear.gather [hbm4b:s10+s1], $0x50, $0x38;
	[tilespmem:$0x1BE80] =	vst v63  }
0x407: {  	_ = 	snop  }
0x408: {  	[tilespmem:s6], [sflag:$0x1] =	stream.linear.gather [hbm4b:s25+s1], $0x1400, $0x38;
	[tilespmem:$0x1BE80] =	vst v63  }
0x409: {  	_ =	swait.ge [sflag:s9], $0x50  }
0x40a: {  	[sflag:s9] =	ssyncset.done $0x0  }
0x40b: {  	[sflag:s9] =	ssyncadd.s32 $0xFFFFFFB0  }
0x40c: {  	_ =	swait.ge [sflag:s9], $0x50  }
0x40d: {  	[sflag:s9] =	ssyncset.done $0x0  }
0x40e: {  	[sflag:s9] =	ssyncadd.s32 $0xFFFFFFB0  }
0x40f: {  	_ =	swait.ge [sflag:s9], $0x1400  }
0x410: {  	[sflag:s9] =	ssyncset.done $0x0  }
0x411: {  	[sflag:s9] =	ssyncadd.s32 $0xFFFFEC00  }
0x412: {  	_ =	swait.ge [sflag:s24], $0x2800  }
0x413: {  	[sflag:s24] =	ssyncset.done $0x0  }
0x414: {  	[sflag:s24] =	ssyncadd.s32 $0xFFFFD800  }
0x415: {  	_ =	swait.ge [sflag:s23], $0x2800  }
0x416: {  	[sflag:s23] =	ssyncset.done $0x0  }
0x417: {  	[sflag:s23] =	ssyncadd.s32 $0xFFFFD800  }
0x418: {  	_ =	swait.ge [sflag:s23], $0x50  }
0x419: {  	[sflag:s23] =	ssyncset.done $0x0  }
0x41a: {  	[sflag:s23] =	ssyncadd.s32 $0xFFFFFFB0  }
0x41b: {  	[tilespmem:$0x7B80] =	vst v9  }
0x41c: {  	v62 =	vmul.f32 v11, v11;
	[tilespmem:$0x7B90] =	vst v8  }
0x41d: {  	[tilespmem:$0x7BA0] =	vst v10  }
0x41e: {  	v63 =	vmul.f32 v12, v12;
	v3 =	vadd.f32 v62, v3;
	[tilespmem:$0x7BB0] =	vst v5  }
0x41f: {  	[tilespmem:$0x7BC0] =	vst v7  }
0x420: {  	v3 =	vadd.f32 v3, v63;
	[tilespmem:$0x7BD0] =	vst v4  }
0x421: {  	[tilespmem:$0x7BE0] =	vst v6  }
0x422: {  	[tilespmem:$0x7BF0] =	vst v3  }
0x423: {  	s26 =	stileid.u32;
	[bflag:$0x0] =	sbarrier.arrive $0xFFFF  }
0x424: {  	s0 =	sshll.u32 s26, $0x6;
	s26 =	rddreg [dreg:$0xe]  }
0x425: {  	s0 =	sor.u32 $0x1C07, s0;
	s10 =	rddreg [dreg:$0x5];
	s2 =	sshrl.u32 s26, $0x3  }
0x426: {  	[hbm:s10], [sflag:s0] =	dma.local [spmem:s2], $0x500  }
0x427: {  	_ =	swait.ge [sflag:s4], $0x500  }
0x428: {  	[sflag:s4] =	ssyncset.done $0x0;
	s30 =	rddreg [dreg:$0xf]  }
0x429: {  	s6 =	rddreg [dreg:$0x6];
	[sflag:s4] =	ssyncadd.s32 $0xFFFFFB00;
	s31 =	sshrl.u32 s30, $0x3  }
0x42a: {  	[hbm:s6], [sflag:s0] =	dma.local [spmem:s31], $0x500  }
0x42b: {  	_ =	swait.ge [sflag:s4], $0x500  }
0x42c: {  	[sflag:s4] =	ssyncset.done $0x0;
	s10 =	rddreg [dreg:$0x10]  }
0x42d: {  	s25 =	rddreg [dreg:$0x7];
	[sflag:s4] =	ssyncadd.s32 $0xFFFFFB00;
	s2 =	sshrl.u32 s10, $0x3  }
0x42e: {  	[hbm:s25], [sflag:s0] =	dma.local [spmem:s2], $0x500  }
0x42f: {  	_ =	swait.ge [sflag:s4], $0x500  }
0x430: {  	[sflag:s4] =	ssyncset.done $0x0;
	s31 =	rddreg [dreg:$0x11]  }
0x431: {  	s6 =	rddreg [dreg:$0x8];
	[sflag:s4] =	ssyncadd.s32 $0xFFFFFB00;
	s2 =	sshrl.u32 s31, $0x3  }
0x432: {  	[hbm:s6], [sflag:s0] =	dma.local [spmem:s2], $0x500  }
0x433: {  	_ =	swait.ge [sflag:s4], $0x500  }
0x434: {  	[sflag:s4] =	ssyncset.done $0x0;
	s10 =	rddreg [dreg:$0x12]  }
0x435: {  	s25 =	rddreg [dreg:$0x9];
	[sflag:s4] =	ssyncadd.s32 $0xFFFFFB00;
	s2 =	sshrl.u32 s10, $0x3  }
0x436: {  	[hbm:s25], [sflag:s0] =	dma.local [spmem:s2], $0x500  }
0x437: {  	_ =	swait.ge [sflag:s4], $0x500  }
0x438: {  	[sflag:s4] =	ssyncset.done $0x0;
	s31 =	rddreg [dreg:$0x13]  }
0x439: {  	s6 =	rddreg [dreg:$0xa];
	[sflag:s4] =	ssyncadd.s32 $0xFFFFFB00;
	s2 =	sshrl.u32 s31, $0x3  }
0x43a: {  	[hbm:s6], [sflag:s0] =	dma.local [spmem:s2], $0x500  }
0x43b: {  	_ =	swait.ge [sflag:s4], $0x500  }
0x43c: {  	[sflag:s4] =	ssyncset.done $0x0;
	s10 =	rddreg [dreg:$0x14]  }
0x43d: {  	s25 =	rddreg [dreg:$0xb];
	[sflag:s4] =	ssyncadd.s32 $0xFFFFFB00;
	s2 =	sshrl.u32 s10, $0x3  }
0x43e: {  	[hbm:s25], [sflag:s0] =	dma.local [spmem:s2], $0x500  }
0x43f: {  	_ =	swait.ge [sflag:s4], $0x500  }
0x440: {  	[sflag:s4] =	ssyncset.done $0x0;
	s25 =	rddreg [dreg:$0x15]  }
0x441: {  	s6 =	rddreg [dreg:$0xc];
	[sflag:s4] =	ssyncadd.s32 $0xFFFFFB00;
	s31 =	sshrl.u32 s25, $0x3  }
0x442: {  	[hbm:s6], [sflag:s0] =	dma.local [spmem:s31], $0x500  }
0x443: {  	_ =	swait.ge [sflag:s4], $0x500  }
0x444: {  	s31 =	rddreg [dreg:$0x16]  }
0x445: {  	s6 =	simm.s32 $0x10;
	[sflag:s4] =	ssyncset.done $0x0;
	s10 =	rddreg [dreg:$0xd]  }
0x446: {  	[sflag:s4] =	ssyncadd.s32 $0xFFFFFB00;
	s2 =	sshrl.u32 s31, $0x3;
	s31 =	simm.s32 $0x20  }
0x447: {  	[hbm:s10@s31], [sflag:s0] =	dma.strided [spmem:s2@s6], $0x50, s9, $0x10   }
0x448: {  	_ =	swait.ge [sflag:s4], $0x50  }
0x449: {  	s2 =	sld [smem:$0x7F8]  }
0x44a: {  	[sflag:s4] =	ssyncset.done $0x0  }
0x44b: {  	s6 =	simm.s32 $0x7B80;
	[sflag:s4] =	ssyncadd.s32 $0xFFFFFFB0  }
0x44c: {  	[hbm4b:s2+s1] =	stream.linear.scatter [tilespmem:s6], [sflag:$0x7], $0x80, $0x38;
	[tilespmem:$0x1BE80] =	vst v63  }
0x44d: {  	_ =	swait.ge [sflag:s4], $0x80  }
0x44e: {  	s10 =	sld [smem:$0x7F0]  }
0x44f: {  	s31 =	sld [smem:$0x7F9];
	_ =	sdelay $0x1  }
0x450: {  	s2 =	sadd.s32 $0x1, s10  }
0x451: {  	p0 =	sne.s32 s2, s31  }
.Ltmp7:
0x452: {  	_ = 	snop;
	(pc) =	sbr.rel @p0 .LBB2_1-.Ltmp7, $3  }
0x453: {  	_ =	sdelay $0x1  }
0x454: {  	[sflag:s4] =	ssyncset.done $0x0  }
0x455: {  	[sflag:s4] =	ssyncadd.s32 $0xFFFFFF80  }
0x456: {  	_ =	sfence.sel $0x180000  }
0x457: {  	[bflag:$0x0] =	sbarrier.arrive $0xFFFF  }
0x458: {  	_ =	strace $0x90000047  }
0x459: {  	s0 =	stileid.u32;
	[bflag:$0x2] =	sbarrier.arrive $0xFFFF  }
0x45a: {  	p0 =	sne.s32 s0, $0x0;
	s0 =	rddreg [dreg:$0x4]  }
0x45b: {  	s0 =	sadd.s32 @!p0 $0x100000, s0  }
0x45c: {  	[sflag:s0] =	ssyncadd.tile.s32 @!p0 $0x1;
	_ =	shalt  }
.Lfunc_end2:
_tile_overlayer_lowered:
.L_overlay_start_2:
0x45d: {  	(tag) =	ssettag $0x2  }
0x45e: {  	s0 =	rddreg [dreg:$0x0];
	s2 =	stileid.u32  }
0x45f: {  	s1 =	rddreg [dreg:$0x1];
	p0 =	sne.s32 s2, $0x0  }
0x460: {  	s3 =	rddreg [dreg:$0x2];
	[bflag:$0x3] =	sbarrier.arrive $0xFFFF;
	s2 =	simm.s32 @!p0 $0x1C07  }
0x461: {  	[timem:s3], [sflag:s2] =	dma.local @!p0 [hbm:s0], s1  }
0x462: {  	s0 =	simm.s32 @!p0 $0x7  }
0x463: {  	_ =	swait.ge @!p0 [sflag:s0], s1  }
0x464: {  	s1 =	ssub.s32 @!p0 $0x0, s1;
	[sflag:s0] =	ssyncset.done @!p0 $0x0  }
0x465: {  	[sflag:s0] =	ssyncadd.s32 @!p0 s1  }
0x466: {  	[bflag:$0x3] =	sbarrier.arrive $0xFFFF  }
0x467: {  	_ =	shalt  }

</sc_bundles>
